<compile_context>
chip_gen: v7x
topology: tpu7x:2x2x1
jax: 0.10.2.dev20260603
libtpu: 0.0.44.dev20260713+nightly
codegen_flags: <defaults>
</compile_context>

<pallas_src>
import functools
import math

import jax
import jax.numpy as jnp
from jax import lax
from jax.experimental import pallas as pl
from jax.experimental.pallas import tpu as pltpu
from jax.experimental.pallas import tpu_sc as plsc

_PREC = jax.lax.Precision.HIGHEST
_BF = jnp.bfloat16

N = 10000
E = 160000
NF = 128
C = 128
L = 5
G = 64

NC, NS = 2, 16
NW = NC * NS
K = 128
EP = 163840
CHUNKS = EP // (NW * K)
NPAD = 10240
ROWS_PER_TILE = NPAD // NS
BE = 2048




def _ln_rows(x, g, b):
    mu = jnp.mean(x, axis=1, keepdims=True)
    var = jnp.mean((x - mu) * (x - mu), axis=1, keepdims=True)
    return (x - mu) * lax.rsqrt(var + 1e-5) * g + b


def _embed_body(x_ref, w_ref, b_ref, o_ref):
    o_ref[...] = (
        jnp.dot(x_ref[...].astype(_BF), w_ref[...].astype(_BF),
                preferred_element_type=jnp.float32)
        + b_ref[...])


def _ef_body(ea_ref, cen_ref, gam_ref, w1_ref, b1_ref, w2_ref, b2_ref, o_ref):
    ea = ea_ref[...]
    d = jnp.sqrt(jnp.sum(ea * ea, axis=1, keepdims=True))
    diff = d - cen_ref[...]
    rbf = jnp.exp(-gam_ref[0, 0] * (diff * diff))
    h = jnp.dot(rbf.astype(_BF), w1_ref[...].astype(_BF),
                preferred_element_type=jnp.float32) + b1_ref[...]
    h = jnp.maximum(h, 0.0) + jnp.log1p(jnp.exp(-jnp.abs(h)))
    o_ref[...] = (
        jnp.dot(h.astype(_BF), w2_ref[...].astype(_BF),
                preferred_element_type=jnp.float32)
        + b2_ref[...])


def _node_body(nf_ref, wq_ref, bq_ref, wk_ref, bk_ref, wv_ref, bv_ref,
               tdst_ref, tsrc_ref):
    nf = nf_ref[...].astype(_BF)
    q = jnp.dot(nf, wq_ref[...].astype(_BF), preferred_element_type=jnp.float32) + bq_ref[...]
    k = jnp.dot(nf, wk_ref[...].astype(_BF), preferred_element_type=jnp.float32) + bk_ref[...]
    v = jnp.dot(nf, wv_ref[...].astype(_BF), preferred_element_type=jnp.float32) + bv_ref[...]
    tdst_ref[:, 0:C] = q
    tdst_ref[:, C:2 * C] = k
    tdst_ref[:, 2 * C:3 * C] = v
    tsrc_ref[:, 0:C] = k
    tsrc_ref[:, C:2 * C] = v


BN = 2000


def _edge_body(gd_ref, gs_ref, ef_ref, we_ref, wm_ref, bm_ref, wmsg_ref,
               bmsg_ref, lng_ref, lnb_ref, mlng_ref, mlnb_ref, msg_ref):
    f32 = jnp.float32
    e = jnp.dot(ef_ref[...].astype(_BF), we_ref[...].astype(_BF),
                preferred_element_type=f32)
    gd = gd_ref[...]
    gs = gs_ref[...]
    qd = gd[:, 0:C].astype(f32)
    kd = gd[:, C:2 * C].astype(f32)
    vd = gd[:, 2 * C:3 * C].astype(f32)
    ks = gs[:, 0:C].astype(f32)
    vs = gs[:, C:2 * C].astype(f32)
    scale = 1.0 / math.sqrt(3.0 * C)
    alpha = jnp.concatenate([qd * kd, qd * ks, qd * e], axis=1) * scale
    gate = jax.nn.sigmoid(_ln_rows(alpha, lng_ref[...], lnb_ref[...]))
    hin = jnp.concatenate([vd, vs, e], axis=1)
    h = jnp.dot(hin.astype(_BF), wm_ref[...].astype(_BF),
                preferred_element_type=f32) + bm_ref[...]
    m = jnp.dot((h * gate).astype(_BF), wmsg_ref[...].astype(_BF),
                preferred_element_type=f32) + bmsg_ref[...]
    msg_ref[...] = _ln_rows(m, mlng_ref[...], mlnb_ref[...])


def _update_body(p_ref, wc_ref, bc_ref, bng_ref, bnb_ref, nf_ref):
    agg = p_ref[0:N, :]
    out = jnp.dot(agg.astype(_BF), wc_ref[...].astype(_BF),
                  preferred_element_type=jnp.float32) + bc_ref[...]
    mu = jnp.mean(out, axis=0, keepdims=True)
    var = jnp.mean((out - mu) * (out - mu), axis=0, keepdims=True)
    o = (out - mu) * lax.rsqrt(var + 1e-5) * bng_ref[...] + bnb_ref[...]
    nf_ref[...] = o * jax.nn.sigmoid(o)


def _pool_body(nf_ref, b_ref, wfc_ref, bfc_ref, wout_ref, bout_ref, o_ref):
    nf = nf_ref[...]
    b = b_ref[...]
    seg = lax.broadcasted_iota(jnp.int32, (1, 128), 1)
    oh = (b == seg).astype(jnp.float32)
    pooled = lax.dot_general(oh, nf, (((0,), (0,)), ((), ())),
                             preferred_element_type=jnp.float32, precision=_PREC)
    ones = jnp.ones((N, 1), jnp.float32)
    cnt = lax.dot_general(oh, ones, (((0,), (0,)), ((), ())),
                          preferred_element_type=jnp.float32, precision=_PREC)
    pm = pooled / jnp.maximum(cnt, 1.0)
    feat = jnp.dot(pm.astype(_BF), wfc_ref[...].astype(_BF),
                   preferred_element_type=jnp.float32) + bfc_ref[...]
    feat = feat * jax.nn.sigmoid(feat)
    o_ref[...] = (
        jnp.dot(feat.astype(_BF), wout_ref[...].astype(_BF),
                preferred_element_type=jnp.float32)
        + bout_ref[...])



@functools.cache
def _sc_mesh():
    return plsc.VectorSubcoreMesh(
        core_axis_name="c", subcore_axis_name="s",
        num_cores=NC, num_subcores=NS)


@functools.cache
def _make_sc_gather():
    @functools.partial(
        pl.kernel,
        out_type=[jax.ShapeDtypeStruct((EP, 3 * C), jnp.float32),
                  jax.ShapeDtypeStruct((EP, 2 * C), jnp.float32)],
        mesh=_sc_mesh(),
        scratch_types=[
            pltpu.VMEM((K,), jnp.int32),
            pltpu.VMEM((K,), jnp.int32),
            pltpu.VMEM((K, 3 * C), jnp.float32),
            pltpu.VMEM((K, 2 * C), jnp.float32),
            pltpu.SemaphoreType.DMA,
            pltpu.SemaphoreType.DMA,
        ],
    )
    def _sc_gather(tdst_hbm, tsrc_hbm, dst_hbm, src_hbm, gdst_hbm, gsrc_hbm,
                   idxd, idxs, rowsd, rowss, semd, sems):
        wid = lax.axis_index("s") * NC + lax.axis_index("c")
        base = wid * (CHUNKS * K)

        def body(i, carry):
            off = pl.multiple_of(base + i * K, 8)
            pltpu.sync_copy(dst_hbm.at[pl.ds(off, K)], idxd)
            pltpu.sync_copy(src_hbm.at[pl.ds(off, K)], idxs)
            cd = pltpu.async_copy(tdst_hbm.at[idxd], rowsd, semd)
            cs = pltpu.async_copy(tsrc_hbm.at[idxs], rowss, sems)
            cd.wait()
            cs.wait()
            pltpu.sync_copy(rowsd, gdst_hbm.at[pl.ds(off, K)])
            pltpu.sync_copy(rowss, gsrc_hbm.at[pl.ds(off, K)])
            return carry

        lax.fori_loop(0, CHUNKS, body, 0)

    return _sc_gather


@functools.cache
def _make_sc_scatter():
    chunks = EP // (NS * K)

    @functools.partial(
        pl.kernel,
        out_type=jax.ShapeDtypeStruct((NPAD, C), jnp.float32),
        mesh=plsc.VectorSubcoreMesh(
            core_axis_name="c", subcore_axis_name="s",
            num_cores=1, num_subcores=NS),
        scratch_types=[
            pltpu.VMEM((K,), jnp.int32),
            pltpu.VMEM((K, C), jnp.float32),
            pltpu.VMEM((64, C), jnp.float32),
            pltpu.VMEM_SHARED((NPAD, C), jnp.float32),
        ],
    )
    def _sc_scatter(msg_hbm, dst_hbm, zeros_hbm, out_hbm, idxv, mv, tbuf, acc):
        s = lax.axis_index("s")
        row0 = pl.multiple_of(s * ROWS_PER_TILE, 8)
        pltpu.sync_copy(zeros_hbm, tbuf)

        def zbody(j, carry):
            r = pl.multiple_of(row0 + j * 64, 8)
            pltpu.sync_copy(tbuf, acc.at[pl.ds(r, 64)])
            return carry

        lax.fori_loop(0, ROWS_PER_TILE // 64, zbody, 0)
        plsc.subcore_barrier()

        base = s * (chunks * K)

        def body(i, carry):
            off = pl.multiple_of(base + i * K, 8)
            pltpu.sync_copy(dst_hbm.at[pl.ds(off, K)], idxv)
            pltpu.sync_copy(msg_hbm.at[pl.ds(off, K)], mv)
            pltpu.sync_copy(mv, acc.at[idxv], add=True)
            return carry

        lax.fori_loop(0, chunks, body, 0)
        plsc.subcore_barrier()

        def obody(j, carry):
            r = pl.multiple_of(row0 + j * 64, 8)
            pltpu.sync_copy(acc.at[pl.ds(r, 64)], tbuf)
            pltpu.sync_copy(tbuf, out_hbm.at[pl.ds(r, 64)])
            return carry

        lax.fori_loop(0, ROWS_PER_TILE // 64, obody, 0)

    return _sc_scatter



def _row(v):
    return v.reshape(1, -1)


def kernel(x, edge_attr, edge_index, batch, W_emb, b_emb, W_r1, b_r1, W_r2,
           b_r2, Wq, bq, Wk, bk, Wv, bv, We, Wc, bc, Wm, bm, ln_g, ln_b,
           Wmsg, bmsg, mln_g, mln_b, bn_g, bn_b, W_fc, b_fc, W_out, b_out):
    f32 = jnp.float32
    src = edge_index[0]
    dst = edge_index[1]
    pad = EP - E
    gfill = jnp.arange(pad, dtype=jnp.int32) % N
    sfill = N + jnp.arange(pad, dtype=jnp.int32) % (NPAD - N)
    src_g = jnp.concatenate([src, gfill])
    dst_g = jnp.concatenate([dst, gfill])
    dst_s = jnp.concatenate([dst, sfill])
    ea_p = jnp.concatenate([edge_attr, jnp.zeros((pad, 3), f32)])
    zeros_blk = jnp.zeros((64, C), f32)

    nf = pl.pallas_call(
        _embed_body,
        out_shape=jax.ShapeDtypeStruct((N, NF), f32),
    )(x, W_emb, _row(b_emb))

    centers = jnp.linspace(0.0, 8.0, NF)
    gamma = 1.0 / (centers[1] - centers[0]) ** 2
    ef = pl.pallas_call(
        _ef_body,
        grid=(EP // 4096,),
        in_specs=[
            pl.BlockSpec((4096, 3), lambda i: (i, 0)),
            pl.BlockSpec((1, NF), lambda i: (0, 0)),
            pl.BlockSpec((1, 1), lambda i: (0, 0)),
            pl.BlockSpec((NF, NF), lambda i: (0, 0)),
            pl.BlockSpec((1, NF), lambda i: (0, 0)),
            pl.BlockSpec((NF, NF), lambda i: (0, 0)),
            pl.BlockSpec((1, NF), lambda i: (0, 0)),
        ],
        out_specs=pl.BlockSpec((4096, NF), lambda i: (i, 0)),
        out_shape=jax.ShapeDtypeStruct((EP, NF), f32),
    )(ea_p, centers.reshape(1, NF), gamma.reshape(1, 1),
      W_r1, _row(b_r1), W_r2, _row(b_r2))

    bf = jnp.bfloat16
    for l in range(L):
        tdst, tsrc = pl.pallas_call(
            _node_body,
            grid=(N // BN,),
            in_specs=[
                pl.BlockSpec((BN, NF), lambda i: (i, 0)),
                pl.BlockSpec((NF, C), lambda i: (0, 0)),
                pl.BlockSpec((1, C), lambda i: (0, 0)),
                pl.BlockSpec((NF, C), lambda i: (0, 0)),
                pl.BlockSpec((1, C), lambda i: (0, 0)),
                pl.BlockSpec((NF, C), lambda i: (0, 0)),
                pl.BlockSpec((1, C), lambda i: (0, 0)),
            ],
            out_specs=[pl.BlockSpec((BN, 3 * C), lambda i: (i, 0)),
                       pl.BlockSpec((BN, 2 * C), lambda i: (i, 0))],
            out_shape=[jax.ShapeDtypeStruct((N, 3 * C), f32),
                       jax.ShapeDtypeStruct((N, 2 * C), f32)],
        )(nf, Wq[l], _row(bq[l]), Wk[l], _row(bk[l]), Wv[l], _row(bv[l]))

        gdst, gsrc = _make_sc_gather()(tdst, tsrc, dst_g, src_g)

        msg = pl.pallas_call(
            _edge_body,
            grid=(EP // BE,),
            in_specs=[
                pl.BlockSpec((BE, 3 * C), lambda i: (i, 0)),
                pl.BlockSpec((BE, 2 * C), lambda i: (i, 0)),
                pl.BlockSpec((BE, NF), lambda i: (i, 0)),
                pl.BlockSpec((NF, C), lambda i: (0, 0)),
                pl.BlockSpec((3 * C, 3 * C), lambda i: (0, 0)),
                pl.BlockSpec((1, 3 * C), lambda i: (0, 0)),
                pl.BlockSpec((3 * C, C), lambda i: (0, 0)),
                pl.BlockSpec((1, C), lambda i: (0, 0)),
                pl.BlockSpec((1, 3 * C), lambda i: (0, 0)),
                pl.BlockSpec((1, 3 * C), lambda i: (0, 0)),
                pl.BlockSpec((1, C), lambda i: (0, 0)),
                pl.BlockSpec((1, C), lambda i: (0, 0)),
            ],
            out_specs=pl.BlockSpec((BE, C), lambda i: (i, 0)),
            out_shape=jax.ShapeDtypeStruct((EP, C), f32),
        )(gdst, gsrc, ef, We[l], Wm[l], _row(bm[l]), Wmsg[l],
          _row(bmsg[l]), _row(ln_g[l]), _row(ln_b[l]), _row(mln_g[l]),
          _row(mln_b[l]))

        partials = _make_sc_scatter()(msg, dst_s, zeros_blk)

        nf = pl.pallas_call(
            _update_body,
            out_shape=jax.ShapeDtypeStruct((N, NF), f32),
        )(partials, Wc[l], _row(bc[l]), _row(bn_g[l]), _row(bn_b[l]))

    out = pl.pallas_call(
        _pool_body,
        out_shape=jax.ShapeDtypeStruct((128, 1), f32),
    )(nf, batch.reshape(N, 1), W_fc, _row(b_fc), W_out, _row(b_out))

    return out[:G, 0]

# --- scband reference (transcript-rebuilt; emitter-appended) ---
"""Pipeline reference for scband-matformer-67422396612635 (READ-ONLY COPY).

The authoritative reference and input builder live on the scoring server;
editing this copy changes nothing except your own understanding.
"""

import jax, jax.numpy as jnp
import numpy as np

N = 10000
E = 160000
AIF = 92
NF = 128
EF = 128
H = 1
C = 128
L = 5
G = 64

FLOAT_NAMES = ['x', 'edge_attr', 'W_emb', 'b_emb', 'W_r1', 'b_r1', 'W_r2', 'b_r2', 'Wq', 'bq', 'Wk', 'bk', 'Wv', 'bv', 'We', 'Wc', 'bc', 'Wm', 'bm', 'ln_g', 'ln_b', 'Wmsg', 'bmsg', 'mln_g', 'mln_b', 'bn_g', 'bn_b', 'W_fc', 'b_fc', 'W_out', 'b_out']


def _ln(x, g, b):
    mu = jnp.mean(x, axis=-1, keepdims=True)
    var = jnp.var(x, axis=-1, keepdims=True)
    return (x - mu) / jnp.sqrt(var + 1e-5) * g + b


def _forward(fl, edge_index, batch):
    (x, edge_attr, W_emb, b_emb, W_r1, b_r1, W_r2, b_r2, Wq, bq, Wk, bk, Wv, bv, We, Wc, bc, Wm, bm, ln_g, ln_b, Wmsg, bmsg, mln_g, mln_b, bn_g, bn_b, W_fc, b_fc, W_out, b_out) = fl
    src = edge_index[0]
    dst = edge_index[1]
    nf = x @ W_emb + b_emb
    d = jnp.sqrt(jnp.sum(edge_attr * edge_attr, axis=1))
    centers = jnp.linspace(0.0, 8.0, EF)
    gamma = 1.0 / (centers[1] - centers[0]) ** 2
    rbf = jnp.exp(-gamma * (d[:, None] - centers[None, :]) ** 2)
    ef = jax.nn.softplus(rbf @ W_r1 + b_r1) @ W_r2 + b_r2
    for l in range(L):
        q = (nf @ Wq[l] + bq[l]).reshape(N, H, C)
        k = (nf @ Wk[l] + bk[l]).reshape(N, H, C)
        v = (nf @ Wv[l] + bv[l]).reshape(N, H, C)
        e = (ef @ We[l]).reshape(E, H, C)
        qi = q[dst]
        query = jnp.concatenate([qi, qi, qi], axis=-1)
        keyc = jnp.concatenate([k[dst], k[src], e], axis=-1)
        alpha = (query * keyc) / jnp.sqrt(3.0 * C)
        msg = jnp.concatenate([v[dst], v[src], e], axis=-1)
        msg = (msg @ Wm[l] + bm[l]) * jax.nn.sigmoid(_ln(alpha, ln_g[l], ln_b[l]))
        msg = _ln(msg @ Wmsg[l] + bmsg[l], mln_g[l], mln_b[l])
        agg = jax.ops.segment_sum(msg, dst, num_segments=N).reshape(N, H * C)
        out = agg @ Wc[l] + bc[l]
        mu = jnp.mean(out, axis=0)
        var = jnp.var(out, axis=0)
        out = (out - mu) / jnp.sqrt(var + 1e-5) * bn_g[l] + bn_b[l]
        nf = jax.nn.silu(out)
    cnt = jax.ops.segment_sum(jnp.ones((N,), jnp.float32), batch, num_segments=G)
    pooled = jax.ops.segment_sum(nf, batch, num_segments=G) / jnp.maximum(cnt, 1.0)[:, None]
    feat = jax.nn.silu(pooled @ W_fc + b_fc)
    out = feat @ W_out + b_out
    return jnp.squeeze(out)


def setup_inputs(seed: int = 0):
    key = jax.random.key(seed)
    ks = jax.random.split(key, 20)
    w = lambda i, shp, s=0.05: jax.random.normal(ks[i], shp, dtype=jnp.float32) * s
    inp = {}
    inp['x'] = jax.random.normal(ks[0], (N, AIF), dtype=jnp.float32)
    inp['edge_attr'] = jax.random.normal(ks[1], (E, 3), dtype=jnp.float32) * 2.0
    inp['edge_index'] = jax.random.randint(ks[2], (2, E), 0, N, dtype=jnp.int32)
    inp['batch'] = jnp.sort(jax.random.randint(ks[3], (N,), 0, G, dtype=jnp.int32))
    inp['W_emb'] = w(4, (AIF, NF))
    inp['b_emb'] = jnp.zeros((NF,), jnp.float32)
    inp['W_r1'] = w(5, (EF, NF))
    inp['b_r1'] = jnp.zeros((NF,), jnp.float32)
    inp['W_r2'] = w(6, (NF, NF))
    inp['b_r2'] = jnp.zeros((NF,), jnp.float32)
    inp['Wq'] = w(7, (L, NF, H * C))
    inp['bq'] = jnp.zeros((L, H * C), jnp.float32)
    inp['Wk'] = w(8, (L, NF, H * C))
    inp['bk'] = jnp.zeros((L, H * C), jnp.float32)
    inp['Wv'] = w(9, (L, NF, H * C))
    inp['bv'] = jnp.zeros((L, H * C), jnp.float32)
    inp['We'] = w(10, (L, NF, H * C))
    inp['Wc'] = w(11, (L, H * C, NF))
    inp['bc'] = jnp.zeros((L, NF), jnp.float32)
    inp['Wm'] = w(12, (L, 3 * C, 3 * C))
    inp['bm'] = jnp.zeros((L, 3 * C), jnp.float32)
    inp['ln_g'] = jnp.ones((L, 3 * C), jnp.float32)
    inp['ln_b'] = jnp.zeros((L, 3 * C), jnp.float32)
    inp['Wmsg'] = w(13, (L, 3 * C, C))
    inp['bmsg'] = jnp.zeros((L, C), jnp.float32)
    inp['mln_g'] = jnp.ones((L, C), jnp.float32)
    inp['mln_b'] = jnp.zeros((L, C), jnp.float32)
    inp['bn_g'] = jnp.ones((L, NF), jnp.float32)
    inp['bn_b'] = jnp.zeros((L, NF), jnp.float32)
    inp['W_fc'] = w(14, (NF, 128))
    inp['b_fc'] = jnp.zeros((128,), jnp.float32)
    inp['W_out'] = w(15, (128, 1))
    inp['b_out'] = jnp.zeros((1,), jnp.float32)
    return inp


def reference(x, edge_attr, edge_index, batch, W_emb, b_emb, W_r1, b_r1, W_r2, b_r2, Wq, bq, Wk, bk, Wv, bv, We, Wc, bc, Wm, bm, ln_g, ln_b, Wmsg, bmsg, mln_g, mln_b, bn_g, bn_b, W_fc, b_fc, W_out, b_out):
    inp = dict(x=x, edge_attr=edge_attr, W_emb=W_emb, b_emb=b_emb, W_r1=W_r1, b_r1=b_r1, W_r2=W_r2, b_r2=b_r2, Wq=Wq, bq=bq, Wk=Wk, bk=bk, Wv=Wv, bv=bv, We=We, Wc=Wc, bc=bc, Wm=Wm, bm=bm, ln_g=ln_g, ln_b=ln_b, Wmsg=Wmsg, bmsg=bmsg, mln_g=mln_g, mln_b=mln_b, bn_g=bn_g, bn_b=bn_b, W_fc=W_fc, b_fc=b_fc, W_out=W_out, b_out=b_out)
    fl = tuple(inp[n] for n in FLOAT_NAMES)
    return _forward(fl, edge_index, batch)

if __name__ == "__main__":
    import jax
    _d = setup_inputs()
    print(jax.jit(kernel)(*tuple(_d.values())))

</pallas_src>

<mosaic_0001>
#map = affine_map<(d0, d1) -> (0, 0)>
#map1 = affine_map<(d0, d1) -> (0)>
module attributes {stable_mosaic.version = 14 : i64} {
  func.func @_sc_scatter(%arg0: i32, %arg1: i32, %arg2: memref<163840x128xf32, #tpu.memory_space<hbm>>, %arg3: memref<163840xi32, #tpu.memory_space<hbm>>, %arg4: memref<64x128xf32, #tpu.memory_space<hbm>>, %arg5: memref<10240x128xf32, #tpu.memory_space<hbm>>, %arg6: memref<128xi32, #tpu.memory_space<vmem>>, %arg7: memref<128x128xf32, #tpu.memory_space<vmem>>, %arg8: memref<64x128xf32, #tpu.memory_space<vmem>>, %arg9: memref<10240x128xf32, #tpu.memory_space<vmem_shared>>) attributes {dimension_semantics = [#tpu.dimension_semantics<core_parallel>, #tpu.dimension_semantics<subcore_parallel>], iteration_bounds = array<i64: 1, 16>, scalar_prefetch = 0 : i64, scratch_operands = 4 : i64, tpu.core_type = #tpu.core_type<sc_vector_subcore>, window_params = [{transform_indices = #map}, {transform_indices = #map1}, {transform_indices = #map}, {transform_indices = #map}]} {
    %mul3A = arith.constant 640 : i32
    %mul3A_0 = arith.muli %arg1, %mul3A : i32
    %multiple_of3A = tpu.assume_multiple %mul3A_0, 8 : i32
    "tpu.region"() ({
      %run_scoped3A = tpu.sem_alloc : memref<!tpu.dma_semaphore, #tpu.memory_space<semaphore_mem>>
      tpu.enqueue_dma source(%arg4 : memref<64x128xf32, #tpu.memory_space<hbm>>) target(%arg8 : memref<64x128xf32, #tpu.memory_space<vmem>>) target_semaphore(%run_scoped3A : memref<!tpu.dma_semaphore, #tpu.memory_space<semaphore_mem>>)
      tpu.wait_dma2 semaphore(%run_scoped3A : memref<!tpu.dma_semaphore, #tpu.memory_space<semaphore_mem>>) src(%arg4 : memref<64x128xf32, #tpu.memory_space<hbm>>) dst(%arg8 : memref<64x128xf32, #tpu.memory_space<vmem>>)
      tpu.yield
    }) : () -> ()
    %scan3A = arith.constant 0 : i32
    %scan3A_1 = arith.constant 0 : i32
    %scan3A_2 = arith.constant 10 : i32
    %scan3A_3 = arith.addi %scan3A_1, %scan3A_2 : i32
    %scan3A_4 = arith.constant 1 : i32
    scf.for %scan3A_21 = %scan3A_1 to %scan3A_3 step %scan3A_4  : i32 {
      %mul3A_22 = arith.constant 64 : i32
      %mul3A_23 = arith.muli %scan3A_21, %mul3A_22 : i32
      %add3A = arith.addi %multiple_of3A, %mul3A_23 : i32
      %multiple_of3A_24 = tpu.assume_multiple %add3A, 8 : i32
      "tpu.region"() ({
        %run_scoped3A = tpu.sem_alloc : memref<!tpu.dma_semaphore, #tpu.memory_space<semaphore_mem>>
        %dma_start3A = arith.constant 0 : i32
        %dma_start3A_25 = tpu.memref_slice %arg9[%multiple_of3A_24, %dma_start3A] : memref<10240x128xf32, #tpu.memory_space<vmem_shared>> -> memref<64x128xf32, #tpu.memory_space<vmem_shared>>
        %dma_start3A_26 = arith.constant 0 : i32
        %dma_start3A_27 = tpu.memref_slice %arg9[%multiple_of3A_24, %dma_start3A_26] : memref<10240x128xf32, #tpu.memory_space<vmem_shared>> -> memref<64x128xf32, #tpu.memory_space<vmem_shared>>
        tpu.enqueue_dma source(%arg8 : memref<64x128xf32, #tpu.memory_space<vmem>>) target(%dma_start3A_27 : memref<64x128xf32, #tpu.memory_space<vmem_shared>>) target_semaphore(%run_scoped3A : memref<!tpu.dma_semaphore, #tpu.memory_space<semaphore_mem>>)
        %dma_wait3A = arith.constant 0 : i32
        %dma_wait3A_28 = tpu.memref_slice %arg9[%multiple_of3A_24, %dma_wait3A] : memref<10240x128xf32, #tpu.memory_space<vmem_shared>> -> memref<64x128xf32, #tpu.memory_space<vmem_shared>>
        %dma_wait3A_29 = arith.constant 0 : i32
        %dma_wait3A_30 = tpu.memref_slice %arg9[%multiple_of3A_24, %dma_wait3A_29] : memref<10240x128xf32, #tpu.memory_space<vmem_shared>> -> memref<64x128xf32, #tpu.memory_space<vmem_shared>>
        tpu.wait_dma2 semaphore(%run_scoped3A : memref<!tpu.dma_semaphore, #tpu.memory_space<semaphore_mem>>) src(%arg8 : memref<64x128xf32, #tpu.memory_space<vmem>>) dst(%dma_wait3A_30 : memref<64x128xf32, #tpu.memory_space<vmem_shared>>)
        tpu.yield
      }) : () -> ()
    }
    %scan3A_5 = arith.constant 10 : i32
    %barrier3A = arith.constant 0 : index
    tpu.barrier barrier_id(%barrier3A)
    %mul3A_6 = arith.constant 10240 : i32
    %mul3A_7 = arith.muli %arg1, %mul3A_6 : i32
    %scan3A_8 = arith.constant 0 : i32
    %scan3A_9 = arith.constant 0 : i32
    %scan3A_10 = arith.constant 80 : i32
    %scan3A_11 = arith.addi %scan3A_9, %scan3A_10 : i32
    %scan3A_12 = arith.constant 1 : i32
    scf.for %scan3A_21 = %scan3A_9 to %scan3A_11 step %scan3A_12  : i32 {
      %mul3A_22 = arith.constant 128 : i32
      %mul3A_23 = arith.muli %scan3A_21, %mul3A_22 : i32
      %add3A = arith.addi %mul3A_7, %mul3A_23 : i32
      %multiple_of3A_24 = tpu.assume_multiple %add3A, 8 : i32
      "tpu.region"() ({
        %run_scoped3A = tpu.sem_alloc : memref<!tpu.dma_semaphore, #tpu.memory_space<semaphore_mem>>
        %dma_start3A = tpu.memref_slice %arg3[%multiple_of3A_24] : memref<163840xi32, #tpu.memory_space<hbm>> -> memref<128xi32, #tpu.memory_space<hbm>>
        %dma_start3A_25 = tpu.memref_slice %arg3[%multiple_of3A_24] : memref<163840xi32, #tpu.memory_space<hbm>> -> memref<128xi32, #tpu.memory_space<hbm>>
        tpu.enqueue_dma source(%dma_start3A_25 : memref<128xi32, #tpu.memory_space<hbm>>) target(%arg6 : memref<128xi32, #tpu.memory_space<vmem>>) target_semaphore(%run_scoped3A : memref<!tpu.dma_semaphore, #tpu.memory_space<semaphore_mem>>)
        %dma_wait3A = tpu.memref_slice %arg3[%multiple_of3A_24] : memref<163840xi32, #tpu.memory_space<hbm>> -> memref<128xi32, #tpu.memory_space<hbm>>
        %dma_wait3A_26 = tpu.memref_slice %arg3[%multiple_of3A_24] : memref<163840xi32, #tpu.memory_space<hbm>> -> memref<128xi32, #tpu.memory_space<hbm>>
        tpu.wait_dma2 semaphore(%run_scoped3A : memref<!tpu.dma_semaphore, #tpu.memory_space<semaphore_mem>>) src(%dma_wait3A_26 : memref<128xi32, #tpu.memory_space<hbm>>) dst(%arg6 : memref<128xi32, #tpu.memory_space<vmem>>)
        tpu.yield
      }) : () -> ()
      "tpu.region"() ({
        %run_scoped3A = tpu.sem_alloc : memref<!tpu.dma_semaphore, #tpu.memory_space<semaphore_mem>>
        %dma_start3A = arith.constant 0 : i32
        %dma_start3A_25 = tpu.memref_slice %arg2[%multiple_of3A_24, %dma_start3A] : memref<163840x128xf32, #tpu.memory_space<hbm>> -> memref<128x128xf32, #tpu.memory_space<hbm>>
        %dma_start3A_26 = arith.constant 0 : i32
        %dma_start3A_27 = tpu.memref_slice %arg2[%multiple_of3A_24, %dma_start3A_26] : memref<163840x128xf32, #tpu.memory_space<hbm>> -> memref<128x128xf32, #tpu.memory_space<hbm>>
        tpu.enqueue_dma source(%dma_start3A_27 : memref<128x128xf32, #tpu.memory_space<hbm>>) target(%arg7 : memref<128x128xf32, #tpu.memory_space<vmem>>) target_semaphore(%run_scoped3A : memref<!tpu.dma_semaphore, #tpu.memory_space<semaphore_mem>>)
        %dma_wait3A = arith.constant 0 : i32
        %dma_wait3A_28 = tpu.memref_slice %arg2[%multiple_of3A_24, %dma_wait3A] : memref<163840x128xf32, #tpu.memory_space<hbm>> -> memref<128x128xf32, #tpu.memory_space<hbm>>
        %dma_wait3A_29 = arith.constant 0 : i32
        %dma_wait3A_30 = tpu.memref_slice %arg2[%multiple_of3A_24, %dma_wait3A_29] : memref<163840x128xf32, #tpu.memory_space<hbm>> -> memref<128x128xf32, #tpu.memory_space<hbm>>
        tpu.wait_dma2 semaphore(%run_scoped3A : memref<!tpu.dma_semaphore, #tpu.memory_space<semaphore_mem>>) src(%dma_wait3A_30 : memref<128x128xf32, #tpu.memory_space<hbm>>) dst(%arg7 : memref<128x128xf32, #tpu.memory_space<vmem>>)
        tpu.yield
      }) : () -> ()
      "tpu.region"() ({
        %run_scoped3A = tpu.sem_alloc : memref<!tpu.dma_semaphore, #tpu.memory_space<semaphore_mem>>
        %dma_start3A = arith.constant 0 : i32
        %dma_start3A_25 = arith.constant 0 : i32
        %dma_start3A_26 = tpu.memref_slice %arg9[%dma_start3A, %dma_start3A_25] : memref<10240x128xf32, #tpu.memory_space<vmem_shared>> -> memref<10240x128xf32, #tpu.memory_space<vmem_shared>>
        tpu.enqueue_indirect_dma source(%arg7 : memref<128x128xf32, #tpu.memory_space<vmem>>) target(%dma_start3A_26 : memref<10240x128xf32, #tpu.memory_space<vmem_shared>>) offsets(%arg6 : memref<128xi32, #tpu.memory_space<vmem>>) semaphore(%run_scoped3A : memref<!tpu.dma_semaphore, #tpu.memory_space<semaphore_mem>>) {add = true}
        %dma_wait3A = arith.constant 0 : i32
        %dma_wait3A_27 = arith.constant 0 : i32
        %dma_wait3A_28 = tpu.memref_slice %arg9[%dma_wait3A, %dma_wait3A_27] : memref<10240x128xf32, #tpu.memory_space<vmem_shared>> -> memref<10240x128xf32, #tpu.memory_space<vmem_shared>>
        tpu.wait_indirect_dma semaphore(%run_scoped3A : memref<!tpu.dma_semaphore, #tpu.memory_space<semaphore_mem>>) src(%arg7 : memref<128x128xf32, #tpu.memory_space<vmem>>) dst(%dma_wait3A_28 : memref<10240x128xf32, #tpu.memory_space<vmem_shared>>)
        tpu.yield
      }) : () -> ()
    }
    %scan3A_13 = arith.constant 80 : i32
    %barrier3A_14 = arith.constant 0 : index
    tpu.barrier barrier_id(%barrier3A_14)
    %scan3A_15 = arith.constant 0 : i32
    %scan3A_16 = arith.constant 0 : i32
    %scan3A_17 = arith.constant 10 : i32
    %scan3A_18 = arith.addi %scan3A_16, %scan3A_17 : i32
    %scan3A_19 = arith.constant 1 : i32
    scf.for %scan3A_21 = %scan3A_16 to %scan3A_18 step %scan3A_19  : i32 {
      %mul3A_22 = arith.constant 64 : i32
      %mul3A_23 = arith.muli %scan3A_21, %mul3A_22 : i32
      %add3A = arith.addi %multiple_of3A, %mul3A_23 : i32
      %multiple_of3A_24 = tpu.assume_multiple %add3A, 8 : i32
      "tpu.region"() ({
        %run_scoped3A = tpu.sem_alloc : memref<!tpu.dma_semaphore, #tpu.memory_space<semaphore_mem>>
        %dma_start3A = arith.constant 0 : i32
        %dma_start3A_25 = tpu.memref_slice %arg9[%multiple_of3A_24, %dma_start3A] : memref<10240x128xf32, #tpu.memory_space<vmem_shared>> -> memref<64x128xf32, #tpu.memory_space<vmem_shared>>
        %dma_start3A_26 = arith.constant 0 : i32
        %dma_start3A_27 = tpu.memref_slice %arg9[%multiple_of3A_24, %dma_start3A_26] : memref<10240x128xf32, #tpu.memory_space<vmem_shared>> -> memref<64x128xf32, #tpu.memory_space<vmem_shared>>
        tpu.enqueue_dma source(%dma_start3A_27 : memref<64x128xf32, #tpu.memory_space<vmem_shared>>) target(%arg8 : memref<64x128xf32, #tpu.memory_space<vmem>>) target_semaphore(%run_scoped3A : memref<!tpu.dma_semaphore, #tpu.memory_space<semaphore_mem>>)
        %dma_wait3A = arith.constant 0 : i32
        %dma_wait3A_28 = tpu.memref_slice %arg9[%multiple_of3A_24, %dma_wait3A] : memref<10240x128xf32, #tpu.memory_space<vmem_shared>> -> memref<64x128xf32, #tpu.memory_space<vmem_shared>>
        %dma_wait3A_29 = arith.constant 0 : i32
        %dma_wait3A_30 = tpu.memref_slice %arg9[%multiple_of3A_24, %dma_wait3A_29] : memref<10240x128xf32, #tpu.memory_space<vmem_shared>> -> memref<64x128xf32, #tpu.memory_space<vmem_shared>>
        tpu.wait_dma2 semaphore(%run_scoped3A : memref<!tpu.dma_semaphore, #tpu.memory_space<semaphore_mem>>) src(%dma_wait3A_30 : memref<64x128xf32, #tpu.memory_space<vmem_shared>>) dst(%arg8 : memref<64x128xf32, #tpu.memory_space<vmem>>)
        tpu.yield
      }) : () -> ()
      "tpu.region"() ({
        %run_scoped3A = tpu.sem_alloc : memref<!tpu.dma_semaphore, #tpu.memory_space<semaphore_mem>>
        %dma_start3A = arith.constant 0 : i32
        %dma_start3A_25 = tpu.memref_slice %arg5[%multiple_of3A_24, %dma_start3A] : memref<10240x128xf32, #tpu.memory_space<hbm>> -> memref<64x128xf32, #tpu.memory_space<hbm>>
        %dma_start3A_26 = arith.constant 0 : i32
        %dma_start3A_27 = tpu.memref_slice %arg5[%multiple_of3A_24, %dma_start3A_26] : memref<10240x128xf32, #tpu.memory_space<hbm>> -> memref<64x128xf32, #tpu.memory_space<hbm>>
        tpu.enqueue_dma source(%arg8 : memref<64x128xf32, #tpu.memory_space<vmem>>) target(%dma_start3A_27 : memref<64x128xf32, #tpu.memory_space<hbm>>) target_semaphore(%run_scoped3A : memref<!tpu.dma_semaphore, #tpu.memory_space<semaphore_mem>>)
        %dma_wait3A = arith.constant 0 : i32
        %dma_wait3A_28 = tpu.memref_slice %arg5[%multiple_of3A_24, %dma_wait3A] : memref<10240x128xf32, #tpu.memory_space<hbm>> -> memref<64x128xf32, #tpu.memory_space<hbm>>
        %dma_wait3A_29 = arith.constant 0 : i32
        %dma_wait3A_30 = tpu.memref_slice %arg5[%multiple_of3A_24, %dma_wait3A_29] : memref<10240x128xf32, #tpu.memory_space<hbm>> -> memref<64x128xf32, #tpu.memory_space<hbm>>
        tpu.wait_dma2 semaphore(%run_scoped3A : memref<!tpu.dma_semaphore, #tpu.memory_space<semaphore_mem>>) src(%arg8 : memref<64x128xf32, #tpu.memory_space<vmem>>) dst(%dma_wait3A_30 : memref<64x128xf32, #tpu.memory_space<hbm>>)
        tpu.yield
      }) : () -> ()
    }
    %scan3A_20 = arith.constant 10 : i32
    return
  }
}

#map = affine_map<(d0, d1) -> (0, 0)>
#map1 = affine_map<(d0, d1) -> (0)>
module attributes {stable_mosaic.version = 14 : i64} {
  func.func @_sc_gather(%arg0: i32, %arg1: i32, %arg2: memref<10000x384xf32, #tpu.memory_space<hbm>>, %arg3: memref<10000x256xf32, #tpu.memory_space<hbm>>, %arg4: memref<163840xi32, #tpu.memory_space<hbm>>, %arg5: memref<163840xi32, #tpu.memory_space<hbm>>, %arg6: memref<163840x384xf32, #tpu.memory_space<hbm>>, %arg7: memref<163840x256xf32, #tpu.memory_space<hbm>>, %arg8: memref<128xi32, #tpu.memory_space<vmem>>, %arg9: memref<128xi32, #tpu.memory_space<vmem>>, %arg10: memref<128x384xf32, #tpu.memory_space<vmem>>, %arg11: memref<128x256xf32, #tpu.memory_space<vmem>>, %arg12: memref<!tpu.dma_semaphore, #tpu.memory_space<semaphore_mem>>, %arg13: memref<!tpu.dma_semaphore, #tpu.memory_space<semaphore_mem>>) attributes {dimension_semantics = [#tpu.dimension_semantics<core_parallel>, #tpu.dimension_semantics<subcore_parallel>], iteration_bounds = array<i64: 2, 16>, scalar_prefetch = 0 : i64, scratch_operands = 6 : i64, tpu.core_type = #tpu.core_type<sc_vector_subcore>, window_params = [{transform_indices = #map}, {transform_indices = #map}, {transform_indices = #map1}, {transform_indices = #map1}, {transform_indices = #map}, {transform_indices = #map}]} {
    %mul3A = arith.constant 2 : i32
    %mul3A_0 = arith.muli %arg1, %mul3A : i32
    %add3A = arith.addi %mul3A_0, %arg0 : i32
    %mul3A_1 = arith.constant 5120 : i32
    %mul3A_2 = arith.muli %add3A, %mul3A_1 : i32
    %scan3A = arith.constant 0 : i32
    %scan3A_3 = arith.constant 0 : i32
    %scan3A_4 = arith.constant 40 : i32
    %scan3A_5 = arith.addi %scan3A_3, %scan3A_4 : i32
    %scan3A_6 = arith.constant 1 : i32
    scf.for %scan3A_8 = %scan3A_3 to %scan3A_5 step %scan3A_6  : i32 {
      %mul3A_9 = arith.constant 128 : i32
      %mul3A_10 = arith.muli %scan3A_8, %mul3A_9 : i32
      %add3A_11 = arith.addi %mul3A_2, %mul3A_10 : i32
      %multiple_of3A = tpu.assume_multiple %add3A_11, 8 : i32
      "tpu.region"() ({
        %run_scoped3A = tpu.sem_alloc : memref<!tpu.dma_semaphore, #tpu.memory_space<semaphore_mem>>
        %dma_start3A_22 = tpu.memref_slice %arg4[%multiple_of3A] : memref<163840xi32, #tpu.memory_space<hbm>> -> memref<128xi32, #tpu.memory_space<hbm>>
        %dma_start3A_23 = tpu.memref_slice %arg4[%multiple_of3A] : memref<163840xi32, #tpu.memory_space<hbm>> -> memref<128xi32, #tpu.memory_space<hbm>>
        tpu.enqueue_dma source(%dma_start3A_23 : memref<128xi32, #tpu.memory_space<hbm>>) target(%arg8 : memref<128xi32, #tpu.memory_space<vmem>>) target_semaphore(%run_scoped3A : memref<!tpu.dma_semaphore, #tpu.memory_space<semaphore_mem>>)
        %dma_wait3A_24 = tpu.memref_slice %arg4[%multiple_of3A] : memref<163840xi32, #tpu.memory_space<hbm>> -> memref<128xi32, #tpu.memory_space<hbm>>
        %dma_wait3A_25 = tpu.memref_slice %arg4[%multiple_of3A] : memref<163840xi32, #tpu.memory_space<hbm>> -> memref<128xi32, #tpu.memory_space<hbm>>
        tpu.wait_dma2 semaphore(%run_scoped3A : memref<!tpu.dma_semaphore, #tpu.memory_space<semaphore_mem>>) src(%dma_wait3A_25 : memref<128xi32, #tpu.memory_space<hbm>>) dst(%arg8 : memref<128xi32, #tpu.memory_space<vmem>>)
        tpu.yield
      }) : () -> ()
      "tpu.region"() ({
        %run_scoped3A = tpu.sem_alloc : memref<!tpu.dma_semaphore, #tpu.memory_space<semaphore_mem>>
        %dma_start3A_22 = tpu.memref_slice %arg5[%multiple_of3A] : memref<163840xi32, #tpu.memory_space<hbm>> -> memref<128xi32, #tpu.memory_space<hbm>>
        %dma_start3A_23 = tpu.memref_slice %arg5[%multiple_of3A] : memref<163840xi32, #tpu.memory_space<hbm>> -> memref<128xi32, #tpu.memory_space<hbm>>
        tpu.enqueue_dma source(%dma_start3A_23 : memref<128xi32, #tpu.memory_space<hbm>>) target(%arg9 : memref<128xi32, #tpu.memory_space<vmem>>) target_semaphore(%run_scoped3A : memref<!tpu.dma_semaphore, #tpu.memory_space<semaphore_mem>>)
        %dma_wait3A_24 = tpu.memref_slice %arg5[%multiple_of3A] : memref<163840xi32, #tpu.memory_space<hbm>> -> memref<128xi32, #tpu.memory_space<hbm>>
        %dma_wait3A_25 = tpu.memref_slice %arg5[%multiple_of3A] : memref<163840xi32, #tpu.memory_space<hbm>> -> memref<128xi32, #tpu.memory_space<hbm>>
        tpu.wait_dma2 semaphore(%run_scoped3A : memref<!tpu.dma_semaphore, #tpu.memory_space<semaphore_mem>>) src(%dma_wait3A_25 : memref<128xi32, #tpu.memory_space<hbm>>) dst(%arg9 : memref<128xi32, #tpu.memory_space<vmem>>)
        tpu.yield
      }) : () -> ()
      %dma_start3A = arith.constant 0 : i32
      %dma_start3A_12 = arith.constant 0 : i32
      %dma_start3A_13 = tpu.memref_slice %arg2[%dma_start3A, %dma_start3A_12] : memref<10000x384xf32, #tpu.memory_space<hbm>> -> memref<10000x384xf32, #tpu.memory_space<hbm>>
      tpu.enqueue_indirect_dma source(%dma_start3A_13 : memref<10000x384xf32, #tpu.memory_space<hbm>>) target(%arg10 : memref<128x384xf32, #tpu.memory_space<vmem>>) offsets(%arg8 : memref<128xi32, #tpu.memory_space<vmem>>) semaphore(%arg12 : memref<!tpu.dma_semaphore, #tpu.memory_space<semaphore_mem>>)
      %dma_start3A_14 = arith.constant 0 : i32
      %dma_start3A_15 = arith.constant 0 : i32
      %dma_start3A_16 = tpu.memref_slice %arg3[%dma_start3A_14, %dma_start3A_15] : memref<10000x256xf32, #tpu.memory_space<hbm>> -> memref<10000x256xf32, #tpu.memory_space<hbm>>
      tpu.enqueue_indirect_dma source(%dma_start3A_16 : memref<10000x256xf32, #tpu.memory_space<hbm>>) target(%arg11 : memref<128x256xf32, #tpu.memory_space<vmem>>) offsets(%arg9 : memref<128xi32, #tpu.memory_space<vmem>>) semaphore(%arg13 : memref<!tpu.dma_semaphore, #tpu.memory_space<semaphore_mem>>)
      %dma_wait3A = arith.constant 0 : i32
      %dma_wait3A_17 = arith.constant 0 : i32
      %dma_wait3A_18 = tpu.memref_slice %arg2[%dma_wait3A, %dma_wait3A_17] : memref<10000x384xf32, #tpu.memory_space<hbm>> -> memref<10000x384xf32, #tpu.memory_space<hbm>>
      tpu.wait_indirect_dma semaphore(%arg12 : memref<!tpu.dma_semaphore, #tpu.memory_space<semaphore_mem>>) src(%dma_wait3A_18 : memref<10000x384xf32, #tpu.memory_space<hbm>>) dst(%arg10 : memref<128x384xf32, #tpu.memory_space<vmem>>)
      %dma_wait3A_19 = arith.constant 0 : i32
      %dma_wait3A_20 = arith.constant 0 : i32
      %dma_wait3A_21 = tpu.memref_slice %arg3[%dma_wait3A_19, %dma_wait3A_20] : memref<10000x256xf32, #tpu.memory_space<hbm>> -> memref<10000x256xf32, #tpu.memory_space<hbm>>
      tpu.wait_indirect_dma semaphore(%arg13 : memref<!tpu.dma_semaphore, #tpu.memory_space<semaphore_mem>>) src(%dma_wait3A_21 : memref<10000x256xf32, #tpu.memory_space<hbm>>) dst(%arg11 : memref<128x256xf32, #tpu.memory_space<vmem>>)
      "tpu.region"() ({
        %run_scoped3A = tpu.sem_alloc : memref<!tpu.dma_semaphore, #tpu.memory_space<semaphore_mem>>
        %dma_start3A_22 = arith.constant 0 : i32
        %dma_start3A_23 = tpu.memref_slice %arg6[%multiple_of3A, %dma_start3A_22] : memref<163840x384xf32, #tpu.memory_space<hbm>> -> memref<128x384xf32, #tpu.memory_space<hbm>>
        %dma_start3A_24 = arith.constant 0 : i32
        %dma_start3A_25 = tpu.memref_slice %arg6[%multiple_of3A, %dma_start3A_24] : memref<163840x384xf32, #tpu.memory_space<hbm>> -> memref<128x384xf32, #tpu.memory_space<hbm>>
        tpu.enqueue_dma source(%arg10 : memref<128x384xf32, #tpu.memory_space<vmem>>) target(%dma_start3A_25 : memref<128x384xf32, #tpu.memory_space<hbm>>) target_semaphore(%run_scoped3A : memref<!tpu.dma_semaphore, #tpu.memory_space<semaphore_mem>>)
        %dma_wait3A_26 = arith.constant 0 : i32
        %dma_wait3A_27 = tpu.memref_slice %arg6[%multiple_of3A, %dma_wait3A_26] : memref<163840x384xf32, #tpu.memory_space<hbm>> -> memref<128x384xf32, #tpu.memory_space<hbm>>
        %dma_wait3A_28 = arith.constant 0 : i32
        %dma_wait3A_29 = tpu.memref_slice %arg6[%multiple_of3A, %dma_wait3A_28] : memref<163840x384xf32, #tpu.memory_space<hbm>> -> memref<128x384xf32, #tpu.memory_space<hbm>>
        tpu.wait_dma2 semaphore(%run_scoped3A : memref<!tpu.dma_semaphore, #tpu.memory_space<semaphore_mem>>) src(%arg10 : memref<128x384xf32, #tpu.memory_space<vmem>>) dst(%dma_wait3A_29 : memref<128x384xf32, #tpu.memory_space<hbm>>)
        tpu.yield
      }) : () -> ()
      "tpu.region"() ({
        %run_scoped3A = tpu.sem_alloc : memref<!tpu.dma_semaphore, #tpu.memory_space<semaphore_mem>>
        %dma_start3A_22 = arith.constant 0 : i32
        %dma_start3A_23 = tpu.memref_slice %arg7[%multiple_of3A, %dma_start3A_22] : memref<163840x256xf32, #tpu.memory_space<hbm>> -> memref<128x256xf32, #tpu.memory_space<hbm>>
        %dma_start3A_24 = arith.constant 0 : i32
        %dma_start3A_25 = tpu.memref_slice %arg7[%multiple_of3A, %dma_start3A_24] : memref<163840x256xf32, #tpu.memory_space<hbm>> -> memref<128x256xf32, #tpu.memory_space<hbm>>
        tpu.enqueue_dma source(%arg11 : memref<128x256xf32, #tpu.memory_space<vmem>>) target(%dma_start3A_25 : memref<128x256xf32, #tpu.memory_space<hbm>>) target_semaphore(%run_scoped3A : memref<!tpu.dma_semaphore, #tpu.memory_space<semaphore_mem>>)
        %dma_wait3A_26 = arith.constant 0 : i32
        %dma_wait3A_27 = tpu.memref_slice %arg7[%multiple_of3A, %dma_wait3A_26] : memref<163840x256xf32, #tpu.memory_space<hbm>> -> memref<128x256xf32, #tpu.memory_space<hbm>>
        %dma_wait3A_28 = arith.constant 0 : i32
        %dma_wait3A_29 = tpu.memref_slice %arg7[%multiple_of3A, %dma_wait3A_28] : memref<163840x256xf32, #tpu.memory_space<hbm>> -> memref<128x256xf32, #tpu.memory_space<hbm>>
        tpu.wait_dma2 semaphore(%run_scoped3A : memref<!tpu.dma_semaphore, #tpu.memory_space<semaphore_mem>>) src(%arg11 : memref<128x256xf32, #tpu.memory_space<vmem>>) dst(%dma_wait3A_29 : memref<128x256xf32, #tpu.memory_space<hbm>>)
        tpu.yield
      }) : () -> ()
    }
    %scan3A_7 = arith.constant 40 : i32
    return
  }
}

#map = affine_map<(d0, d1) -> (0, 0)>
#map1 = affine_map<(d0, d1) -> (0)>
module attributes {stable_mosaic.version = 14 : i64} {
  func.func @_sc_gather(%arg0: i32, %arg1: i32, %arg2: memref<10000x384xf32, #tpu.memory_space<hbm>>, %arg3: memref<10000x256xf32, #tpu.memory_space<hbm>>, %arg4: memref<163840xi32, #tpu.memory_space<hbm>>, %arg5: memref<163840xi32, #tpu.memory_space<hbm>>, %arg6: memref<163840x384xf32, #tpu.memory_space<hbm>>, %arg7: memref<163840x256xf32, #tpu.memory_space<hbm>>, %arg8: memref<128xi32, #tpu.memory_space<vmem>>, %arg9: memref<128xi32, #tpu.memory_space<vmem>>, %arg10: memref<128x384xf32, #tpu.memory_space<vmem>>, %arg11: memref<128x256xf32, #tpu.memory_space<vmem>>, %arg12: memref<!tpu.dma_semaphore, #tpu.memory_space<semaphore_mem>>, %arg13: memref<!tpu.dma_semaphore, #tpu.memory_space<semaphore_mem>>) attributes {dimension_semantics = [#tpu.dimension_semantics<core_parallel>, #tpu.dimension_semantics<subcore_parallel>], iteration_bounds = array<i64: 2, 16>, scalar_prefetch = 0 : i64, scratch_operands = 6 : i64, tpu.core_type = #tpu.core_type<sc_vector_subcore>, window_params = [{transform_indices = #map}, {transform_indices = #map}, {transform_indices = #map1}, {transform_indices = #map1}, {transform_indices = #map}, {transform_indices = #map}]} {
    %mul3A = arith.constant 2 : i32
    %mul3A_0 = arith.muli %arg1, %mul3A : i32
    %add3A = arith.addi %mul3A_0, %arg0 : i32
    %mul3A_1 = arith.constant 5120 : i32
    %mul3A_2 = arith.muli %add3A, %mul3A_1 : i32
    %scan3A = arith.constant 0 : i32
    %scan3A_3 = arith.constant 0 : i32
    %scan3A_4 = arith.constant 40 : i32
    %scan3A_5 = arith.addi %scan3A_3, %scan3A_4 : i32
    %scan3A_6 = arith.constant 1 : i32
    scf.for %scan3A_8 = %scan3A_3 to %scan3A_5 step %scan3A_6  : i32 {
      %mul3A_9 = arith.constant 128 : i32
      %mul3A_10 = arith.muli %scan3A_8, %mul3A_9 : i32
      %add3A_11 = arith.addi %mul3A_2, %mul3A_10 : i32
      %multiple_of3A = tpu.assume_multiple %add3A_11, 8 : i32
      "tpu.region"() ({
        %run_scoped3A = tpu.sem_alloc : memref<!tpu.dma_semaphore, #tpu.memory_space<semaphore_mem>>
        %dma_start3A_22 = tpu.memref_slice %arg4[%multiple_of3A] : memref<163840xi32, #tpu.memory_space<hbm>> -> memref<128xi32, #tpu.memory_space<hbm>>
        %dma_start3A_23 = tpu.memref_slice %arg4[%multiple_of3A] : memref<163840xi32, #tpu.memory_space<hbm>> -> memref<128xi32, #tpu.memory_space<hbm>>
        tpu.enqueue_dma source(%dma_start3A_23 : memref<128xi32, #tpu.memory_space<hbm>>) target(%arg8 : memref<128xi32, #tpu.memory_space<vmem>>) target_semaphore(%run_scoped3A : memref<!tpu.dma_semaphore, #tpu.memory_space<semaphore_mem>>)
        %dma_wait3A_24 = tpu.memref_slice %arg4[%multiple_of3A] : memref<163840xi32, #tpu.memory_space<hbm>> -> memref<128xi32, #tpu.memory_space<hbm>>
        %dma_wait3A_25 = tpu.memref_slice %arg4[%multiple_of3A] : memref<163840xi32, #tpu.memory_space<hbm>> -> memref<128xi32, #tpu.memory_space<hbm>>
        tpu.wait_dma2 semaphore(%run_scoped3A : memref<!tpu.dma_semaphore, #tpu.memory_space<semaphore_mem>>) src(%dma_wait3A_25 : memref<128xi32, #tpu.memory_space<hbm>>) dst(%arg8 : memref<128xi32, #tpu.memory_space<vmem>>)
        tpu.yield
      }) : () -> ()
      "tpu.region"() ({
        %run_scoped3A = tpu.sem_alloc : memref<!tpu.dma_semaphore, #tpu.memory_space<semaphore_mem>>
        %dma_start3A_22 = tpu.memref_slice %arg5[%multiple_of3A] : memref<163840xi32, #tpu.memory_space<hbm>> -> memref<128xi32, #tpu.memory_space<hbm>>
        %dma_start3A_23 = tpu.memref_slice %arg5[%multiple_of3A] : memref<163840xi32, #tpu.memory_space<hbm>> -> memref<128xi32, #tpu.memory_space<hbm>>
        tpu.enqueue_dma source(%dma_start3A_23 : memref<128xi32, #tpu.memory_space<hbm>>) target(%arg9 : memref<128xi32, #tpu.memory_space<vmem>>) target_semaphore(%run_scoped3A : memref<!tpu.dma_semaphore, #tpu.memory_space<semaphore_mem>>)
        %dma_wait3A_24 = tpu.memref_slice %arg5[%multiple_of3A] : memref<163840xi32, #tpu.memory_space<hbm>> -> memref<128xi32, #tpu.memory_space<hbm>>
        %dma_wait3A_25 = tpu.memref_slice %arg5[%multiple_of3A] : memref<163840xi32, #tpu.memory_space<hbm>> -> memref<128xi32, #tpu.memory_space<hbm>>
        tpu.wait_dma2 semaphore(%run_scoped3A : memref<!tpu.dma_semaphore, #tpu.memory_space<semaphore_mem>>) src(%dma_wait3A_25 : memref<128xi32, #tpu.memory_space<hbm>>) dst(%arg9 : memref<128xi32, #tpu.memory_space<vmem>>)
        tpu.yield
      }) : () -> ()
      %dma_start3A = arith.constant 0 : i32
      %dma_start3A_12 = arith.constant 0 : i32
      %dma_start3A_13 = tpu.memref_slice %arg2[%dma_start3A, %dma_start3A_12] : memref<10000x384xf32, #tpu.memory_space<hbm>> -> memref<10000x384xf32, #tpu.memory_space<hbm>>
      tpu.enqueue_indirect_dma source(%dma_start3A_13 : memref<10000x384xf32, #tpu.memory_space<hbm>>) target(%arg10 : memref<128x384xf32, #tpu.memory_space<vmem>>) offsets(%arg8 : memref<128xi32, #tpu.memory_space<vmem>>) semaphore(%arg12 : memref<!tpu.dma_semaphore, #tpu.memory_space<semaphore_mem>>)
      %dma_start3A_14 = arith.constant 0 : i32
      %dma_start3A_15 = arith.constant 0 : i32
      %dma_start3A_16 = tpu.memref_slice %arg3[%dma_start3A_14, %dma_start3A_15] : memref<10000x256xf32, #tpu.memory_space<hbm>> -> memref<10000x256xf32, #tpu.memory_space<hbm>>
      tpu.enqueue_indirect_dma source(%dma_start3A_16 : memref<10000x256xf32, #tpu.memory_space<hbm>>) target(%arg11 : memref<128x256xf32, #tpu.memory_space<vmem>>) offsets(%arg9 : memref<128xi32, #tpu.memory_space<vmem>>) semaphore(%arg13 : memref<!tpu.dma_semaphore, #tpu.memory_space<semaphore_mem>>)
      %dma_wait3A = arith.constant 0 : i32
      %dma_wait3A_17 = arith.constant 0 : i32
      %dma_wait3A_18 = tpu.memref_slice %arg2[%dma_wait3A, %dma_wait3A_17] : memref<10000x384xf32, #tpu.memory_space<hbm>> -> memref<10000x384xf32, #tpu.memory_space<hbm>>
      tpu.wait_indirect_dma semaphore(%arg12 : memref<!tpu.dma_semaphore, #tpu.memory_space<semaphore_mem>>) src(%dma_wait3A_18 : memref<10000x384xf32, #tpu.memory_space<hbm>>) dst(%arg10 : memref<128x384xf32, #tpu.memory_space<vmem>>)
      %dma_wait3A_19 = arith.constant 0 : i32
      %dma_wait3A_20 = arith.constant 0 : i32
      %dma_wait3A_21 = tpu.memref_slice %arg3[%dma_wait3A_19, %dma_wait3A_20] : memref<10000x256xf32, #tpu.memory_space<hbm>> -> memref<10000x256xf32, #tpu.memory_space<hbm>>
      tpu.wait_indirect_dma semaphore(%arg13 : memref<!tpu.dma_semaphore, #tpu.memory_space<semaphore_mem>>) src(%dma_wait3A_21 : memref<10000x256xf32, #tpu.memory_space<hbm>>) dst(%arg11 : memref<128x256xf32, #tpu.memory_space<vmem>>)
      "tpu.region"() ({
        %run_scoped3A = tpu.sem_alloc : memref<!tpu.dma_semaphore, #tpu.memory_space<semaphore_mem>>
        %dma_start3A_22 = arith.constant 0 : i32
        %dma_start3A_23 = tpu.memref_slice %arg6[%multiple_of3A, %dma_start3A_22] : memref<163840x384xf32, #tpu.memory_space<hbm>> -> memref<128x384xf32, #tpu.memory_space<hbm>>
        %dma_start3A_24 = arith.constant 0 : i32
        %dma_start3A_25 = tpu.memref_slice %arg6[%multiple_of3A, %dma_start3A_24] : memref<163840x384xf32, #tpu.memory_space<hbm>> -> memref<128x384xf32, #tpu.memory_space<hbm>>
        tpu.enqueue_dma source(%arg10 : memref<128x384xf32, #tpu.memory_space<vmem>>) target(%dma_start3A_25 : memref<128x384xf32, #tpu.memory_space<hbm>>) target_semaphore(%run_scoped3A : memref<!tpu.dma_semaphore, #tpu.memory_space<semaphore_mem>>)
        %dma_wait3A_26 = arith.constant 0 : i32
        %dma_wait3A_27 = tpu.memref_slice %arg6[%multiple_of3A, %dma_wait3A_26] : memref<163840x384xf32, #tpu.memory_space<hbm>> -> memref<128x384xf32, #tpu.memory_space<hbm>>
        %dma_wait3A_28 = arith.constant 0 : i32
        %dma_wait3A_29 = tpu.memref_slice %arg6[%multiple_of3A, %dma_wait3A_28] : memref<163840x384xf32, #tpu.memory_space<hbm>> -> memref<128x384xf32, #tpu.memory_space<hbm>>
        tpu.wait_dma2 semaphore(%run_scoped3A : memref<!tpu.dma_semaphore, #tpu.memory_space<semaphore_mem>>) src(%arg10 : memref<128x384xf32, #tpu.memory_space<vmem>>) dst(%dma_wait3A_29 : memref<128x384xf32, #tpu.memory_space<hbm>>)
        tpu.yield
      }) : () -> ()
      "tpu.region"() ({
        %run_scoped3A = tpu.sem_alloc : memref<!tpu.dma_semaphore, #tpu.memory_space<semaphore_mem>>
        %dma_start3A_22 = arith.constant 0 : i32
        %dma_start3A_23 = tpu.memref_slice %arg7[%multiple_of3A, %dma_start3A_22] : memref<163840x256xf32, #tpu.memory_space<hbm>> -> memref<128x256xf32, #tpu.memory_space<hbm>>
        %dma_start3A_24 = arith.constant 0 : i32
        %dma_start3A_25 = tpu.memref_slice %arg7[%multiple_of3A, %dma_start3A_24] : memref<163840x256xf32, #tpu.memory_space<hbm>> -> memref<128x256xf32, #tpu.memory_space<hbm>>
        tpu.enqueue_dma source(%arg11 : memref<128x256xf32, #tpu.memory_space<vmem>>) target(%dma_start3A_25 : memref<128x256xf32, #tpu.memory_space<hbm>>) target_semaphore(%run_scoped3A : memref<!tpu.dma_semaphore, #tpu.memory_space<semaphore_mem>>)
        %dma_wait3A_26 = arith.constant 0 : i32
        %dma_wait3A_27 = tpu.memref_slice %arg7[%multiple_of3A, %dma_wait3A_26] : memref<163840x256xf32, #tpu.memory_space<hbm>> -> memref<128x256xf32, #tpu.memory_space<hbm>>
        %dma_wait3A_28 = arith.constant 0 : i32
        %dma_wait3A_29 = tpu.memref_slice %arg7[%multiple_of3A, %dma_wait3A_28] : memref<163840x256xf32, #tpu.memory_space<hbm>> -> memref<128x256xf32, #tpu.memory_space<hbm>>
        tpu.wait_dma2 semaphore(%run_scoped3A : memref<!tpu.dma_semaphore, #tpu.memory_space<semaphore_mem>>) src(%arg11 : memref<128x256xf32, #tpu.memory_space<vmem>>) dst(%dma_wait3A_29 : memref<128x256xf32, #tpu.memory_space<hbm>>)
        tpu.yield
      }) : () -> ()
    }
    %scan3A_7 = arith.constant 40 : i32
    return
  }
}

#map = affine_map<(d0, d1) -> (0, 0)>
#map1 = affine_map<(d0, d1) -> (0)>
module attributes {stable_mosaic.version = 14 : i64} {
  func.func @_sc_scatter(%arg0: i32, %arg1: i32, %arg2: memref<163840x128xf32, #tpu.memory_space<hbm>>, %arg3: memref<163840xi32, #tpu.memory_space<hbm>>, %arg4: memref<64x128xf32, #tpu.memory_space<hbm>>, %arg5: memref<10240x128xf32, #tpu.memory_space<hbm>>, %arg6: memref<128xi32, #tpu.memory_space<vmem>>, %arg7: memref<128x128xf32, #tpu.memory_space<vmem>>, %arg8: memref<64x128xf32, #tpu.memory_space<vmem>>, %arg9: memref<10240x128xf32, #tpu.memory_space<vmem_shared>>) attributes {dimension_semantics = [#tpu.dimension_semantics<core_parallel>, #tpu.dimension_semantics<subcore_parallel>], iteration_bounds = array<i64: 1, 16>, scalar_prefetch = 0 : i64, scratch_operands = 4 : i64, tpu.core_type = #tpu.core_type<sc_vector_subcore>, window_params = [{transform_indices = #map}, {transform_indices = #map1}, {transform_indices = #map}, {transform_indices = #map}]} {
    %mul3A = arith.constant 640 : i32
    %mul3A_0 = arith.muli %arg1, %mul3A : i32
    %multiple_of3A = tpu.assume_multiple %mul3A_0, 8 : i32
    "tpu.region"() ({
      %run_scoped3A = tpu.sem_alloc : memref<!tpu.dma_semaphore, #tpu.memory_space<semaphore_mem>>
      tpu.enqueue_dma source(%arg4 : memref<64x128xf32, #tpu.memory_space<hbm>>) target(%arg8 : memref<64x128xf32, #tpu.memory_space<vmem>>) target_semaphore(%run_scoped3A : memref<!tpu.dma_semaphore, #tpu.memory_space<semaphore_mem>>)
      tpu.wait_dma2 semaphore(%run_scoped3A : memref<!tpu.dma_semaphore, #tpu.memory_space<semaphore_mem>>) src(%arg4 : memref<64x128xf32, #tpu.memory_space<hbm>>) dst(%arg8 : memref<64x128xf32, #tpu.memory_space<vmem>>)
      tpu.yield
    }) : () -> ()
    %scan3A = arith.constant 0 : i32
    %scan3A_1 = arith.constant 0 : i32
    %scan3A_2 = arith.constant 10 : i32
    %scan3A_3 = arith.addi %scan3A_1, %scan3A_2 : i32
    %scan3A_4 = arith.constant 1 : i32
    scf.for %scan3A_21 = %scan3A_1 to %scan3A_3 step %scan3A_4  : i32 {
      %mul3A_22 = arith.constant 64 : i32
      %mul3A_23 = arith.muli %scan3A_21, %mul3A_22 : i32
      %add3A = arith.addi %multiple_of3A, %mul3A_23 : i32
      %multiple_of3A_24 = tpu.assume_multiple %add3A, 8 : i32
      "tpu.region"() ({
        %run_scoped3A = tpu.sem_alloc : memref<!tpu.dma_semaphore, #tpu.memory_space<semaphore_mem>>
        %dma_start3A = arith.constant 0 : i32
        %dma_start3A_25 = tpu.memref_slice %arg9[%multiple_of3A_24, %dma_start3A] : memref<10240x128xf32, #tpu.memory_space<vmem_shared>> -> memref<64x128xf32, #tpu.memory_space<vmem_shared>>
        %dma_start3A_26 = arith.constant 0 : i32
        %dma_start3A_27 = tpu.memref_slice %arg9[%multiple_of3A_24, %dma_start3A_26] : memref<10240x128xf32, #tpu.memory_space<vmem_shared>> -> memref<64x128xf32, #tpu.memory_space<vmem_shared>>
        tpu.enqueue_dma source(%arg8 : memref<64x128xf32, #tpu.memory_space<vmem>>) target(%dma_start3A_27 : memref<64x128xf32, #tpu.memory_space<vmem_shared>>) target_semaphore(%run_scoped3A : memref<!tpu.dma_semaphore, #tpu.memory_space<semaphore_mem>>)
        %dma_wait3A = arith.constant 0 : i32
        %dma_wait3A_28 = tpu.memref_slice %arg9[%multiple_of3A_24, %dma_wait3A] : memref<10240x128xf32, #tpu.memory_space<vmem_shared>> -> memref<64x128xf32, #tpu.memory_space<vmem_shared>>
        %dma_wait3A_29 = arith.constant 0 : i32
        %dma_wait3A_30 = tpu.memref_slice %arg9[%multiple_of3A_24, %dma_wait3A_29] : memref<10240x128xf32, #tpu.memory_space<vmem_shared>> -> memref<64x128xf32, #tpu.memory_space<vmem_shared>>
        tpu.wait_dma2 semaphore(%run_scoped3A : memref<!tpu.dma_semaphore, #tpu.memory_space<semaphore_mem>>) src(%arg8 : memref<64x128xf32, #tpu.memory_space<vmem>>) dst(%dma_wait3A_30 : memref<64x128xf32, #tpu.memory_space<vmem_shared>>)
        tpu.yield
      }) : () -> ()
    }
    %scan3A_5 = arith.constant 10 : i32
    %barrier3A = arith.constant 0 : index
    tpu.barrier barrier_id(%barrier3A)
    %mul3A_6 = arith.constant 10240 : i32
    %mul3A_7 = arith.muli %arg1, %mul3A_6 : i32
    %scan3A_8 = arith.constant 0 : i32
    %scan3A_9 = arith.constant 0 : i32
    %scan3A_10 = arith.constant 80 : i32
    %scan3A_11 = arith.addi %scan3A_9, %scan3A_10 : i32
    %scan3A_12 = arith.constant 1 : i32
    scf.for %scan3A_21 = %scan3A_9 to %scan3A_11 step %scan3A_12  : i32 {
      %mul3A_22 = arith.constant 128 : i32
      %mul3A_23 = arith.muli %scan3A_21, %mul3A_22 : i32
      %add3A = arith.addi %mul3A_7, %mul3A_23 : i32
      %multiple_of3A_24 = tpu.assume_multiple %add3A, 8 : i32
      "tpu.region"() ({
        %run_scoped3A = tpu.sem_alloc : memref<!tpu.dma_semaphore, #tpu.memory_space<semaphore_mem>>
        %dma_start3A = tpu.memref_slice %arg3[%multiple_of3A_24] : memref<163840xi32, #tpu.memory_space<hbm>> -> memref<128xi32, #tpu.memory_space<hbm>>
        %dma_start3A_25 = tpu.memref_slice %arg3[%multiple_of3A_24] : memref<163840xi32, #tpu.memory_space<hbm>> -> memref<128xi32, #tpu.memory_space<hbm>>
        tpu.enqueue_dma source(%dma_start3A_25 : memref<128xi32, #tpu.memory_space<hbm>>) target(%arg6 : memref<128xi32, #tpu.memory_space<vmem>>) target_semaphore(%run_scoped3A : memref<!tpu.dma_semaphore, #tpu.memory_space<semaphore_mem>>)
        %dma_wait3A = tpu.memref_slice %arg3[%multiple_of3A_24] : memref<163840xi32, #tpu.memory_space<hbm>> -> memref<128xi32, #tpu.memory_space<hbm>>
        %dma_wait3A_26 = tpu.memref_slice %arg3[%multiple_of3A_24] : memref<163840xi32, #tpu.memory_space<hbm>> -> memref<128xi32, #tpu.memory_space<hbm>>
        tpu.wait_dma2 semaphore(%run_scoped3A : memref<!tpu.dma_semaphore, #tpu.memory_space<semaphore_mem>>) src(%dma_wait3A_26 : memref<128xi32, #tpu.memory_space<hbm>>) dst(%arg6 : memref<128xi32, #tpu.memory_space<vmem>>)
        tpu.yield
      }) : () -> ()
      "tpu.region"() ({
        %run_scoped3A = tpu.sem_alloc : memref<!tpu.dma_semaphore, #tpu.memory_space<semaphore_mem>>
        %dma_start3A = arith.constant 0 : i32
        %dma_start3A_25 = tpu.memref_slice %arg2[%multiple_of3A_24, %dma_start3A] : memref<163840x128xf32, #tpu.memory_space<hbm>> -> memref<128x128xf32, #tpu.memory_space<hbm>>
        %dma_start3A_26 = arith.constant 0 : i32
        %dma_start3A_27 = tpu.memref_slice %arg2[%multiple_of3A_24, %dma_start3A_26] : memref<163840x128xf32, #tpu.memory_space<hbm>> -> memref<128x128xf32, #tpu.memory_space<hbm>>
        tpu.enqueue_dma source(%dma_start3A_27 : memref<128x128xf32, #tpu.memory_space<hbm>>) target(%arg7 : memref<128x128xf32, #tpu.memory_space<vmem>>) target_semaphore(%run_scoped3A : memref<!tpu.dma_semaphore, #tpu.memory_space<semaphore_mem>>)
        %dma_wait3A = arith.constant 0 : i32
        %dma_wait3A_28 = tpu.memref_slice %arg2[%multiple_of3A_24, %dma_wait3A] : memref<163840x128xf32, #tpu.memory_space<hbm>> -> memref<128x128xf32, #tpu.memory_space<hbm>>
        %dma_wait3A_29 = arith.constant 0 : i32
        %dma_wait3A_30 = tpu.memref_slice %arg2[%multiple_of3A_24, %dma_wait3A_29] : memref<163840x128xf32, #tpu.memory_space<hbm>> -> memref<128x128xf32, #tpu.memory_space<hbm>>
        tpu.wait_dma2 semaphore(%run_scoped3A : memref<!tpu.dma_semaphore, #tpu.memory_space<semaphore_mem>>) src(%dma_wait3A_30 : memref<128x128xf32, #tpu.memory_space<hbm>>) dst(%arg7 : memref<128x128xf32, #tpu.memory_space<vmem>>)
        tpu.yield
      }) : () -> ()
      "tpu.region"() ({
        %run_scoped3A = tpu.sem_alloc : memref<!tpu.dma_semaphore, #tpu.memory_space<semaphore_mem>>
        %dma_start3A = arith.constant 0 : i32
        %dma_start3A_25 = arith.constant 0 : i32
        %dma_start3A_26 = tpu.memref_slice %arg9[%dma_start3A, %dma_start3A_25] : memref<10240x128xf32, #tpu.memory_space<vmem_shared>> -> memref<10240x128xf32, #tpu.memory_space<vmem_shared>>
        tpu.enqueue_indirect_dma source(%arg7 : memref<128x128xf32, #tpu.memory_space<vmem>>) target(%dma_start3A_26 : memref<10240x128xf32, #tpu.memory_space<vmem_shared>>) offsets(%arg6 : memref<128xi32, #tpu.memory_space<vmem>>) semaphore(%run_scoped3A : memref<!tpu.dma_semaphore, #tpu.memory_space<semaphore_mem>>) {add = true}
        %dma_wait3A = arith.constant 0 : i32
        %dma_wait3A_27 = arith.constant 0 : i32
        %dma_wait3A_28 = tpu.memref_slice %arg9[%dma_wait3A, %dma_wait3A_27] : memref<10240x128xf32, #tpu.memory_space<vmem_shared>> -> memref<10240x128xf32, #tpu.memory_space<vmem_shared>>
        tpu.wait_indirect_dma semaphore(%run_scoped3A : memref<!tpu.dma_semaphore, #tpu.memory_space<semaphore_mem>>) src(%arg7 : memref<128x128xf32, #tpu.memory_space<vmem>>) dst(%dma_wait3A_28 : memref<10240x128xf32, #tpu.memory_space<vmem_shared>>)
        tpu.yield
      }) : () -> ()
    }
    %scan3A_13 = arith.constant 80 : i32
    %barrier3A_14 = arith.constant 0 : index
    tpu.barrier barrier_id(%barrier3A_14)
    %scan3A_15 = arith.constant 0 : i32
    %scan3A_16 = arith.constant 0 : i32
    %scan3A_17 = arith.constant 10 : i32
    %scan3A_18 = arith.addi %scan3A_16, %scan3A_17 : i32
    %scan3A_19 = arith.constant 1 : i32
    scf.for %scan3A_21 = %scan3A_16 to %scan3A_18 step %scan3A_19  : i32 {
      %mul3A_22 = arith.constant 64 : i32
      %mul3A_23 = arith.muli %scan3A_21, %mul3A_22 : i32
      %add3A = arith.addi %multiple_of3A, %mul3A_23 : i32
      %multiple_of3A_24 = tpu.assume_multiple %add3A, 8 : i32
      "tpu.region"() ({
        %run_scoped3A = tpu.sem_alloc : memref<!tpu.dma_semaphore, #tpu.memory_space<semaphore_mem>>
        %dma_start3A = arith.constant 0 : i32
        %dma_start3A_25 = tpu.memref_slice %arg9[%multiple_of3A_24, %dma_start3A] : memref<10240x128xf32, #tpu.memory_space<vmem_shared>> -> memref<64x128xf32, #tpu.memory_space<vmem_shared>>
        %dma_start3A_26 = arith.constant 0 : i32
        %dma_start3A_27 = tpu.memref_slice %arg9[%multiple_of3A_24, %dma_start3A_26] : memref<10240x128xf32, #tpu.memory_space<vmem_shared>> -> memref<64x128xf32, #tpu.memory_space<vmem_shared>>
        tpu.enqueue_dma source(%dma_start3A_27 : memref<64x128xf32, #tpu.memory_space<vmem_shared>>) target(%arg8 : memref<64x128xf32, #tpu.memory_space<vmem>>) target_semaphore(%run_scoped3A : memref<!tpu.dma_semaphore, #tpu.memory_space<semaphore_mem>>)
        %dma_wait3A = arith.constant 0 : i32
        %dma_wait3A_28 = tpu.memref_slice %arg9[%multiple_of3A_24, %dma_wait3A] : memref<10240x128xf32, #tpu.memory_space<vmem_shared>> -> memref<64x128xf32, #tpu.memory_space<vmem_shared>>
        %dma_wait3A_29 = arith.constant 0 : i32
        %dma_wait3A_30 = tpu.memref_slice %arg9[%multiple_of3A_24, %dma_wait3A_29] : memref<10240x128xf32, #tpu.memory_space<vmem_shared>> -> memref<64x128xf32, #tpu.memory_space<vmem_shared>>
        tpu.wait_dma2 semaphore(%run_scoped3A : memref<!tpu.dma_semaphore, #tpu.memory_space<semaphore_mem>>) src(%dma_wait3A_30 : memref<64x128xf32, #tpu.memory_space<vmem_shared>>) dst(%arg8 : memref<64x128xf32, #tpu.memory_space<vmem>>)
        tpu.yield
      }) : () -> ()
      "tpu.region"() ({
        %run_scoped3A = tpu.sem_alloc : memref<!tpu.dma_semaphore, #tpu.memory_space<semaphore_mem>>
        %dma_start3A = arith.constant 0 : i32
        %dma_start3A_25 = tpu.memref_slice %arg5[%multiple_of3A_24, %dma_start3A] : memref<10240x128xf32, #tpu.memory_space<hbm>> -> memref<64x128xf32, #tpu.memory_space<hbm>>
        %dma_start3A_26 = arith.constant 0 : i32
        %dma_start3A_27 = tpu.memref_slice %arg5[%multiple_of3A_24, %dma_start3A_26] : memref<10240x128xf32, #tpu.memory_space<hbm>> -> memref<64x128xf32, #tpu.memory_space<hbm>>
        tpu.enqueue_dma source(%arg8 : memref<64x128xf32, #tpu.memory_space<vmem>>) target(%dma_start3A_27 : memref<64x128xf32, #tpu.memory_space<hbm>>) target_semaphore(%run_scoped3A : memref<!tpu.dma_semaphore, #tpu.memory_space<semaphore_mem>>)
        %dma_wait3A = arith.constant 0 : i32
        %dma_wait3A_28 = tpu.memref_slice %arg5[%multiple_of3A_24, %dma_wait3A] : memref<10240x128xf32, #tpu.memory_space<hbm>> -> memref<64x128xf32, #tpu.memory_space<hbm>>
        %dma_wait3A_29 = arith.constant 0 : i32
        %dma_wait3A_30 = tpu.memref_slice %arg5[%multiple_of3A_24, %dma_wait3A_29] : memref<10240x128xf32, #tpu.memory_space<hbm>> -> memref<64x128xf32, #tpu.memory_space<hbm>>
        tpu.wait_dma2 semaphore(%run_scoped3A : memref<!tpu.dma_semaphore, #tpu.memory_space<semaphore_mem>>) src(%arg8 : memref<64x128xf32, #tpu.memory_space<vmem>>) dst(%dma_wait3A_30 : memref<64x128xf32, #tpu.memory_space<hbm>>)
        tpu.yield
      }) : () -> ()
    }
    %scan3A_20 = arith.constant 10 : i32
    return
  }
}

#map = affine_map<(d0, d1) -> (0, 0)>
#map1 = affine_map<(d0, d1) -> (0)>
module attributes {stable_mosaic.version = 14 : i64} {
  func.func @_sc_scatter(%arg0: i32, %arg1: i32, %arg2: memref<163840x128xf32, #tpu.memory_space<hbm>>, %arg3: memref<163840xi32, #tpu.memory_space<hbm>>, %arg4: memref<64x128xf32, #tpu.memory_space<hbm>>, %arg5: memref<10240x128xf32, #tpu.memory_space<hbm>>, %arg6: memref<128xi32, #tpu.memory_space<vmem>>, %arg7: memref<128x128xf32, #tpu.memory_space<vmem>>, %arg8: memref<64x128xf32, #tpu.memory_space<vmem>>, %arg9: memref<10240x128xf32, #tpu.memory_space<vmem_shared>>) attributes {dimension_semantics = [#tpu.dimension_semantics<core_parallel>, #tpu.dimension_semantics<subcore_parallel>], iteration_bounds = array<i64: 1, 16>, scalar_prefetch = 0 : i64, scratch_operands = 4 : i64, tpu.core_type = #tpu.core_type<sc_vector_subcore>, window_params = [{transform_indices = #map}, {transform_indices = #map1}, {transform_indices = #map}, {transform_indices = #map}]} {
    %mul3A = arith.constant 640 : i32
    %mul3A_0 = arith.muli %arg1, %mul3A : i32
    %multiple_of3A = tpu.assume_multiple %mul3A_0, 8 : i32
    "tpu.region"() ({
      %run_scoped3A = tpu.sem_alloc : memref<!tpu.dma_semaphore, #tpu.memory_space<semaphore_mem>>
      tpu.enqueue_dma source(%arg4 : memref<64x128xf32, #tpu.memory_space<hbm>>) target(%arg8 : memref<64x128xf32, #tpu.memory_space<vmem>>) target_semaphore(%run_scoped3A : memref<!tpu.dma_semaphore, #tpu.memory_space<semaphore_mem>>)
      tpu.wait_dma2 semaphore(%run_scoped3A : memref<!tpu.dma_semaphore, #tpu.memory_space<semaphore_mem>>) src(%arg4 : memref<64x128xf32, #tpu.memory_space<hbm>>) dst(%arg8 : memref<64x128xf32, #tpu.memory_space<vmem>>)
      tpu.yield
    }) : () -> ()
    %scan3A = arith.constant 0 : i32
    %scan3A_1 = arith.constant 0 : i32
    %scan3A_2 = arith.constant 10 : i32
    %scan3A_3 = arith.addi %scan3A_1, %scan3A_2 : i32
    %scan3A_4 = arith.constant 1 : i32
    scf.for %scan3A_21 = %scan3A_1 to %scan3A_3 step %scan3A_4  : i32 {
      %mul3A_22 = arith.constant 64 : i32
      %mul3A_23 = arith.muli %scan3A_21, %mul3A_22 : i32
      %add3A = arith.addi %multiple_of3A, %mul3A_23 : i32
      %multiple_of3A_24 = tpu.assume_multiple %add3A, 8 : i32
      "tpu.region"() ({
        %run_scoped3A = tpu.sem_alloc : memref<!tpu.dma_semaphore, #tpu.memory_space<semaphore_mem>>
        %dma_start3A = arith.constant 0 : i32
        %dma_start3A_25 = tpu.memref_slice %arg9[%multiple_of3A_24, %dma_start3A] : memref<10240x128xf32, #tpu.memory_space<vmem_shared>> -> memref<64x128xf32, #tpu.memory_space<vmem_shared>>
        %dma_start3A_26 = arith.constant 0 : i32
        %dma_start3A_27 = tpu.memref_slice %arg9[%multiple_of3A_24, %dma_start3A_26] : memref<10240x128xf32, #tpu.memory_space<vmem_shared>> -> memref<64x128xf32, #tpu.memory_space<vmem_shared>>
        tpu.enqueue_dma source(%arg8 : memref<64x128xf32, #tpu.memory_space<vmem>>) target(%dma_start3A_27 : memref<64x128xf32, #tpu.memory_space<vmem_shared>>) target_semaphore(%run_scoped3A : memref<!tpu.dma_semaphore, #tpu.memory_space<semaphore_mem>>)
        %dma_wait3A = arith.constant 0 : i32
        %dma_wait3A_28 = tpu.memref_slice %arg9[%multiple_of3A_24, %dma_wait3A] : memref<10240x128xf32, #tpu.memory_space<vmem_shared>> -> memref<64x128xf32, #tpu.memory_space<vmem_shared>>
        %dma_wait3A_29 = arith.constant 0 : i32
        %dma_wait3A_30 = tpu.memref_slice %arg9[%multiple_of3A_24, %dma_wait3A_29] : memref<10240x128xf32, #tpu.memory_space<vmem_shared>> -> memref<64x128xf32, #tpu.memory_space<vmem_shared>>
        tpu.wait_dma2 semaphore(%run_scoped3A : memref<!tpu.dma_semaphore, #tpu.memory_space<semaphore_mem>>) src(%arg8 : memref<64x128xf32, #tpu.memory_space<vmem>>) dst(%dma_wait3A_30 : memref<64x128xf32, #tpu.memory_space<vmem_shared>>)
        tpu.yield
      }) : () -> ()
    }
    %scan3A_5 = arith.constant 10 : i32
    %barrier3A = arith.constant 0 : index
    tpu.barrier barrier_id(%barrier3A)
    %mul3A_6 = arith.constant 10240 : i32
    %mul3A_7 = arith.muli %arg1, %mul3A_6 : i32
    %scan3A_8 = arith.constant 0 : i32
    %scan3A_9 = arith.constant 0 : i32
    %scan3A_10 = arith.constant 80 : i32
    %scan3A_11 = arith.addi %scan3A_9, %scan3A_10 : i32
    %scan3A_12 = arith.constant 1 : i32
    scf.for %scan3A_21 = %scan3A_9 to %scan3A_11 step %scan3A_12  : i32 {
      %mul3A_22 = arith.constant 128 : i32
      %mul3A_23 = arith.muli %scan3A_21, %mul3A_22 : i32
      %add3A = arith.addi %mul3A_7, %mul3A_23 : i32
      %multiple_of3A_24 = tpu.assume_multiple %add3A, 8 : i32
      "tpu.region"() ({
        %run_scoped3A = tpu.sem_alloc : memref<!tpu.dma_semaphore, #tpu.memory_space<semaphore_mem>>
        %dma_start3A = tpu.memref_slice %arg3[%multiple_of3A_24] : memref<163840xi32, #tpu.memory_space<hbm>> -> memref<128xi32, #tpu.memory_space<hbm>>
        %dma_start3A_25 = tpu.memref_slice %arg3[%multiple_of3A_24] : memref<163840xi32, #tpu.memory_space<hbm>> -> memref<128xi32, #tpu.memory_space<hbm>>
        tpu.enqueue_dma source(%dma_start3A_25 : memref<128xi32, #tpu.memory_space<hbm>>) target(%arg6 : memref<128xi32, #tpu.memory_space<vmem>>) target_semaphore(%run_scoped3A : memref<!tpu.dma_semaphore, #tpu.memory_space<semaphore_mem>>)
        %dma_wait3A = tpu.memref_slice %arg3[%multiple_of3A_24] : memref<163840xi32, #tpu.memory_space<hbm>> -> memref<128xi32, #tpu.memory_space<hbm>>
        %dma_wait3A_26 = tpu.memref_slice %arg3[%multiple_of3A_24] : memref<163840xi32, #tpu.memory_space<hbm>> -> memref<128xi32, #tpu.memory_space<hbm>>
        tpu.wait_dma2 semaphore(%run_scoped3A : memref<!tpu.dma_semaphore, #tpu.memory_space<semaphore_mem>>) src(%dma_wait3A_26 : memref<128xi32, #tpu.memory_space<hbm>>) dst(%arg6 : memref<128xi32, #tpu.memory_space<vmem>>)
        tpu.yield
      }) : () -> ()
      "tpu.region"() ({
        %run_scoped3A = tpu.sem_alloc : memref<!tpu.dma_semaphore, #tpu.memory_space<semaphore_mem>>
        %dma_start3A = arith.constant 0 : i32
        %dma_start3A_25 = tpu.memref_slice %arg2[%multiple_of3A_24, %dma_start3A] : memref<163840x128xf32, #tpu.memory_space<hbm>> -> memref<128x128xf32, #tpu.memory_space<hbm>>
        %dma_start3A_26 = arith.constant 0 : i32
        %dma_start3A_27 = tpu.memref_slice %arg2[%multiple_of3A_24, %dma_start3A_26] : memref<163840x128xf32, #tpu.memory_space<hbm>> -> memref<128x128xf32, #tpu.memory_space<hbm>>
        tpu.enqueue_dma source(%dma_start3A_27 : memref<128x128xf32, #tpu.memory_space<hbm>>) target(%arg7 : memref<128x128xf32, #tpu.memory_space<vmem>>) target_semaphore(%run_scoped3A : memref<!tpu.dma_semaphore, #tpu.memory_space<semaphore_mem>>)
        %dma_wait3A = arith.constant 0 : i32
        %dma_wait3A_28 = tpu.memref_slice %arg2[%multiple_of3A_24, %dma_wait3A] : memref<163840x128xf32, #tpu.memory_space<hbm>> -> memref<128x128xf32, #tpu.memory_space<hbm>>
        %dma_wait3A_29 = arith.constant 0 : i32
        %dma_wait3A_30 = tpu.memref_slice %arg2[%multiple_of3A_24, %dma_wait3A_29] : memref<163840x128xf32, #tpu.memory_space<hbm>> -> memref<128x128xf32, #tpu.memory_space<hbm>>
        tpu.wait_dma2 semaphore(%run_scoped3A : memref<!tpu.dma_semaphore, #tpu.memory_space<semaphore_mem>>) src(%dma_wait3A_30 : memref<128x128xf32, #tpu.memory_space<hbm>>) dst(%arg7 : memref<128x128xf32, #tpu.memory_space<vmem>>)
        tpu.yield
      }) : () -> ()
      "tpu.region"() ({
        %run_scoped3A = tpu.sem_alloc : memref<!tpu.dma_semaphore, #tpu.memory_space<semaphore_mem>>
        %dma_start3A = arith.constant 0 : i32
        %dma_start3A_25 = arith.constant 0 : i32
        %dma_start3A_26 = tpu.memref_slice %arg9[%dma_start3A, %dma_start3A_25] : memref<10240x128xf32, #tpu.memory_space<vmem_shared>> -> memref<10240x128xf32, #tpu.memory_space<vmem_shared>>
        tpu.enqueue_indirect_dma source(%arg7 : memref<128x128xf32, #tpu.memory_space<vmem>>) target(%dma_start3A_26 : memref<10240x128xf32, #tpu.memory_space<vmem_shared>>) offsets(%arg6 : memref<128xi32, #tpu.memory_space<vmem>>) semaphore(%run_scoped3A : memref<!tpu.dma_semaphore, #tpu.memory_space<semaphore_mem>>) {add = true}
        %dma_wait3A = arith.constant 0 : i32
        %dma_wait3A_27 = arith.constant 0 : i32
        %dma_wait3A_28 = tpu.memref_slice %arg9[%dma_wait3A, %dma_wait3A_27] : memref<10240x128xf32, #tpu.memory_space<vmem_shared>> -> memref<10240x128xf32, #tpu.memory_space<vmem_shared>>
        tpu.wait_indirect_dma semaphore(%run_scoped3A : memref<!tpu.dma_semaphore, #tpu.memory_space<semaphore_mem>>) src(%arg7 : memref<128x128xf32, #tpu.memory_space<vmem>>) dst(%dma_wait3A_28 : memref<10240x128xf32, #tpu.memory_space<vmem_shared>>)
        tpu.yield
      }) : () -> ()
    }
    %scan3A_13 = arith.constant 80 : i32
    %barrier3A_14 = arith.constant 0 : index
    tpu.barrier barrier_id(%barrier3A_14)
    %scan3A_15 = arith.constant 0 : i32
    %scan3A_16 = arith.constant 0 : i32
    %scan3A_17 = arith.constant 10 : i32
    %scan3A_18 = arith.addi %scan3A_16, %scan3A_17 : i32
    %scan3A_19 = arith.constant 1 : i32
    scf.for %scan3A_21 = %scan3A_16 to %scan3A_18 step %scan3A_19  : i32 {
      %mul3A_22 = arith.constant 64 : i32
      %mul3A_23 = arith.muli %scan3A_21, %mul3A_22 : i32
      %add3A = arith.addi %multiple_of3A, %mul3A_23 : i32
      %multiple_of3A_24 = tpu.assume_multiple %add3A, 8 : i32
      "tpu.region"() ({
        %run_scoped3A = tpu.sem_alloc : memref<!tpu.dma_semaphore, #tpu.memory_space<semaphore_mem>>
        %dma_start3A = arith.constant 0 : i32
        %dma_start3A_25 = tpu.memref_slice %arg9[%multiple_of3A_24, %dma_start3A] : memref<10240x128xf32, #tpu.memory_space<vmem_shared>> -> memref<64x128xf32, #tpu.memory_space<vmem_shared>>
        %dma_start3A_26 = arith.constant 0 : i32
        %dma_start3A_27 = tpu.memref_slice %arg9[%multiple_of3A_24, %dma_start3A_26] : memref<10240x128xf32, #tpu.memory_space<vmem_shared>> -> memref<64x128xf32, #tpu.memory_space<vmem_shared>>
        tpu.enqueue_dma source(%dma_start3A_27 : memref<64x128xf32, #tpu.memory_space<vmem_shared>>) target(%arg8 : memref<64x128xf32, #tpu.memory_space<vmem>>) target_semaphore(%run_scoped3A : memref<!tpu.dma_semaphore, #tpu.memory_space<semaphore_mem>>)
        %dma_wait3A = arith.constant 0 : i32
        %dma_wait3A_28 = tpu.memref_slice %arg9[%multiple_of3A_24, %dma_wait3A] : memref<10240x128xf32, #tpu.memory_space<vmem_shared>> -> memref<64x128xf32, #tpu.memory_space<vmem_shared>>
        %dma_wait3A_29 = arith.constant 0 : i32
        %dma_wait3A_30 = tpu.memref_slice %arg9[%multiple_of3A_24, %dma_wait3A_29] : memref<10240x128xf32, #tpu.memory_space<vmem_shared>> -> memref<64x128xf32, #tpu.memory_space<vmem_shared>>
        tpu.wait_dma2 semaphore(%run_scoped3A : memref<!tpu.dma_semaphore, #tpu.memory_space<semaphore_mem>>) src(%dma_wait3A_30 : memref<64x128xf32, #tpu.memory_space<vmem_shared>>) dst(%arg8 : memref<64x128xf32, #tpu.memory_space<vmem>>)
        tpu.yield
      }) : () -> ()
      "tpu.region"() ({
        %run_scoped3A = tpu.sem_alloc : memref<!tpu.dma_semaphore, #tpu.memory_space<semaphore_mem>>
        %dma_start3A = arith.constant 0 : i32
        %dma_start3A_25 = tpu.memref_slice %arg5[%multiple_of3A_24, %dma_start3A] : memref<10240x128xf32, #tpu.memory_space<hbm>> -> memref<64x128xf32, #tpu.memory_space<hbm>>
        %dma_start3A_26 = arith.constant 0 : i32
        %dma_start3A_27 = tpu.memref_slice %arg5[%multiple_of3A_24, %dma_start3A_26] : memref<10240x128xf32, #tpu.memory_space<hbm>> -> memref<64x128xf32, #tpu.memory_space<hbm>>
        tpu.enqueue_dma source(%arg8 : memref<64x128xf32, #tpu.memory_space<vmem>>) target(%dma_start3A_27 : memref<64x128xf32, #tpu.memory_space<hbm>>) target_semaphore(%run_scoped3A : memref<!tpu.dma_semaphore, #tpu.memory_space<semaphore_mem>>)
        %dma_wait3A = arith.constant 0 : i32
        %dma_wait3A_28 = tpu.memref_slice %arg5[%multiple_of3A_24, %dma_wait3A] : memref<10240x128xf32, #tpu.memory_space<hbm>> -> memref<64x128xf32, #tpu.memory_space<hbm>>
        %dma_wait3A_29 = arith.constant 0 : i32
        %dma_wait3A_30 = tpu.memref_slice %arg5[%multiple_of3A_24, %dma_wait3A_29] : memref<10240x128xf32, #tpu.memory_space<hbm>> -> memref<64x128xf32, #tpu.memory_space<hbm>>
        tpu.wait_dma2 semaphore(%run_scoped3A : memref<!tpu.dma_semaphore, #tpu.memory_space<semaphore_mem>>) src(%arg8 : memref<64x128xf32, #tpu.memory_space<vmem>>) dst(%dma_wait3A_30 : memref<64x128xf32, #tpu.memory_space<hbm>>)
        tpu.yield
      }) : () -> ()
    }
    %scan3A_20 = arith.constant 10 : i32
    return
  }
}

#map = affine_map<(d0, d1) -> (0, 0)>
#map1 = affine_map<(d0, d1) -> (0)>
module attributes {stable_mosaic.version = 14 : i64} {
  func.func @_sc_gather(%arg0: i32, %arg1: i32, %arg2: memref<10000x384xf32, #tpu.memory_space<hbm>>, %arg3: memref<10000x256xf32, #tpu.memory_space<hbm>>, %arg4: memref<163840xi32, #tpu.memory_space<hbm>>, %arg5: memref<163840xi32, #tpu.memory_space<hbm>>, %arg6: memref<163840x384xf32, #tpu.memory_space<hbm>>, %arg7: memref<163840x256xf32, #tpu.memory_space<hbm>>, %arg8: memref<128xi32, #tpu.memory_space<vmem>>, %arg9: memref<128xi32, #tpu.memory_space<vmem>>, %arg10: memref<128x384xf32, #tpu.memory_space<vmem>>, %arg11: memref<128x256xf32, #tpu.memory_space<vmem>>, %arg12: memref<!tpu.dma_semaphore, #tpu.memory_space<semaphore_mem>>, %arg13: memref<!tpu.dma_semaphore, #tpu.memory_space<semaphore_mem>>) attributes {dimension_semantics = [#tpu.dimension_semantics<core_parallel>, #tpu.dimension_semantics<subcore_parallel>], iteration_bounds = array<i64: 2, 16>, scalar_prefetch = 0 : i64, scratch_operands = 6 : i64, tpu.core_type = #tpu.core_type<sc_vector_subcore>, window_params = [{transform_indices = #map}, {transform_indices = #map}, {transform_indices = #map1}, {transform_indices = #map1}, {transform_indices = #map}, {transform_indices = #map}]} {
    %mul3A = arith.constant 2 : i32
    %mul3A_0 = arith.muli %arg1, %mul3A : i32
    %add3A = arith.addi %mul3A_0, %arg0 : i32
    %mul3A_1 = arith.constant 5120 : i32
    %mul3A_2 = arith.muli %add3A, %mul3A_1 : i32
    %scan3A = arith.constant 0 : i32
    %scan3A_3 = arith.constant 0 : i32
    %scan3A_4 = arith.constant 40 : i32
    %scan3A_5 = arith.addi %scan3A_3, %scan3A_4 : i32
    %scan3A_6 = arith.constant 1 : i32
    scf.for %scan3A_8 = %scan3A_3 to %scan3A_5 step %scan3A_6  : i32 {
      %mul3A_9 = arith.constant 128 : i32
      %mul3A_10 = arith.muli %scan3A_8, %mul3A_9 : i32
      %add3A_11 = arith.addi %mul3A_2, %mul3A_10 : i32
      %multiple_of3A = tpu.assume_multiple %add3A_11, 8 : i32
      "tpu.region"() ({
        %run_scoped3A = tpu.sem_alloc : memref<!tpu.dma_semaphore, #tpu.memory_space<semaphore_mem>>
        %dma_start3A_22 = tpu.memref_slice %arg4[%multiple_of3A] : memref<163840xi32, #tpu.memory_space<hbm>> -> memref<128xi32, #tpu.memory_space<hbm>>
        %dma_start3A_23 = tpu.memref_slice %arg4[%multiple_of3A] : memref<163840xi32, #tpu.memory_space<hbm>> -> memref<128xi32, #tpu.memory_space<hbm>>
        tpu.enqueue_dma source(%dma_start3A_23 : memref<128xi32, #tpu.memory_space<hbm>>) target(%arg8 : memref<128xi32, #tpu.memory_space<vmem>>) target_semaphore(%run_scoped3A : memref<!tpu.dma_semaphore, #tpu.memory_space<semaphore_mem>>)
        %dma_wait3A_24 = tpu.memref_slice %arg4[%multiple_of3A] : memref<163840xi32, #tpu.memory_space<hbm>> -> memref<128xi32, #tpu.memory_space<hbm>>
        %dma_wait3A_25 = tpu.memref_slice %arg4[%multiple_of3A] : memref<163840xi32, #tpu.memory_space<hbm>> -> memref<128xi32, #tpu.memory_space<hbm>>
        tpu.wait_dma2 semaphore(%run_scoped3A : memref<!tpu.dma_semaphore, #tpu.memory_space<semaphore_mem>>) src(%dma_wait3A_25 : memref<128xi32, #tpu.memory_space<hbm>>) dst(%arg8 : memref<128xi32, #tpu.memory_space<vmem>>)
        tpu.yield
      }) : () -> ()
      "tpu.region"() ({
        %run_scoped3A = tpu.sem_alloc : memref<!tpu.dma_semaphore, #tpu.memory_space<semaphore_mem>>
        %dma_start3A_22 = tpu.memref_slice %arg5[%multiple_of3A] : memref<163840xi32, #tpu.memory_space<hbm>> -> memref<128xi32, #tpu.memory_space<hbm>>
        %dma_start3A_23 = tpu.memref_slice %arg5[%multiple_of3A] : memref<163840xi32, #tpu.memory_space<hbm>> -> memref<128xi32, #tpu.memory_space<hbm>>
        tpu.enqueue_dma source(%dma_start3A_23 : memref<128xi32, #tpu.memory_space<hbm>>) target(%arg9 : memref<128xi32, #tpu.memory_space<vmem>>) target_semaphore(%run_scoped3A : memref<!tpu.dma_semaphore, #tpu.memory_space<semaphore_mem>>)
        %dma_wait3A_24 = tpu.memref_slice %arg5[%multiple_of3A] : memref<163840xi32, #tpu.memory_space<hbm>> -> memref<128xi32, #tpu.memory_space<hbm>>
        %dma_wait3A_25 = tpu.memref_slice %arg5[%multiple_of3A] : memref<163840xi32, #tpu.memory_space<hbm>> -> memref<128xi32, #tpu.memory_space<hbm>>
        tpu.wait_dma2 semaphore(%run_scoped3A : memref<!tpu.dma_semaphore, #tpu.memory_space<semaphore_mem>>) src(%dma_wait3A_25 : memref<128xi32, #tpu.memory_space<hbm>>) dst(%arg9 : memref<128xi32, #tpu.memory_space<vmem>>)
        tpu.yield
      }) : () -> ()
      %dma_start3A = arith.constant 0 : i32
      %dma_start3A_12 = arith.constant 0 : i32
      %dma_start3A_13 = tpu.memref_slice %arg2[%dma_start3A, %dma_start3A_12] : memref<10000x384xf32, #tpu.memory_space<hbm>> -> memref<10000x384xf32, #tpu.memory_space<hbm>>
      tpu.enqueue_indirect_dma source(%dma_start3A_13 : memref<10000x384xf32, #tpu.memory_space<hbm>>) target(%arg10 : memref<128x384xf32, #tpu.memory_space<vmem>>) offsets(%arg8 : memref<128xi32, #tpu.memory_space<vmem>>) semaphore(%arg12 : memref<!tpu.dma_semaphore, #tpu.memory_space<semaphore_mem>>)
      %dma_start3A_14 = arith.constant 0 : i32
      %dma_start3A_15 = arith.constant 0 : i32
      %dma_start3A_16 = tpu.memref_slice %arg3[%dma_start3A_14, %dma_start3A_15] : memref<10000x256xf32, #tpu.memory_space<hbm>> -> memref<10000x256xf32, #tpu.memory_space<hbm>>
      tpu.enqueue_indirect_dma source(%dma_start3A_16 : memref<10000x256xf32, #tpu.memory_space<hbm>>) target(%arg11 : memref<128x256xf32, #tpu.memory_space<vmem>>) offsets(%arg9 : memref<128xi32, #tpu.memory_space<vmem>>) semaphore(%arg13 : memref<!tpu.dma_semaphore, #tpu.memory_space<semaphore_mem>>)
      %dma_wait3A = arith.constant 0 : i32
      %dma_wait3A_17 = arith.constant 0 : i32
      %dma_wait3A_18 = tpu.memref_slice %arg2[%dma_wait3A, %dma_wait3A_17] : memref<10000x384xf32, #tpu.memory_space<hbm>> -> memref<10000x384xf32, #tpu.memory_space<hbm>>
      tpu.wait_indirect_dma semaphore(%arg12 : memref<!tpu.dma_semaphore, #tpu.memory_space<semaphore_mem>>) src(%dma_wait3A_18 : memref<10000x384xf32, #tpu.memory_space<hbm>>) dst(%arg10 : memref<128x384xf32, #tpu.memory_space<vmem>>)
      %dma_wait3A_19 = arith.constant 0 : i32
      %dma_wait3A_20 = arith.constant 0 : i32
      %dma_wait3A_21 = tpu.memref_slice %arg3[%dma_wait3A_19, %dma_wait3A_20] : memref<10000x256xf32, #tpu.memory_space<hbm>> -> memref<10000x256xf32, #tpu.memory_space<hbm>>
      tpu.wait_indirect_dma semaphore(%arg13 : memref<!tpu.dma_semaphore, #tpu.memory_space<semaphore_mem>>) src(%dma_wait3A_21 : memref<10000x256xf32, #tpu.memory_space<hbm>>) dst(%arg11 : memref<128x256xf32, #tpu.memory_space<vmem>>)
      "tpu.region"() ({
        %run_scoped3A = tpu.sem_alloc : memref<!tpu.dma_semaphore, #tpu.memory_space<semaphore_mem>>
        %dma_start3A_22 = arith.constant 0 : i32
        %dma_start3A_23 = tpu.memref_slice %arg6[%multiple_of3A, %dma_start3A_22] : memref<163840x384xf32, #tpu.memory_space<hbm>> -> memref<128x384xf32, #tpu.memory_space<hbm>>
        %dma_start3A_24 = arith.constant 0 : i32
        %dma_start3A_25 = tpu.memref_slice %arg6[%multiple_of3A, %dma_start3A_24] : memref<163840x384xf32, #tpu.memory_space<hbm>> -> memref<128x384xf32, #tpu.memory_space<hbm>>
        tpu.enqueue_dma source(%arg10 : memref<128x384xf32, #tpu.memory_space<vmem>>) target(%dma_start3A_25 : memref<128x384xf32, #tpu.memory_space<hbm>>) target_semaphore(%run_scoped3A : memref<!tpu.dma_semaphore, #tpu.memory_space<semaphore_mem>>)
        %dma_wait3A_26 = arith.constant 0 : i32
        %dma_wait3A_27 = tpu.memref_slice %arg6[%multiple_of3A, %dma_wait3A_26] : memref<163840x384xf32, #tpu.memory_space<hbm>> -> memref<128x384xf32, #tpu.memory_space<hbm>>
        %dma_wait3A_28 = arith.constant 0 : i32
        %dma_wait3A_29 = tpu.memref_slice %arg6[%multiple_of3A, %dma_wait3A_28] : memref<163840x384xf32, #tpu.memory_space<hbm>> -> memref<128x384xf32, #tpu.memory_space<hbm>>
        tpu.wait_dma2 semaphore(%run_scoped3A : memref<!tpu.dma_semaphore, #tpu.memory_space<semaphore_mem>>) src(%arg10 : memref<128x384xf32, #tpu.memory_space<vmem>>) dst(%dma_wait3A_29 : memref<128x384xf32, #tpu.memory_space<hbm>>)
        tpu.yield
      }) : () -> ()
      "tpu.region"() ({
        %run_scoped3A = tpu.sem_alloc : memref<!tpu.dma_semaphore, #tpu.memory_space<semaphore_mem>>
        %dma_start3A_22 = arith.constant 0 : i32
        %dma_start3A_23 = tpu.memref_slice %arg7[%multiple_of3A, %dma_start3A_22] : memref<163840x256xf32, #tpu.memory_space<hbm>> -> memref<128x256xf32, #tpu.memory_space<hbm>>
        %dma_start3A_24 = arith.constant 0 : i32
        %dma_start3A_25 = tpu.memref_slice %arg7[%multiple_of3A, %dma_start3A_24] : memref<163840x256xf32, #tpu.memory_space<hbm>> -> memref<128x256xf32, #tpu.memory_space<hbm>>
        tpu.enqueue_dma source(%arg11 : memref<128x256xf32, #tpu.memory_space<vmem>>) target(%dma_start3A_25 : memref<128x256xf32, #tpu.memory_space<hbm>>) target_semaphore(%run_scoped3A : memref<!tpu.dma_semaphore, #tpu.memory_space<semaphore_mem>>)
        %dma_wait3A_26 = arith.constant 0 : i32
        %dma_wait3A_27 = tpu.memref_slice %arg7[%multiple_of3A, %dma_wait3A_26] : memref<163840x256xf32, #tpu.memory_space<hbm>> -> memref<128x256xf32, #tpu.memory_space<hbm>>
        %dma_wait3A_28 = arith.constant 0 : i32
        %dma_wait3A_29 = tpu.memref_slice %arg7[%multiple_of3A, %dma_wait3A_28] : memref<163840x256xf32, #tpu.memory_space<hbm>> -> memref<128x256xf32, #tpu.memory_space<hbm>>
        tpu.wait_dma2 semaphore(%run_scoped3A : memref<!tpu.dma_semaphore, #tpu.memory_space<semaphore_mem>>) src(%arg11 : memref<128x256xf32, #tpu.memory_space<vmem>>) dst(%dma_wait3A_29 : memref<128x256xf32, #tpu.memory_space<hbm>>)
        tpu.yield
      }) : () -> ()
    }
    %scan3A_7 = arith.constant 40 : i32
    return
  }
}

#map = affine_map<(d0, d1) -> (0, 0)>
#map1 = affine_map<(d0, d1) -> (0)>
module attributes {stable_mosaic.version = 14 : i64} {
  func.func @_sc_gather(%arg0: i32, %arg1: i32, %arg2: memref<10000x384xf32, #tpu.memory_space<hbm>>, %arg3: memref<10000x256xf32, #tpu.memory_space<hbm>>, %arg4: memref<163840xi32, #tpu.memory_space<hbm>>, %arg5: memref<163840xi32, #tpu.memory_space<hbm>>, %arg6: memref<163840x384xf32, #tpu.memory_space<hbm>>, %arg7: memref<163840x256xf32, #tpu.memory_space<hbm>>, %arg8: memref<128xi32, #tpu.memory_space<vmem>>, %arg9: memref<128xi32, #tpu.memory_space<vmem>>, %arg10: memref<128x384xf32, #tpu.memory_space<vmem>>, %arg11: memref<128x256xf32, #tpu.memory_space<vmem>>, %arg12: memref<!tpu.dma_semaphore, #tpu.memory_space<semaphore_mem>>, %arg13: memref<!tpu.dma_semaphore, #tpu.memory_space<semaphore_mem>>) attributes {dimension_semantics = [#tpu.dimension_semantics<core_parallel>, #tpu.dimension_semantics<subcore_parallel>], iteration_bounds = array<i64: 2, 16>, scalar_prefetch = 0 : i64, scratch_operands = 6 : i64, tpu.core_type = #tpu.core_type<sc_vector_subcore>, window_params = [{transform_indices = #map}, {transform_indices = #map}, {transform_indices = #map1}, {transform_indices = #map1}, {transform_indices = #map}, {transform_indices = #map}]} {
    %mul3A = arith.constant 2 : i32
    %mul3A_0 = arith.muli %arg1, %mul3A : i32
    %add3A = arith.addi %mul3A_0, %arg0 : i32
    %mul3A_1 = arith.constant 5120 : i32
    %mul3A_2 = arith.muli %add3A, %mul3A_1 : i32
    %scan3A = arith.constant 0 : i32
    %scan3A_3 = arith.constant 0 : i32
    %scan3A_4 = arith.constant 40 : i32
    %scan3A_5 = arith.addi %scan3A_3, %scan3A_4 : i32
    %scan3A_6 = arith.constant 1 : i32
    scf.for %scan3A_8 = %scan3A_3 to %scan3A_5 step %scan3A_6  : i32 {
      %mul3A_9 = arith.constant 128 : i32
      %mul3A_10 = arith.muli %scan3A_8, %mul3A_9 : i32
      %add3A_11 = arith.addi %mul3A_2, %mul3A_10 : i32
      %multiple_of3A = tpu.assume_multiple %add3A_11, 8 : i32
      "tpu.region"() ({
        %run_scoped3A = tpu.sem_alloc : memref<!tpu.dma_semaphore, #tpu.memory_space<semaphore_mem>>
        %dma_start3A_22 = tpu.memref_slice %arg4[%multiple_of3A] : memref<163840xi32, #tpu.memory_space<hbm>> -> memref<128xi32, #tpu.memory_space<hbm>>
        %dma_start3A_23 = tpu.memref_slice %arg4[%multiple_of3A] : memref<163840xi32, #tpu.memory_space<hbm>> -> memref<128xi32, #tpu.memory_space<hbm>>
        tpu.enqueue_dma source(%dma_start3A_23 : memref<128xi32, #tpu.memory_space<hbm>>) target(%arg8 : memref<128xi32, #tpu.memory_space<vmem>>) target_semaphore(%run_scoped3A : memref<!tpu.dma_semaphore, #tpu.memory_space<semaphore_mem>>)
        %dma_wait3A_24 = tpu.memref_slice %arg4[%multiple_of3A] : memref<163840xi32, #tpu.memory_space<hbm>> -> memref<128xi32, #tpu.memory_space<hbm>>
        %dma_wait3A_25 = tpu.memref_slice %arg4[%multiple_of3A] : memref<163840xi32, #tpu.memory_space<hbm>> -> memref<128xi32, #tpu.memory_space<hbm>>
        tpu.wait_dma2 semaphore(%run_scoped3A : memref<!tpu.dma_semaphore, #tpu.memory_space<semaphore_mem>>) src(%dma_wait3A_25 : memref<128xi32, #tpu.memory_space<hbm>>) dst(%arg8 : memref<128xi32, #tpu.memory_space<vmem>>)
        tpu.yield
      }) : () -> ()
      "tpu.region"() ({
        %run_scoped3A = tpu.sem_alloc : memref<!tpu.dma_semaphore, #tpu.memory_space<semaphore_mem>>
        %dma_start3A_22 = tpu.memref_slice %arg5[%multiple_of3A] : memref<163840xi32, #tpu.memory_space<hbm>> -> memref<128xi32, #tpu.memory_space<hbm>>
        %dma_start3A_23 = tpu.memref_slice %arg5[%multiple_of3A] : memref<163840xi32, #tpu.memory_space<hbm>> -> memref<128xi32, #tpu.memory_space<hbm>>
        tpu.enqueue_dma source(%dma_start3A_23 : memref<128xi32, #tpu.memory_space<hbm>>) target(%arg9 : memref<128xi32, #tpu.memory_space<vmem>>) target_semaphore(%run_scoped3A : memref<!tpu.dma_semaphore, #tpu.memory_space<semaphore_mem>>)
        %dma_wait3A_24 = tpu.memref_slice %arg5[%multiple_of3A] : memref<163840xi32, #tpu.memory_space<hbm>> -> memref<128xi32, #tpu.memory_space<hbm>>
        %dma_wait3A_25 = tpu.memref_slice %arg5[%multiple_of3A] : memref<163840xi32, #tpu.memory_space<hbm>> -> memref<128xi32, #tpu.memory_space<hbm>>
        tpu.wait_dma2 semaphore(%run_scoped3A : memref<!tpu.dma_semaphore, #tpu.memory_space<semaphore_mem>>) src(%dma_wait3A_25 : memref<128xi32, #tpu.memory_space<hbm>>) dst(%arg9 : memref<128xi32, #tpu.memory_space<vmem>>)
        tpu.yield
      }) : () -> ()
      %dma_start3A = arith.constant 0 : i32
      %dma_start3A_12 = arith.constant 0 : i32
      %dma_start3A_13 = tpu.memref_slice %arg2[%dma_start3A, %dma_start3A_12] : memref<10000x384xf32, #tpu.memory_space<hbm>> -> memref<10000x384xf32, #tpu.memory_space<hbm>>
      tpu.enqueue_indirect_dma source(%dma_start3A_13 : memref<10000x384xf32, #tpu.memory_space<hbm>>) target(%arg10 : memref<128x384xf32, #tpu.memory_space<vmem>>) offsets(%arg8 : memref<128xi32, #tpu.memory_space<vmem>>) semaphore(%arg12 : memref<!tpu.dma_semaphore, #tpu.memory_space<semaphore_mem>>)
      %dma_start3A_14 = arith.constant 0 : i32
      %dma_start3A_15 = arith.constant 0 : i32
      %dma_start3A_16 = tpu.memref_slice %arg3[%dma_start3A_14, %dma_start3A_15] : memref<10000x256xf32, #tpu.memory_space<hbm>> -> memref<10000x256xf32, #tpu.memory_space<hbm>>
      tpu.enqueue_indirect_dma source(%dma_start3A_16 : memref<10000x256xf32, #tpu.memory_space<hbm>>) target(%arg11 : memref<128x256xf32, #tpu.memory_space<vmem>>) offsets(%arg9 : memref<128xi32, #tpu.memory_space<vmem>>) semaphore(%arg13 : memref<!tpu.dma_semaphore, #tpu.memory_space<semaphore_mem>>)
      %dma_wait3A = arith.constant 0 : i32
      %dma_wait3A_17 = arith.constant 0 : i32
      %dma_wait3A_18 = tpu.memref_slice %arg2[%dma_wait3A, %dma_wait3A_17] : memref<10000x384xf32, #tpu.memory_space<hbm>> -> memref<10000x384xf32, #tpu.memory_space<hbm>>
      tpu.wait_indirect_dma semaphore(%arg12 : memref<!tpu.dma_semaphore, #tpu.memory_space<semaphore_mem>>) src(%dma_wait3A_18 : memref<10000x384xf32, #tpu.memory_space<hbm>>) dst(%arg10 : memref<128x384xf32, #tpu.memory_space<vmem>>)
      %dma_wait3A_19 = arith.constant 0 : i32
      %dma_wait3A_20 = arith.constant 0 : i32
      %dma_wait3A_21 = tpu.memref_slice %arg3[%dma_wait3A_19, %dma_wait3A_20] : memref<10000x256xf32, #tpu.memory_space<hbm>> -> memref<10000x256xf32, #tpu.memory_space<hbm>>
      tpu.wait_indirect_dma semaphore(%arg13 : memref<!tpu.dma_semaphore, #tpu.memory_space<semaphore_mem>>) src(%dma_wait3A_21 : memref<10000x256xf32, #tpu.memory_space<hbm>>) dst(%arg11 : memref<128x256xf32, #tpu.memory_space<vmem>>)
      "tpu.region"() ({
        %run_scoped3A = tpu.sem_alloc : memref<!tpu.dma_semaphore, #tpu.memory_space<semaphore_mem>>
        %dma_start3A_22 = arith.constant 0 : i32
        %dma_start3A_23 = tpu.memref_slice %arg6[%multiple_of3A, %dma_start3A_22] : memref<163840x384xf32, #tpu.memory_space<hbm>> -> memref<128x384xf32, #tpu.memory_space<hbm>>
        %dma_start3A_24 = arith.constant 0 : i32
        %dma_start3A_25 = tpu.memref_slice %arg6[%multiple_of3A, %dma_start3A_24] : memref<163840x384xf32, #tpu.memory_space<hbm>> -> memref<128x384xf32, #tpu.memory_space<hbm>>
        tpu.enqueue_dma source(%arg10 : memref<128x384xf32, #tpu.memory_space<vmem>>) target(%dma_start3A_25 : memref<128x384xf32, #tpu.memory_space<hbm>>) target_semaphore(%run_scoped3A : memref<!tpu.dma_semaphore, #tpu.memory_space<semaphore_mem>>)
        %dma_wait3A_26 = arith.constant 0 : i32
        %dma_wait3A_27 = tpu.memref_slice %arg6[%multiple_of3A, %dma_wait3A_26] : memref<163840x384xf32, #tpu.memory_space<hbm>> -> memref<128x384xf32, #tpu.memory_space<hbm>>
        %dma_wait3A_28 = arith.constant 0 : i32
        %dma_wait3A_29 = tpu.memref_slice %arg6[%multiple_of3A, %dma_wait3A_28] : memref<163840x384xf32, #tpu.memory_space<hbm>> -> memref<128x384xf32, #tpu.memory_space<hbm>>
        tpu.wait_dma2 semaphore(%run_scoped3A : memref<!tpu.dma_semaphore, #tpu.memory_space<semaphore_mem>>) src(%arg10 : memref<128x384xf32, #tpu.memory_space<vmem>>) dst(%dma_wait3A_29 : memref<128x384xf32, #tpu.memory_space<hbm>>)
        tpu.yield
      }) : () -> ()
      "tpu.region"() ({
        %run_scoped3A = tpu.sem_alloc : memref<!tpu.dma_semaphore, #tpu.memory_space<semaphore_mem>>
        %dma_start3A_22 = arith.constant 0 : i32
        %dma_start3A_23 = tpu.memref_slice %arg7[%multiple_of3A, %dma_start3A_22] : memref<163840x256xf32, #tpu.memory_space<hbm>> -> memref<128x256xf32, #tpu.memory_space<hbm>>
        %dma_start3A_24 = arith.constant 0 : i32
        %dma_start3A_25 = tpu.memref_slice %arg7[%multiple_of3A, %dma_start3A_24] : memref<163840x256xf32, #tpu.memory_space<hbm>> -> memref<128x256xf32, #tpu.memory_space<hbm>>
        tpu.enqueue_dma source(%arg11 : memref<128x256xf32, #tpu.memory_space<vmem>>) target(%dma_start3A_25 : memref<128x256xf32, #tpu.memory_space<hbm>>) target_semaphore(%run_scoped3A : memref<!tpu.dma_semaphore, #tpu.memory_space<semaphore_mem>>)
        %dma_wait3A_26 = arith.constant 0 : i32
        %dma_wait3A_27 = tpu.memref_slice %arg7[%multiple_of3A, %dma_wait3A_26] : memref<163840x256xf32, #tpu.memory_space<hbm>> -> memref<128x256xf32, #tpu.memory_space<hbm>>
        %dma_wait3A_28 = arith.constant 0 : i32
        %dma_wait3A_29 = tpu.memref_slice %arg7[%multiple_of3A, %dma_wait3A_28] : memref<163840x256xf32, #tpu.memory_space<hbm>> -> memref<128x256xf32, #tpu.memory_space<hbm>>
        tpu.wait_dma2 semaphore(%run_scoped3A : memref<!tpu.dma_semaphore, #tpu.memory_space<semaphore_mem>>) src(%arg11 : memref<128x256xf32, #tpu.memory_space<vmem>>) dst(%dma_wait3A_29 : memref<128x256xf32, #tpu.memory_space<hbm>>)
        tpu.yield
      }) : () -> ()
    }
    %scan3A_7 = arith.constant 40 : i32
    return
  }
}

#map = affine_map<(d0, d1) -> (0, 0)>
#map1 = affine_map<(d0, d1) -> (0)>
module attributes {stable_mosaic.version = 14 : i64} {
  func.func @_sc_scatter(%arg0: i32, %arg1: i32, %arg2: memref<163840x128xf32, #tpu.memory_space<hbm>>, %arg3: memref<163840xi32, #tpu.memory_space<hbm>>, %arg4: memref<64x128xf32, #tpu.memory_space<hbm>>, %arg5: memref<10240x128xf32, #tpu.memory_space<hbm>>, %arg6: memref<128xi32, #tpu.memory_space<vmem>>, %arg7: memref<128x128xf32, #tpu.memory_space<vmem>>, %arg8: memref<64x128xf32, #tpu.memory_space<vmem>>, %arg9: memref<10240x128xf32, #tpu.memory_space<vmem_shared>>) attributes {dimension_semantics = [#tpu.dimension_semantics<core_parallel>, #tpu.dimension_semantics<subcore_parallel>], iteration_bounds = array<i64: 1, 16>, scalar_prefetch = 0 : i64, scratch_operands = 4 : i64, tpu.core_type = #tpu.core_type<sc_vector_subcore>, window_params = [{transform_indices = #map}, {transform_indices = #map1}, {transform_indices = #map}, {transform_indices = #map}]} {
    %mul3A = arith.constant 640 : i32
    %mul3A_0 = arith.muli %arg1, %mul3A : i32
    %multiple_of3A = tpu.assume_multiple %mul3A_0, 8 : i32
    "tpu.region"() ({
      %run_scoped3A = tpu.sem_alloc : memref<!tpu.dma_semaphore, #tpu.memory_space<semaphore_mem>>
      tpu.enqueue_dma source(%arg4 : memref<64x128xf32, #tpu.memory_space<hbm>>) target(%arg8 : memref<64x128xf32, #tpu.memory_space<vmem>>) target_semaphore(%run_scoped3A : memref<!tpu.dma_semaphore, #tpu.memory_space<semaphore_mem>>)
      tpu.wait_dma2 semaphore(%run_scoped3A : memref<!tpu.dma_semaphore, #tpu.memory_space<semaphore_mem>>) src(%arg4 : memref<64x128xf32, #tpu.memory_space<hbm>>) dst(%arg8 : memref<64x128xf32, #tpu.memory_space<vmem>>)
      tpu.yield
    }) : () -> ()
    %scan3A = arith.constant 0 : i32
    %scan3A_1 = arith.constant 0 : i32
    %scan3A_2 = arith.constant 10 : i32
    %scan3A_3 = arith.addi %scan3A_1, %scan3A_2 : i32
    %scan3A_4 = arith.constant 1 : i32
    scf.for %scan3A_21 = %scan3A_1 to %scan3A_3 step %scan3A_4  : i32 {
      %mul3A_22 = arith.constant 64 : i32
      %mul3A_23 = arith.muli %scan3A_21, %mul3A_22 : i32
      %add3A = arith.addi %multiple_of3A, %mul3A_23 : i32
      %multiple_of3A_24 = tpu.assume_multiple %add3A, 8 : i32
      "tpu.region"() ({
        %run_scoped3A = tpu.sem_alloc : memref<!tpu.dma_semaphore, #tpu.memory_space<semaphore_mem>>
        %dma_start3A = arith.constant 0 : i32
        %dma_start3A_25 = tpu.memref_slice %arg9[%multiple_of3A_24, %dma_start3A] : memref<10240x128xf32, #tpu.memory_space<vmem_shared>> -> memref<64x128xf32, #tpu.memory_space<vmem_shared>>
        %dma_start3A_26 = arith.constant 0 : i32
        %dma_start3A_27 = tpu.memref_slice %arg9[%multiple_of3A_24, %dma_start3A_26] : memref<10240x128xf32, #tpu.memory_space<vmem_shared>> -> memref<64x128xf32, #tpu.memory_space<vmem_shared>>
        tpu.enqueue_dma source(%arg8 : memref<64x128xf32, #tpu.memory_space<vmem>>) target(%dma_start3A_27 : memref<64x128xf32, #tpu.memory_space<vmem_shared>>) target_semaphore(%run_scoped3A : memref<!tpu.dma_semaphore, #tpu.memory_space<semaphore_mem>>)
        %dma_wait3A = arith.constant 0 : i32
        %dma_wait3A_28 = tpu.memref_slice %arg9[%multiple_of3A_24, %dma_wait3A] : memref<10240x128xf32, #tpu.memory_space<vmem_shared>> -> memref<64x128xf32, #tpu.memory_space<vmem_shared>>
        %dma_wait3A_29 = arith.constant 0 : i32
        %dma_wait3A_30 = tpu.memref_slice %arg9[%multiple_of3A_24, %dma_wait3A_29] : memref<10240x128xf32, #tpu.memory_space<vmem_shared>> -> memref<64x128xf32, #tpu.memory_space<vmem_shared>>
        tpu.wait_dma2 semaphore(%run_scoped3A : memref<!tpu.dma_semaphore, #tpu.memory_space<semaphore_mem>>) src(%arg8 : memref<64x128xf32, #tpu.memory_space<vmem>>) dst(%dma_wait3A_30 : memref<64x128xf32, #tpu.memory_space<vmem_shared>>)
        tpu.yield
      }) : () -> ()
    }
    %scan3A_5 = arith.constant 10 : i32
    %barrier3A = arith.constant 0 : index
    tpu.barrier barrier_id(%barrier3A)
    %mul3A_6 = arith.constant 10240 : i32
    %mul3A_7 = arith.muli %arg1, %mul3A_6 : i32
    %scan3A_8 = arith.constant 0 : i32
    %scan3A_9 = arith.constant 0 : i32
    %scan3A_10 = arith.constant 80 : i32
    %scan3A_11 = arith.addi %scan3A_9, %scan3A_10 : i32
    %scan3A_12 = arith.constant 1 : i32
    scf.for %scan3A_21 = %scan3A_9 to %scan3A_11 step %scan3A_12  : i32 {
      %mul3A_22 = arith.constant 128 : i32
      %mul3A_23 = arith.muli %scan3A_21, %mul3A_22 : i32
      %add3A = arith.addi %mul3A_7, %mul3A_23 : i32
      %multiple_of3A_24 = tpu.assume_multiple %add3A, 8 : i32
      "tpu.region"() ({
        %run_scoped3A = tpu.sem_alloc : memref<!tpu.dma_semaphore, #tpu.memory_space<semaphore_mem>>
        %dma_start3A = tpu.memref_slice %arg3[%multiple_of3A_24] : memref<163840xi32, #tpu.memory_space<hbm>> -> memref<128xi32, #tpu.memory_space<hbm>>
        %dma_start3A_25 = tpu.memref_slice %arg3[%multiple_of3A_24] : memref<163840xi32, #tpu.memory_space<hbm>> -> memref<128xi32, #tpu.memory_space<hbm>>
        tpu.enqueue_dma source(%dma_start3A_25 : memref<128xi32, #tpu.memory_space<hbm>>) target(%arg6 : memref<128xi32, #tpu.memory_space<vmem>>) target_semaphore(%run_scoped3A : memref<!tpu.dma_semaphore, #tpu.memory_space<semaphore_mem>>)
        %dma_wait3A = tpu.memref_slice %arg3[%multiple_of3A_24] : memref<163840xi32, #tpu.memory_space<hbm>> -> memref<128xi32, #tpu.memory_space<hbm>>
        %dma_wait3A_26 = tpu.memref_slice %arg3[%multiple_of3A_24] : memref<163840xi32, #tpu.memory_space<hbm>> -> memref<128xi32, #tpu.memory_space<hbm>>
        tpu.wait_dma2 semaphore(%run_scoped3A : memref<!tpu.dma_semaphore, #tpu.memory_space<semaphore_mem>>) src(%dma_wait3A_26 : memref<128xi32, #tpu.memory_space<hbm>>) dst(%arg6 : memref<128xi32, #tpu.memory_space<vmem>>)
        tpu.yield
      }) : () -> ()
      "tpu.region"() ({
        %run_scoped3A = tpu.sem_alloc : memref<!tpu.dma_semaphore, #tpu.memory_space<semaphore_mem>>
        %dma_start3A = arith.constant 0 : i32
        %dma_start3A_25 = tpu.memref_slice %arg2[%multiple_of3A_24, %dma_start3A] : memref<163840x128xf32, #tpu.memory_space<hbm>> -> memref<128x128xf32, #tpu.memory_space<hbm>>
        %dma_start3A_26 = arith.constant 0 : i32
        %dma_start3A_27 = tpu.memref_slice %arg2[%multiple_of3A_24, %dma_start3A_26] : memref<163840x128xf32, #tpu.memory_space<hbm>> -> memref<128x128xf32, #tpu.memory_space<hbm>>
        tpu.enqueue_dma source(%dma_start3A_27 : memref<128x128xf32, #tpu.memory_space<hbm>>) target(%arg7 : memref<128x128xf32, #tpu.memory_space<vmem>>) target_semaphore(%run_scoped3A : memref<!tpu.dma_semaphore, #tpu.memory_space<semaphore_mem>>)
        %dma_wait3A = arith.constant 0 : i32
        %dma_wait3A_28 = tpu.memref_slice %arg2[%multiple_of3A_24, %dma_wait3A] : memref<163840x128xf32, #tpu.memory_space<hbm>> -> memref<128x128xf32, #tpu.memory_space<hbm>>
        %dma_wait3A_29 = arith.constant 0 : i32
        %dma_wait3A_30 = tpu.memref_slice %arg2[%multiple_of3A_24, %dma_wait3A_29] : memref<163840x128xf32, #tpu.memory_space<hbm>> -> memref<128x128xf32, #tpu.memory_space<hbm>>
        tpu.wait_dma2 semaphore(%run_scoped3A : memref<!tpu.dma_semaphore, #tpu.memory_space<semaphore_mem>>) src(%dma_wait3A_30 : memref<128x128xf32, #tpu.memory_space<hbm>>) dst(%arg7 : memref<128x128xf32, #tpu.memory_space<vmem>>)
        tpu.yield
      }) : () -> ()
      "tpu.region"() ({
        %run_scoped3A = tpu.sem_alloc : memref<!tpu.dma_semaphore, #tpu.memory_space<semaphore_mem>>
        %dma_start3A = arith.constant 0 : i32
        %dma_start3A_25 = arith.constant 0 : i32
        %dma_start3A_26 = tpu.memref_slice %arg9[%dma_start3A, %dma_start3A_25] : memref<10240x128xf32, #tpu.memory_space<vmem_shared>> -> memref<10240x128xf32, #tpu.memory_space<vmem_shared>>
        tpu.enqueue_indirect_dma source(%arg7 : memref<128x128xf32, #tpu.memory_space<vmem>>) target(%dma_start3A_26 : memref<10240x128xf32, #tpu.memory_space<vmem_shared>>) offsets(%arg6 : memref<128xi32, #tpu.memory_space<vmem>>) semaphore(%run_scoped3A : memref<!tpu.dma_semaphore, #tpu.memory_space<semaphore_mem>>) {add = true}
        %dma_wait3A = arith.constant 0 : i32
        %dma_wait3A_27 = arith.constant 0 : i32
        %dma_wait3A_28 = tpu.memref_slice %arg9[%dma_wait3A, %dma_wait3A_27] : memref<10240x128xf32, #tpu.memory_space<vmem_shared>> -> memref<10240x128xf32, #tpu.memory_space<vmem_shared>>
        tpu.wait_indirect_dma semaphore(%run_scoped3A : memref<!tpu.dma_semaphore, #tpu.memory_space<semaphore_mem>>) src(%arg7 : memref<128x128xf32, #tpu.memory_space<vmem>>) dst(%dma_wait3A_28 : memref<10240x128xf32, #tpu.memory_space<vmem_shared>>)
        tpu.yield
      }) : () -> ()
    }
    %scan3A_13 = arith.constant 80 : i32
    %barrier3A_14 = arith.constant 0 : index
    tpu.barrier barrier_id(%barrier3A_14)
    %scan3A_15 = arith.constant 0 : i32
    %scan3A_16 = arith.constant 0 : i32
    %scan3A_17 = arith.constant 10 : i32
    %scan3A_18 = arith.addi %scan3A_16, %scan3A_17 : i32
    %scan3A_19 = arith.constant 1 : i32
    scf.for %scan3A_21 = %scan3A_16 to %scan3A_18 step %scan3A_19  : i32 {
      %mul3A_22 = arith.constant 64 : i32
      %mul3A_23 = arith.muli %scan3A_21, %mul3A_22 : i32
      %add3A = arith.addi %multiple_of3A, %mul3A_23 : i32
      %multiple_of3A_24 = tpu.assume_multiple %add3A, 8 : i32
      "tpu.region"() ({
        %run_scoped3A = tpu.sem_alloc : memref<!tpu.dma_semaphore, #tpu.memory_space<semaphore_mem>>
        %dma_start3A = arith.constant 0 : i32
        %dma_start3A_25 = tpu.memref_slice %arg9[%multiple_of3A_24, %dma_start3A] : memref<10240x128xf32, #tpu.memory_space<vmem_shared>> -> memref<64x128xf32, #tpu.memory_space<vmem_shared>>
        %dma_start3A_26 = arith.constant 0 : i32
        %dma_start3A_27 = tpu.memref_slice %arg9[%multiple_of3A_24, %dma_start3A_26] : memref<10240x128xf32, #tpu.memory_space<vmem_shared>> -> memref<64x128xf32, #tpu.memory_space<vmem_shared>>
        tpu.enqueue_dma source(%dma_start3A_27 : memref<64x128xf32, #tpu.memory_space<vmem_shared>>) target(%arg8 : memref<64x128xf32, #tpu.memory_space<vmem>>) target_semaphore(%run_scoped3A : memref<!tpu.dma_semaphore, #tpu.memory_space<semaphore_mem>>)
        %dma_wait3A = arith.constant 0 : i32
        %dma_wait3A_28 = tpu.memref_slice %arg9[%multiple_of3A_24, %dma_wait3A] : memref<10240x128xf32, #tpu.memory_space<vmem_shared>> -> memref<64x128xf32, #tpu.memory_space<vmem_shared>>
        %dma_wait3A_29 = arith.constant 0 : i32
        %dma_wait3A_30 = tpu.memref_slice %arg9[%multiple_of3A_24, %dma_wait3A_29] : memref<10240x128xf32, #tpu.memory_space<vmem_shared>> -> memref<64x128xf32, #tpu.memory_space<vmem_shared>>
        tpu.wait_dma2 semaphore(%run_scoped3A : memref<!tpu.dma_semaphore, #tpu.memory_space<semaphore_mem>>) src(%dma_wait3A_30 : memref<64x128xf32, #tpu.memory_space<vmem_shared>>) dst(%arg8 : memref<64x128xf32, #tpu.memory_space<vmem>>)
        tpu.yield
      }) : () -> ()
      "tpu.region"() ({
        %run_scoped3A = tpu.sem_alloc : memref<!tpu.dma_semaphore, #tpu.memory_space<semaphore_mem>>
        %dma_start3A = arith.constant 0 : i32
        %dma_start3A_25 = tpu.memref_slice %arg5[%multiple_of3A_24, %dma_start3A] : memref<10240x128xf32, #tpu.memory_space<hbm>> -> memref<64x128xf32, #tpu.memory_space<hbm>>
        %dma_start3A_26 = arith.constant 0 : i32
        %dma_start3A_27 = tpu.memref_slice %arg5[%multiple_of3A_24, %dma_start3A_26] : memref<10240x128xf32, #tpu.memory_space<hbm>> -> memref<64x128xf32, #tpu.memory_space<hbm>>
        tpu.enqueue_dma source(%arg8 : memref<64x128xf32, #tpu.memory_space<vmem>>) target(%dma_start3A_27 : memref<64x128xf32, #tpu.memory_space<hbm>>) target_semaphore(%run_scoped3A : memref<!tpu.dma_semaphore, #tpu.memory_space<semaphore_mem>>)
        %dma_wait3A = arith.constant 0 : i32
        %dma_wait3A_28 = tpu.memref_slice %arg5[%multiple_of3A_24, %dma_wait3A] : memref<10240x128xf32, #tpu.memory_space<hbm>> -> memref<64x128xf32, #tpu.memory_space<hbm>>
        %dma_wait3A_29 = arith.constant 0 : i32
        %dma_wait3A_30 = tpu.memref_slice %arg5[%multiple_of3A_24, %dma_wait3A_29] : memref<10240x128xf32, #tpu.memory_space<hbm>> -> memref<64x128xf32, #tpu.memory_space<hbm>>
        tpu.wait_dma2 semaphore(%run_scoped3A : memref<!tpu.dma_semaphore, #tpu.memory_space<semaphore_mem>>) src(%arg8 : memref<64x128xf32, #tpu.memory_space<vmem>>) dst(%dma_wait3A_30 : memref<64x128xf32, #tpu.memory_space<hbm>>)
        tpu.yield
      }) : () -> ()
    }
    %scan3A_20 = arith.constant 10 : i32
    return
  }
}

#map = affine_map<(d0, d1) -> (0, 0)>
#map1 = affine_map<(d0, d1) -> (0)>
module attributes {stable_mosaic.version = 14 : i64} {
  func.func @_sc_gather(%arg0: i32, %arg1: i32, %arg2: memref<10000x384xf32, #tpu.memory_space<hbm>>, %arg3: memref<10000x256xf32, #tpu.memory_space<hbm>>, %arg4: memref<163840xi32, #tpu.memory_space<hbm>>, %arg5: memref<163840xi32, #tpu.memory_space<hbm>>, %arg6: memref<163840x384xf32, #tpu.memory_space<hbm>>, %arg7: memref<163840x256xf32, #tpu.memory_space<hbm>>, %arg8: memref<128xi32, #tpu.memory_space<vmem>>, %arg9: memref<128xi32, #tpu.memory_space<vmem>>, %arg10: memref<128x384xf32, #tpu.memory_space<vmem>>, %arg11: memref<128x256xf32, #tpu.memory_space<vmem>>, %arg12: memref<!tpu.dma_semaphore, #tpu.memory_space<semaphore_mem>>, %arg13: memref<!tpu.dma_semaphore, #tpu.memory_space<semaphore_mem>>) attributes {dimension_semantics = [#tpu.dimension_semantics<core_parallel>, #tpu.dimension_semantics<subcore_parallel>], iteration_bounds = array<i64: 2, 16>, scalar_prefetch = 0 : i64, scratch_operands = 6 : i64, tpu.core_type = #tpu.core_type<sc_vector_subcore>, window_params = [{transform_indices = #map}, {transform_indices = #map}, {transform_indices = #map1}, {transform_indices = #map1}, {transform_indices = #map}, {transform_indices = #map}]} {
    %mul3A = arith.constant 2 : i32
    %mul3A_0 = arith.muli %arg1, %mul3A : i32
    %add3A = arith.addi %mul3A_0, %arg0 : i32
    %mul3A_1 = arith.constant 5120 : i32
    %mul3A_2 = arith.muli %add3A, %mul3A_1 : i32
    %scan3A = arith.constant 0 : i32
    %scan3A_3 = arith.constant 0 : i32
    %scan3A_4 = arith.constant 40 : i32
    %scan3A_5 = arith.addi %scan3A_3, %scan3A_4 : i32
    %scan3A_6 = arith.constant 1 : i32
    scf.for %scan3A_8 = %scan3A_3 to %scan3A_5 step %scan3A_6  : i32 {
      %mul3A_9 = arith.constant 128 : i32
      %mul3A_10 = arith.muli %scan3A_8, %mul3A_9 : i32
      %add3A_11 = arith.addi %mul3A_2, %mul3A_10 : i32
      %multiple_of3A = tpu.assume_multiple %add3A_11, 8 : i32
      "tpu.region"() ({
        %run_scoped3A = tpu.sem_alloc : memref<!tpu.dma_semaphore, #tpu.memory_space<semaphore_mem>>
        %dma_start3A_22 = tpu.memref_slice %arg4[%multiple_of3A] : memref<163840xi32, #tpu.memory_space<hbm>> -> memref<128xi32, #tpu.memory_space<hbm>>
        %dma_start3A_23 = tpu.memref_slice %arg4[%multiple_of3A] : memref<163840xi32, #tpu.memory_space<hbm>> -> memref<128xi32, #tpu.memory_space<hbm>>
        tpu.enqueue_dma source(%dma_start3A_23 : memref<128xi32, #tpu.memory_space<hbm>>) target(%arg8 : memref<128xi32, #tpu.memory_space<vmem>>) target_semaphore(%run_scoped3A : memref<!tpu.dma_semaphore, #tpu.memory_space<semaphore_mem>>)
        %dma_wait3A_24 = tpu.memref_slice %arg4[%multiple_of3A] : memref<163840xi32, #tpu.memory_space<hbm>> -> memref<128xi32, #tpu.memory_space<hbm>>
        %dma_wait3A_25 = tpu.memref_slice %arg4[%multiple_of3A] : memref<163840xi32, #tpu.memory_space<hbm>> -> memref<128xi32, #tpu.memory_space<hbm>>
        tpu.wait_dma2 semaphore(%run_scoped3A : memref<!tpu.dma_semaphore, #tpu.memory_space<semaphore_mem>>) src(%dma_wait3A_25 : memref<128xi32, #tpu.memory_space<hbm>>) dst(%arg8 : memref<128xi32, #tpu.memory_space<vmem>>)
        tpu.yield
      }) : () -> ()
      "tpu.region"() ({
        %run_scoped3A = tpu.sem_alloc : memref<!tpu.dma_semaphore, #tpu.memory_space<semaphore_mem>>
        %dma_start3A_22 = tpu.memref_slice %arg5[%multiple_of3A] : memref<163840xi32, #tpu.memory_space<hbm>> -> memref<128xi32, #tpu.memory_space<hbm>>
        %dma_start3A_23 = tpu.memref_slice %arg5[%multiple_of3A] : memref<163840xi32, #tpu.memory_space<hbm>> -> memref<128xi32, #tpu.memory_space<hbm>>
        tpu.enqueue_dma source(%dma_start3A_23 : memref<128xi32, #tpu.memory_space<hbm>>) target(%arg9 : memref<128xi32, #tpu.memory_space<vmem>>) target_semaphore(%run_scoped3A : memref<!tpu.dma_semaphore, #tpu.memory_space<semaphore_mem>>)
        %dma_wait3A_24 = tpu.memref_slice %arg5[%multiple_of3A] : memref<163840xi32, #tpu.memory_space<hbm>> -> memref<128xi32, #tpu.memory_space<hbm>>
        %dma_wait3A_25 = tpu.memref_slice %arg5[%multiple_of3A] : memref<163840xi32, #tpu.memory_space<hbm>> -> memref<128xi32, #tpu.memory_space<hbm>>
        tpu.wait_dma2 semaphore(%run_scoped3A : memref<!tpu.dma_semaphore, #tpu.memory_space<semaphore_mem>>) src(%dma_wait3A_25 : memref<128xi32, #tpu.memory_space<hbm>>) dst(%arg9 : memref<128xi32, #tpu.memory_space<vmem>>)
        tpu.yield
      }) : () -> ()
      %dma_start3A = arith.constant 0 : i32
      %dma_start3A_12 = arith.constant 0 : i32
      %dma_start3A_13 = tpu.memref_slice %arg2[%dma_start3A, %dma_start3A_12] : memref<10000x384xf32, #tpu.memory_space<hbm>> -> memref<10000x384xf32, #tpu.memory_space<hbm>>
      tpu.enqueue_indirect_dma source(%dma_start3A_13 : memref<10000x384xf32, #tpu.memory_space<hbm>>) target(%arg10 : memref<128x384xf32, #tpu.memory_space<vmem>>) offsets(%arg8 : memref<128xi32, #tpu.memory_space<vmem>>) semaphore(%arg12 : memref<!tpu.dma_semaphore, #tpu.memory_space<semaphore_mem>>)
      %dma_start3A_14 = arith.constant 0 : i32
      %dma_start3A_15 = arith.constant 0 : i32
      %dma_start3A_16 = tpu.memref_slice %arg3[%dma_start3A_14, %dma_start3A_15] : memref<10000x256xf32, #tpu.memory_space<hbm>> -> memref<10000x256xf32, #tpu.memory_space<hbm>>
      tpu.enqueue_indirect_dma source(%dma_start3A_16 : memref<10000x256xf32, #tpu.memory_space<hbm>>) target(%arg11 : memref<128x256xf32, #tpu.memory_space<vmem>>) offsets(%arg9 : memref<128xi32, #tpu.memory_space<vmem>>) semaphore(%arg13 : memref<!tpu.dma_semaphore, #tpu.memory_space<semaphore_mem>>)
      %dma_wait3A = arith.constant 0 : i32
      %dma_wait3A_17 = arith.constant 0 : i32
      %dma_wait3A_18 = tpu.memref_slice %arg2[%dma_wait3A, %dma_wait3A_17] : memref<10000x384xf32, #tpu.memory_space<hbm>> -> memref<10000x384xf32, #tpu.memory_space<hbm>>
      tpu.wait_indirect_dma semaphore(%arg12 : memref<!tpu.dma_semaphore, #tpu.memory_space<semaphore_mem>>) src(%dma_wait3A_18 : memref<10000x384xf32, #tpu.memory_space<hbm>>) dst(%arg10 : memref<128x384xf32, #tpu.memory_space<vmem>>)
      %dma_wait3A_19 = arith.constant 0 : i32
      %dma_wait3A_20 = arith.constant 0 : i32
      %dma_wait3A_21 = tpu.memref_slice %arg3[%dma_wait3A_19, %dma_wait3A_20] : memref<10000x256xf32, #tpu.memory_space<hbm>> -> memref<10000x256xf32, #tpu.memory_space<hbm>>
      tpu.wait_indirect_dma semaphore(%arg13 : memref<!tpu.dma_semaphore, #tpu.memory_space<semaphore_mem>>) src(%dma_wait3A_21 : memref<10000x256xf32, #tpu.memory_space<hbm>>) dst(%arg11 : memref<128x256xf32, #tpu.memory_space<vmem>>)
      "tpu.region"() ({
        %run_scoped3A = tpu.sem_alloc : memref<!tpu.dma_semaphore, #tpu.memory_space<semaphore_mem>>
        %dma_start3A_22 = arith.constant 0 : i32
        %dma_start3A_23 = tpu.memref_slice %arg6[%multiple_of3A, %dma_start3A_22] : memref<163840x384xf32, #tpu.memory_space<hbm>> -> memref<128x384xf32, #tpu.memory_space<hbm>>
        %dma_start3A_24 = arith.constant 0 : i32
        %dma_start3A_25 = tpu.memref_slice %arg6[%multiple_of3A, %dma_start3A_24] : memref<163840x384xf32, #tpu.memory_space<hbm>> -> memref<128x384xf32, #tpu.memory_space<hbm>>
        tpu.enqueue_dma source(%arg10 : memref<128x384xf32, #tpu.memory_space<vmem>>) target(%dma_start3A_25 : memref<128x384xf32, #tpu.memory_space<hbm>>) target_semaphore(%run_scoped3A : memref<!tpu.dma_semaphore, #tpu.memory_space<semaphore_mem>>)
        %dma_wait3A_26 = arith.constant 0 : i32
        %dma_wait3A_27 = tpu.memref_slice %arg6[%multiple_of3A, %dma_wait3A_26] : memref<163840x384xf32, #tpu.memory_space<hbm>> -> memref<128x384xf32, #tpu.memory_space<hbm>>
        %dma_wait3A_28 = arith.constant 0 : i32
        %dma_wait3A_29 = tpu.memref_slice %arg6[%multiple_of3A, %dma_wait3A_28] : memref<163840x384xf32, #tpu.memory_space<hbm>> -> memref<128x384xf32, #tpu.memory_space<hbm>>
        tpu.wait_dma2 semaphore(%run_scoped3A : memref<!tpu.dma_semaphore, #tpu.memory_space<semaphore_mem>>) src(%arg10 : memref<128x384xf32, #tpu.memory_space<vmem>>) dst(%dma_wait3A_29 : memref<128x384xf32, #tpu.memory_space<hbm>>)
        tpu.yield
      }) : () -> ()
      "tpu.region"() ({
        %run_scoped3A = tpu.sem_alloc : memref<!tpu.dma_semaphore, #tpu.memory_space<semaphore_mem>>
        %dma_start3A_22 = arith.constant 0 : i32
        %dma_start3A_23 = tpu.memref_slice %arg7[%multiple_of3A, %dma_start3A_22] : memref<163840x256xf32, #tpu.memory_space<hbm>> -> memref<128x256xf32, #tpu.memory_space<hbm>>
        %dma_start3A_24 = arith.constant 0 : i32
        %dma_start3A_25 = tpu.memref_slice %arg7[%multiple_of3A, %dma_start3A_24] : memref<163840x256xf32, #tpu.memory_space<hbm>> -> memref<128x256xf32, #tpu.memory_space<hbm>>
        tpu.enqueue_dma source(%arg11 : memref<128x256xf32, #tpu.memory_space<vmem>>) target(%dma_start3A_25 : memref<128x256xf32, #tpu.memory_space<hbm>>) target_semaphore(%run_scoped3A : memref<!tpu.dma_semaphore, #tpu.memory_space<semaphore_mem>>)
        %dma_wait3A_26 = arith.constant 0 : i32
        %dma_wait3A_27 = tpu.memref_slice %arg7[%multiple_of3A, %dma_wait3A_26] : memref<163840x256xf32, #tpu.memory_space<hbm>> -> memref<128x256xf32, #tpu.memory_space<hbm>>
        %dma_wait3A_28 = arith.constant 0 : i32
        %dma_wait3A_29 = tpu.memref_slice %arg7[%multiple_of3A, %dma_wait3A_28] : memref<163840x256xf32, #tpu.memory_space<hbm>> -> memref<128x256xf32, #tpu.memory_space<hbm>>
        tpu.wait_dma2 semaphore(%run_scoped3A : memref<!tpu.dma_semaphore, #tpu.memory_space<semaphore_mem>>) src(%arg11 : memref<128x256xf32, #tpu.memory_space<vmem>>) dst(%dma_wait3A_29 : memref<128x256xf32, #tpu.memory_space<hbm>>)
        tpu.yield
      }) : () -> ()
    }
    %scan3A_7 = arith.constant 40 : i32
    return
  }
}

#map = affine_map<(d0, d1) -> (0, 0)>
#map1 = affine_map<(d0, d1) -> (0)>
module attributes {stable_mosaic.version = 14 : i64} {
  func.func @_sc_scatter(%arg0: i32, %arg1: i32, %arg2: memref<163840x128xf32, #tpu.memory_space<hbm>>, %arg3: memref<163840xi32, #tpu.memory_space<hbm>>, %arg4: memref<64x128xf32, #tpu.memory_space<hbm>>, %arg5: memref<10240x128xf32, #tpu.memory_space<hbm>>, %arg6: memref<128xi32, #tpu.memory_space<vmem>>, %arg7: memref<128x128xf32, #tpu.memory_space<vmem>>, %arg8: memref<64x128xf32, #tpu.memory_space<vmem>>, %arg9: memref<10240x128xf32, #tpu.memory_space<vmem_shared>>) attributes {dimension_semantics = [#tpu.dimension_semantics<core_parallel>, #tpu.dimension_semantics<subcore_parallel>], iteration_bounds = array<i64: 1, 16>, scalar_prefetch = 0 : i64, scratch_operands = 4 : i64, tpu.core_type = #tpu.core_type<sc_vector_subcore>, window_params = [{transform_indices = #map}, {transform_indices = #map1}, {transform_indices = #map}, {transform_indices = #map}]} {
    %mul3A = arith.constant 640 : i32
    %mul3A_0 = arith.muli %arg1, %mul3A : i32
    %multiple_of3A = tpu.assume_multiple %mul3A_0, 8 : i32
    "tpu.region"() ({
      %run_scoped3A = tpu.sem_alloc : memref<!tpu.dma_semaphore, #tpu.memory_space<semaphore_mem>>
      tpu.enqueue_dma source(%arg4 : memref<64x128xf32, #tpu.memory_space<hbm>>) target(%arg8 : memref<64x128xf32, #tpu.memory_space<vmem>>) target_semaphore(%run_scoped3A : memref<!tpu.dma_semaphore, #tpu.memory_space<semaphore_mem>>)
      tpu.wait_dma2 semaphore(%run_scoped3A : memref<!tpu.dma_semaphore, #tpu.memory_space<semaphore_mem>>) src(%arg4 : memref<64x128xf32, #tpu.memory_space<hbm>>) dst(%arg8 : memref<64x128xf32, #tpu.memory_space<vmem>>)
      tpu.yield
    }) : () -> ()
    %scan3A = arith.constant 0 : i32
    %scan3A_1 = arith.constant 0 : i32
    %scan3A_2 = arith.constant 10 : i32
    %scan3A_3 = arith.addi %scan3A_1, %scan3A_2 : i32
    %scan3A_4 = arith.constant 1 : i32
    scf.for %scan3A_21 = %scan3A_1 to %scan3A_3 step %scan3A_4  : i32 {
      %mul3A_22 = arith.constant 64 : i32
      %mul3A_23 = arith.muli %scan3A_21, %mul3A_22 : i32
      %add3A = arith.addi %multiple_of3A, %mul3A_23 : i32
      %multiple_of3A_24 = tpu.assume_multiple %add3A, 8 : i32
      "tpu.region"() ({
        %run_scoped3A = tpu.sem_alloc : memref<!tpu.dma_semaphore, #tpu.memory_space<semaphore_mem>>
        %dma_start3A = arith.constant 0 : i32
        %dma_start3A_25 = tpu.memref_slice %arg9[%multiple_of3A_24, %dma_start3A] : memref<10240x128xf32, #tpu.memory_space<vmem_shared>> -> memref<64x128xf32, #tpu.memory_space<vmem_shared>>
        %dma_start3A_26 = arith.constant 0 : i32
        %dma_start3A_27 = tpu.memref_slice %arg9[%multiple_of3A_24, %dma_start3A_26] : memref<10240x128xf32, #tpu.memory_space<vmem_shared>> -> memref<64x128xf32, #tpu.memory_space<vmem_shared>>
        tpu.enqueue_dma source(%arg8 : memref<64x128xf32, #tpu.memory_space<vmem>>) target(%dma_start3A_27 : memref<64x128xf32, #tpu.memory_space<vmem_shared>>) target_semaphore(%run_scoped3A : memref<!tpu.dma_semaphore, #tpu.memory_space<semaphore_mem>>)
        %dma_wait3A = arith.constant 0 : i32
        %dma_wait3A_28 = tpu.memref_slice %arg9[%multiple_of3A_24, %dma_wait3A] : memref<10240x128xf32, #tpu.memory_space<vmem_shared>> -> memref<64x128xf32, #tpu.memory_space<vmem_shared>>
        %dma_wait3A_29 = arith.constant 0 : i32
        %dma_wait3A_30 = tpu.memref_slice %arg9[%multiple_of3A_24, %dma_wait3A_29] : memref<10240x128xf32, #tpu.memory_space<vmem_shared>> -> memref<64x128xf32, #tpu.memory_space<vmem_shared>>
        tpu.wait_dma2 semaphore(%run_scoped3A : memref<!tpu.dma_semaphore, #tpu.memory_space<semaphore_mem>>) src(%arg8 : memref<64x128xf32, #tpu.memory_space<vmem>>) dst(%dma_wait3A_30 : memref<64x128xf32, #tpu.memory_space<vmem_shared>>)
        tpu.yield
      }) : () -> ()
    }
    %scan3A_5 = arith.constant 10 : i32
    %barrier3A = arith.constant 0 : index
    tpu.barrier barrier_id(%barrier3A)
    %mul3A_6 = arith.constant 10240 : i32
    %mul3A_7 = arith.muli %arg1, %mul3A_6 : i32
    %scan3A_8 = arith.constant 0 : i32
    %scan3A_9 = arith.constant 0 : i32
    %scan3A_10 = arith.constant 80 : i32
    %scan3A_11 = arith.addi %scan3A_9, %scan3A_10 : i32
    %scan3A_12 = arith.constant 1 : i32
    scf.for %scan3A_21 = %scan3A_9 to %scan3A_11 step %scan3A_12  : i32 {
      %mul3A_22 = arith.constant 128 : i32
      %mul3A_23 = arith.muli %scan3A_21, %mul3A_22 : i32
      %add3A = arith.addi %mul3A_7, %mul3A_23 : i32
      %multiple_of3A_24 = tpu.assume_multiple %add3A, 8 : i32
      "tpu.region"() ({
        %run_scoped3A = tpu.sem_alloc : memref<!tpu.dma_semaphore, #tpu.memory_space<semaphore_mem>>
        %dma_start3A = tpu.memref_slice %arg3[%multiple_of3A_24] : memref<163840xi32, #tpu.memory_space<hbm>> -> memref<128xi32, #tpu.memory_space<hbm>>
        %dma_start3A_25 = tpu.memref_slice %arg3[%multiple_of3A_24] : memref<163840xi32, #tpu.memory_space<hbm>> -> memref<128xi32, #tpu.memory_space<hbm>>
        tpu.enqueue_dma source(%dma_start3A_25 : memref<128xi32, #tpu.memory_space<hbm>>) target(%arg6 : memref<128xi32, #tpu.memory_space<vmem>>) target_semaphore(%run_scoped3A : memref<!tpu.dma_semaphore, #tpu.memory_space<semaphore_mem>>)
        %dma_wait3A = tpu.memref_slice %arg3[%multiple_of3A_24] : memref<163840xi32, #tpu.memory_space<hbm>> -> memref<128xi32, #tpu.memory_space<hbm>>
        %dma_wait3A_26 = tpu.memref_slice %arg3[%multiple_of3A_24] : memref<163840xi32, #tpu.memory_space<hbm>> -> memref<128xi32, #tpu.memory_space<hbm>>
        tpu.wait_dma2 semaphore(%run_scoped3A : memref<!tpu.dma_semaphore, #tpu.memory_space<semaphore_mem>>) src(%dma_wait3A_26 : memref<128xi32, #tpu.memory_space<hbm>>) dst(%arg6 : memref<128xi32, #tpu.memory_space<vmem>>)
        tpu.yield
      }) : () -> ()
      "tpu.region"() ({
        %run_scoped3A = tpu.sem_alloc : memref<!tpu.dma_semaphore, #tpu.memory_space<semaphore_mem>>
        %dma_start3A = arith.constant 0 : i32
        %dma_start3A_25 = tpu.memref_slice %arg2[%multiple_of3A_24, %dma_start3A] : memref<163840x128xf32, #tpu.memory_space<hbm>> -> memref<128x128xf32, #tpu.memory_space<hbm>>
        %dma_start3A_26 = arith.constant 0 : i32
        %dma_start3A_27 = tpu.memref_slice %arg2[%multiple_of3A_24, %dma_start3A_26] : memref<163840x128xf32, #tpu.memory_space<hbm>> -> memref<128x128xf32, #tpu.memory_space<hbm>>
        tpu.enqueue_dma source(%dma_start3A_27 : memref<128x128xf32, #tpu.memory_space<hbm>>) target(%arg7 : memref<128x128xf32, #tpu.memory_space<vmem>>) target_semaphore(%run_scoped3A : memref<!tpu.dma_semaphore, #tpu.memory_space<semaphore_mem>>)
        %dma_wait3A = arith.constant 0 : i32
        %dma_wait3A_28 = tpu.memref_slice %arg2[%multiple_of3A_24, %dma_wait3A] : memref<163840x128xf32, #tpu.memory_space<hbm>> -> memref<128x128xf32, #tpu.memory_space<hbm>>
        %dma_wait3A_29 = arith.constant 0 : i32
        %dma_wait3A_30 = tpu.memref_slice %arg2[%multiple_of3A_24, %dma_wait3A_29] : memref<163840x128xf32, #tpu.memory_space<hbm>> -> memref<128x128xf32, #tpu.memory_space<hbm>>
        tpu.wait_dma2 semaphore(%run_scoped3A : memref<!tpu.dma_semaphore, #tpu.memory_space<semaphore_mem>>) src(%dma_wait3A_30 : memref<128x128xf32, #tpu.memory_space<hbm>>) dst(%arg7 : memref<128x128xf32, #tpu.memory_space<vmem>>)
        tpu.yield
      }) : () -> ()
      "tpu.region"() ({
        %run_scoped3A = tpu.sem_alloc : memref<!tpu.dma_semaphore, #tpu.memory_space<semaphore_mem>>
        %dma_start3A = arith.constant 0 : i32
        %dma_start3A_25 = arith.constant 0 : i32
        %dma_start3A_26 = tpu.memref_slice %arg9[%dma_start3A, %dma_start3A_25] : memref<10240x128xf32, #tpu.memory_space<vmem_shared>> -> memref<10240x128xf32, #tpu.memory_space<vmem_shared>>
        tpu.enqueue_indirect_dma source(%arg7 : memref<128x128xf32, #tpu.memory_space<vmem>>) target(%dma_start3A_26 : memref<10240x128xf32, #tpu.memory_space<vmem_shared>>) offsets(%arg6 : memref<128xi32, #tpu.memory_space<vmem>>) semaphore(%run_scoped3A : memref<!tpu.dma_semaphore, #tpu.memory_space<semaphore_mem>>) {add = true}
        %dma_wait3A = arith.constant 0 : i32
        %dma_wait3A_27 = arith.constant 0 : i32
        %dma_wait3A_28 = tpu.memref_slice %arg9[%dma_wait3A, %dma_wait3A_27] : memref<10240x128xf32, #tpu.memory_space<vmem_shared>> -> memref<10240x128xf32, #tpu.memory_space<vmem_shared>>
        tpu.wait_indirect_dma semaphore(%run_scoped3A : memref<!tpu.dma_semaphore, #tpu.memory_space<semaphore_mem>>) src(%arg7 : memref<128x128xf32, #tpu.memory_space<vmem>>) dst(%dma_wait3A_28 : memref<10240x128xf32, #tpu.memory_space<vmem_shared>>)
        tpu.yield
      }) : () -> ()
    }
    %scan3A_13 = arith.constant 80 : i32
    %barrier3A_14 = arith.constant 0 : index
    tpu.barrier barrier_id(%barrier3A_14)
    %scan3A_15 = arith.constant 0 : i32
    %scan3A_16 = arith.constant 0 : i32
    %scan3A_17 = arith.constant 10 : i32
    %scan3A_18 = arith.addi %scan3A_16, %scan3A_17 : i32
    %scan3A_19 = arith.constant 1 : i32
    scf.for %scan3A_21 = %scan3A_16 to %scan3A_18 step %scan3A_19  : i32 {
      %mul3A_22 = arith.constant 64 : i32
      %mul3A_23 = arith.muli %scan3A_21, %mul3A_22 : i32
      %add3A = arith.addi %multiple_of3A, %mul3A_23 : i32
      %multiple_of3A_24 = tpu.assume_multiple %add3A, 8 : i32
      "tpu.region"() ({
        %run_scoped3A = tpu.sem_alloc : memref<!tpu.dma_semaphore, #tpu.memory_space<semaphore_mem>>
        %dma_start3A = arith.constant 0 : i32
        %dma_start3A_25 = tpu.memref_slice %arg9[%multiple_of3A_24, %dma_start3A] : memref<10240x128xf32, #tpu.memory_space<vmem_shared>> -> memref<64x128xf32, #tpu.memory_space<vmem_shared>>
        %dma_start3A_26 = arith.constant 0 : i32
        %dma_start3A_27 = tpu.memref_slice %arg9[%multiple_of3A_24, %dma_start3A_26] : memref<10240x128xf32, #tpu.memory_space<vmem_shared>> -> memref<64x128xf32, #tpu.memory_space<vmem_shared>>
        tpu.enqueue_dma source(%dma_start3A_27 : memref<64x128xf32, #tpu.memory_space<vmem_shared>>) target(%arg8 : memref<64x128xf32, #tpu.memory_space<vmem>>) target_semaphore(%run_scoped3A : memref<!tpu.dma_semaphore, #tpu.memory_space<semaphore_mem>>)
        %dma_wait3A = arith.constant 0 : i32
        %dma_wait3A_28 = tpu.memref_slice %arg9[%multiple_of3A_24, %dma_wait3A] : memref<10240x128xf32, #tpu.memory_space<vmem_shared>> -> memref<64x128xf32, #tpu.memory_space<vmem_shared>>
        %dma_wait3A_29 = arith.constant 0 : i32
        %dma_wait3A_30 = tpu.memref_slice %arg9[%multiple_of3A_24, %dma_wait3A_29] : memref<10240x128xf32, #tpu.memory_space<vmem_shared>> -> memref<64x128xf32, #tpu.memory_space<vmem_shared>>
        tpu.wait_dma2 semaphore(%run_scoped3A : memref<!tpu.dma_semaphore, #tpu.memory_space<semaphore_mem>>) src(%dma_wait3A_30 : memref<64x128xf32, #tpu.memory_space<vmem_shared>>) dst(%arg8 : memref<64x128xf32, #tpu.memory_space<vmem>>)
        tpu.yield
      }) : () -> ()
      "tpu.region"() ({
        %run_scoped3A = tpu.sem_alloc : memref<!tpu.dma_semaphore, #tpu.memory_space<semaphore_mem>>
        %dma_start3A = arith.constant 0 : i32
        %dma_start3A_25 = tpu.memref_slice %arg5[%multiple_of3A_24, %dma_start3A] : memref<10240x128xf32, #tpu.memory_space<hbm>> -> memref<64x128xf32, #tpu.memory_space<hbm>>
        %dma_start3A_26 = arith.constant 0 : i32
        %dma_start3A_27 = tpu.memref_slice %arg5[%multiple_of3A_24, %dma_start3A_26] : memref<10240x128xf32, #tpu.memory_space<hbm>> -> memref<64x128xf32, #tpu.memory_space<hbm>>
        tpu.enqueue_dma source(%arg8 : memref<64x128xf32, #tpu.memory_space<vmem>>) target(%dma_start3A_27 : memref<64x128xf32, #tpu.memory_space<hbm>>) target_semaphore(%run_scoped3A : memref<!tpu.dma_semaphore, #tpu.memory_space<semaphore_mem>>)
        %dma_wait3A = arith.constant 0 : i32
        %dma_wait3A_28 = tpu.memref_slice %arg5[%multiple_of3A_24, %dma_wait3A] : memref<10240x128xf32, #tpu.memory_space<hbm>> -> memref<64x128xf32, #tpu.memory_space<hbm>>
        %dma_wait3A_29 = arith.constant 0 : i32
        %dma_wait3A_30 = tpu.memref_slice %arg5[%multiple_of3A_24, %dma_wait3A_29] : memref<10240x128xf32, #tpu.memory_space<hbm>> -> memref<64x128xf32, #tpu.memory_space<hbm>>
        tpu.wait_dma2 semaphore(%run_scoped3A : memref<!tpu.dma_semaphore, #tpu.memory_space<semaphore_mem>>) src(%arg8 : memref<64x128xf32, #tpu.memory_space<vmem>>) dst(%dma_wait3A_30 : memref<64x128xf32, #tpu.memory_space<hbm>>)
        tpu.yield
      }) : () -> ()
    }
    %scan3A_20 = arith.constant 10 : i32
    return
  }
}

module attributes {stable_mosaic.version = 14 : i64} {
  func.func @_embed_body(%arg0: memref<10000x92xf32, #tpu.memory_space<vmem>>, %arg1: memref<92x128xf32, #tpu.memory_space<vmem>>, %arg2: memref<1x128xf32, #tpu.memory_space<vmem>>, %arg3: memref<10000x128xf32, #tpu.memory_space<vmem>>) attributes {dimension_semantics = [], scalar_prefetch = 0 : i64, scratch_operands = 0 : i64, tpu.core_type = #tpu.core_type<tc>} {
    %get3A = arith.constant 0 : index
    %get3A_0 = arith.constant 0 : index
    %get3A_1 = vector.load %arg0[%get3A, %get3A_0] : memref<10000x92xf32, #tpu.memory_space<vmem>>, vector<10000x92xf32>
    %convert_element_type3A = arith.truncf %get3A_1 : vector<10000x92xf32> to vector<10000x92xbf16>
    %get3A_2 = arith.constant 0 : index
    %get3A_3 = arith.constant 0 : index
    %get3A_4 = vector.load %arg1[%get3A_2, %get3A_3] : memref<92x128xf32, #tpu.memory_space<vmem>>, vector<92x128xf32>
    %convert_element_type3A_5 = arith.truncf %get3A_4 : vector<92x128xf32> to vector<92x128xbf16>
    %dot_general3A = arith.constant dense<0.000000e+00> : vector<10000x128xf32>
    %dot_general3A_6 = tpu.matmul %convert_element_type3A, %convert_element_type3A_5, %dot_general3A {dimension_numbers = #tpu.dot_dimension_numbers<[1], [0], [0], [1], [0, 0, 1, 1], [], []>, transpose_lhs_hint = false} : vector<10000x92xbf16>, vector<92x128xbf16>, vector<10000x128xf32> -> vector<10000x128xf32>
    %get3A_7 = arith.constant 0 : index
    %get3A_8 = arith.constant 0 : index
    %get3A_9 = vector.load %arg2[%get3A_7, %get3A_8] : memref<1x128xf32, #tpu.memory_space<vmem>>, vector<1x128xf32>
    %add3A = vector.broadcast %get3A_9 : vector<1x128xf32> to vector<10000x128xf32>
    %add3A_10 = arith.addf %dot_general3A_6, %add3A : vector<10000x128xf32>
    %swap3A = arith.constant 0 : index
    %swap3A_11 = arith.constant 0 : index
    %swap3A_12 = vector.load %arg3[%swap3A, %swap3A_11] : memref<10000x128xf32, #tpu.memory_space<vmem>>, vector<10000x128xf32>
    tpu.vector_store %arg3[%swap3A, %swap3A_11], %add3A_10 {strides = array<i32>} : memref<10000x128xf32, #tpu.memory_space<vmem>>, vector<10000x128xf32>,
    return
  }
}

module attributes {stable_mosaic.version = 14 : i64} {
  func.func @_node_body(%arg0: i32, %arg1: memref<2000x128xf32, #tpu.memory_space<vmem>>, %arg2: memref<128x128xf32, #tpu.memory_space<vmem>>, %arg3: memref<1x128xf32, #tpu.memory_space<vmem>>, %arg4: memref<128x128xf32, #tpu.memory_space<vmem>>, %arg5: memref<1x128xf32, #tpu.memory_space<vmem>>, %arg6: memref<128x128xf32, #tpu.memory_space<vmem>>, %arg7: memref<1x128xf32, #tpu.memory_space<vmem>>, %arg8: memref<2000x384xf32, #tpu.memory_space<vmem>>, %arg9: memref<2000x256xf32, #tpu.memory_space<vmem>>) attributes {dimension_semantics = [#tpu.dimension_semantics<arbitrary>], iteration_bounds = array<i64: 5>, scalar_prefetch = 0 : i64, scratch_operands = 0 : i64, tpu.core_type = #tpu.core_type<tc>, window_params = [{transform_indices = @transform_0, window_bounds = array<i64: 2000, 128>}, {pipeline_mode = #tpu.pipeline_mode<synchronous>, transform_indices = @transform_1, window_bounds = array<i64: 128, 128>}, {pipeline_mode = #tpu.pipeline_mode<synchronous>, transform_indices = @transform_2, window_bounds = array<i64: 1, 128>}, {pipeline_mode = #tpu.pipeline_mode<synchronous>, transform_indices = @transform_3, window_bounds = array<i64: 128, 128>}, {pipeline_mode = #tpu.pipeline_mode<synchronous>, transform_indices = @transform_4, window_bounds = array<i64: 1, 128>}, {pipeline_mode = #tpu.pipeline_mode<synchronous>, transform_indices = @transform_5, window_bounds = array<i64: 128, 128>}, {pipeline_mode = #tpu.pipeline_mode<synchronous>, transform_indices = @transform_6, window_bounds = array<i64: 1, 128>}, {transform_indices = @transform_7, window_bounds = array<i64: 2000, 384>}, {transform_indices = @transform_8, window_bounds = array<i64: 2000, 256>}]} {
    %get3A = arith.constant 0 : index
    %get3A_0 = arith.constant 0 : index
    %get3A_1 = vector.load %arg1[%get3A, %get3A_0] : memref<2000x128xf32, #tpu.memory_space<vmem>>, vector<2000x128xf32>
    %convert_element_type3A = arith.truncf %get3A_1 : vector<2000x128xf32> to vector<2000x128xbf16>
    %get3A_2 = arith.constant 0 : index
    %get3A_3 = arith.constant 0 : index
    %get3A_4 = vector.load %arg2[%get3A_2, %get3A_3] : memref<128x128xf32, #tpu.memory_space<vmem>>, vector<128x128xf32>
    %convert_element_type3A_5 = arith.truncf %get3A_4 : vector<128x128xf32> to vector<128x128xbf16>
    %dot_general3A = arith.constant dense<0.000000e+00> : vector<2000x128xf32>
    %dot_general3A_6 = tpu.matmul %convert_element_type3A, %convert_element_type3A_5, %dot_general3A {dimension_numbers = #tpu.dot_dimension_numbers<[1], [0], [0], [1], [0, 0, 1, 1], [], []>, transpose_lhs_hint = false} : vector<2000x128xbf16>, vector<128x128xbf16>, vector<2000x128xf32> -> vector<2000x128xf32>
    %get3A_7 = arith.constant 0 : index
    %get3A_8 = arith.constant 0 : index
    %get3A_9 = vector.load %arg3[%get3A_7, %get3A_8] : memref<1x128xf32, #tpu.memory_space<vmem>>, vector<1x128xf32>
    %add3A = vector.broadcast %get3A_9 : vector<1x128xf32> to vector<2000x128xf32>
    %add3A_10 = arith.addf %dot_general3A_6, %add3A : vector<2000x128xf32>
    %get3A_11 = arith.constant 0 : index
    %get3A_12 = arith.constant 0 : index
    %get3A_13 = vector.load %arg4[%get3A_11, %get3A_12] : memref<128x128xf32, #tpu.memory_space<vmem>>, vector<128x128xf32>
    %convert_element_type3A_14 = arith.truncf %get3A_13 : vector<128x128xf32> to vector<128x128xbf16>
    %dot_general3A_15 = arith.constant dense<0.000000e+00> : vector<2000x128xf32>
    %dot_general3A_16 = tpu.matmul %convert_element_type3A, %convert_element_type3A_14, %dot_general3A_15 {dimension_numbers = #tpu.dot_dimension_numbers<[1], [0], [0], [1], [0, 0, 1, 1], [], []>, transpose_lhs_hint = false} : vector<2000x128xbf16>, vector<128x128xbf16>, vector<2000x128xf32> -> vector<2000x128xf32>
    %get3A_17 = arith.constant 0 : index
    %get3A_18 = arith.constant 0 : index
    %get3A_19 = vector.load %arg5[%get3A_17, %get3A_18] : memref<1x128xf32, #tpu.memory_space<vmem>>, vector<1x128xf32>
    %add3A_20 = vector.broadcast %get3A_19 : vector<1x128xf32> to vector<2000x128xf32>
    %add3A_21 = arith.addf %dot_general3A_16, %add3A_20 : vector<2000x128xf32>
    %get3A_22 = arith.constant 0 : index
    %get3A_23 = arith.constant 0 : index
    %get3A_24 = vector.load %arg6[%get3A_22, %get3A_23] : memref<128x128xf32, #tpu.memory_space<vmem>>, vector<128x128xf32>
    %convert_element_type3A_25 = arith.truncf %get3A_24 : vector<128x128xf32> to vector<128x128xbf16>
    %dot_general3A_26 = arith.constant dense<0.000000e+00> : vector<2000x128xf32>
    %dot_general3A_27 = tpu.matmul %convert_element_type3A, %convert_element_type3A_25, %dot_general3A_26 {dimension_numbers = #tpu.dot_dimension_numbers<[1], [0], [0], [1], [0, 0, 1, 1], [], []>, transpose_lhs_hint = false} : vector<2000x128xbf16>, vector<128x128xbf16>, vector<2000x128xf32> -> vector<2000x128xf32>
    %get3A_28 = arith.constant 0 : index
    %get3A_29 = arith.constant 0 : index
    %get3A_30 = vector.load %arg7[%get3A_28, %get3A_29] : memref<1x128xf32, #tpu.memory_space<vmem>>, vector<1x128xf32>
    %add3A_31 = vector.broadcast %get3A_30 : vector<1x128xf32> to vector<2000x128xf32>
    %add3A_32 = arith.addf %dot_general3A_27, %add3A_31 : vector<2000x128xf32>
    %swap3A = arith.constant 0 : index
    %swap3A_33 = arith.constant 0 : index
    %swap3A_34 = vector.load %arg8[%swap3A, %swap3A_33] : memref<2000x384xf32, #tpu.memory_space<vmem>>, vector<2000x128xf32>
    tpu.vector_store %arg8[%swap3A, %swap3A_33], %add3A_10 {strides = array<i32>} : memref<2000x384xf32, #tpu.memory_space<vmem>>, vector<2000x128xf32>,
    %swap3A_35 = arith.constant 0 : index
    %swap3A_36 = arith.constant 128 : index
    %swap3A_37 = vector.load %arg8[%swap3A_35, %swap3A_36] : memref<2000x384xf32, #tpu.memory_space<vmem>>, vector<2000x128xf32>
    tpu.vector_store %arg8[%swap3A_35, %swap3A_36], %add3A_21 {strides = array<i32>} : memref<2000x384xf32, #tpu.memory_space<vmem>>, vector<2000x128xf32>,
    %swap3A_38 = arith.constant 0 : index
    %swap3A_39 = arith.constant 256 : index
    %swap3A_40 = vector.load %arg8[%swap3A_38, %swap3A_39] : memref<2000x384xf32, #tpu.memory_space<vmem>>, vector<2000x128xf32>
    tpu.vector_store %arg8[%swap3A_38, %swap3A_39], %add3A_32 {strides = array<i32>} : memref<2000x384xf32, #tpu.memory_space<vmem>>, vector<2000x128xf32>,
    %swap3A_41 = arith.constant 0 : index
    %swap3A_42 = arith.constant 0 : index
    %swap3A_43 = vector.load %arg9[%swap3A_41, %swap3A_42] : memref<2000x256xf32, #tpu.memory_space<vmem>>, vector<2000x128xf32>
    tpu.vector_store %arg9[%swap3A_41, %swap3A_42], %add3A_21 {strides = array<i32>} : memref<2000x256xf32, #tpu.memory_space<vmem>>, vector<2000x128xf32>,
    %swap3A_44 = arith.constant 0 : index
    %swap3A_45 = arith.constant 128 : index
    %swap3A_46 = vector.load %arg9[%swap3A_44, %swap3A_45] : memref<2000x256xf32, #tpu.memory_space<vmem>>, vector<2000x128xf32>
    tpu.vector_store %arg9[%swap3A_44, %swap3A_45], %add3A_32 {strides = array<i32>} : memref<2000x256xf32, #tpu.memory_space<vmem>>, vector<2000x128xf32>,
    return
  }
  func.func @transform_0(%arg0: i32) -> (i32, i32) {
    %c0_i32 = arith.constant 0 : i32
    %c0_i32_0 = arith.constant 0 : i32
    return %arg0, %c0_i32 : i32, i32
  }
  func.func @transform_1(%arg0: i32) -> (i32, i32) {
    %c0_i32 = arith.constant 0 : i32
    %c0_i32_0 = arith.constant 0 : i32
    %c0_i32_1 = arith.constant 0 : i32
    return %c0_i32, %c0_i32_0 : i32, i32
  }
  func.func @transform_2(%arg0: i32) -> (i32, i32) {
    %c0_i32 = arith.constant 0 : i32
    %c0_i32_0 = arith.constant 0 : i32
    %c0_i32_1 = arith.constant 0 : i32
    return %c0_i32, %c0_i32_0 : i32, i32
  }
  func.func @transform_3(%arg0: i32) -> (i32, i32) {
    %c0_i32 = arith.constant 0 : i32
    %c0_i32_0 = arith.constant 0 : i32
    %c0_i32_1 = arith.constant 0 : i32
    return %c0_i32, %c0_i32_0 : i32, i32
  }
  func.func @transform_4(%arg0: i32) -> (i32, i32) {
    %c0_i32 = arith.constant 0 : i32
    %c0_i32_0 = arith.constant 0 : i32
    %c0_i32_1 = arith.constant 0 : i32
    return %c0_i32, %c0_i32_0 : i32, i32
  }
  func.func @transform_5(%arg0: i32) -> (i32, i32) {
    %c0_i32 = arith.constant 0 : i32
    %c0_i32_0 = arith.constant 0 : i32
    %c0_i32_1 = arith.constant 0 : i32
    return %c0_i32, %c0_i32_0 : i32, i32
  }
  func.func @transform_6(%arg0: i32) -> (i32, i32) {
    %c0_i32 = arith.constant 0 : i32
    %c0_i32_0 = arith.constant 0 : i32
    %c0_i32_1 = arith.constant 0 : i32
    return %c0_i32, %c0_i32_0 : i32, i32
  }
  func.func @transform_7(%arg0: i32) -> (i32, i32) {
    %c0_i32 = arith.constant 0 : i32
    %c0_i32_0 = arith.constant 0 : i32
    return %arg0, %c0_i32 : i32, i32
  }
  func.func @transform_8(%arg0: i32) -> (i32, i32) {
    %c0_i32 = arith.constant 0 : i32
    %c0_i32_0 = arith.constant 0 : i32
    return %arg0, %c0_i32 : i32, i32
  }
}

module attributes {stable_mosaic.version = 14 : i64} {
  func.func @_ef_body(%arg0: i32, %arg1: memref<4096x3xf32, #tpu.memory_space<vmem>>, %arg2: memref<1x128xf32, #tpu.memory_space<vmem>>, %arg3: memref<1x1xf32, #tpu.memory_space<vmem>>, %arg4: memref<128x128xf32, #tpu.memory_space<vmem>>, %arg5: memref<1x128xf32, #tpu.memory_space<vmem>>, %arg6: memref<128x128xf32, #tpu.memory_space<vmem>>, %arg7: memref<1x128xf32, #tpu.memory_space<vmem>>, %arg8: memref<4096x128xf32, #tpu.memory_space<vmem>>) attributes {dimension_semantics = [#tpu.dimension_semantics<arbitrary>], iteration_bounds = array<i64: 40>, scalar_prefetch = 0 : i64, scratch_operands = 0 : i64, tpu.core_type = #tpu.core_type<tc>, window_params = [{transform_indices = @transform_0, window_bounds = array<i64: 4096, 3>}, {pipeline_mode = #tpu.pipeline_mode<synchronous>, transform_indices = @transform_1, window_bounds = array<i64: 1, 128>}, {pipeline_mode = #tpu.pipeline_mode<synchronous>, transform_indices = @transform_2, window_bounds = array<i64: 1, 1>}, {pipeline_mode = #tpu.pipeline_mode<synchronous>, transform_indices = @transform_3, window_bounds = array<i64: 128, 128>}, {pipeline_mode = #tpu.pipeline_mode<synchronous>, transform_indices = @transform_4, window_bounds = array<i64: 1, 128>}, {pipeline_mode = #tpu.pipeline_mode<synchronous>, transform_indices = @transform_5, window_bounds = array<i64: 128, 128>}, {pipeline_mode = #tpu.pipeline_mode<synchronous>, transform_indices = @transform_6, window_bounds = array<i64: 1, 128>}, {transform_indices = @transform_7, window_bounds = array<i64: 4096, 128>}]} {
    %get3A = arith.constant 0 : index
    %get3A_0 = arith.constant 0 : index
    %get3A_1 = vector.load %arg1[%get3A, %get3A_0] : memref<4096x3xf32, #tpu.memory_space<vmem>>, vector<4096x3xf32>
    %mul3A = arith.mulf %get3A_1, %get3A_1 : vector<4096x3xf32>
    %reduce_sum3A = arith.constant dense<0.000000e+00> : vector<4096xf32>
    %reduce_sum3A_2 = vector.multi_reduction <add>, %mul3A, %reduce_sum3A [1] : vector<4096x3xf32> to vector<4096xf32>
    %broadcast_in_dim3A = vector.shape_cast %reduce_sum3A_2 : vector<4096xf32> to vector<4096x1xf32>
    %sqrt3A = math.sqrt %broadcast_in_dim3A : vector<4096x1xf32>
    %get3A_3 = arith.constant 0 : index
    %get3A_4 = arith.constant 0 : index
    %get3A_5 = vector.load %arg2[%get3A_3, %get3A_4] : memref<1x128xf32, #tpu.memory_space<vmem>>, vector<1x128xf32>
    %sub3A = vector.broadcast %sqrt3A : vector<4096x1xf32> to vector<4096x128xf32>
    %sub3A_6 = vector.broadcast %get3A_5 : vector<1x128xf32> to vector<4096x128xf32>
    %sub3A_7 = arith.subf %sub3A, %sub3A_6 : vector<4096x128xf32>
    %get3A_8 = arith.constant 0 : index
    %get3A_9 = arith.constant 0 : index
    %get3A_10 = vector.load %arg3[%get3A_8, %get3A_9] : memref<1x1xf32, #tpu.memory_space<vmem>>, vector<1x1xf32>
    %get3A_11 = vector.extract %get3A_10[0, 0] : f32 from vector<1x1xf32>
    %neg3A = arith.constant 0.000000e+00 : f32
    %neg3A_12 = arith.subf %neg3A, %get3A_11 : f32
    %mul3A_13 = arith.mulf %sub3A_7, %sub3A_7 : vector<4096x128xf32>
    %mul3A_14 = vector.broadcast %neg3A_12 : f32 to vector<4096x128xf32>
    %mul3A_15 = arith.mulf %mul3A_14, %mul3A_13 : vector<4096x128xf32>
    %exp3A = math.exp %mul3A_15 : vector<4096x128xf32>
    %convert_element_type3A = arith.truncf %exp3A : vector<4096x128xf32> to vector<4096x128xbf16>
    %get3A_16 = arith.constant 0 : index
    %get3A_17 = arith.constant 0 : index
    %get3A_18 = vector.load %arg4[%get3A_16, %get3A_17] : memref<128x128xf32, #tpu.memory_space<vmem>>, vector<128x128xf32>
    %convert_element_type3A_19 = arith.truncf %get3A_18 : vector<128x128xf32> to vector<128x128xbf16>
    %dot_general3A = arith.constant dense<0.000000e+00> : vector<4096x128xf32>
    %dot_general3A_20 = tpu.matmul %convert_element_type3A, %convert_element_type3A_19, %dot_general3A {dimension_numbers = #tpu.dot_dimension_numbers<[1], [0], [0], [1], [0, 0, 1, 1], [], []>, transpose_lhs_hint = false} : vector<4096x128xbf16>, vector<128x128xbf16>, vector<4096x128xf32> -> vector<4096x128xf32>
    %get3A_21 = arith.constant 0 : index
    %get3A_22 = arith.constant 0 : index
    %get3A_23 = vector.load %arg5[%get3A_21, %get3A_22] : memref<1x128xf32, #tpu.memory_space<vmem>>, vector<1x128xf32>
    %add3A = vector.broadcast %get3A_23 : vector<1x128xf32> to vector<4096x128xf32>
    %add3A_24 = arith.addf %dot_general3A_20, %add3A : vector<4096x128xf32>
    %max3A = arith.constant 0.000000e+00 : f32
    %max3A_25 = vector.broadcast %max3A : f32 to vector<4096x128xf32>
    %max3A_26 = arith.maximumf %add3A_24, %max3A_25 : vector<4096x128xf32>
    %abs3A = math.absf %add3A_24 : vector<4096x128xf32>
    %neg3A_27 = arith.constant 0.000000e+00 : f32
    %neg3A_28 = vector.broadcast %neg3A_27 : f32 to vector<4096x128xf32>
    %neg3A_29 = arith.subf %neg3A_28, %abs3A : vector<4096x128xf32>
    %exp3A_30 = math.exp %neg3A_29 : vector<4096x128xf32>
    %log1p3A = math.log1p %exp3A_30 : vector<4096x128xf32>
    %add3A_31 = arith.addf %max3A_26, %log1p3A : vector<4096x128xf32>
    %convert_element_type3A_32 = arith.truncf %add3A_31 : vector<4096x128xf32> to vector<4096x128xbf16>
    %get3A_33 = arith.constant 0 : index
    %get3A_34 = arith.constant 0 : index
    %get3A_35 = vector.load %arg6[%get3A_33, %get3A_34] : memref<128x128xf32, #tpu.memory_space<vmem>>, vector<128x128xf32>
    %convert_element_type3A_36 = arith.truncf %get3A_35 : vector<128x128xf32> to vector<128x128xbf16>
    %dot_general3A_37 = arith.constant dense<0.000000e+00> : vector<4096x128xf32>
    %dot_general3A_38 = tpu.matmul %convert_element_type3A_32, %convert_element_type3A_36, %dot_general3A_37 {dimension_numbers = #tpu.dot_dimension_numbers<[1], [0], [0], [1], [0, 0, 1, 1], [], []>, transpose_lhs_hint = false} : vector<4096x128xbf16>, vector<128x128xbf16>, vector<4096x128xf32> -> vector<4096x128xf32>
    %get3A_39 = arith.constant 0 : index
    %get3A_40 = arith.constant 0 : index
    %get3A_41 = vector.load %arg7[%get3A_39, %get3A_40] : memref<1x128xf32, #tpu.memory_space<vmem>>, vector<1x128xf32>
    %add3A_42 = vector.broadcast %get3A_41 : vector<1x128xf32> to vector<4096x128xf32>
    %add3A_43 = arith.addf %dot_general3A_38, %add3A_42 : vector<4096x128xf32>
    %swap3A = arith.constant 0 : index
    %swap3A_44 = arith.constant 0 : index
    %swap3A_45 = vector.load %arg8[%swap3A, %swap3A_44] : memref<4096x128xf32, #tpu.memory_space<vmem>>, vector<4096x128xf32>
    tpu.vector_store %arg8[%swap3A, %swap3A_44], %add3A_43 {strides = array<i32>} : memref<4096x128xf32, #tpu.memory_space<vmem>>, vector<4096x128xf32>,
    return
  }
  func.func @transform_0(%arg0: i32) -> (i32, i32) {
    %c0_i32 = arith.constant 0 : i32
    %c0_i32_0 = arith.constant 0 : i32
    return %arg0, %c0_i32 : i32, i32
  }
  func.func @transform_1(%arg0: i32) -> (i32, i32) {
    %c0_i32 = arith.constant 0 : i32
    %c0_i32_0 = arith.constant 0 : i32
    %c0_i32_1 = arith.constant 0 : i32
    return %c0_i32, %c0_i32_0 : i32, i32
  }
  func.func @transform_2(%arg0: i32) -> (i32, i32) {
    %c0_i32 = arith.constant 0 : i32
    %c0_i32_0 = arith.constant 0 : i32
    %c0_i32_1 = arith.constant 0 : i32
    return %c0_i32, %c0_i32_0 : i32, i32
  }
  func.func @transform_3(%arg0: i32) -> (i32, i32) {
    %c0_i32 = arith.constant 0 : i32
    %c0_i32_0 = arith.constant 0 : i32
    %c0_i32_1 = arith.constant 0 : i32
    return %c0_i32, %c0_i32_0 : i32, i32
  }
  func.func @transform_4(%arg0: i32) -> (i32, i32) {
    %c0_i32 = arith.constant 0 : i32
    %c0_i32_0 = arith.constant 0 : i32
    %c0_i32_1 = arith.constant 0 : i32
    return %c0_i32, %c0_i32_0 : i32, i32
  }
  func.func @transform_5(%arg0: i32) -> (i32, i32) {
    %c0_i32 = arith.constant 0 : i32
    %c0_i32_0 = arith.constant 0 : i32
    %c0_i32_1 = arith.constant 0 : i32
    return %c0_i32, %c0_i32_0 : i32, i32
  }
  func.func @transform_6(%arg0: i32) -> (i32, i32) {
    %c0_i32 = arith.constant 0 : i32
    %c0_i32_0 = arith.constant 0 : i32
    %c0_i32_1 = arith.constant 0 : i32
    return %c0_i32, %c0_i32_0 : i32, i32
  }
  func.func @transform_7(%arg0: i32) -> (i32, i32) {
    %c0_i32 = arith.constant 0 : i32
    %c0_i32_0 = arith.constant 0 : i32
    return %arg0, %c0_i32 : i32, i32
  }
}

module attributes {stable_mosaic.version = 14 : i64} {
  func.func @_edge_body(%arg0: i32, %arg1: memref<2048x384xf32, #tpu.memory_space<vmem>>, %arg2: memref<2048x256xf32, #tpu.memory_space<vmem>>, %arg3: memref<2048x128xf32, #tpu.memory_space<vmem>>, %arg4: memref<128x128xf32, #tpu.memory_space<vmem>>, %arg5: memref<384x384xf32, #tpu.memory_space<vmem>>, %arg6: memref<1x384xf32, #tpu.memory_space<vmem>>, %arg7: memref<384x128xf32, #tpu.memory_space<vmem>>, %arg8: memref<1x128xf32, #tpu.memory_space<vmem>>, %arg9: memref<1x384xf32, #tpu.memory_space<vmem>>, %arg10: memref<1x384xf32, #tpu.memory_space<vmem>>, %arg11: memref<1x128xf32, #tpu.memory_space<vmem>>, %arg12: memref<1x128xf32, #tpu.memory_space<vmem>>, %arg13: memref<2048x128xf32, #tpu.memory_space<vmem>>) attributes {dimension_semantics = [#tpu.dimension_semantics<arbitrary>], iteration_bounds = array<i64: 80>, scalar_prefetch = 0 : i64, scratch_operands = 0 : i64, tpu.core_type = #tpu.core_type<tc>, window_params = [{transform_indices = @transform_0, window_bounds = array<i64: 2048, 384>}, {transform_indices = @transform_1, window_bounds = array<i64: 2048, 256>}, {transform_indices = @transform_2, window_bounds = array<i64: 2048, 128>}, {pipeline_mode = #tpu.pipeline_mode<synchronous>, transform_indices = @transform_3, window_bounds = array<i64: 128, 128>}, {pipeline_mode = #tpu.pipeline_mode<synchronous>, transform_indices = @transform_4, window_bounds = array<i64: 384, 384>}, {pipeline_mode = #tpu.pipeline_mode<synchronous>, transform_indices = @transform_5, window_bounds = array<i64: 1, 384>}, {pipeline_mode = #tpu.pipeline_mode<synchronous>, transform_indices = @transform_6, window_bounds = array<i64: 384, 128>}, {pipeline_mode = #tpu.pipeline_mode<synchronous>, transform_indices = @transform_7, window_bounds = array<i64: 1, 128>}, {pipeline_mode = #tpu.pipeline_mode<synchronous>, transform_indices = @transform_8, window_bounds = array<i64: 1, 384>}, {pipeline_mode = #tpu.pipeline_mode<synchronous>, transform_indices = @transform_9, window_bounds = array<i64: 1, 384>}, {pipeline_mode = #tpu.pipeline_mode<synchronous>, transform_indices = @transform_10, window_bounds = array<i64: 1, 128>}, {pipeline_mode = #tpu.pipeline_mode<synchronous>, transform_indices = @transform_11, window_bounds = array<i64: 1, 128>}, {transform_indices = @transform_12, window_bounds = array<i64: 2048, 128>}]} {
    %get3A = arith.constant 0 : index
    %get3A_0 = arith.constant 0 : index
    %get3A_1 = vector.load %arg3[%get3A, %get3A_0] : memref<2048x128xf32, #tpu.memory_space<vmem>>, vector<2048x128xf32>
    %convert_element_type3A = arith.truncf %get3A_1 : vector<2048x128xf32> to vector<2048x128xbf16>
    %get3A_2 = arith.constant 0 : index
    %get3A_3 = arith.constant 0 : index
    %get3A_4 = vector.load %arg4[%get3A_2, %get3A_3] : memref<128x128xf32, #tpu.memory_space<vmem>>, vector<128x128xf32>
    %convert_element_type3A_5 = arith.truncf %get3A_4 : vector<128x128xf32> to vector<128x128xbf16>
    %dot_general3A = arith.constant dense<0.000000e+00> : vector<2048x128xf32>
    %dot_general3A_6 = tpu.matmul %convert_element_type3A, %convert_element_type3A_5, %dot_general3A {dimension_numbers = #tpu.dot_dimension_numbers<[1], [0], [0], [1], [0, 0, 1, 1], [], []>, transpose_lhs_hint = false} : vector<2048x128xbf16>, vector<128x128xbf16>, vector<2048x128xf32> -> vector<2048x128xf32>
    %get3A_7 = arith.constant 0 : index
    %get3A_8 = arith.constant 0 : index
    %get3A_9 = vector.load %arg1[%get3A_7, %get3A_8] : memref<2048x384xf32, #tpu.memory_space<vmem>>, vector<2048x384xf32>
    %get3A_10 = arith.constant 0 : index
    %get3A_11 = arith.constant 0 : index
    %get3A_12 = vector.load %arg2[%get3A_10, %get3A_11] : memref<2048x256xf32, #tpu.memory_space<vmem>>, vector<2048x256xf32>
    %slice3A = vector.extract_strided_slice %get3A_9 {offsets = [0, 0], sizes = [2048, 128], strides = [1, 1]} : vector<2048x384xf32> to vector<2048x128xf32>
    %slice3A_13 = vector.extract_strided_slice %get3A_9 {offsets = [0, 128], sizes = [2048, 128], strides = [1, 1]} : vector<2048x384xf32> to vector<2048x128xf32>
    %slice3A_14 = vector.extract_strided_slice %get3A_9 {offsets = [0, 256], sizes = [2048, 128], strides = [1, 1]} : vector<2048x384xf32> to vector<2048x128xf32>
    %slice3A_15 = vector.extract_strided_slice %get3A_12 {offsets = [0, 0], sizes = [2048, 128], strides = [1, 1]} : vector<2048x256xf32> to vector<2048x128xf32>
    %slice3A_16 = vector.extract_strided_slice %get3A_12 {offsets = [0, 128], sizes = [2048, 128], strides = [1, 1]} : vector<2048x256xf32> to vector<2048x128xf32>
    %mul3A = arith.mulf %slice3A, %slice3A_13 : vector<2048x128xf32>
    %mul3A_17 = arith.mulf %slice3A, %slice3A_15 : vector<2048x128xf32>
    %mul3A_18 = arith.mulf %slice3A, %dot_general3A_6 : vector<2048x128xf32>
    %concatenate3A = tpu.concatenate %mul3A, %mul3A_17, %mul3A_18 in 1 : vector<2048x128xf32>, vector<2048x128xf32>, vector<2048x128xf32> -> vector<2048x384xf32>
    %mul3A_19 = arith.constant 0.0510310382 : f32
    %mul3A_20 = vector.broadcast %mul3A_19 : f32 to vector<2048x384xf32>
    %mul3A_21 = arith.mulf %concatenate3A, %mul3A_20 : vector<2048x384xf32>
    %get3A_22 = arith.constant 0 : index
    %get3A_23 = arith.constant 0 : index
    %get3A_24 = vector.load %arg9[%get3A_22, %get3A_23] : memref<1x384xf32, #tpu.memory_space<vmem>>, vector<1x384xf32>
    %get3A_25 = arith.constant 0 : index
    %get3A_26 = arith.constant 0 : index
    %get3A_27 = vector.load %arg10[%get3A_25, %get3A_26] : memref<1x384xf32, #tpu.memory_space<vmem>>, vector<1x384xf32>
    %reduce_sum3A = arith.constant dense<0.000000e+00> : vector<2048xf32>
    %reduce_sum3A_28 = vector.multi_reduction <add>, %mul3A_21, %reduce_sum3A [1] : vector<2048x384xf32> to vector<2048xf32>
    %broadcast_in_dim3A = vector.shape_cast %reduce_sum3A_28 : vector<2048xf32> to vector<2048x1xf32>
    %div3A = arith.constant 3.840000e+02 : f32
    %div3A_29 = vector.broadcast %div3A : f32 to vector<2048x1xf32>
    %div3A_30 = arith.divf %broadcast_in_dim3A, %div3A_29 : vector<2048x1xf32>
    %sub3A = vector.broadcast %div3A_30 : vector<2048x1xf32> to vector<2048x384xf32>
    %sub3A_31 = arith.subf %mul3A_21, %sub3A : vector<2048x384xf32>
    %sub3A_32 = vector.broadcast %div3A_30 : vector<2048x1xf32> to vector<2048x384xf32>
    %sub3A_33 = arith.subf %mul3A_21, %sub3A_32 : vector<2048x384xf32>
    %mul3A_34 = arith.mulf %sub3A_31, %sub3A_33 : vector<2048x384xf32>
    %reduce_sum3A_35 = arith.constant dense<0.000000e+00> : vector<2048xf32>
    %reduce_sum3A_36 = vector.multi_reduction <add>, %mul3A_34, %reduce_sum3A_35 [1] : vector<2048x384xf32> to vector<2048xf32>
    %broadcast_in_dim3A_37 = vector.shape_cast %reduce_sum3A_36 : vector<2048xf32> to vector<2048x1xf32>
    %div3A_38 = arith.constant 3.840000e+02 : f32
    %div3A_39 = vector.broadcast %div3A_38 : f32 to vector<2048x1xf32>
    %div3A_40 = arith.divf %broadcast_in_dim3A_37, %div3A_39 : vector<2048x1xf32>
    %sub3A_41 = vector.broadcast %div3A_30 : vector<2048x1xf32> to vector<2048x384xf32>
    %sub3A_42 = arith.subf %mul3A_21, %sub3A_41 : vector<2048x384xf32>
    %add3A = arith.constant 9.99999974E-6 : f32
    %add3A_43 = vector.broadcast %add3A : f32 to vector<2048x1xf32>
    %add3A_44 = arith.addf %div3A_40, %add3A_43 : vector<2048x1xf32>
    %rsqrt3A = math.rsqrt %add3A_44 : vector<2048x1xf32>
    %mul3A_45 = vector.broadcast %rsqrt3A : vector<2048x1xf32> to vector<2048x384xf32>
    %mul3A_46 = arith.mulf %sub3A_42, %mul3A_45 : vector<2048x384xf32>
    %mul3A_47 = vector.broadcast %get3A_24 : vector<1x384xf32> to vector<2048x384xf32>
    %mul3A_48 = arith.mulf %mul3A_46, %mul3A_47 : vector<2048x384xf32>
    %add3A_49 = vector.broadcast %get3A_27 : vector<1x384xf32> to vector<2048x384xf32>
    %add3A_50 = arith.addf %mul3A_48, %add3A_49 : vector<2048x384xf32>
    %logistic3A = arith.negf %add3A_50 : vector<2048x384xf32>
    %logistic3A_51 = math.exp %logistic3A : vector<2048x384xf32>
    %logistic3A_52 = arith.constant 1.000000e+00 : f32
    %logistic3A_53 = vector.broadcast %logistic3A_52 : f32 to vector<2048x384xf32>
    %logistic3A_54 = arith.addf %logistic3A_53, %logistic3A_51 : vector<2048x384xf32>
    %logistic3A_55 = arith.divf %logistic3A_53, %logistic3A_54 : vector<2048x384xf32>
    %concatenate3A_56 = tpu.concatenate %slice3A_14, %slice3A_16, %dot_general3A_6 in 1 : vector<2048x128xf32>, vector<2048x128xf32>, vector<2048x128xf32> -> vector<2048x384xf32>
    %convert_element_type3A_57 = arith.truncf %concatenate3A_56 : vector<2048x384xf32> to vector<2048x384xbf16>
    %get3A_58 = arith.constant 0 : index
    %get3A_59 = arith.constant 0 : index
    %get3A_60 = vector.load %arg5[%get3A_58, %get3A_59] : memref<384x384xf32, #tpu.memory_space<vmem>>, vector<384x384xf32>
    %convert_element_type3A_61 = arith.truncf %get3A_60 : vector<384x384xf32> to vector<384x384xbf16>
    %dot_general3A_62 = arith.constant dense<0.000000e+00> : vector<2048x384xf32>
    %dot_general3A_63 = tpu.matmul %convert_element_type3A_57, %convert_element_type3A_61, %dot_general3A_62 {dimension_numbers = #tpu.dot_dimension_numbers<[1], [0], [0], [1], [0, 0, 1, 1], [], []>, transpose_lhs_hint = false} : vector<2048x384xbf16>, vector<384x384xbf16>, vector<2048x384xf32> -> vector<2048x384xf32>
    %get3A_64 = arith.constant 0 : index
    %get3A_65 = arith.constant 0 : index
    %get3A_66 = vector.load %arg6[%get3A_64, %get3A_65] : memref<1x384xf32, #tpu.memory_space<vmem>>, vector<1x384xf32>
    %add3A_67 = vector.broadcast %get3A_66 : vector<1x384xf32> to vector<2048x384xf32>
    %add3A_68 = arith.addf %dot_general3A_63, %add3A_67 : vector<2048x384xf32>
    %mul3A_69 = arith.mulf %add3A_68, %logistic3A_55 : vector<2048x384xf32>
    %convert_element_type3A_70 = arith.truncf %mul3A_69 : vector<2048x384xf32> to vector<2048x384xbf16>
    %get3A_71 = arith.constant 0 : index
    %get3A_72 = arith.constant 0 : index
    %get3A_73 = vector.load %arg7[%get3A_71, %get3A_72] : memref<384x128xf32, #tpu.memory_space<vmem>>, vector<384x128xf32>
    %convert_element_type3A_74 = arith.truncf %get3A_73 : vector<384x128xf32> to vector<384x128xbf16>
    %dot_general3A_75 = arith.constant dense<0.000000e+00> : vector<2048x128xf32>
    %dot_general3A_76 = tpu.matmul %convert_element_type3A_70, %convert_element_type3A_74, %dot_general3A_75 {dimension_numbers = #tpu.dot_dimension_numbers<[1], [0], [0], [1], [0, 0, 1, 1], [], []>, transpose_lhs_hint = false} : vector<2048x384xbf16>, vector<384x128xbf16>, vector<2048x128xf32> -> vector<2048x128xf32>
    %get3A_77 = arith.constant 0 : index
    %get3A_78 = arith.constant 0 : index
    %get3A_79 = vector.load %arg8[%get3A_77, %get3A_78] : memref<1x128xf32, #tpu.memory_space<vmem>>, vector<1x128xf32>
    %add3A_80 = vector.broadcast %get3A_79 : vector<1x128xf32> to vector<2048x128xf32>
    %add3A_81 = arith.addf %dot_general3A_76, %add3A_80 : vector<2048x128xf32>
    %get3A_82 = arith.constant 0 : index
    %get3A_83 = arith.constant 0 : index
    %get3A_84 = vector.load %arg11[%get3A_82, %get3A_83] : memref<1x128xf32, #tpu.memory_space<vmem>>, vector<1x128xf32>
    %get3A_85 = arith.constant 0 : index
    %get3A_86 = arith.constant 0 : index
    %get3A_87 = vector.load %arg12[%get3A_85, %get3A_86] : memref<1x128xf32, #tpu.memory_space<vmem>>, vector<1x128xf32>
    %reduce_sum3A_88 = arith.constant dense<0.000000e+00> : vector<2048xf32>
    %reduce_sum3A_89 = vector.multi_reduction <add>, %add3A_81, %reduce_sum3A_88 [1] : vector<2048x128xf32> to vector<2048xf32>
    %broadcast_in_dim3A_90 = vector.shape_cast %reduce_sum3A_89 : vector<2048xf32> to vector<2048x1xf32>
    %div3A_91 = arith.constant 1.280000e+02 : f32
    %div3A_92 = vector.broadcast %div3A_91 : f32 to vector<2048x1xf32>
    %div3A_93 = arith.divf %broadcast_in_dim3A_90, %div3A_92 : vector<2048x1xf32>
    %sub3A_94 = vector.broadcast %div3A_93 : vector<2048x1xf32> to vector<2048x128xf32>
    %sub3A_95 = arith.subf %add3A_81, %sub3A_94 : vector<2048x128xf32>
    %sub3A_96 = vector.broadcast %div3A_93 : vector<2048x1xf32> to vector<2048x128xf32>
    %sub3A_97 = arith.subf %add3A_81, %sub3A_96 : vector<2048x128xf32>
    %mul3A_98 = arith.mulf %sub3A_95, %sub3A_97 : vector<2048x128xf32>
    %reduce_sum3A_99 = arith.constant dense<0.000000e+00> : vector<2048xf32>
    %reduce_sum3A_100 = vector.multi_reduction <add>, %mul3A_98, %reduce_sum3A_99 [1] : vector<2048x128xf32> to vector<2048xf32>
    %broadcast_in_dim3A_101 = vector.shape_cast %reduce_sum3A_100 : vector<2048xf32> to vector<2048x1xf32>
    %div3A_102 = arith.constant 1.280000e+02 : f32
    %div3A_103 = vector.broadcast %div3A_102 : f32 to vector<2048x1xf32>
    %div3A_104 = arith.divf %broadcast_in_dim3A_101, %div3A_103 : vector<2048x1xf32>
    %sub3A_105 = vector.broadcast %div3A_93 : vector<2048x1xf32> to vector<2048x128xf32>
    %sub3A_106 = arith.subf %add3A_81, %sub3A_105 : vector<2048x128xf32>
    %add3A_107 = arith.constant 9.99999974E-6 : f32
    %add3A_108 = vector.broadcast %add3A_107 : f32 to vector<2048x1xf32>
    %add3A_109 = arith.addf %div3A_104, %add3A_108 : vector<2048x1xf32>
    %rsqrt3A_110 = math.rsqrt %add3A_109 : vector<2048x1xf32>
    %mul3A_111 = vector.broadcast %rsqrt3A_110 : vector<2048x1xf32> to vector<2048x128xf32>
    %mul3A_112 = arith.mulf %sub3A_106, %mul3A_111 : vector<2048x128xf32>
    %mul3A_113 = vector.broadcast %get3A_84 : vector<1x128xf32> to vector<2048x128xf32>
    %mul3A_114 = arith.mulf %mul3A_112, %mul3A_113 : vector<2048x128xf32>
    %add3A_115 = vector.broadcast %get3A_87 : vector<1x128xf32> to vector<2048x128xf32>
    %add3A_116 = arith.addf %mul3A_114, %add3A_115 : vector<2048x128xf32>
    %swap3A = arith.constant 0 : index
    %swap3A_117 = arith.constant 0 : index
    %swap3A_118 = vector.load %arg13[%swap3A, %swap3A_117] : memref<2048x128xf32, #tpu.memory_space<vmem>>, vector<2048x128xf32>
    tpu.vector_store %arg13[%swap3A, %swap3A_117], %add3A_116 {strides = array<i32>} : memref<2048x128xf32, #tpu.memory_space<vmem>>, vector<2048x128xf32>,
    return
  }
  func.func @transform_0(%arg0: i32) -> (i32, i32) {
    %c0_i32 = arith.constant 0 : i32
    %c0_i32_0 = arith.constant 0 : i32
    return %arg0, %c0_i32 : i32, i32
  }
  func.func @transform_1(%arg0: i32) -> (i32, i32) {
    %c0_i32 = arith.constant 0 : i32
    %c0_i32_0 = arith.constant 0 : i32
    return %arg0, %c0_i32 : i32, i32
  }
  func.func @transform_2(%arg0: i32) -> (i32, i32) {
    %c0_i32 = arith.constant 0 : i32
    %c0_i32_0 = arith.constant 0 : i32
    return %arg0, %c0_i32 : i32, i32
  }
  func.func @transform_3(%arg0: i32) -> (i32, i32) {
    %c0_i32 = arith.constant 0 : i32
    %c0_i32_0 = arith.constant 0 : i32
    %c0_i32_1 = arith.constant 0 : i32
    return %c0_i32, %c0_i32_0 : i32, i32
  }
  func.func @transform_4(%arg0: i32) -> (i32, i32) {
    %c0_i32 = arith.constant 0 : i32
    %c0_i32_0 = arith.constant 0 : i32
    %c0_i32_1 = arith.constant 0 : i32
    return %c0_i32, %c0_i32_0 : i32, i32
  }
  func.func @transform_5(%arg0: i32) -> (i32, i32) {
    %c0_i32 = arith.constant 0 : i32
    %c0_i32_0 = arith.constant 0 : i32
    %c0_i32_1 = arith.constant 0 : i32
    return %c0_i32, %c0_i32_0 : i32, i32
  }
  func.func @transform_6(%arg0: i32) -> (i32, i32) {
    %c0_i32 = arith.constant 0 : i32
    %c0_i32_0 = arith.constant 0 : i32
    %c0_i32_1 = arith.constant 0 : i32
    return %c0_i32, %c0_i32_0 : i32, i32
  }
  func.func @transform_7(%arg0: i32) -> (i32, i32) {
    %c0_i32 = arith.constant 0 : i32
    %c0_i32_0 = arith.constant 0 : i32
    %c0_i32_1 = arith.constant 0 : i32
    return %c0_i32, %c0_i32_0 : i32, i32
  }
  func.func @transform_8(%arg0: i32) -> (i32, i32) {
    %c0_i32 = arith.constant 0 : i32
    %c0_i32_0 = arith.constant 0 : i32
    %c0_i32_1 = arith.constant 0 : i32
    return %c0_i32, %c0_i32_0 : i32, i32
  }
  func.func @transform_9(%arg0: i32) -> (i32, i32) {
    %c0_i32 = arith.constant 0 : i32
    %c0_i32_0 = arith.constant 0 : i32
    %c0_i32_1 = arith.constant 0 : i32
    return %c0_i32, %c0_i32_0 : i32, i32
  }
  func.func @transform_10(%arg0: i32) -> (i32, i32) {
    %c0_i32 = arith.constant 0 : i32
    %c0_i32_0 = arith.constant 0 : i32
    %c0_i32_1 = arith.constant 0 : i32
    return %c0_i32, %c0_i32_0 : i32, i32
  }
  func.func @transform_11(%arg0: i32) -> (i32, i32) {
    %c0_i32 = arith.constant 0 : i32
    %c0_i32_0 = arith.constant 0 : i32
    %c0_i32_1 = arith.constant 0 : i32
    return %c0_i32, %c0_i32_0 : i32, i32
  }
  func.func @transform_12(%arg0: i32) -> (i32, i32) {
    %c0_i32 = arith.constant 0 : i32
    %c0_i32_0 = arith.constant 0 : i32
    return %arg0, %c0_i32 : i32, i32
  }
}

module attributes {stable_mosaic.version = 14 : i64} {
  func.func @_update_body(%arg0: memref<10240x128xf32, #tpu.memory_space<vmem>>, %arg1: memref<128x128xf32, #tpu.memory_space<vmem>>, %arg2: memref<1x128xf32, #tpu.memory_space<vmem>>, %arg3: memref<1x128xf32, #tpu.memory_space<vmem>>, %arg4: memref<1x128xf32, #tpu.memory_space<vmem>>, %arg5: memref<10000x128xf32, #tpu.memory_space<vmem>>) attributes {dimension_semantics = [], scalar_prefetch = 0 : i64, scratch_operands = 0 : i64, tpu.core_type = #tpu.core_type<tc>} {
    %get3A = arith.constant 0 : index
    %get3A_0 = arith.constant 0 : index
    %get3A_1 = vector.load %arg0[%get3A, %get3A_0] : memref<10240x128xf32, #tpu.memory_space<vmem>>, vector<10000x128xf32>
    %convert_element_type3A = arith.truncf %get3A_1 : vector<10000x128xf32> to vector<10000x128xbf16>
    %get3A_2 = arith.constant 0 : index
    %get3A_3 = arith.constant 0 : index
    %get3A_4 = vector.load %arg1[%get3A_2, %get3A_3] : memref<128x128xf32, #tpu.memory_space<vmem>>, vector<128x128xf32>
    %convert_element_type3A_5 = arith.truncf %get3A_4 : vector<128x128xf32> to vector<128x128xbf16>
    %dot_general3A = arith.constant dense<0.000000e+00> : vector<10000x128xf32>
    %dot_general3A_6 = tpu.matmul %convert_element_type3A, %convert_element_type3A_5, %dot_general3A {dimension_numbers = #tpu.dot_dimension_numbers<[1], [0], [0], [1], [0, 0, 1, 1], [], []>, transpose_lhs_hint = false} : vector<10000x128xbf16>, vector<128x128xbf16>, vector<10000x128xf32> -> vector<10000x128xf32>
    %get3A_7 = arith.constant 0 : index
    %get3A_8 = arith.constant 0 : index
    %get3A_9 = vector.load %arg2[%get3A_7, %get3A_8] : memref<1x128xf32, #tpu.memory_space<vmem>>, vector<1x128xf32>
    %add3A = vector.broadcast %get3A_9 : vector<1x128xf32> to vector<10000x128xf32>
    %add3A_10 = arith.addf %dot_general3A_6, %add3A : vector<10000x128xf32>
    %reduce_sum3A = arith.constant dense<0.000000e+00> : vector<128xf32>
    %reduce_sum3A_11 = vector.multi_reduction <add>, %add3A_10, %reduce_sum3A [0] : vector<10000x128xf32> to vector<128xf32>
    %broadcast_in_dim3A = vector.shape_cast %reduce_sum3A_11 : vector<128xf32> to vector<1x128xf32>
    %div3A = arith.constant 1.000000e+04 : f32
    %div3A_12 = vector.broadcast %div3A : f32 to vector<1x128xf32>
    %div3A_13 = arith.divf %broadcast_in_dim3A, %div3A_12 : vector<1x128xf32>
    %sub3A = vector.broadcast %div3A_13 : vector<1x128xf32> to vector<10000x128xf32>
    %sub3A_14 = arith.subf %add3A_10, %sub3A : vector<10000x128xf32>
    %sub3A_15 = vector.broadcast %div3A_13 : vector<1x128xf32> to vector<10000x128xf32>
    %sub3A_16 = arith.subf %add3A_10, %sub3A_15 : vector<10000x128xf32>
    %mul3A = arith.mulf %sub3A_14, %sub3A_16 : vector<10000x128xf32>
    %reduce_sum3A_17 = arith.constant dense<0.000000e+00> : vector<128xf32>
    %reduce_sum3A_18 = vector.multi_reduction <add>, %mul3A, %reduce_sum3A_17 [0] : vector<10000x128xf32> to vector<128xf32>
    %broadcast_in_dim3A_19 = vector.shape_cast %reduce_sum3A_18 : vector<128xf32> to vector<1x128xf32>
    %div3A_20 = arith.constant 1.000000e+04 : f32
    %div3A_21 = vector.broadcast %div3A_20 : f32 to vector<1x128xf32>
    %div3A_22 = arith.divf %broadcast_in_dim3A_19, %div3A_21 : vector<1x128xf32>
    %sub3A_23 = vector.broadcast %div3A_13 : vector<1x128xf32> to vector<10000x128xf32>
    %sub3A_24 = arith.subf %add3A_10, %sub3A_23 : vector<10000x128xf32>
    %add3A_25 = arith.constant 9.99999974E-6 : f32
    %add3A_26 = vector.broadcast %add3A_25 : f32 to vector<1x128xf32>
    %add3A_27 = arith.addf %div3A_22, %add3A_26 : vector<1x128xf32>
    %rsqrt3A = math.rsqrt %add3A_27 : vector<1x128xf32>
    %mul3A_28 = vector.broadcast %rsqrt3A : vector<1x128xf32> to vector<10000x128xf32>
    %mul3A_29 = arith.mulf %sub3A_24, %mul3A_28 : vector<10000x128xf32>
    %get3A_30 = arith.constant 0 : index
    %get3A_31 = arith.constant 0 : index
    %get3A_32 = vector.load %arg3[%get3A_30, %get3A_31] : memref<1x128xf32, #tpu.memory_space<vmem>>, vector<1x128xf32>
    %mul3A_33 = vector.broadcast %get3A_32 : vector<1x128xf32> to vector<10000x128xf32>
    %mul3A_34 = arith.mulf %mul3A_29, %mul3A_33 : vector<10000x128xf32>
    %get3A_35 = arith.constant 0 : index
    %get3A_36 = arith.constant 0 : index
    %get3A_37 = vector.load %arg4[%get3A_35, %get3A_36] : memref<1x128xf32, #tpu.memory_space<vmem>>, vector<1x128xf32>
    %add3A_38 = vector.broadcast %get3A_37 : vector<1x128xf32> to vector<10000x128xf32>
    %add3A_39 = arith.addf %mul3A_34, %add3A_38 : vector<10000x128xf32>
    %logistic3A = arith.negf %add3A_39 : vector<10000x128xf32>
    %logistic3A_40 = math.exp %logistic3A : vector<10000x128xf32>
    %logistic3A_41 = arith.constant 1.000000e+00 : f32
    %logistic3A_42 = vector.broadcast %logistic3A_41 : f32 to vector<10000x128xf32>
    %logistic3A_43 = arith.addf %logistic3A_42, %logistic3A_40 : vector<10000x128xf32>
    %logistic3A_44 = arith.divf %logistic3A_42, %logistic3A_43 : vector<10000x128xf32>
    %mul3A_45 = arith.mulf %add3A_39, %logistic3A_44 : vector<10000x128xf32>
    %swap3A = arith.constant 0 : index
    %swap3A_46 = arith.constant 0 : index
    %swap3A_47 = vector.load %arg5[%swap3A, %swap3A_46] : memref<10000x128xf32, #tpu.memory_space<vmem>>, vector<10000x128xf32>
    tpu.vector_store %arg5[%swap3A, %swap3A_46], %mul3A_45 {strides = array<i32>} : memref<10000x128xf32, #tpu.memory_space<vmem>>, vector<10000x128xf32>,
    return
  }
}

module attributes {stable_mosaic.version = 14 : i64} {
  func.func @_pool_body(%arg0: memref<10000x128xf32, #tpu.memory_space<vmem>>, %arg1: memref<10000x1xi32, #tpu.memory_space<vmem>>, %arg2: memref<128x128xf32, #tpu.memory_space<vmem>>, %arg3: memref<1x128xf32, #tpu.memory_space<vmem>>, %arg4: memref<128x1xf32, #tpu.memory_space<vmem>>, %arg5: memref<1x1xf32, #tpu.memory_space<vmem>>, %arg6: memref<128x1xf32, #tpu.memory_space<vmem>>) attributes {dimension_semantics = [], scalar_prefetch = 0 : i64, scratch_operands = 0 : i64, tpu.core_type = #tpu.core_type<tc>} {
    %get3A = arith.constant 0 : index
    %get3A_0 = arith.constant 0 : index
    %get3A_1 = vector.load %arg0[%get3A, %get3A_0] : memref<10000x128xf32, #tpu.memory_space<vmem>>, vector<10000x128xf32>
    %get3A_2 = arith.constant 0 : index
    %get3A_3 = arith.constant 0 : index
    %get3A_4 = vector.load %arg1[%get3A_2, %get3A_3] : memref<10000x1xi32, #tpu.memory_space<vmem>>, vector<10000x1xi32>
    %iota3A = tpu.iota {dimensions = array<i32: 1>} : vector<1x128xi32>
    %eq3A = vector.broadcast %get3A_4 : vector<10000x1xi32> to vector<10000x128xi32>
    %eq3A_5 = vector.broadcast %iota3A : vector<1x128xi32> to vector<10000x128xi32>
    %eq3A_6 = arith.cmpi eq, %eq3A, %eq3A_5 : vector<10000x128xi32>
    %convert_element_type3A = arith.extui %eq3A_6 : vector<10000x128xi1> to vector<10000x128xi32>
    %convert_element_type3A_7 = arith.sitofp %convert_element_type3A : vector<10000x128xi32> to vector<10000x128xf32>
    %dot_general3A = arith.constant dense<0.000000e+00> : vector<128x128xf32>
    %dot_general3A_8 = tpu.matmul %convert_element_type3A_7, %get3A_1, %dot_general3A {dimension_numbers = #tpu.dot_dimension_numbers<[0], [0], [1], [1], [0, 1, 1, 1], [], []>, precision = #tpu.contract_precision<fp32>, transpose_lhs_hint = false} : vector<10000x128xf32>, vector<10000x128xf32>, vector<128x128xf32> -> vector<128x128xf32>
    %broadcast_in_dim3A = arith.constant 1.000000e+00 : f32
    %broadcast_in_dim3A_9 = vector.broadcast %broadcast_in_dim3A : f32 to vector<10000x1xf32>
    %dot_general3A_10 = arith.constant dense<0.000000e+00> : vector<128x1xf32>
    %dot_general3A_11 = tpu.matmul %convert_element_type3A_7, %broadcast_in_dim3A_9, %dot_general3A_10 {dimension_numbers = #tpu.dot_dimension_numbers<[0], [0], [1], [1], [0, 1, 1, 1], [], []>, precision = #tpu.contract_precision<fp32>, transpose_lhs_hint = false} : vector<10000x128xf32>, vector<10000x1xf32>, vector<128x1xf32> -> vector<128x1xf32>
    %max3A = arith.constant 1.000000e+00 : f32
    %max3A_12 = vector.broadcast %max3A : f32 to vector<128x1xf32>
    %max3A_13 = arith.maximumf %dot_general3A_11, %max3A_12 : vector<128x1xf32>
    %div3A = vector.broadcast %max3A_13 : vector<128x1xf32> to vector<128x128xf32>
    %div3A_14 = arith.divf %dot_general3A_8, %div3A : vector<128x128xf32>
    %convert_element_type3A_15 = arith.truncf %div3A_14 : vector<128x128xf32> to vector<128x128xbf16>
    %get3A_16 = arith.constant 0 : index
    %get3A_17 = arith.constant 0 : index
    %get3A_18 = vector.load %arg2[%get3A_16, %get3A_17] : memref<128x128xf32, #tpu.memory_space<vmem>>, vector<128x128xf32>
    %convert_element_type3A_19 = arith.truncf %get3A_18 : vector<128x128xf32> to vector<128x128xbf16>
    %dot_general3A_20 = arith.constant dense<0.000000e+00> : vector<128x128xf32>
    %dot_general3A_21 = tpu.matmul %convert_element_type3A_15, %convert_element_type3A_19, %dot_general3A_20 {dimension_numbers = #tpu.dot_dimension_numbers<[1], [0], [0], [1], [0, 0, 1, 1], [], []>, transpose_lhs_hint = false} : vector<128x128xbf16>, vector<128x128xbf16>, vector<128x128xf32> -> vector<128x128xf32>
    %get3A_22 = arith.constant 0 : index
    %get3A_23 = arith.constant 0 : index
    %get3A_24 = vector.load %arg3[%get3A_22, %get3A_23] : memref<1x128xf32, #tpu.memory_space<vmem>>, vector<1x128xf32>
    %add3A = vector.broadcast %get3A_24 : vector<1x128xf32> to vector<128x128xf32>
    %add3A_25 = arith.addf %dot_general3A_21, %add3A : vector<128x128xf32>
    %logistic3A = arith.negf %add3A_25 : vector<128x128xf32>
    %logistic3A_26 = math.exp %logistic3A : vector<128x128xf32>
    %logistic3A_27 = arith.constant 1.000000e+00 : f32
    %logistic3A_28 = vector.broadcast %logistic3A_27 : f32 to vector<128x128xf32>
    %logistic3A_29 = arith.addf %logistic3A_28, %logistic3A_26 : vector<128x128xf32>
    %logistic3A_30 = arith.divf %logistic3A_28, %logistic3A_29 : vector<128x128xf32>
    %mul3A = arith.mulf %add3A_25, %logistic3A_30 : vector<128x128xf32>
    %convert_element_type3A_31 = arith.truncf %mul3A : vector<128x128xf32> to vector<128x128xbf16>
    %get3A_32 = arith.constant 0 : index
    %get3A_33 = arith.constant 0 : index
    %get3A_34 = vector.load %arg4[%get3A_32, %get3A_33] : memref<128x1xf32, #tpu.memory_space<vmem>>, vector<128x1xf32>
    %convert_element_type3A_35 = arith.truncf %get3A_34 : vector<128x1xf32> to vector<128x1xbf16>
    %dot_general3A_36 = arith.constant dense<0.000000e+00> : vector<128x1xf32>
    %dot_general3A_37 = tpu.matmul %convert_element_type3A_31, %convert_element_type3A_35, %dot_general3A_36 {dimension_numbers = #tpu.dot_dimension_numbers<[1], [0], [0], [1], [0, 0, 1, 1], [], []>, transpose_lhs_hint = false} : vector<128x128xbf16>, vector<128x1xbf16>, vector<128x1xf32> -> vector<128x1xf32>
    %get3A_38 = arith.constant 0 : index
    %get3A_39 = arith.constant 0 : index
    %get3A_40 = vector.load %arg5[%get3A_38, %get3A_39] : memref<1x1xf32, #tpu.memory_space<vmem>>, vector<1x1xf32>
    %add3A_41 = vector.broadcast %get3A_40 : vector<1x1xf32> to vector<128x1xf32>
    %add3A_42 = arith.addf %dot_general3A_37, %add3A_41 : vector<128x1xf32>
    %swap3A = arith.constant 0 : index
    %swap3A_43 = arith.constant 0 : index
    %swap3A_44 = vector.load %arg6[%swap3A, %swap3A_43] : memref<128x1xf32, #tpu.memory_space<vmem>>, vector<128x1xf32>
    tpu.vector_store %arg6[%swap3A, %swap3A_43], %add3A_42 {strides = array<i32>} : memref<128x1xf32, #tpu.memory_space<vmem>>, vector<128x1xf32>,
    return
  }
}

</mosaic_0001>

<sc_bundles>
// kernel: kernel.30.cloned.1.call-start
scs
__scs_entry_jumppad:
0x0: {  	(pc) =	sbr.rel $0x88, $3  }
0x1: {  	(tag) =	ssettag $0x0;
	lr =	simm.s32 $0x1  }
0x2: {  	[smem:$0x3F80] =	sst lr;
	_ =	strace $0xD0000000  }
0x3: {  	_ = 	snop  }
0x4: {  	_ = 	snop  }
0x5: {  	_ = 	snop  }
0x6: {  	_ = 	snop  }
0x7: {  	_ = 	snop  }
__scs_overlays_trampoline_lowered:
0x8: {  	[smem:$0x3F8F] =	sst s0  }
0x9: {  	[smem:$0x3F90] =	sst s1  }
0xa: {  	[smem:$0x3F91] =	sst s2  }
0xb: {  	[smem:$0x3F92] =	sst s3  }
0xc: {  	[smem:$0x3F93] =	sst s4  }
0xd: {  	[smem:$0x3F94] =	sst s5  }
0xe: {  	[smem:$0x3F95] =	sst s6  }
0xf: {  	[smem:$0x3F96] =	sst s7  }
0x10: {  	[smem:$0x3F97] =	sst s8  }
0x11: {  	[smem:$0x3F98] =	sst s9;
	s0 =	simm.s32 @!p0 $0x0  }
0x12: {  	s1 =	sld [smem:$0x3F7E];
	s0 =	simm.s32 @p0 $0x1  }
0x13: {  	[smem:$0x3F99] =	sst s0;
	s0 =	simm.s32 @!p1 $0x0  }
0x14: {  	s2 =	sld [smem:$0x3F7D];
	s0 =	simm.s32 @p1 $0x1  }
0x15: {  	[smem:$0x3F9A] =	sst s0;
	s0 =	simm.s32 @!p2 $0x0  }
0x16: {  	s3 =	sld [smem:$0x3FDB];
	s0 =	simm.s32 @p2 $0x1  }
0x17: {  	s4 =	simm.s32 $0x1BF5;
	[smem:$0x3F9C] =	sst s0  }
0x18: {  	s0 =	sld [smem:$0x3F7F];
	_ =	swait.ge [sflag:s4], $0x0  }
0x19: {  	s7 =	sld [smem:$0x3F80]  }
0x1a: {  	s8 =	sadd.s32 $0xFFFFE003, lr  }
0x1b: {  	s9 =	sadd.s32 $0xFFFFFEF7, lr;
	s5 =	simm.s32 $0xFFFFFFFF;
	p2 =	slt.u32 s8, $0xFFFFF086  }
0x1c: {  	p1 =	slt.u32 s9, $0xF7A;
	s5 =	simm.s32 @!p2 $0x0  }
0x1d: {  	s5 =	simm.s32 @p1 $0x1;
	p0 =	seq.s32 s7, s2  }
0x1e: {  	s7 =	smul.u32 @!p0 $0xF7A, s2;
	p2 =	seq.s32 @!p0 s5, $0x0  }
0x1f: {  	s9 =	smul.u32 $0xF7A, s1;
	s8 =	simm.s32 @!p0 $0x1BF5;
	p2 =	por !p2, p0  }
0x20: {  	[sflag:s8] =	ssyncset.s32 @!p0 $0xFFFFF086;
	s6 =	sadd.s32 @!p0 s3, s7;
	s7 =	simm.s32 @!p0 $0x108  }
0x21: {  	s3 =	sadd.s32 s3, s9;
	s6 =	sadd.s32 @!p0 $0x88, s6;
	s7 =	simm.s32 @p2 $0x1082  }
0x22: {  	[simem:s7], [sflag:s8] =	dma.local @!p0 [hbm:s6], $0xF7A  }
0x23: {  	s9 =	sor.u32 $0xD0000000, s2;
	s6 =	simm.s32 $0x108;
	_ =	swait.ge @!p0 [sflag:s8], $0x0  }
0x24: {  	s3 =	sadd.s32 $0x88, s3;
	s6 =	simm.s32 @!p1 $0x1082;
	[sflag:s4] =	ssyncset.s32 $0xFFFFF086  }
0x25: {  	[simem:s6], [sflag:s4] =	dma.local [hbm:s3], $0xF7A  }
0x26: {  	[smem:$0x3F80] =	sst s1;
	(tag) =	ssettag s2;
	_ =	strace s9  }
0x27: {  	s1 =	sld [smem:$0x3F90]  }
0x28: {  	s2 =	sld [smem:$0x3F91]  }
0x29: {  	s4 =	sld [smem:$0x3F93]  }
0x2a: {  	p0 =	seq.s32 s5, $0x0;
	s5 =	sld [smem:$0x3F94]  }
0x2b: {  	s6 =	sld [smem:$0x3F95]  }
0x2c: {  	s7 =	sld [smem:$0x3F96]  }
0x2d: {  	s3 =	simm.s32 $0x108;
	s8 =	sld [smem:$0x3F97]  }
0x2e: {  	s3 =	simm.s32 @!p0 $0x1082;
	s9 =	sld [smem:$0x3F98]  }
0x2f: {  	lr =	sadd.s32 s0, s3;
	s0 =	sld [smem:$0x3F8F]  }
0x30: {  	s3 =	sld [smem:$0x3F92]  }
0x31: {  	[smem:$0x3F9B] =	sst s10  }
0x32: {  	s10 =	sld [smem:$0x3F99];
	_ =	sdelay $0x3  }
0x33: {  	p0 =	seq.s32 s10, $0x1;
	s10 =	sld [smem:$0x3F9B];
	_ =	sdelay $0x3  }
0x34: {  	[smem:$0x3F9B] =	sst s10  }
0x35: {  	s10 =	sld [smem:$0x3F9A];
	_ =	sdelay $0x3  }
0x36: {  	p1 =	seq.s32 s10, $0x1;
	s10 =	sld [smem:$0x3F9B];
	_ =	sdelay $0x3  }
0x37: {  	[smem:$0x3F9B] =	sst s10  }
0x38: {  	s10 =	sld [smem:$0x3F9C]  }
0x39: {  	_ = 	snop;
	(pc) =	sbr.ind lr, $3  }
0x3a: {  	_ = 	snop  }
0x3b: {  	_ = 	snop  }
0x3c: {  	p2 =	seq.s32 s10, $0x1;
	s10 =	sld [smem:$0x3F9B]  }
0x3d: {  	_ =	shalt  }
0x3e: {  	_ =	shalt  }
0x3f: {  	_ =	shalt  }
0x40: {  	_ =	shalt  }
0x41: {  	_ =	shalt  }
0x42: {  	_ =	shalt  }
0x43: {  	_ =	shalt  }
0x44: {  	_ =	shalt  }
0x45: {  	_ =	shalt  }
0x46: {  	_ =	shalt  }
0x47: {  	_ =	shalt  }
0x48: {  	_ =	shalt  }
0x49: {  	_ =	shalt  }
0x4a: {  	_ =	shalt  }
0x4b: {  	_ =	shalt  }
0x4c: {  	_ =	shalt  }
0x4d: {  	_ =	shalt  }
0x4e: {  	_ =	shalt  }
0x4f: {  	_ =	shalt  }
0x50: {  	_ =	shalt  }
0x51: {  	_ =	shalt  }
0x52: {  	_ =	shalt  }
0x53: {  	_ =	shalt  }
0x54: {  	_ =	shalt  }
0x55: {  	_ =	shalt  }
0x56: {  	_ =	shalt  }
0x57: {  	_ =	shalt  }
0x58: {  	_ =	shalt  }
0x59: {  	_ =	shalt  }
0x5a: {  	_ =	shalt  }
0x5b: {  	_ =	shalt  }
0x5c: {  	_ =	shalt  }
0x5d: {  	_ =	shalt  }
0x5e: {  	_ =	shalt  }
0x5f: {  	_ =	shalt  }
0x60: {  	_ =	shalt  }
0x61: {  	_ =	shalt  }
0x62: {  	_ =	shalt  }
0x63: {  	_ =	shalt  }
0x64: {  	_ =	shalt  }
0x65: {  	_ =	shalt  }
0x66: {  	_ =	shalt  }
0x67: {  	_ =	shalt  }
0x68: {  	_ =	shalt  }
0x69: {  	_ =	shalt  }
0x6a: {  	_ =	shalt  }
0x6b: {  	_ =	shalt  }
0x6c: {  	_ =	shalt  }
0x6d: {  	_ =	shalt  }
0x6e: {  	_ =	shalt  }
0x6f: {  	_ =	shalt  }
0x70: {  	_ =	shalt  }
0x71: {  	_ =	shalt  }
0x72: {  	_ =	shalt  }
0x73: {  	_ =	shalt  }
0x74: {  	_ =	shalt  }
0x75: {  	_ =	shalt  }
0x76: {  	_ =	shalt  }
0x77: {  	_ =	shalt  }
0x78: {  	_ =	shalt  }
0x79: {  	_ =	shalt  }
0x7a: {  	_ =	shalt  }
0x7b: {  	_ =	shalt  }
0x7c: {  	_ =	shalt  }
0x7d: {  	_ =	shalt  }
0x7e: {  	_ =	shalt  }
0x7f: {  	_ =	shalt  }
0x80: {  	_ =	shalt  }
0x81: {  	_ =	shalt  }
0x82: {  	_ =	shalt  }
0x83: {  	_ =	shalt  }
0x84: {  	_ =	shalt  }
0x85: {  	_ =	shalt  }
0x86: {  	_ =	shalt  }
0x87: {  	_ =	shalt  }
.Lfunc_end0:
.L_simem_size_0:
called_computation_lowered:
.L_overlay_start_0:
0x88: {  	s2 =	sld [smem:$0x3FD9]  }
0x89: {  	s3 =	sld [smem:$0x3FFE];
	_ =	sdelay $0x1  }
0x8a: {  	s1 =	srdreg.scid  }
0x8b: {  	s0 =	sand.u32 $0x1, s1  }
0x8c: {  	s16 =	sshll.u32 s0, $0xA;
	s2 =	sadd.s32 s3, s2  }
0x8d: {  	s2 =	sadd.s32 s2, s16  }
0x8e: {  	[smem:$0x3FA7] =	sst s2  }
0x8f: {  	_ = 	snop  }
0x90: {  	(tm) =	ssettm $0x1  }
0x91: {  	s17 =	sld [smem:$0x3FFB];
	_ =	sdelay $0x3  }
0x92: {  	_ =	strace s17  }
0x93: {  	s2 =	sld [smem:$0x3FFC];
	_ =	sdelay $0x3  }
0x94: {  	_ =	strace s2  }
0x95: {  	s2 =	sld [smem:$0x3FFD];
	_ =	sdelay $0x3  }
0x96: {  	_ =	strace s2  }
0x97: {  	_ =	strace $0x8FFFFFFF  }
0x98: {  	s18 =	sld [smem:$0x3FDB];
	_ =	sdelay $0x1  }
0x99: {  	s19 =	simm.s32 $_scs_section_size  }
0x9a: {  	s4 =	simm.s32 $_size__tile_overlayer_lowered;
	s5 =	simm.s32 $_tile_overlayer_lowered  }
0x9b: {  	s22 =	simm.s32 $0x1BFF;
	s21 =	sshll.u32 s5, $0x1;
	s2 =	sadd.s32 s19, s18  }
0x9c: {  	s6 =	simm.s32 $0x0;
	s20 =	sshll.u32 s4, $0x1;
	s4 =	sadd.s32 s21, s2  }
0x9d: {  	[timem:s6], [sflag:s22] =	dma.local [hbm:s4], s20  }
0x9e: {  	_ =	swait.ge [sflag:s22], s20  }
0x9f: {  	s3 =	ssub.s32 $0x0, s20;
	[sflag:s22] =	ssyncset.done $0x0  }
0xa0: {  	[sflag:s22] =	ssyncadd.s32 s3;
	_ =	sdelay $0x1  }
0xa1: {  	s23 =	simm.s32 $0x1B8B  }
0xa2: {  	_ =	swait.ge [sflag:s23], $0x1  }
0xa3: {  	[sflag:s23] =	ssyncset.done $0x0  }
0xa4: {  	s25 =	simm.s32 $0x1B8E;
	s24 =	sld [smem:$0x3FFE];
	[sflag:s23] =	ssyncadd.s32 $0xFFFFFFFF  }
0xa5: {  	s26 =	simm.s32 $execute0_lowered;
	[smem:$0x3FD2] =	sst s25  }
0xa6: {  	s4 =	sshll.u32 s26, $0x1;
	_ =	strace $0x80000046;
	[dreg:$0x1] =	wrdreg $0xFFFFFFFF  }
0xa7: {  	s28 =	simm.s32 $_size_execute0_lowered;
	s2 =	sadd.s32 s2, s4;
	[dreg:$0x0] =	wrdreg $0x0  }
0xa8: {  	s4 =	sshll.u32 s28, $0x1;
	[dreg:$0x2] =	wrdreg s2  }
0xa9: {  	[dreg:$0x3] =	wrdreg s4  }
0xaa: {  	[dreg:$0x4] =	wrdreg $0xC0  }
0xab: {  	_ =	task [dreg:s6], $0x5FFFF  }
0xac: {  	[dreg:$0x1] =	wrdreg $0xFFFFFFFF  }
0xad: {  	[dreg:$0x0] =	wrdreg $0x60  }
0xae: {  	[dreg:$0x2] =	wrdreg s24  }
0xaf: {  	[dreg:$0x3] =	wrdreg $0x9  }
0xb0: {  	_ =	task.clear_ibuf [dreg:s6], $0x4FFFF;
	_ =	strace $0x90000046  }
0xb1: {  	s29 =	simm.s32 $0x9;
	_ =	strace $0x80000048  }
0xb2: {  	_ =	swait.ge [sflag:s29], $0x1  }
0xb3: {  	[sflag:s29] =	ssyncadd.s32 $0xFFFFFFFF  }
0xb4: {  	_ =	strace $0x90000048  }
0xb5: {  	_ =	sfence  }
0xb6: {  	s30 =	sld [smem:$0x0];
	_ =	sdelay $0x2  }
0xb7: {  	s31 =	sshll.u32 s1, $0xD;
	s1 =	sshrl.u32 s1, $0x2  }
0xb8: {  	s3 =	sand.u32 $0x4000, s31;
	s1 =	sadd.s32 s1, s30  }
0xb9: {  	s0 =	sor.u32 s3, s0;
	s1 =	sshll.u32 s1, $0x11  }
0xba: {  	s0 =	sor.u32 s1, s0  }
0xbb: {  	s0 =	sadd.s32 $0x8F2B, s0  }
0xbc: {  	[sflag:s0] =	ssyncadd.remote.s32 $0x1  }
0xbd: {  	_ =	sfence.sel $0xFFFF  }
0xbe: {  	[dreg:$0x0] =	wrdreg $0xFFFFFFFF;
	(pc) =	sbr.abs _section_cstart, $3  }
0xbf: {  	[dreg:$0x1] =	wrdreg $0xFFFFFFFF  }
0xc0: {  	_ =	task.clear_ibuf [dreg:s6], $0x2FFFF;
	_ =	strace $0x9FFFFFFF  }
0xc1: {  	(tm) =	ssettm $0x7FFFFFFF  }
tec
execute0_lowered:
.L_overlay_start_1:
0x0: {  	(tag) =	ssettag $0x1  }
0x1: {  	s1 =	srdreg.scid;
	s0 =	stileid.u32  }
0x2: {  	s1 =	sand.u32 $0x1, s1;
	s2 =	smul.u32 $0x2800, s0  }
0x3: {  	s3 =	smul.u32 $0x1400, s1;
	_ =	sdelay $0x1  }
0x4: {  	s5 =	rddreg [dreg:$0x0];
	s3 =	sadd.s32 s3, s2;
	s2 =	simm.s32 $0x0  }
0x5: {  	s17 =	simm.s32 $0x80;
	[smem:$0x7FF] =	sst s2  }
0x6: {  	s18 =	simm.s32 $0x900;
	_ =	strace $0x80000047;
	[dreg:$0x4] =	wrdreg s17  }
0x7: {  	s19 =	simm.s32 $0xD00;
	[dreg:$0x5] =	wrdreg s18  }
0x8: {  	s20 =	simm.s32 $0x1500;
	[dreg:$0x6] =	wrdreg s19  }
0x9: {  	s21 =	simm.s32 $0x1900;
	[dreg:$0x7] =	wrdreg s20  }
0xa: {  	s22 =	simm.s32 $0x2100;
	[dreg:$0x8] =	wrdreg s21  }
0xb: {  	s23 =	simm.s32 $0x2500;
	[dreg:$0x9] =	wrdreg s22  }
0xc: {  	s24 =	simm.s32 $0x2D00;
	[dreg:$0xa] =	wrdreg s23  }
0xd: {  	s25 =	simm.s32 $0x3100;
	[dreg:$0xb] =	wrdreg s24  }
0xe: {  	s26 =	simm.s32 $0x3900;
	[dreg:$0xc] =	wrdreg s25  }
0xf: {  	s30 =	simm.s32 $0x3D00;
	[dreg:$0xd] =	wrdreg s26  }
0x10: {  	s31 =	simm.s32 $0x4500;
	[dreg:$0xe] =	wrdreg s30  }
0x11: {  	s7 =	simm.s32 $0x5100;
	[dreg:$0xf] =	wrdreg s31  }
0x12: {  	s8 =	simm.s32 $0x5500;
	[dreg:$0x11] =	wrdreg s7  }
0x13: {  	s9 =	simm.s32 $0x6100;
	[dreg:$0x12] =	wrdreg s8  }
0x14: {  	s10 =	simm.s32 $0x6900;
	[dreg:$0x14] =	wrdreg s9  }
0x15: {  	s11 =	simm.s32 $0x6D00;
	[dreg:$0x15] =	wrdreg s10  }
0x16: {  	s12 =	simm.s32 $0x7500;
	s14 =	simm.s32 $0x7900;
	[dreg:$0x16] =	wrdreg s11  }
0x17: {  	s16 =	simm.s32 $0x8100;
	s28 =	simm.s32 $0x2;
	[dreg:$0x17] =	wrdreg s12  }
0x18: {  	s29 =	simm.s32 $0x0;
	s15 =	ssub.s32 $0x2, s1;
	[dreg:$0x18] =	wrdreg s14  }
0x19: {  	s1 =	smul.u32 $0x28000, s1;
	s7 =	simm.s32 $0x5D00;
	[dreg:$0x19] =	wrdreg s16  }
0x1a: {  	s6 =	sshrl.u32 s3, $0x3;
	s17 =	simm.s32 $0x8500;
	[dreg:$0x13] =	wrdreg s7  }
0x1b: {  	s3 =	sadd.s32 s6, s5;
	s18 =	simm.s32 $0x8D00;
	[dreg:$0x1a] =	wrdreg s17  }
0x1c: {  	s6 =	smul.u32 $0x180, s6;
	s19 =	simm.s32 $0x9100;
	[dreg:$0x1b] =	wrdreg s18  }
0x1d: {  	s8 =	smul.u32 $0x50000, s0;
	s20 =	simm.s32 $0x9900;
	[dreg:$0x1c] =	wrdreg s19  }
0x1e: {  	s10 =	sshrl.u32 s15, $0x1;
	s22 =	simm.s32 $0x9D00;
	[dreg:$0x1d] =	wrdreg s20  }
0x1f: {  	s23 =	simm.s32 $0xA500;
	s24 =	simm.s32 $0xA900;
	[dreg:$0x1e] =	wrdreg s22  }
0x20: {  	s25 =	simm.s32 $0xB100;
	s26 =	simm.s32 $0xB500;
	[dreg:$0x1f] =	wrdreg s23  }
0x21: {  	s30 =	simm.s32 $0xBD00;
	s11 =	simm.s32 $0xC100;
	[smem:$0x7F9] =	sst s24  }
0x22: {  	s31 =	simm.s32 $0xC900;
	s12 =	simm.s32 $0xD100;
	[smem:$0x7FA] =	sst s25  }
0x23: {  	s14 =	simm.s32 $0xE100;
	s16 =	simm.s32 $0xF100;
	[smem:$0x7FB] =	sst s26  }
0x24: {  	s4 =	sadd.s32 $0x20400, s3;
	s3 =	sadd.s32 $0x1B400, s3;
	[smem:$0x7FC] =	sst s30  }
0x25: {  	[smem:$0x7FD] =	sst s31;
	s17 =	simm.s32 $0xF900;
	s18 =	simm.s32 $0x10100  }
0x26: {  	s19 =	simm.s32 $0x10900;
	s20 =	simm.s32 $0x11100;
	s22 =	simm.s32 $0x12100  }
0x27: {  	s23 =	simm.s32 $0x12900;
	s24 =	simm.s32 $0x13100;
	[dreg:$0x2] =	wrdreg s4  }
0x28: {  	s25 =	simm.s32 $0x13900;
	s26 =	simm.s32 $0x1;
	[dreg:$0x3] =	wrdreg s3  }
0x29: {  	s4 =	simm.s32 $0x4900;
	s3 =	sadd.s32 $0x2A400, s5;
	s9 =	sadd.s32 s6, s5  }
0x2a: {  	s13 =	sadd.s32 s8, s5;
	s8 =	ssub.s32 s15, s10;
	s10 =	simm.s32 $0x100  }
0x2b: {  	s15 =	simm.s32 $0xE900;
	[dreg:$0x10] =	wrdreg s4;
	s4 =	sadd.s32 $0x9F800, s5  }
0x2c: {  	v2 =	vlaneseq.u32;
	s5 =	sadd.s32 $0x2A500, s5;
	s21 =	smax.u32 s8, $0x1;
	s1 =	sadd.s32 s1, s13  }
0x2d: {  	vm0 =	vmmov $0xffff;
	vm1 =	vmmov $0xff;
	v1 =	vshrl.u32 v2, $0x3;
	s8 =	sadd.s32 $0xEDA00, s9;
	s9 =	simm.s32 $0x3;
	s13 =	simm.s32 $0xD900  }
0x2e: {  	v0 =	vand.u32 $0x7, v2;
	v2 =	vor.u32 $0x8, v2;
	v1 =	vmul.u32 $0x8, v1;
	[smem:$0x7F8] =	sst s21;
	s7 =	sadd.s32 $0x86DA00, s1;
	s21 =	simm.s32 $0x11900  }
.LBB2_1:
0x2f: {  	s30 =	smov.u32 s8;
	s31 =	smov.u32 s7;
	s1 =	simm.s32 $0x0  }
.LBB2_2:
0x30: {  	s0 =	rddreg [dreg:$0x3]  }
0x31: {  	s0 =	sadd.s32 s1, s0  }
0x32: {  	[tilespmem:s2], [sflag:$0x3] =	stream.linear.gather [hbm4b:s0+s2], $0x80, $0x38;
	[tilespmem:$0x14100] =	vst v63  }
0x33: {  	_ =	swait.ge [sflag:s9], $0x80  }
0x34: {  	s0 =	rddreg [dreg:$0x2];
	[sflag:s9] =	ssyncset.done $0x0  }
0x35: {  	s6 =	rddreg [dreg:$0x4];
	[sflag:s9] =	ssyncadd.s32 $0xFFFFFF80;
	s0 =	sadd.s32 s1, s0  }
0x36: {  	[tilespmem:s6], [sflag:$0x3] =	stream.linear.gather [hbm4b:s0+s2], $0x80, $0x38;
	[tilespmem:$0x14100] =	vst v63  }
0x37: {  	_ =	swait.ge [sflag:s9], $0x80  }
0x38: {  	[sflag:s9] =	ssyncset.done $0x0  }
0x39: {  	[sflag:s9] =	ssyncadd.s32 $0xFFFFFF80  }
0x3a: {  	v3 =	vld [tilespmem:$0x0];
	_ =	sdelay $0x4  }
0x3b: {  	v4 =	vshrl.u32 v3, $0x3  }
0x3c: {  	v4 =	vmul.u32 $0x18, v4  }
0x3d: {  	v3 =	vand.u32 $0x7, v3  }
0x3e: {  	v3 =	vor.u32 v3, v4  }
0x3f: {  	v4 =	vperm.xlane v3, v0;
	_ =	sdelay $0x1  }
0x40: {  	v4 =	vadd.s32 v1, v4;
	_ =	sdelay $0x1  }
0x41: {  	v3 =	vperm.xlane v3, v2;
	_ =	sdelay $0x1  }
0x42: {  	v3 =	vadd.s32 v1, v3  }
0x43: {  	[tilespmem:s10], [sflag:$0x1] =	stream.indirect_vreg.gather [hbm4b:s3+s2], $0x80, v4, vm0, $0xb8;
	[tilespmem:$0x14100] =	vst v63  }
0x44: {  	s0 =	rddreg [dreg:$0x5]  }
0x45: {  	[tilespmem:s0], [sflag:$0x1] =	stream.indirect_vreg.gather [hbm4b:s5+s2], $0x80, v4, vm1, $0xb8;
	[tilespmem:$0x14100] =	vst v63  }
0x46: {  	s6 =	rddreg [dreg:$0x6]  }
0x47: {  	[tilespmem:s6], [sflag:$0x1] =	stream.indirect_vreg.gather [hbm4b:s3+s2], $0x80, v3, vm0, $0xb8;
	[tilespmem:$0x14100] =	vst v63  }
0x48: {  	s0 =	rddreg [dreg:$0x7]  }
0x49: {  	[tilespmem:s0], [sflag:$0x1] =	stream.indirect_vreg.gather [hbm4b:s5+s2], $0x80, v3, vm1, $0xb8;
	[tilespmem:$0x14100] =	vst v63  }
0x4a: {  	v3 =	vld [tilespmem:$0x10];
	_ =	sdelay $0x4  }
0x4b: {  	v49 =	vshrl.u32 v3, $0x3  }
0x4c: {  	v4 =	vmul.u32 $0x18, v49  }
0x4d: {  	v3 =	vand.u32 $0x7, v3  }
0x4e: {  	v3 =	vor.u32 v3, v4  }
0x4f: {  	v4 =	vperm.xlane v3, v0;
	_ =	sdelay $0x1  }
0x50: {  	v4 =	vadd.s32 v1, v4;
	_ =	sdelay $0x1  }
0x51: {  	v3 =	vperm.xlane v3, v2;
	_ =	sdelay $0x1  }
0x52: {  	s0 =	rddreg [dreg:$0x8];
	v3 =	vadd.s32 v1, v3  }
0x53: {  	[tilespmem:s0], [sflag:$0x1] =	stream.indirect_vreg.gather [hbm4b:s3+s2], $0x80, v4, vm0, $0xb8;
	[tilespmem:$0x14100] =	vst v63  }
0x54: {  	s6 =	rddreg [dreg:$0x9]  }
0x55: {  	[tilespmem:s6], [sflag:$0x1] =	stream.indirect_vreg.gather [hbm4b:s5+s2], $0x80, v4, vm1, $0xb8;
	[tilespmem:$0x14100] =	vst v63  }
0x56: {  	s0 =	rddreg [dreg:$0xa]  }
0x57: {  	[tilespmem:s0], [sflag:$0x1] =	stream.indirect_vreg.gather [hbm4b:s3+s2], $0x80, v3, vm0, $0xb8;
	[tilespmem:$0x14100] =	vst v63  }
0x58: {  	s6 =	rddreg [dreg:$0xb]  }
0x59: {  	[tilespmem:s6], [sflag:$0x1] =	stream.indirect_vreg.gather [hbm4b:s5+s2], $0x80, v3, vm1, $0xb8;
	[tilespmem:$0x14100] =	vst v63  }
0x5a: {  	v3 =	vld [tilespmem:$0x20];
	_ =	sdelay $0x4  }
0x5b: {  	v50 =	vshrl.u32 v3, $0x3  }
0x5c: {  	v4 =	vmul.u32 $0x18, v50  }
0x5d: {  	v3 =	vand.u32 $0x7, v3  }
0x5e: {  	v3 =	vor.u32 v3, v4  }
0x5f: {  	v4 =	vperm.xlane v3, v0;
	_ =	sdelay $0x1  }
0x60: {  	v4 =	vadd.s32 v1, v4;
	_ =	sdelay $0x1  }
0x61: {  	v3 =	vperm.xlane v3, v2;
	_ =	sdelay $0x1  }
0x62: {  	s0 =	rddreg [dreg:$0xc];
	v3 =	vadd.s32 v1, v3  }
0x63: {  	[tilespmem:s0], [sflag:$0x1] =	stream.indirect_vreg.gather [hbm4b:s3+s2], $0x80, v4, vm0, $0xb8;
	[tilespmem:$0x14100] =	vst v63  }
0x64: {  	s6 =	rddreg [dreg:$0xd]  }
0x65: {  	[tilespmem:s6], [sflag:$0x1] =	stream.indirect_vreg.gather [hbm4b:s5+s2], $0x80, v4, vm1, $0xb8;
	[tilespmem:$0x14100] =	vst v63  }
0x66: {  	s0 =	rddreg [dreg:$0xe]  }
0x67: {  	[tilespmem:s0], [sflag:$0x1] =	stream.indirect_vreg.gather [hbm4b:s3+s2], $0x80, v3, vm0, $0xb8;
	[tilespmem:$0x14100] =	vst v63  }
0x68: {  	s6 =	rddreg [dreg:$0xf]  }
0x69: {  	[tilespmem:s6], [sflag:$0x1] =	stream.indirect_vreg.gather [hbm4b:s5+s2], $0x80, v3, vm1, $0xb8;
	[tilespmem:$0x14100] =	vst v63  }
0x6a: {  	v3 =	vld [tilespmem:$0x30];
	_ =	sdelay $0x4  }
0x6b: {  	v51 =	vshrl.u32 v3, $0x3  }
0x6c: {  	v4 =	vmul.u32 $0x18, v51  }
0x6d: {  	v3 =	vand.u32 $0x7, v3  }
0x6e: {  	v3 =	vor.u32 v3, v4  }
0x6f: {  	v4 =	vperm.xlane v3, v0;
	_ =	sdelay $0x1  }
0x70: {  	v4 =	vadd.s32 v1, v4;
	_ =	sdelay $0x1  }
0x71: {  	v3 =	vperm.xlane v3, v2;
	_ =	sdelay $0x1  }
0x72: {  	s0 =	rddreg [dreg:$0x10];
	v3 =	vadd.s32 v1, v3  }
0x73: {  	[tilespmem:s0], [sflag:$0x1] =	stream.indirect_vreg.gather [hbm4b:s3+s2], $0x80, v4, vm0, $0xb8;
	[tilespmem:$0x14100] =	vst v63  }
0x74: {  	s6 =	rddreg [dreg:$0x11]  }
0x75: {  	[tilespmem:s6], [sflag:$0x1] =	stream.indirect_vreg.gather [hbm4b:s5+s2], $0x80, v4, vm1, $0xb8;
	[tilespmem:$0x14100] =	vst v63  }
0x76: {  	s0 =	rddreg [dreg:$0x12]  }
0x77: {  	[tilespmem:s0], [sflag:$0x1] =	stream.indirect_vreg.gather [hbm4b:s3+s2], $0x80, v3, vm0, $0xb8;
	[tilespmem:$0x14100] =	vst v63  }
0x78: {  	s6 =	rddreg [dreg:$0x13]  }
0x79: {  	[tilespmem:s6], [sflag:$0x1] =	stream.indirect_vreg.gather [hbm4b:s5+s2], $0x80, v3, vm1, $0xb8;
	[tilespmem:$0x14100] =	vst v63  }
0x7a: {  	v3 =	vld [tilespmem:$0x40];
	_ =	sdelay $0x4  }
0x7b: {  	v52 =	vshrl.u32 v3, $0x3  }
0x7c: {  	v4 =	vmul.u32 $0x18, v52  }
0x7d: {  	v3 =	vand.u32 $0x7, v3  }
0x7e: {  	v3 =	vor.u32 v3, v4  }
0x7f: {  	v4 =	vperm.xlane v3, v0;
	_ =	sdelay $0x1  }
0x80: {  	v4 =	vadd.s32 v1, v4;
	_ =	sdelay $0x1  }
0x81: {  	v3 =	vperm.xlane v3, v2;
	_ =	sdelay $0x1  }
0x82: {  	s0 =	rddreg [dreg:$0x14];
	v3 =	vadd.s32 v1, v3  }
0x83: {  	[tilespmem:s0], [sflag:$0x1] =	stream.indirect_vreg.gather [hbm4b:s3+s2], $0x80, v4, vm0, $0xb8;
	[tilespmem:$0x14100] =	vst v63  }
0x84: {  	s6 =	rddreg [dreg:$0x15]  }
0x85: {  	[tilespmem:s6], [sflag:$0x1] =	stream.indirect_vreg.gather [hbm4b:s5+s2], $0x80, v4, vm1, $0xb8;
	[tilespmem:$0x14100] =	vst v63  }
0x86: {  	s0 =	rddreg [dreg:$0x16]  }
0x87: {  	[tilespmem:s0], [sflag:$0x1] =	stream.indirect_vreg.gather [hbm4b:s3+s2], $0x80, v3, vm0, $0xb8;
	[tilespmem:$0x14100] =	vst v63  }
0x88: {  	s6 =	rddreg [dreg:$0x17]  }
0x89: {  	[tilespmem:s6], [sflag:$0x1] =	stream.indirect_vreg.gather [hbm4b:s5+s2], $0x80, v3, vm1, $0xb8;
	[tilespmem:$0x14100] =	vst v63  }
0x8a: {  	v3 =	vld [tilespmem:$0x50];
	_ =	sdelay $0x4  }
0x8b: {  	v53 =	vshrl.u32 v3, $0x3  }
0x8c: {  	v4 =	vmul.u32 $0x18, v53  }
0x8d: {  	v3 =	vand.u32 $0x7, v3  }
0x8e: {  	v3 =	vor.u32 v3, v4  }
0x8f: {  	v4 =	vperm.xlane v3, v0;
	_ =	sdelay $0x1  }
0x90: {  	v4 =	vadd.s32 v1, v4;
	_ =	sdelay $0x1  }
0x91: {  	v3 =	vperm.xlane v3, v2;
	_ =	sdelay $0x1  }
0x92: {  	s0 =	rddreg [dreg:$0x18];
	v3 =	vadd.s32 v1, v3  }
0x93: {  	[tilespmem:s0], [sflag:$0x1] =	stream.indirect_vreg.gather [hbm4b:s3+s2], $0x80, v4, vm0, $0xb8;
	[tilespmem:$0x14100] =	vst v63  }
0x94: {  	s6 =	rddreg [dreg:$0x19]  }
0x95: {  	[tilespmem:s6], [sflag:$0x1] =	stream.indirect_vreg.gather [hbm4b:s5+s2], $0x80, v4, vm1, $0xb8;
	[tilespmem:$0x14100] =	vst v63  }
0x96: {  	s0 =	rddreg [dreg:$0x1a]  }
0x97: {  	[tilespmem:s0], [sflag:$0x1] =	stream.indirect_vreg.gather [hbm4b:s3+s2], $0x80, v3, vm0, $0xb8;
	[tilespmem:$0x14100] =	vst v63  }
0x98: {  	s6 =	rddreg [dreg:$0x1b]  }
0x99: {  	[tilespmem:s6], [sflag:$0x1] =	stream.indirect_vreg.gather [hbm4b:s5+s2], $0x80, v3, vm1, $0xb8;
	[tilespmem:$0x14100] =	vst v63  }
0x9a: {  	v3 =	vld [tilespmem:$0x60];
	_ =	sdelay $0x4  }
0x9b: {  	v54 =	vshrl.u32 v3, $0x3  }
0x9c: {  	v4 =	vmul.u32 $0x18, v54  }
0x9d: {  	v3 =	vand.u32 $0x7, v3  }
0x9e: {  	v3 =	vor.u32 v3, v4  }
0x9f: {  	v4 =	vperm.xlane v3, v0;
	_ =	sdelay $0x1  }
0xa0: {  	v4 =	vadd.s32 v1, v4;
	_ =	sdelay $0x1  }
0xa1: {  	v3 =	vperm.xlane v3, v2;
	_ =	sdelay $0x1  }
0xa2: {  	s0 =	rddreg [dreg:$0x1c];
	v3 =	vadd.s32 v1, v3  }
0xa3: {  	[tilespmem:s0], [sflag:$0x1] =	stream.indirect_vreg.gather [hbm4b:s3+s2], $0x80, v4, vm0, $0xb8;
	[tilespmem:$0x14100] =	vst v63  }
0xa4: {  	s6 =	rddreg [dreg:$0x1d]  }
0xa5: {  	[tilespmem:s6], [sflag:$0x1] =	stream.indirect_vreg.gather [hbm4b:s5+s2], $0x80, v4, vm1, $0xb8;
	[tilespmem:$0x14100] =	vst v63  }
0xa6: {  	s0 =	rddreg [dreg:$0x1e]  }
0xa7: {  	[tilespmem:s0], [sflag:$0x1] =	stream.indirect_vreg.gather [hbm4b:s3+s2], $0x80, v3, vm0, $0xb8;
	[tilespmem:$0x14100] =	vst v63  }
0xa8: {  	s6 =	rddreg [dreg:$0x1f]  }
0xa9: {  	[tilespmem:s6], [sflag:$0x1] =	stream.indirect_vreg.gather [hbm4b:s5+s2], $0x80, v3, vm1, $0xb8;
	[tilespmem:$0x14100] =	vst v63  }
0xaa: {  	v3 =	vld [tilespmem:$0x70];
	_ =	sdelay $0x4  }
0xab: {  	v55 =	vshrl.u32 v3, $0x3  }
0xac: {  	v4 =	vmul.u32 $0x18, v55  }
0xad: {  	v3 =	vand.u32 $0x7, v3  }
0xae: {  	v3 =	vor.u32 v3, v4  }
0xaf: {  	v4 =	vperm.xlane v3, v0;
	_ =	sdelay $0x1  }
0xb0: {  	v4 =	vadd.s32 v1, v4;
	_ =	sdelay $0x1  }
0xb1: {  	s0 =	sld [smem:$0x7F9];
	v3 =	vperm.xlane v3, v2;
	_ =	sdelay $0x1  }
0xb2: {  	s6 =	sld [smem:$0x7FA];
	v3 =	vadd.s32 v1, v3  }
0xb3: {  	[tilespmem:s0], [sflag:$0x1] =	stream.indirect_vreg.gather [hbm4b:s3+s2], $0x80, v4, vm0, $0xb8;
	[tilespmem:$0x14100] =	vst v63  }
0xb4: {  	s0 =	sld [smem:$0x7FB]  }
0xb5: {  	[tilespmem:s6], [sflag:$0x1] =	stream.indirect_vreg.gather [hbm4b:s5+s2], $0x80, v4, vm1, $0xb8;
	[tilespmem:$0x14100] =	vst v63  }
0xb6: {  	s6 =	sld [smem:$0x7FC]  }
0xb7: {  	[tilespmem:s0], [sflag:$0x1] =	stream.indirect_vreg.gather [hbm4b:s3+s2], $0x80, v3, vm0, $0xb8;
	[tilespmem:$0x14100] =	vst v63  }
0xb8: {  	_ = 	snop  }
0xb9: {  	[tilespmem:s6], [sflag:$0x1] =	stream.indirect_vreg.gather [hbm4b:s5+s2], $0x80, v3, vm1, $0xb8;
	[tilespmem:$0x14100] =	vst v63  }
0xba: {  	v3 =	vld [tilespmem:$0x80];
	_ =	sdelay $0x4  }
0xbb: {  	v56 =	vshll.u32 v3, $0x1  }
0xbc: {  	v3 =	vand.u32 $0x7, v3;
	v4 =	vand.u32 $0xFFFFFFF0, v56  }
0xbd: {  	v3 =	vor.u32 v3, v4  }
0xbe: {  	v4 =	vperm.xlane v3, v0;
	_ =	sdelay $0x1  }
0xbf: {  	v3 =	vperm.xlane v3, v2;
	v4 =	vadd.s32 v1, v4;
	_ =	sdelay $0x1  }
0xc0: {  	v3 =	vadd.s32 v1, v3;
	_ =	sdelay $0x1  }
0xc1: {  	s6 =	sld [smem:$0x7FD]  }
0xc2: {  	[tilespmem:s11], [sflag:$0x2] =	stream.indirect_vreg.gather [hbm4b:s4+s2], $0x80, v4, vm0, $0xb8;
	[tilespmem:$0x14100] =	vst v63  }
0xc3: {  	_ = 	snop  }
0xc4: {  	[tilespmem:s6], [sflag:$0x2] =	stream.indirect_vreg.gather [hbm4b:s4+s2], $0x80, v3, vm0, $0xb8;
	[tilespmem:$0x14100] =	vst v63  }
0xc5: {  	v3 =	vld [tilespmem:$0x90];
	_ =	sdelay $0x4  }
0xc6: {  	v57 =	vshll.u32 v3, $0x1  }
0xc7: {  	v3 =	vand.u32 $0x7, v3;
	v4 =	vand.u32 $0xFFFFFFF0, v57  }
0xc8: {  	v3 =	vor.u32 v3, v4  }
0xc9: {  	v4 =	vperm.xlane v3, v0;
	_ =	sdelay $0x1  }
0xca: {  	v3 =	vperm.xlane v3, v2;
	v4 =	vadd.s32 v1, v4;
	_ =	sdelay $0x1  }
0xcb: {  	v3 =	vadd.s32 v1, v3;
	_ =	sdelay $0x2  }
0xcc: {  	[tilespmem:s12], [sflag:$0x2] =	stream.indirect_vreg.gather [hbm4b:s4+s2], $0x80, v4, vm0, $0xb8;
	[tilespmem:$0x14100] =	vst v63  }
0xcd: {  	_ = 	snop  }
0xce: {  	[tilespmem:s13], [sflag:$0x2] =	stream.indirect_vreg.gather [hbm4b:s4+s2], $0x80, v3, vm0, $0xb8;
	[tilespmem:$0x14100] =	vst v63  }
0xcf: {  	v3 =	vld [tilespmem:$0xA0];
	_ =	sdelay $0x4  }
0xd0: {  	v58 =	vshll.u32 v3, $0x1  }
0xd1: {  	v3 =	vand.u32 $0x7, v3;
	v4 =	vand.u32 $0xFFFFFFF0, v58  }
0xd2: {  	v3 =	vor.u32 v3, v4  }
0xd3: {  	v4 =	vperm.xlane v3, v0;
	_ =	sdelay $0x1  }
0xd4: {  	v3 =	vperm.xlane v3, v2;
	v4 =	vadd.s32 v1, v4;
	_ =	sdelay $0x1  }
0xd5: {  	v3 =	vadd.s32 v1, v3;
	_ =	sdelay $0x2  }
0xd6: {  	[tilespmem:s14], [sflag:$0x2] =	stream.indirect_vreg.gather [hbm4b:s4+s2], $0x80, v4, vm0, $0xb8;
	[tilespmem:$0x14100] =	vst v63  }
0xd7: {  	_ = 	snop  }
0xd8: {  	[tilespmem:s15], [sflag:$0x2] =	stream.indirect_vreg.gather [hbm4b:s4+s2], $0x80, v3, vm0, $0xb8;
	[tilespmem:$0x14100] =	vst v63  }
0xd9: {  	v3 =	vld [tilespmem:$0xB0];
	_ =	sdelay $0x4  }
0xda: {  	v59 =	vshll.u32 v3, $0x1  }
0xdb: {  	v3 =	vand.u32 $0x7, v3;
	v4 =	vand.u32 $0xFFFFFFF0, v59  }
0xdc: {  	v3 =	vor.u32 v3, v4  }
0xdd: {  	v4 =	vperm.xlane v3, v0;
	_ =	sdelay $0x1  }
0xde: {  	v3 =	vperm.xlane v3, v2;
	v4 =	vadd.s32 v1, v4;
	_ =	sdelay $0x1  }
0xdf: {  	v3 =	vadd.s32 v1, v3;
	_ =	sdelay $0x2  }
0xe0: {  	[tilespmem:s16], [sflag:$0x2] =	stream.indirect_vreg.gather [hbm4b:s4+s2], $0x80, v4, vm0, $0xb8;
	[tilespmem:$0x14100] =	vst v63  }
0xe1: {  	_ = 	snop  }
0xe2: {  	[tilespmem:s17], [sflag:$0x2] =	stream.indirect_vreg.gather [hbm4b:s4+s2], $0x80, v3, vm0, $0xb8;
	[tilespmem:$0x14100] =	vst v63  }
0xe3: {  	v3 =	vld [tilespmem:$0xC0];
	_ =	sdelay $0x4  }
0xe4: {  	v60 =	vshll.u32 v3, $0x1  }
0xe5: {  	v3 =	vand.u32 $0x7, v3;
	v4 =	vand.u32 $0xFFFFFFF0, v60  }
0xe6: {  	v3 =	vor.u32 v3, v4  }
0xe7: {  	v4 =	vperm.xlane v3, v0;
	_ =	sdelay $0x1  }
0xe8: {  	v3 =	vperm.xlane v3, v2;
	v4 =	vadd.s32 v1, v4;
	_ =	sdelay $0x1  }
0xe9: {  	v3 =	vadd.s32 v1, v3;
	_ =	sdelay $0x2  }
0xea: {  	[tilespmem:s18], [sflag:$0x2] =	stream.indirect_vreg.gather [hbm4b:s4+s2], $0x80, v4, vm0, $0xb8;
	[tilespmem:$0x14100] =	vst v63  }
0xeb: {  	_ = 	snop  }
0xec: {  	[tilespmem:s19], [sflag:$0x2] =	stream.indirect_vreg.gather [hbm4b:s4+s2], $0x80, v3, vm0, $0xb8;
	[tilespmem:$0x14100] =	vst v63  }
0xed: {  	v3 =	vld [tilespmem:$0xD0];
	_ =	sdelay $0x4  }
0xee: {  	v61 =	vshll.u32 v3, $0x1  }
0xef: {  	v3 =	vand.u32 $0x7, v3;
	v4 =	vand.u32 $0xFFFFFFF0, v61  }
0xf0: {  	v3 =	vor.u32 v3, v4  }
0xf1: {  	v4 =	vperm.xlane v3, v0;
	_ =	sdelay $0x1  }
0xf2: {  	v3 =	vperm.xlane v3, v2;
	v4 =	vadd.s32 v1, v4;
	_ =	sdelay $0x1  }
0xf3: {  	v3 =	vadd.s32 v1, v3;
	_ =	sdelay $0x2  }
0xf4: {  	[tilespmem:s20], [sflag:$0x2] =	stream.indirect_vreg.gather [hbm4b:s4+s2], $0x80, v4, vm0, $0xb8;
	[tilespmem:$0x14100] =	vst v63  }
0xf5: {  	_ = 	snop  }
0xf6: {  	[tilespmem:s21], [sflag:$0x2] =	stream.indirect_vreg.gather [hbm4b:s4+s2], $0x80, v3, vm0, $0xb8;
	[tilespmem:$0x14100] =	vst v63  }
0xf7: {  	v3 =	vld [tilespmem:$0xE0];
	_ =	sdelay $0x4  }
0xf8: {  	v62 =	vshll.u32 v3, $0x1  }
0xf9: {  	v3 =	vand.u32 $0x7, v3;
	v4 =	vand.u32 $0xFFFFFFF0, v62  }
0xfa: {  	v3 =	vor.u32 v3, v4  }
0xfb: {  	v4 =	vperm.xlane v3, v0;
	_ =	sdelay $0x1  }
0xfc: {  	v3 =	vperm.xlane v3, v2;
	v4 =	vadd.s32 v1, v4;
	_ =	sdelay $0x1  }
0xfd: {  	v3 =	vadd.s32 v1, v3;
	_ =	sdelay $0x2  }
0xfe: {  	[tilespmem:s22], [sflag:$0x2] =	stream.indirect_vreg.gather [hbm4b:s4+s2], $0x80, v4, vm0, $0xb8;
	[tilespmem:$0x14100] =	vst v63  }
0xff: {  	_ = 	snop  }
0x100: {  	[tilespmem:s23], [sflag:$0x2] =	stream.indirect_vreg.gather [hbm4b:s4+s2], $0x80, v3, vm0, $0xb8;
	[tilespmem:$0x14100] =	vst v63  }
0x101: {  	v3 =	vld [tilespmem:$0xF0];
	_ =	sdelay $0x4  }
0x102: {  	v63 =	vshll.u32 v3, $0x1  }
0x103: {  	v3 =	vand.u32 $0x7, v3;
	v4 =	vand.u32 $0xFFFFFFF0, v63  }
0x104: {  	v3 =	vor.u32 v3, v4  }
0x105: {  	v4 =	vperm.xlane v3, v0;
	_ =	sdelay $0x1  }
0x106: {  	v3 =	vperm.xlane v3, v2;
	v4 =	vadd.s32 v1, v4;
	_ =	sdelay $0x1  }
0x107: {  	v3 =	vadd.s32 v1, v3;
	_ =	sdelay $0x2  }
0x108: {  	[tilespmem:s24], [sflag:$0x2] =	stream.indirect_vreg.gather [hbm4b:s4+s2], $0x80, v4, vm0, $0xb8;
	[tilespmem:$0x14100] =	vst v63  }
0x109: {  	_ = 	snop  }
0x10a: {  	[tilespmem:s25], [sflag:$0x2] =	stream.indirect_vreg.gather [hbm4b:s4+s2], $0x80, v3, vm0, $0xb8;
	[tilespmem:$0x14100] =	vst v63  }
0x10b: {  	_ =	swait.ge [sflag:s26], $0xC000  }
0x10c: {  	[sflag:s26] =	ssyncset.done $0x0  }
0x10d: {  	[sflag:s26] =	ssyncadd.s32 $0xFFFF4000  }
0x10e: {  	_ =	swait.ge [sflag:s28], $0x8000  }
0x10f: {  	[sflag:s28] =	ssyncset.done $0x0  }
0x110: {  	[sflag:s28] =	ssyncadd.s32 $0xFFFF8000  }
0x111: {  	[hbm4b:s30+s2] =	stream.linear.scatter [tilespmem:s10], [sflag:$0x3], $0xC000, $0x38;
	[tilespmem:$0x14100] =	vst v63  }
0x112: {  	_ =	swait.ge [sflag:s9], $0xC000  }
0x113: {  	p0 =	sne.s32 s1, $0x270;
	[sflag:s9] =	ssyncset.done $0x0  }
.Ltmp0:
0x114: {  	[sflag:s9] =	ssyncadd.s32 $0xFFFF4000;
	(pc) =	sbr.rel @p0 .LBB2_2-.Ltmp0, $4  }
0x115: {  	[hbm4b:s31+s2] =	stream.linear.scatter [tilespmem:s11], [sflag:$0x3], $0x8000, $0x38;
	[tilespmem:$0x14100] =	vst v63  }
0x116: {  	_ =	swait.ge [sflag:s9], $0x8000  }
0x117: {  	s1 =	sadd.s32 $0x10, s1;
	[sflag:s9] =	ssyncset.done $0x0  }
0x118: {  	s30 =	sadd.s32 $0x1800, s30;
	s31 =	sadd.s32 $0x1000, s31;
	[sflag:s9] =	ssyncadd.s32 $0xFFFF8000  }
0x119: {  	s0 =	sld [smem:$0x7F8];
	_ =	sdelay $0x1  }
0x11a: {  	s29 =	sadd.s32 $0x1, s29  }
0x11b: {  	p0 =	sne.s32 s29, s0  }
.Ltmp1:
0x11c: {  	_ = 	snop;
	(pc) =	sbr.rel @p0 .LBB2_1-.Ltmp1, $1  }
0x11d: {  	_ =	sdelay $0x3  }
0x11e: {  	_ =	sfence.sel $0x180000  }
0x11f: {  	[bflag:$0x0] =	sbarrier.arrive $0xFFFF  }
0x120: {  	_ =	strace $0x90000047  }
0x121: {  	s0 =	stileid.u32;
	[bflag:$0x2] =	sbarrier.arrive $0xFFFF  }
0x122: {  	p0 =	sne.s32 s0, $0x0;
	s0 =	rddreg [dreg:$0x1]  }
0x123: {  	s0 =	sadd.s32 @!p0 $0x100000, s0  }
0x124: {  	[sflag:s0] =	ssyncadd.tile.s32 @!p0 $0x1;
	_ =	shalt  }
.Lfunc_end2:
_tile_overlayer_lowered:
.L_overlay_start_2:
0x125: {  	(tag) =	ssettag $0x2  }
0x126: {  	s0 =	rddreg [dreg:$0x0];
	s2 =	stileid.u32  }
0x127: {  	s1 =	rddreg [dreg:$0x1];
	p0 =	sne.s32 s2, $0x0  }
0x128: {  	s3 =	rddreg [dreg:$0x2];
	[bflag:$0x3] =	sbarrier.arrive $0xFFFF;
	s2 =	simm.s32 @!p0 $0x1C03  }
0x129: {  	[timem:s3], [sflag:s2] =	dma.local @!p0 [hbm:s0], s1  }
0x12a: {  	s0 =	simm.s32 @!p0 $0x3  }
0x12b: {  	_ =	swait.ge @!p0 [sflag:s0], s1  }
0x12c: {  	s1 =	ssub.s32 @!p0 $0x0, s1;
	[sflag:s0] =	ssyncset.done @!p0 $0x0  }
0x12d: {  	[sflag:s0] =	ssyncadd.s32 @!p0 s1  }
0x12e: {  	[bflag:$0x3] =	sbarrier.arrive $0xFFFF  }
0x12f: {  	_ =	shalt  }

// kernel: kernel.33.cloned.1.call-start
scs
__scs_entry_jumppad:
0x0: {  	(pc) =	sbr.rel $0x88, $3  }
0x1: {  	(tag) =	ssettag $0x0;
	lr =	simm.s32 $0x1  }
0x2: {  	[smem:$0x3F80] =	sst lr;
	_ =	strace $0xD0000000  }
0x3: {  	_ = 	snop  }
0x4: {  	_ = 	snop  }
0x5: {  	_ = 	snop  }
0x6: {  	_ = 	snop  }
0x7: {  	_ = 	snop  }
__scs_overlays_trampoline_lowered:
0x8: {  	[smem:$0x3F8F] =	sst s0  }
0x9: {  	[smem:$0x3F90] =	sst s1  }
0xa: {  	[smem:$0x3F91] =	sst s2  }
0xb: {  	[smem:$0x3F92] =	sst s3  }
0xc: {  	[smem:$0x3F93] =	sst s4  }
0xd: {  	[smem:$0x3F94] =	sst s5  }
0xe: {  	[smem:$0x3F95] =	sst s6  }
0xf: {  	[smem:$0x3F96] =	sst s7  }
0x10: {  	[smem:$0x3F97] =	sst s8  }
0x11: {  	[smem:$0x3F98] =	sst s9;
	s0 =	simm.s32 @!p0 $0x0  }
0x12: {  	s1 =	sld [smem:$0x3F7E];
	s0 =	simm.s32 @p0 $0x1  }
0x13: {  	[smem:$0x3F99] =	sst s0;
	s0 =	simm.s32 @!p1 $0x0  }
0x14: {  	s2 =	sld [smem:$0x3F7D];
	s0 =	simm.s32 @p1 $0x1  }
0x15: {  	[smem:$0x3F9A] =	sst s0;
	s0 =	simm.s32 @!p2 $0x0  }
0x16: {  	s3 =	sld [smem:$0x3FDB];
	s0 =	simm.s32 @p2 $0x1  }
0x17: {  	s4 =	simm.s32 $0x1BF5;
	[smem:$0x3F9C] =	sst s0  }
0x18: {  	s0 =	sld [smem:$0x3F7F];
	_ =	swait.ge [sflag:s4], $0x0  }
0x19: {  	s7 =	sld [smem:$0x3F80]  }
0x1a: {  	s8 =	sadd.s32 $0xFFFFE003, lr  }
0x1b: {  	s9 =	sadd.s32 $0xFFFFFEF7, lr;
	s5 =	simm.s32 $0xFFFFFFFF;
	p2 =	slt.u32 s8, $0xFFFFF086  }
0x1c: {  	p1 =	slt.u32 s9, $0xF7A;
	s5 =	simm.s32 @!p2 $0x0  }
0x1d: {  	s5 =	simm.s32 @p1 $0x1;
	p0 =	seq.s32 s7, s2  }
0x1e: {  	s7 =	smul.u32 @!p0 $0xF7A, s2;
	p2 =	seq.s32 @!p0 s5, $0x0  }
0x1f: {  	s9 =	smul.u32 $0xF7A, s1;
	s8 =	simm.s32 @!p0 $0x1BF5;
	p2 =	por !p2, p0  }
0x20: {  	[sflag:s8] =	ssyncset.s32 @!p0 $0xFFFFF086;
	s6 =	sadd.s32 @!p0 s3, s7;
	s7 =	simm.s32 @!p0 $0x108  }
0x21: {  	s3 =	sadd.s32 s3, s9;
	s6 =	sadd.s32 @!p0 $0x88, s6;
	s7 =	simm.s32 @p2 $0x1082  }
0x22: {  	[simem:s7], [sflag:s8] =	dma.local @!p0 [hbm:s6], $0xF7A  }
0x23: {  	s9 =	sor.u32 $0xD0000000, s2;
	s6 =	simm.s32 $0x108;
	_ =	swait.ge @!p0 [sflag:s8], $0x0  }
0x24: {  	s3 =	sadd.s32 $0x88, s3;
	s6 =	simm.s32 @!p1 $0x1082;
	[sflag:s4] =	ssyncset.s32 $0xFFFFF086  }
0x25: {  	[simem:s6], [sflag:s4] =	dma.local [hbm:s3], $0xF7A  }
0x26: {  	[smem:$0x3F80] =	sst s1;
	(tag) =	ssettag s2;
	_ =	strace s9  }
0x27: {  	s1 =	sld [smem:$0x3F90]  }
0x28: {  	s2 =	sld [smem:$0x3F91]  }
0x29: {  	s4 =	sld [smem:$0x3F93]  }
0x2a: {  	p0 =	seq.s32 s5, $0x0;
	s5 =	sld [smem:$0x3F94]  }
0x2b: {  	s6 =	sld [smem:$0x3F95]  }
0x2c: {  	s7 =	sld [smem:$0x3F96]  }
0x2d: {  	s3 =	simm.s32 $0x108;
	s8 =	sld [smem:$0x3F97]  }
0x2e: {  	s3 =	simm.s32 @!p0 $0x1082;
	s9 =	sld [smem:$0x3F98]  }
0x2f: {  	lr =	sadd.s32 s0, s3;
	s0 =	sld [smem:$0x3F8F]  }
0x30: {  	s3 =	sld [smem:$0x3F92]  }
0x31: {  	[smem:$0x3F9B] =	sst s10  }
0x32: {  	s10 =	sld [smem:$0x3F99];
	_ =	sdelay $0x3  }
0x33: {  	p0 =	seq.s32 s10, $0x1;
	s10 =	sld [smem:$0x3F9B];
	_ =	sdelay $0x3  }
0x34: {  	[smem:$0x3F9B] =	sst s10  }
0x35: {  	s10 =	sld [smem:$0x3F9A];
	_ =	sdelay $0x3  }
0x36: {  	p1 =	seq.s32 s10, $0x1;
	s10 =	sld [smem:$0x3F9B];
	_ =	sdelay $0x3  }
0x37: {  	[smem:$0x3F9B] =	sst s10  }
0x38: {  	s10 =	sld [smem:$0x3F9C]  }
0x39: {  	_ = 	snop;
	(pc) =	sbr.ind lr, $3  }
0x3a: {  	_ = 	snop  }
0x3b: {  	_ = 	snop  }
0x3c: {  	p2 =	seq.s32 s10, $0x1;
	s10 =	sld [smem:$0x3F9B]  }
0x3d: {  	_ =	shalt  }
0x3e: {  	_ =	shalt  }
0x3f: {  	_ =	shalt  }
0x40: {  	_ =	shalt  }
0x41: {  	_ =	shalt  }
0x42: {  	_ =	shalt  }
0x43: {  	_ =	shalt  }
0x44: {  	_ =	shalt  }
0x45: {  	_ =	shalt  }
0x46: {  	_ =	shalt  }
0x47: {  	_ =	shalt  }
0x48: {  	_ =	shalt  }
0x49: {  	_ =	shalt  }
0x4a: {  	_ =	shalt  }
0x4b: {  	_ =	shalt  }
0x4c: {  	_ =	shalt  }
0x4d: {  	_ =	shalt  }
0x4e: {  	_ =	shalt  }
0x4f: {  	_ =	shalt  }
0x50: {  	_ =	shalt  }
0x51: {  	_ =	shalt  }
0x52: {  	_ =	shalt  }
0x53: {  	_ =	shalt  }
0x54: {  	_ =	shalt  }
0x55: {  	_ =	shalt  }
0x56: {  	_ =	shalt  }
0x57: {  	_ =	shalt  }
0x58: {  	_ =	shalt  }
0x59: {  	_ =	shalt  }
0x5a: {  	_ =	shalt  }
0x5b: {  	_ =	shalt  }
0x5c: {  	_ =	shalt  }
0x5d: {  	_ =	shalt  }
0x5e: {  	_ =	shalt  }
0x5f: {  	_ =	shalt  }
0x60: {  	_ =	shalt  }
0x61: {  	_ =	shalt  }
0x62: {  	_ =	shalt  }
0x63: {  	_ =	shalt  }
0x64: {  	_ =	shalt  }
0x65: {  	_ =	shalt  }
0x66: {  	_ =	shalt  }
0x67: {  	_ =	shalt  }
0x68: {  	_ =	shalt  }
0x69: {  	_ =	shalt  }
0x6a: {  	_ =	shalt  }
0x6b: {  	_ =	shalt  }
0x6c: {  	_ =	shalt  }
0x6d: {  	_ =	shalt  }
0x6e: {  	_ =	shalt  }
0x6f: {  	_ =	shalt  }
0x70: {  	_ =	shalt  }
0x71: {  	_ =	shalt  }
0x72: {  	_ =	shalt  }
0x73: {  	_ =	shalt  }
0x74: {  	_ =	shalt  }
0x75: {  	_ =	shalt  }
0x76: {  	_ =	shalt  }
0x77: {  	_ =	shalt  }
0x78: {  	_ =	shalt  }
0x79: {  	_ =	shalt  }
0x7a: {  	_ =	shalt  }
0x7b: {  	_ =	shalt  }
0x7c: {  	_ =	shalt  }
0x7d: {  	_ =	shalt  }
0x7e: {  	_ =	shalt  }
0x7f: {  	_ =	shalt  }
0x80: {  	_ =	shalt  }
0x81: {  	_ =	shalt  }
0x82: {  	_ =	shalt  }
0x83: {  	_ =	shalt  }
0x84: {  	_ =	shalt  }
0x85: {  	_ =	shalt  }
0x86: {  	_ =	shalt  }
0x87: {  	_ =	shalt  }
.Lfunc_end0:
.L_simem_size_0:
called_computation.1_lowered:
.L_overlay_start_0:
0x88: {  	s0 =	sld [smem:$0x3FD9]  }
0x89: {  	s1 =	sld [smem:$0x3FFE];
	_ =	sdelay $0x3  }
0x8a: {  	s0 =	sadd.s32 s1, s0  }
0x8b: {  	[smem:$0x3FA7] =	sst s0  }
0x8c: {  	_ = 	snop  }
0x8d: {  	(tm) =	ssettm $0x1  }
0x8e: {  	s15 =	sld [smem:$0x3FFB];
	_ =	sdelay $0x3  }
0x8f: {  	_ =	strace s15  }
0x90: {  	s0 =	sld [smem:$0x3FFC];
	_ =	sdelay $0x3  }
0x91: {  	_ =	strace s0  }
0x92: {  	s0 =	sld [smem:$0x3FFD];
	_ =	sdelay $0x3  }
0x93: {  	_ =	strace s0  }
0x94: {  	_ =	strace $0x8FFFFFFF  }
0x95: {  	s16 =	sld [smem:$0x3FDB];
	_ =	sdelay $0x1  }
0x96: {  	s17 =	simm.s32 $_scs_section_size  }
0x97: {  	s2 =	simm.s32 $_size__tile_overlayer_lowered;
	s3 =	simm.s32 $_tile_overlayer_lowered  }
0x98: {  	s20 =	simm.s32 $0x1BFF;
	s19 =	sshll.u32 s3, $0x1;
	s0 =	sadd.s32 s17, s16  }
0x99: {  	s4 =	simm.s32 $0x0;
	s18 =	sshll.u32 s2, $0x1;
	s2 =	sadd.s32 s19, s0  }
0x9a: {  	[timem:s4], [sflag:s20] =	dma.local [hbm:s2], s18  }
0x9b: {  	_ =	swait.ge [sflag:s20], s18  }
0x9c: {  	s1 =	ssub.s32 $0x0, s18;
	[sflag:s20] =	ssyncset.done $0x0  }
0x9d: {  	[sflag:s20] =	ssyncadd.s32 s1;
	_ =	sdelay $0x1  }
0x9e: {  	s21 =	simm.s32 $0x1B8B  }
0x9f: {  	_ =	swait.ge [sflag:s21], $0x1  }
0xa0: {  	[sflag:s21] =	ssyncset.done $0x0  }
0xa1: {  	s23 =	simm.s32 $0x1B8E;
	s22 =	sld [smem:$0x3FFE];
	[sflag:s21] =	ssyncadd.s32 $0xFFFFFFFF  }
0xa2: {  	s24 =	simm.s32 $execute0_lowered;
	[smem:$0x3FD2] =	sst s23  }
0xa3: {  	s2 =	sshll.u32 s24, $0x1;
	_ =	strace $0x80000049;
	[dreg:$0x1] =	wrdreg $0xFFFFFFFF  }
0xa4: {  	s25 =	simm.s32 $_size_execute0_lowered;
	s0 =	sadd.s32 s0, s2;
	[dreg:$0x0] =	wrdreg $0x0  }
0xa5: {  	s2 =	sshll.u32 s25, $0x1;
	[dreg:$0x2] =	wrdreg s0  }
0xa6: {  	[dreg:$0x3] =	wrdreg s2  }
0xa7: {  	[dreg:$0x4] =	wrdreg $0xC0  }
0xa8: {  	_ =	task [dreg:s4], $0x5FFFF  }
0xa9: {  	[dreg:$0x1] =	wrdreg $0xFFFFFFFF  }
0xaa: {  	[dreg:$0x0] =	wrdreg $0x60  }
0xab: {  	[dreg:$0x2] =	wrdreg s22  }
0xac: {  	[dreg:$0x3] =	wrdreg $0x60800  }
0xad: {  	[dreg:$0x4] =	wrdreg $0x9  }
0xae: {  	_ =	task.clear_ibuf [dreg:s4], $0x5FFFF;
	_ =	strace $0x90000049  }
0xaf: {  	s26 =	simm.s32 $0x9;
	_ =	strace $0x8000004B  }
0xb0: {  	_ =	swait.ge [sflag:s26], $0x1  }
0xb1: {  	[sflag:s26] =	ssyncadd.s32 $0xFFFFFFFF  }
0xb2: {  	_ =	strace $0x9000004B  }
0xb3: {  	_ =	sfence  }
0xb4: {  	s28 =	sld [smem:$0x0];
	_ =	sdelay $0x1  }
0xb5: {  	s29 =	srdreg.scid  }
0xb6: {  	s30 =	sshll.u32 s29, $0xD;
	s31 =	sshrl.u32 s29, $0x2  }
0xb7: {  	s1 =	sand.u32 $0x1, s29;
	s2 =	sand.u32 $0x4000, s30;
	s0 =	sadd.s32 s31, s28  }
0xb8: {  	s1 =	sor.u32 s2, s1;
	s0 =	sshll.u32 s0, $0x11  }
0xb9: {  	s0 =	sor.u32 s0, s1  }
0xba: {  	s0 =	sadd.s32 $0x8F2B, s0  }
0xbb: {  	[sflag:s0] =	ssyncadd.remote.s32 $0x1  }
0xbc: {  	_ =	sfence.sel $0xFFFF  }
0xbd: {  	[dreg:$0x0] =	wrdreg $0xFFFFFFFF;
	(pc) =	sbr.abs _section_cstart, $3  }
0xbe: {  	[dreg:$0x1] =	wrdreg $0xFFFFFFFF  }
0xbf: {  	_ =	task.clear_ibuf [dreg:s4], $0x2FFFF;
	_ =	strace $0x9FFFFFFF  }
0xc0: {  	(tm) =	ssettm $0x7FFFFFFF  }
0xc1: {  	_ =	shalt  }
tec
execute0_lowered:
.L_overlay_start_1:
0x0: {  	(tag) =	ssettag $0x1  }
0x1: {  	s3 =	rddreg [dreg:$0x0]  }
0x2: {  	s2 =	rddreg [dreg:$0x1]  }
0x3: {  	s0 =	rddreg [dreg:$0x2];
	s4 =	simm.s32 $0x0  }
0x4: {  	s7 =	simm.s32 $0x4080;
	[smem:$0x7FF] =	sst s4  }
0x5: {  	s1 =	stileid.u32;
	s5 =	sadd.s32 $0x100AA00, s3;
	_ =	strace $0x8000004A  }
0x6: {  	[tilespmem:s7], [sflag:$0x1] =	stream.linear.gather [hbm4b:s5+s4], $0x2000, $0x38;
	[tilespmem:$0x1A080] =	vst v63  }
0x7: {  	s6 =	smul.u32 $0x50000, s1;
	s5 =	simm.s32 $0x1  }
0x8: {  	_ =	swait.ge [sflag:s5], $0x2000  }
0x9: {  	s6 =	sshrl.u32 s6, $0x2;
	[sflag:s5] =	ssyncset.done $0x0  }
0xa: {  	s6 =	sadd.s32 s6, s2;
	[sflag:s5] =	ssyncadd.s32 $0xFFFFE000  }
0xb: {  	[spmem:s6] =	stream.linear.scatter [tilespmem:s7], [sflag:$0x1], $0x2000, $0x38;
	[tilespmem:$0x1A080] =	vst v63  }
0xc: {  	_ =	swait.ge [sflag:s5], $0x2000  }
0xd: {  	[sflag:s5] =	ssyncset.done $0x0  }
0xe: {  	s8 =	sadd.s32 $0x2000, s6;
	[sflag:s5] =	ssyncadd.s32 $0xFFFFE000  }
0xf: {  	[spmem:s8] =	stream.linear.scatter [tilespmem:s7], [sflag:$0x1], $0x2000, $0x38;
	[tilespmem:$0x1A080] =	vst v63  }
0x10: {  	_ =	swait.ge [sflag:s5], $0x2000  }
0x11: {  	[sflag:s5] =	ssyncset.done $0x0  }
0x12: {  	s20 =	sadd.s32 $0x4000, s6;
	[sflag:s5] =	ssyncadd.s32 $0xFFFFE000  }
0x13: {  	[spmem:s20] =	stream.linear.scatter [tilespmem:s7], [sflag:$0x1], $0x2000, $0x38;
	[tilespmem:$0x1A080] =	vst v63  }
0x14: {  	_ =	swait.ge [sflag:s5], $0x2000  }
0x15: {  	[sflag:s5] =	ssyncset.done $0x0  }
0x16: {  	s21 =	sadd.s32 $0x6000, s6;
	[sflag:s5] =	ssyncadd.s32 $0xFFFFE000  }
0x17: {  	[spmem:s21] =	stream.linear.scatter [tilespmem:s7], [sflag:$0x1], $0x2000, $0x38;
	[tilespmem:$0x1A080] =	vst v63  }
0x18: {  	_ =	swait.ge [sflag:s5], $0x2000  }
0x19: {  	[sflag:s5] =	ssyncset.done $0x0  }
0x1a: {  	s22 =	sadd.s32 $0x8000, s6;
	[sflag:s5] =	ssyncadd.s32 $0xFFFFE000  }
0x1b: {  	[spmem:s22] =	stream.linear.scatter [tilespmem:s7], [sflag:$0x1], $0x2000, $0x38;
	[tilespmem:$0x1A080] =	vst v63  }
0x1c: {  	_ =	swait.ge [sflag:s5], $0x2000  }
0x1d: {  	[sflag:s5] =	ssyncset.done $0x0  }
0x1e: {  	s23 =	sadd.s32 $0xA000, s6;
	[sflag:s5] =	ssyncadd.s32 $0xFFFFE000  }
0x1f: {  	[spmem:s23] =	stream.linear.scatter [tilespmem:s7], [sflag:$0x1], $0x2000, $0x38;
	[tilespmem:$0x1A080] =	vst v63  }
0x20: {  	_ =	swait.ge [sflag:s5], $0x2000  }
0x21: {  	[sflag:s5] =	ssyncset.done $0x0  }
0x22: {  	s24 =	sadd.s32 $0xC000, s6;
	[sflag:s5] =	ssyncadd.s32 $0xFFFFE000  }
0x23: {  	[spmem:s24] =	stream.linear.scatter [tilespmem:s7], [sflag:$0x1], $0x2000, $0x38;
	[tilespmem:$0x1A080] =	vst v63  }
0x24: {  	_ =	swait.ge [sflag:s5], $0x2000  }
0x25: {  	[sflag:s5] =	ssyncset.done $0x0  }
0x26: {  	s25 =	sadd.s32 $0xE000, s6;
	[sflag:s5] =	ssyncadd.s32 $0xFFFFE000  }
0x27: {  	[spmem:s25] =	stream.linear.scatter [tilespmem:s7], [sflag:$0x1], $0x2000, $0x38;
	[tilespmem:$0x1A080] =	vst v63  }
0x28: {  	_ =	swait.ge [sflag:s5], $0x2000  }
0x29: {  	[sflag:s5] =	ssyncset.done $0x0  }
0x2a: {  	s26 =	sadd.s32 $0x10000, s6;
	[sflag:s5] =	ssyncadd.s32 $0xFFFFE000  }
0x2b: {  	[spmem:s26] =	stream.linear.scatter [tilespmem:s7], [sflag:$0x1], $0x2000, $0x38;
	[tilespmem:$0x1A080] =	vst v63  }
0x2c: {  	_ =	swait.ge [sflag:s5], $0x2000  }
0x2d: {  	[sflag:s5] =	ssyncset.done $0x0  }
0x2e: {  	s28 =	smul.u32 $0x500, s1;
	s9 =	sadd.s32 $0x12000, s6;
	[sflag:s5] =	ssyncadd.s32 $0xFFFFE000  }
0x2f: {  	[spmem:s9] =	stream.linear.scatter [tilespmem:s7], [sflag:$0x1], $0x2000, $0x38;
	[tilespmem:$0x1A080] =	vst v63  }
0x30: {  	_ =	swait.ge [sflag:s5], $0x2000  }
0x31: {  	s29 =	sadd.s32 s28, s3;
	[sflag:s5] =	ssyncset.done $0x0  }
0x32: {  	s9 =	sadd.s32 $0x25400, s29;
	[sflag:s5] =	ssyncadd.s32 $0xFFFFE000  }
0x33: {  	s30 =	smul.u32 $0x28000, s1;
	s31 =	sadd.s32 $0x0, s9;
	[bflag:$0x0] =	sbarrier.arrive $0xFFFF  }
0x34: {  	[tilespmem:s4], [sflag:$0x1] =	stream.linear.gather [hbm4b:s31+s4], $0x80, $0x38;
	[tilespmem:$0x1A080] =	vst v63  }
0x35: {  	_ =	swait.ge [sflag:s5], $0x80  }
0x36: {  	s7 =	sadd.s32 s30, s3;
	[sflag:s5] =	ssyncset.done $0x0  }
0x37: {  	s10 =	sadd.s32 $0xD8AA00, s7;
	s7 =	simm.s32 $0x80;
	[sflag:s5] =	ssyncadd.s32 $0xFFFFFF80  }
0x38: {  	[tilespmem:s7], [sflag:$0x1] =	stream.linear.gather [hbm4b:s10+s4], $0x4000, $0x38;
	[tilespmem:$0x1A080] =	vst v63  }
0x39: {  	_ =	swait.ge [sflag:s5], $0x4000  }
0x3a: {  	[sflag:s5] =	ssyncset.done $0x0  }
0x3b: {  	s11 =	simm.s32 $0x10;
	[sflag:s5] =	ssyncadd.s32 $0xFFFFC000  }
0x3c: {  	[spmem:s2] =	stream.indirect.scatter.add.f32 [tilespmem:s7], [sflag:$0x1], $0x80, s4, s7, $0xb8;
	[tilespmem:$0x1A080] =	vst v63  }
0x3d: {  	s12 =	simm.s32 $0x20;
	s8 =	smul.u32 $0x2800, s1;
	_ =	swait.ge [sflag:s5], $0x4000  }
0x3e: {  	s3 =	sadd.s32 $0x100AE00, s3;
	s10 =	sadd.s32 $0x800, s10;
	[sflag:s5] =	ssyncset.done $0x0  }
.LBB2_1:
0x3f: {  	s13 =	sadd.s32 s11, s9  }
0x40: {  	[sflag:s5] =	ssyncadd.s32 $0xFFFFC000;
	s11 =	smov.u32 s12;
	s14 =	sadd.s32 $0x10, s12  }
0x41: {  	[tilespmem:s4], [sflag:$0x1] =	stream.linear.gather [hbm4b:s13+s4], $0x80, $0x38;
	[tilespmem:$0x1A080] =	vst v63  }
0x42: {  	p0 =	sne.s32 s12, $0x4F0;
	_ =	swait.ge [sflag:s5], $0x80  }
0x43: {  	[sflag:s5] =	ssyncset.done $0x0  }
0x44: {  	[sflag:s5] =	ssyncadd.s32 $0xFFFFFF80  }
0x45: {  	[tilespmem:s7], [sflag:$0x1] =	stream.linear.gather [hbm4b:s10+s4], $0x4000, $0x38;
	[tilespmem:$0x1A080] =	vst v63  }
0x46: {  	_ =	swait.ge [sflag:s5], $0x4000  }
.Ltmp0:
0x47: {  	[sflag:s5] =	ssyncset.done $0x0;
	(pc) =	sbr.rel @p0 .LBB2_1-.Ltmp0, $4  }
0x48: {  	[sflag:s5] =	ssyncadd.s32 $0xFFFFC000  }
0x49: {  	[spmem:s2] =	stream.indirect.scatter.add.f32 [tilespmem:s7], [sflag:$0x1], $0x80, s4, s7, $0xb8;
	[tilespmem:$0x1A080] =	vst v63  }
0x4a: {  	_ =	swait.ge [sflag:s5], $0x4000  }
0x4b: {  	s12 =	smov.u32 s14;
	s10 =	sadd.s32 $0x800, s10;
	[sflag:s5] =	ssyncset.done $0x0  }
0x4c: {  	s9 =	sadd.s32 s11, s9;
	[sflag:s5] =	ssyncadd.s32 $0xFFFFC000  }
0x4d: {  	[tilespmem:s4], [sflag:$0x1] =	stream.linear.gather [hbm4b:s9+s4], $0x80, $0x38;
	[tilespmem:$0x1A080] =	vst v63  }
0x4e: {  	_ =	swait.ge [sflag:s5], $0x80  }
0x4f: {  	[sflag:s5] =	ssyncset.done $0x0  }
0x50: {  	[sflag:s5] =	ssyncadd.s32 $0xFFFFFF80  }
0x51: {  	[tilespmem:s7], [sflag:$0x1] =	stream.linear.gather [hbm4b:s10+s4], $0x4000, $0x38;
	[tilespmem:$0x1A080] =	vst v63  }
0x52: {  	_ =	swait.ge [sflag:s5], $0x4000  }
0x53: {  	[sflag:s5] =	ssyncset.done $0x0  }
0x54: {  	[sflag:s5] =	ssyncadd.s32 $0xFFFFC000  }
0x55: {  	[spmem:s2] =	stream.indirect.scatter.add.f32 [tilespmem:s7], [sflag:$0x1], $0x80, s4, s7, $0xb8;
	[tilespmem:$0x1A080] =	vst v63  }
0x56: {  	_ =	swait.ge [sflag:s5], $0x4000  }
0x57: {  	[sflag:s5] =	ssyncset.done $0x0  }
0x58: {  	[sflag:s5] =	ssyncadd.s32 $0xFFFFC000  }
0x59: {  	s4 =	simm.s32 $0x1;
	s5 =	simm.s32 $0x4080;
	[bflag:$0x0] =	sbarrier.arrive $0xFFFF  }
0x5a: {  	[tilespmem:s5], [sflag:$0x1] =	stream.linear.gather [spmem:s6], $0x2000, $0x38;
	[tilespmem:$0x1A080] =	vst v63  }
0x5b: {  	_ =	swait.ge [sflag:s4], $0x2000  }
0x5c: {  	s8 =	sadd.s32 s3, s8;
	[sflag:s4] =	ssyncset.done $0x0  }
0x5d: {  	s11 =	simm.s32 $0x0;
	s10 =	smul.u32 $0x280, s1;
	[sflag:s4] =	ssyncadd.s32 $0xFFFFE000  }
0x5e: {  	[hbm4b:s8+s11] =	stream.linear.scatter [tilespmem:s5], [sflag:$0x1], $0x2000, $0x38;
	[tilespmem:$0x1A080] =	vst v63  }
0x5f: {  	s12 =	sor.u32 $0x40, s10;
	_ =	swait.ge [sflag:s4], $0x2000  }
0x60: {  	s13 =	sshll.u32 s12, $0x7;
	[sflag:s4] =	ssyncset.done $0x0  }
0x61: {  	s9 =	sadd.s32 s13, s2;
	[sflag:s4] =	ssyncadd.s32 $0xFFFFE000  }
0x62: {  	[tilespmem:s5], [sflag:$0x1] =	stream.linear.gather [spmem:s9], $0x2000, $0x38;
	[tilespmem:$0x1A080] =	vst v63  }
0x63: {  	_ =	swait.ge [sflag:s4], $0x2000  }
0x64: {  	s8 =	sshll.u32 s12, $0x4;
	[sflag:s4] =	ssyncset.done $0x0  }
0x65: {  	s8 =	sadd.s32 s3, s8;
	[sflag:s4] =	ssyncadd.s32 $0xFFFFE000  }
0x66: {  	[hbm4b:s8+s11] =	stream.linear.scatter [tilespmem:s5], [sflag:$0x1], $0x2000, $0x38;
	[tilespmem:$0x1A080] =	vst v63  }
0x67: {  	s14 =	sadd.s32 $0x80, s10;
	_ =	swait.ge [sflag:s4], $0x2000  }
0x68: {  	s15 =	sshll.u32 s14, $0x7;
	[sflag:s4] =	ssyncset.done $0x0  }
0x69: {  	s9 =	sadd.s32 s15, s2;
	[sflag:s4] =	ssyncadd.s32 $0xFFFFE000  }
0x6a: {  	[tilespmem:s5], [sflag:$0x1] =	stream.linear.gather [spmem:s9], $0x2000, $0x38;
	[tilespmem:$0x1A080] =	vst v63  }
0x6b: {  	_ =	swait.ge [sflag:s4], $0x2000  }
0x6c: {  	s8 =	sshll.u32 s14, $0x4;
	[sflag:s4] =	ssyncset.done $0x0  }
0x6d: {  	s8 =	sadd.s32 s3, s8;
	[sflag:s4] =	ssyncadd.s32 $0xFFFFE000  }
0x6e: {  	[hbm4b:s8+s11] =	stream.linear.scatter [tilespmem:s5], [sflag:$0x1], $0x2000, $0x38;
	[tilespmem:$0x1A080] =	vst v63  }
0x6f: {  	s16 =	sadd.s32 $0xC0, s10;
	_ =	swait.ge [sflag:s4], $0x2000  }
0x70: {  	s17 =	sshll.u32 s16, $0x7;
	[sflag:s4] =	ssyncset.done $0x0  }
0x71: {  	s9 =	sadd.s32 s17, s2;
	[sflag:s4] =	ssyncadd.s32 $0xFFFFE000  }
0x72: {  	[tilespmem:s5], [sflag:$0x1] =	stream.linear.gather [spmem:s9], $0x2000, $0x38;
	[tilespmem:$0x1A080] =	vst v63  }
0x73: {  	_ =	swait.ge [sflag:s4], $0x2000  }
0x74: {  	s8 =	sshll.u32 s16, $0x4;
	[sflag:s4] =	ssyncset.done $0x0  }
0x75: {  	s8 =	sadd.s32 s3, s8;
	[sflag:s4] =	ssyncadd.s32 $0xFFFFE000  }
0x76: {  	[hbm4b:s8+s11] =	stream.linear.scatter [tilespmem:s5], [sflag:$0x1], $0x2000, $0x38;
	[tilespmem:$0x1A080] =	vst v63  }
0x77: {  	s18 =	sadd.s32 $0x100, s10;
	_ =	swait.ge [sflag:s4], $0x2000  }
0x78: {  	s19 =	sshll.u32 s18, $0x7;
	[sflag:s4] =	ssyncset.done $0x0  }
0x79: {  	s9 =	sadd.s32 s19, s2;
	[sflag:s4] =	ssyncadd.s32 $0xFFFFE000  }
0x7a: {  	[tilespmem:s5], [sflag:$0x1] =	stream.linear.gather [spmem:s9], $0x2000, $0x38;
	[tilespmem:$0x1A080] =	vst v63  }
0x7b: {  	_ =	swait.ge [sflag:s4], $0x2000  }
0x7c: {  	s8 =	sshll.u32 s18, $0x4;
	[sflag:s4] =	ssyncset.done $0x0  }
0x7d: {  	s8 =	sadd.s32 s3, s8;
	[sflag:s4] =	ssyncadd.s32 $0xFFFFE000  }
0x7e: {  	[hbm4b:s8+s11] =	stream.linear.scatter [tilespmem:s5], [sflag:$0x1], $0x2000, $0x38;
	[tilespmem:$0x1A080] =	vst v63  }
0x7f: {  	s20 =	sadd.s32 $0x140, s10;
	_ =	swait.ge [sflag:s4], $0x2000  }
0x80: {  	s21 =	sshll.u32 s20, $0x7;
	[sflag:s4] =	ssyncset.done $0x0  }
0x81: {  	s9 =	sadd.s32 s21, s2;
	[sflag:s4] =	ssyncadd.s32 $0xFFFFE000  }
0x82: {  	[tilespmem:s5], [sflag:$0x1] =	stream.linear.gather [spmem:s9], $0x2000, $0x38;
	[tilespmem:$0x1A080] =	vst v63  }
0x83: {  	_ =	swait.ge [sflag:s4], $0x2000  }
0x84: {  	s8 =	sshll.u32 s20, $0x4;
	[sflag:s4] =	ssyncset.done $0x0  }
0x85: {  	s8 =	sadd.s32 s3, s8;
	[sflag:s4] =	ssyncadd.s32 $0xFFFFE000  }
0x86: {  	[hbm4b:s8+s11] =	stream.linear.scatter [tilespmem:s5], [sflag:$0x1], $0x2000, $0x38;
	[tilespmem:$0x1A080] =	vst v63  }
0x87: {  	s22 =	sadd.s32 $0x180, s10;
	_ =	swait.ge [sflag:s4], $0x2000  }
0x88: {  	s23 =	sshll.u32 s22, $0x7;
	[sflag:s4] =	ssyncset.done $0x0  }
0x89: {  	s9 =	sadd.s32 s23, s2;
	[sflag:s4] =	ssyncadd.s32 $0xFFFFE000  }
0x8a: {  	[tilespmem:s5], [sflag:$0x1] =	stream.linear.gather [spmem:s9], $0x2000, $0x38;
	[tilespmem:$0x1A080] =	vst v63  }
0x8b: {  	_ =	swait.ge [sflag:s4], $0x2000  }
0x8c: {  	s8 =	sshll.u32 s22, $0x4;
	[sflag:s4] =	ssyncset.done $0x0  }
0x8d: {  	s8 =	sadd.s32 s3, s8;
	[sflag:s4] =	ssyncadd.s32 $0xFFFFE000  }
0x8e: {  	[hbm4b:s8+s11] =	stream.linear.scatter [tilespmem:s5], [sflag:$0x1], $0x2000, $0x38;
	[tilespmem:$0x1A080] =	vst v63  }
0x8f: {  	s24 =	sadd.s32 $0x1C0, s10;
	_ =	swait.ge [sflag:s4], $0x2000  }
0x90: {  	s25 =	sshll.u32 s24, $0x7;
	[sflag:s4] =	ssyncset.done $0x0  }
0x91: {  	s9 =	sadd.s32 s25, s2;
	[sflag:s4] =	ssyncadd.s32 $0xFFFFE000  }
0x92: {  	[tilespmem:s5], [sflag:$0x1] =	stream.linear.gather [spmem:s9], $0x2000, $0x38;
	[tilespmem:$0x1A080] =	vst v63  }
0x93: {  	_ =	swait.ge [sflag:s4], $0x2000  }
0x94: {  	s8 =	sshll.u32 s24, $0x4;
	[sflag:s4] =	ssyncset.done $0x0  }
0x95: {  	s8 =	sadd.s32 s3, s8;
	[sflag:s4] =	ssyncadd.s32 $0xFFFFE000  }
0x96: {  	[hbm4b:s8+s11] =	stream.linear.scatter [tilespmem:s5], [sflag:$0x1], $0x2000, $0x38;
	[tilespmem:$0x1A080] =	vst v63  }
0x97: {  	s26 =	sadd.s32 $0x200, s10;
	_ =	swait.ge [sflag:s4], $0x2000  }
0x98: {  	s28 =	sshll.u32 s26, $0x7;
	[sflag:s4] =	ssyncset.done $0x0  }
0x99: {  	s9 =	sadd.s32 s28, s2;
	[sflag:s4] =	ssyncadd.s32 $0xFFFFE000  }
0x9a: {  	[tilespmem:s5], [sflag:$0x1] =	stream.linear.gather [spmem:s9], $0x2000, $0x38;
	[tilespmem:$0x1A080] =	vst v63  }
0x9b: {  	_ =	swait.ge [sflag:s4], $0x2000  }
0x9c: {  	s8 =	sshll.u32 s26, $0x4;
	[sflag:s4] =	ssyncset.done $0x0  }
0x9d: {  	s8 =	sadd.s32 s3, s8;
	[sflag:s4] =	ssyncadd.s32 $0xFFFFE000  }
0x9e: {  	[hbm4b:s8+s11] =	stream.linear.scatter [tilespmem:s5], [sflag:$0x1], $0x2000, $0x38;
	[tilespmem:$0x1A080] =	vst v63  }
0x9f: {  	s7 =	sadd.s32 $0x240, s10;
	_ =	swait.ge [sflag:s4], $0x2000  }
0xa0: {  	s29 =	sshll.u32 s7, $0x7;
	[sflag:s4] =	ssyncset.done $0x0  }
0xa1: {  	s30 =	sadd.s32 s29, s2;
	[sflag:s4] =	ssyncadd.s32 $0xFFFFE000  }
0xa2: {  	[tilespmem:s5], [sflag:$0x1] =	stream.linear.gather [spmem:s30], $0x2000, $0x38;
	[tilespmem:$0x1A080] =	vst v63  }
0xa3: {  	_ =	swait.ge [sflag:s4], $0x2000  }
0xa4: {  	s31 =	sshll.u32 s7, $0x4;
	[sflag:s4] =	ssyncset.done $0x0  }
0xa5: {  	s2 =	sadd.s32 s3, s31;
	[sflag:s4] =	ssyncadd.s32 $0xFFFFE000  }
0xa6: {  	[hbm4b:s2+s11] =	stream.linear.scatter [tilespmem:s5], [sflag:$0x1], $0x2000, $0x38;
	[tilespmem:$0x1A080] =	vst v63  }
0xa7: {  	_ =	swait.ge [sflag:s4], $0x2000  }
0xa8: {  	[sflag:s4] =	ssyncset.done $0x0  }
0xa9: {  	[sflag:s4] =	ssyncadd.s32 $0xFFFFE000  }
0xaa: {  	_ =	sfence.sel $0x180000  }
0xab: {  	[bflag:$0x0] =	sbarrier.arrive $0xFFFF  }
0xac: {  	p0 =	sne.s32 s1, $0x0;
	_ =	strace $0x9000004A  }
0xad: {  	s0 =	sadd.s32 @!p0 $0x100000, s0;
	[bflag:$0x2] =	sbarrier.arrive $0xFFFF  }
0xae: {  	[sflag:s0] =	ssyncadd.tile.s32 @!p0 $0x1;
	_ =	shalt  }
.Lfunc_end2:
_tile_overlayer_lowered:
.L_overlay_start_2:
0xaf: {  	(tag) =	ssettag $0x2  }
0xb0: {  	s0 =	rddreg [dreg:$0x0];
	s2 =	stileid.u32  }
0xb1: {  	s1 =	rddreg [dreg:$0x1];
	p0 =	sne.s32 s2, $0x0  }
0xb2: {  	s3 =	rddreg [dreg:$0x2];
	[bflag:$0x3] =	sbarrier.arrive $0xFFFF;
	s2 =	simm.s32 @!p0 $0x1C01  }
0xb3: {  	[timem:s3], [sflag:s2] =	dma.local @!p0 [hbm:s0], s1  }
0xb4: {  	s0 =	simm.s32 @!p0 $0x1  }
0xb5: {  	_ =	swait.ge @!p0 [sflag:s0], s1  }
0xb6: {  	s1 =	ssub.s32 @!p0 $0x0, s1;
	[sflag:s0] =	ssyncset.done @!p0 $0x0  }
0xb7: {  	[sflag:s0] =	ssyncadd.s32 @!p0 s1  }
0xb8: {  	[bflag:$0x3] =	sbarrier.arrive $0xFFFF  }
0xb9: {  	_ =	shalt  }

// kernel: kernel.36.cloned.1.call-start
scs
__scs_entry_jumppad:
0x0: {  	(pc) =	sbr.rel $0x88, $3  }
0x1: {  	(tag) =	ssettag $0x0;
	lr =	simm.s32 $0x1  }
0x2: {  	[smem:$0x3F80] =	sst lr;
	_ =	strace $0xD0000000  }
0x3: {  	_ = 	snop  }
0x4: {  	_ = 	snop  }
0x5: {  	_ = 	snop  }
0x6: {  	_ = 	snop  }
0x7: {  	_ = 	snop  }
__scs_overlays_trampoline_lowered:
0x8: {  	[smem:$0x3F8F] =	sst s0  }
0x9: {  	[smem:$0x3F90] =	sst s1  }
0xa: {  	[smem:$0x3F91] =	sst s2  }
0xb: {  	[smem:$0x3F92] =	sst s3  }
0xc: {  	[smem:$0x3F93] =	sst s4  }
0xd: {  	[smem:$0x3F94] =	sst s5  }
0xe: {  	[smem:$0x3F95] =	sst s6  }
0xf: {  	[smem:$0x3F96] =	sst s7  }
0x10: {  	[smem:$0x3F97] =	sst s8  }
0x11: {  	[smem:$0x3F98] =	sst s9;
	s0 =	simm.s32 @!p0 $0x0  }
0x12: {  	s1 =	sld [smem:$0x3F7E];
	s0 =	simm.s32 @p0 $0x1  }
0x13: {  	[smem:$0x3F99] =	sst s0;
	s0 =	simm.s32 @!p1 $0x0  }
0x14: {  	s2 =	sld [smem:$0x3F7D];
	s0 =	simm.s32 @p1 $0x1  }
0x15: {  	[smem:$0x3F9A] =	sst s0;
	s0 =	simm.s32 @!p2 $0x0  }
0x16: {  	s3 =	sld [smem:$0x3FDB];
	s0 =	simm.s32 @p2 $0x1  }
0x17: {  	s4 =	simm.s32 $0x1BF5;
	[smem:$0x3F9C] =	sst s0  }
0x18: {  	s0 =	sld [smem:$0x3F7F];
	_ =	swait.ge [sflag:s4], $0x0  }
0x19: {  	s7 =	sld [smem:$0x3F80]  }
0x1a: {  	s8 =	sadd.s32 $0xFFFFE003, lr  }
0x1b: {  	s9 =	sadd.s32 $0xFFFFFEF7, lr;
	s5 =	simm.s32 $0xFFFFFFFF;
	p2 =	slt.u32 s8, $0xFFFFF086  }
0x1c: {  	p1 =	slt.u32 s9, $0xF7A;
	s5 =	simm.s32 @!p2 $0x0  }
0x1d: {  	s5 =	simm.s32 @p1 $0x1;
	p0 =	seq.s32 s7, s2  }
0x1e: {  	s7 =	smul.u32 @!p0 $0xF7A, s2;
	p2 =	seq.s32 @!p0 s5, $0x0  }
0x1f: {  	s9 =	smul.u32 $0xF7A, s1;
	s8 =	simm.s32 @!p0 $0x1BF5;
	p2 =	por !p2, p0  }
0x20: {  	[sflag:s8] =	ssyncset.s32 @!p0 $0xFFFFF086;
	s6 =	sadd.s32 @!p0 s3, s7;
	s7 =	simm.s32 @!p0 $0x108  }
0x21: {  	s3 =	sadd.s32 s3, s9;
	s6 =	sadd.s32 @!p0 $0x88, s6;
	s7 =	simm.s32 @p2 $0x1082  }
0x22: {  	[simem:s7], [sflag:s8] =	dma.local @!p0 [hbm:s6], $0xF7A  }
0x23: {  	s9 =	sor.u32 $0xD0000000, s2;
	s6 =	simm.s32 $0x108;
	_ =	swait.ge @!p0 [sflag:s8], $0x0  }
0x24: {  	s3 =	sadd.s32 $0x88, s3;
	s6 =	simm.s32 @!p1 $0x1082;
	[sflag:s4] =	ssyncset.s32 $0xFFFFF086  }
0x25: {  	[simem:s6], [sflag:s4] =	dma.local [hbm:s3], $0xF7A  }
0x26: {  	[smem:$0x3F80] =	sst s1;
	(tag) =	ssettag s2;
	_ =	strace s9  }
0x27: {  	s1 =	sld [smem:$0x3F90]  }
0x28: {  	s2 =	sld [smem:$0x3F91]  }
0x29: {  	s4 =	sld [smem:$0x3F93]  }
0x2a: {  	p0 =	seq.s32 s5, $0x0;
	s5 =	sld [smem:$0x3F94]  }
0x2b: {  	s6 =	sld [smem:$0x3F95]  }
0x2c: {  	s7 =	sld [smem:$0x3F96]  }
0x2d: {  	s3 =	simm.s32 $0x108;
	s8 =	sld [smem:$0x3F97]  }
0x2e: {  	s3 =	simm.s32 @!p0 $0x1082;
	s9 =	sld [smem:$0x3F98]  }
0x2f: {  	lr =	sadd.s32 s0, s3;
	s0 =	sld [smem:$0x3F8F]  }
0x30: {  	s3 =	sld [smem:$0x3F92]  }
0x31: {  	[smem:$0x3F9B] =	sst s10  }
0x32: {  	s10 =	sld [smem:$0x3F99];
	_ =	sdelay $0x3  }
0x33: {  	p0 =	seq.s32 s10, $0x1;
	s10 =	sld [smem:$0x3F9B];
	_ =	sdelay $0x3  }
0x34: {  	[smem:$0x3F9B] =	sst s10  }
0x35: {  	s10 =	sld [smem:$0x3F9A];
	_ =	sdelay $0x3  }
0x36: {  	p1 =	seq.s32 s10, $0x1;
	s10 =	sld [smem:$0x3F9B];
	_ =	sdelay $0x3  }
0x37: {  	[smem:$0x3F9B] =	sst s10  }
0x38: {  	s10 =	sld [smem:$0x3F9C]  }
0x39: {  	_ = 	snop;
	(pc) =	sbr.ind lr, $3  }
0x3a: {  	_ = 	snop  }
0x3b: {  	_ = 	snop  }
0x3c: {  	p2 =	seq.s32 s10, $0x1;
	s10 =	sld [smem:$0x3F9B]  }
0x3d: {  	_ =	shalt  }
0x3e: {  	_ =	shalt  }
0x3f: {  	_ =	shalt  }
0x40: {  	_ =	shalt  }
0x41: {  	_ =	shalt  }
0x42: {  	_ =	shalt  }
0x43: {  	_ =	shalt  }
0x44: {  	_ =	shalt  }
0x45: {  	_ =	shalt  }
0x46: {  	_ =	shalt  }
0x47: {  	_ =	shalt  }
0x48: {  	_ =	shalt  }
0x49: {  	_ =	shalt  }
0x4a: {  	_ =	shalt  }
0x4b: {  	_ =	shalt  }
0x4c: {  	_ =	shalt  }
0x4d: {  	_ =	shalt  }
0x4e: {  	_ =	shalt  }
0x4f: {  	_ =	shalt  }
0x50: {  	_ =	shalt  }
0x51: {  	_ =	shalt  }
0x52: {  	_ =	shalt  }
0x53: {  	_ =	shalt  }
0x54: {  	_ =	shalt  }
0x55: {  	_ =	shalt  }
0x56: {  	_ =	shalt  }
0x57: {  	_ =	shalt  }
0x58: {  	_ =	shalt  }
0x59: {  	_ =	shalt  }
0x5a: {  	_ =	shalt  }
0x5b: {  	_ =	shalt  }
0x5c: {  	_ =	shalt  }
0x5d: {  	_ =	shalt  }
0x5e: {  	_ =	shalt  }
0x5f: {  	_ =	shalt  }
0x60: {  	_ =	shalt  }
0x61: {  	_ =	shalt  }
0x62: {  	_ =	shalt  }
0x63: {  	_ =	shalt  }
0x64: {  	_ =	shalt  }
0x65: {  	_ =	shalt  }
0x66: {  	_ =	shalt  }
0x67: {  	_ =	shalt  }
0x68: {  	_ =	shalt  }
0x69: {  	_ =	shalt  }
0x6a: {  	_ =	shalt  }
0x6b: {  	_ =	shalt  }
0x6c: {  	_ =	shalt  }
0x6d: {  	_ =	shalt  }
0x6e: {  	_ =	shalt  }
0x6f: {  	_ =	shalt  }
0x70: {  	_ =	shalt  }
0x71: {  	_ =	shalt  }
0x72: {  	_ =	shalt  }
0x73: {  	_ =	shalt  }
0x74: {  	_ =	shalt  }
0x75: {  	_ =	shalt  }
0x76: {  	_ =	shalt  }
0x77: {  	_ =	shalt  }
0x78: {  	_ =	shalt  }
0x79: {  	_ =	shalt  }
0x7a: {  	_ =	shalt  }
0x7b: {  	_ =	shalt  }
0x7c: {  	_ =	shalt  }
0x7d: {  	_ =	shalt  }
0x7e: {  	_ =	shalt  }
0x7f: {  	_ =	shalt  }
0x80: {  	_ =	shalt  }
0x81: {  	_ =	shalt  }
0x82: {  	_ =	shalt  }
0x83: {  	_ =	shalt  }
0x84: {  	_ =	shalt  }
0x85: {  	_ =	shalt  }
0x86: {  	_ =	shalt  }
0x87: {  	_ =	shalt  }
.Lfunc_end0:
.L_simem_size_0:
called_computation.2_lowered:
.L_overlay_start_0:
0x88: {  	s2 =	sld [smem:$0x3FD9]  }
0x89: {  	s3 =	sld [smem:$0x3FFE];
	_ =	sdelay $0x1  }
0x8a: {  	s1 =	srdreg.scid  }
0x8b: {  	s0 =	sand.u32 $0x1, s1  }
0x8c: {  	s16 =	sshll.u32 s0, $0xA;
	s2 =	sadd.s32 s3, s2  }
0x8d: {  	s2 =	sadd.s32 s2, s16  }
0x8e: {  	[smem:$0x3FA7] =	sst s2  }
0x8f: {  	_ = 	snop  }
0x90: {  	(tm) =	ssettm $0x1  }
0x91: {  	s17 =	sld [smem:$0x3FFB];
	_ =	sdelay $0x3  }
0x92: {  	_ =	strace s17  }
0x93: {  	s2 =	sld [smem:$0x3FFC];
	_ =	sdelay $0x3  }
0x94: {  	_ =	strace s2  }
0x95: {  	s2 =	sld [smem:$0x3FFD];
	_ =	sdelay $0x3  }
0x96: {  	_ =	strace s2  }
0x97: {  	_ =	strace $0x8FFFFFFF  }
0x98: {  	s18 =	sld [smem:$0x3FDB];
	_ =	sdelay $0x1  }
0x99: {  	s19 =	simm.s32 $_scs_section_size  }
0x9a: {  	s4 =	simm.s32 $_size__tile_overlayer_lowered;
	s5 =	simm.s32 $_tile_overlayer_lowered  }
0x9b: {  	s22 =	simm.s32 $0x1BFF;
	s21 =	sshll.u32 s5, $0x1;
	s2 =	sadd.s32 s19, s18  }
0x9c: {  	s6 =	simm.s32 $0x0;
	s20 =	sshll.u32 s4, $0x1;
	s4 =	sadd.s32 s21, s2  }
0x9d: {  	[timem:s6], [sflag:s22] =	dma.local [hbm:s4], s20  }
0x9e: {  	_ =	swait.ge [sflag:s22], s20  }
0x9f: {  	s3 =	ssub.s32 $0x0, s20;
	[sflag:s22] =	ssyncset.done $0x0  }
0xa0: {  	[sflag:s22] =	ssyncadd.s32 s3;
	_ =	sdelay $0x1  }
0xa1: {  	s23 =	simm.s32 $0x1B8B  }
0xa2: {  	_ =	swait.ge [sflag:s23], $0x1  }
0xa3: {  	[sflag:s23] =	ssyncset.done $0x0  }
0xa4: {  	s25 =	simm.s32 $0x1B8E;
	s24 =	sld [smem:$0x3FFE];
	[sflag:s23] =	ssyncadd.s32 $0xFFFFFFFF  }
0xa5: {  	s26 =	simm.s32 $execute0_lowered;
	[smem:$0x3FD2] =	sst s25  }
0xa6: {  	s4 =	sshll.u32 s26, $0x1;
	_ =	strace $0x8000004C;
	[dreg:$0x1] =	wrdreg $0xFFFFFFFF  }
0xa7: {  	s28 =	simm.s32 $_size_execute0_lowered;
	s2 =	sadd.s32 s2, s4;
	[dreg:$0x0] =	wrdreg $0x0  }
0xa8: {  	s4 =	sshll.u32 s28, $0x1;
	[dreg:$0x2] =	wrdreg s2  }
0xa9: {  	[dreg:$0x3] =	wrdreg s4  }
0xaa: {  	[dreg:$0x4] =	wrdreg $0xC0  }
0xab: {  	_ =	task [dreg:s6], $0x5FFFF  }
0xac: {  	[dreg:$0x1] =	wrdreg $0xFFFFFFFF  }
0xad: {  	[dreg:$0x0] =	wrdreg $0x60  }
0xae: {  	[dreg:$0x2] =	wrdreg s24  }
0xaf: {  	[dreg:$0x3] =	wrdreg $0x9  }
0xb0: {  	_ =	task.clear_ibuf [dreg:s6], $0x4FFFF;
	_ =	strace $0x9000004C  }
0xb1: {  	s29 =	simm.s32 $0x9;
	_ =	strace $0x8000004E  }
0xb2: {  	_ =	swait.ge [sflag:s29], $0x1  }
0xb3: {  	[sflag:s29] =	ssyncadd.s32 $0xFFFFFFFF  }
0xb4: {  	_ =	strace $0x9000004E  }
0xb5: {  	_ =	sfence  }
0xb6: {  	s30 =	sld [smem:$0x0];
	_ =	sdelay $0x2  }
0xb7: {  	s31 =	sshll.u32 s1, $0xD;
	s1 =	sshrl.u32 s1, $0x2  }
0xb8: {  	s3 =	sand.u32 $0x4000, s31;
	s1 =	sadd.s32 s1, s30  }
0xb9: {  	s0 =	sor.u32 s3, s0;
	s1 =	sshll.u32 s1, $0x11  }
0xba: {  	s0 =	sor.u32 s1, s0  }
0xbb: {  	s0 =	sadd.s32 $0x8F2B, s0  }
0xbc: {  	[sflag:s0] =	ssyncadd.remote.s32 $0x1  }
0xbd: {  	_ =	sfence.sel $0xFFFF  }
0xbe: {  	[dreg:$0x0] =	wrdreg $0xFFFFFFFF;
	(pc) =	sbr.abs _section_cstart, $3  }
0xbf: {  	[dreg:$0x1] =	wrdreg $0xFFFFFFFF  }
0xc0: {  	_ =	task.clear_ibuf [dreg:s6], $0x2FFFF;
	_ =	strace $0x9FFFFFFF  }
0xc1: {  	(tm) =	ssettm $0x7FFFFFFF  }
tec
execute0_lowered:
.L_overlay_start_1:
0x0: {  	(tag) =	ssettag $0x1  }
0x1: {  	s1 =	srdreg.scid;
	s0 =	stileid.u32  }
0x2: {  	s1 =	sand.u32 $0x1, s1;
	s2 =	smul.u32 $0x2800, s0  }
0x3: {  	s3 =	smul.u32 $0x1400, s1;
	_ =	sdelay $0x1  }
0x4: {  	s5 =	rddreg [dreg:$0x0];
	s3 =	sadd.s32 s3, s2;
	s2 =	simm.s32 $0x0  }
0x5: {  	s17 =	simm.s32 $0x80;
	[smem:$0x7FF] =	sst s2  }
0x6: {  	s18 =	simm.s32 $0x900;
	_ =	strace $0x8000004D;
	[dreg:$0x4] =	wrdreg s17  }
0x7: {  	s19 =	simm.s32 $0xD00;
	[dreg:$0x5] =	wrdreg s18  }
0x8: {  	s20 =	simm.s32 $0x1500;
	[dreg:$0x6] =	wrdreg s19  }
0x9: {  	s21 =	simm.s32 $0x1900;
	[dreg:$0x7] =	wrdreg s20  }
0xa: {  	s22 =	simm.s32 $0x2100;
	[dreg:$0x8] =	wrdreg s21  }
0xb: {  	s23 =	simm.s32 $0x2500;
	[dreg:$0x9] =	wrdreg s22  }
0xc: {  	s24 =	simm.s32 $0x2D00;
	[dreg:$0xa] =	wrdreg s23  }
0xd: {  	s25 =	simm.s32 $0x3100;
	[dreg:$0xb] =	wrdreg s24  }
0xe: {  	s26 =	simm.s32 $0x3900;
	[dreg:$0xc] =	wrdreg s25  }
0xf: {  	s30 =	simm.s32 $0x3D00;
	[dreg:$0xd] =	wrdreg s26  }
0x10: {  	s31 =	simm.s32 $0x4500;
	[dreg:$0xe] =	wrdreg s30  }
0x11: {  	s7 =	simm.s32 $0x5100;
	[dreg:$0xf] =	wrdreg s31  }
0x12: {  	s8 =	simm.s32 $0x5500;
	[dreg:$0x11] =	wrdreg s7  }
0x13: {  	s9 =	simm.s32 $0x6100;
	[dreg:$0x12] =	wrdreg s8  }
0x14: {  	s10 =	simm.s32 $0x6900;
	[dreg:$0x14] =	wrdreg s9  }
0x15: {  	s11 =	simm.s32 $0x6D00;
	[dreg:$0x15] =	wrdreg s10  }
0x16: {  	s12 =	simm.s32 $0x7500;
	s14 =	simm.s32 $0x7900;
	[dreg:$0x16] =	wrdreg s11  }
0x17: {  	s16 =	simm.s32 $0x8100;
	s28 =	simm.s32 $0x2;
	[dreg:$0x17] =	wrdreg s12  }
0x18: {  	s29 =	simm.s32 $0x0;
	s15 =	ssub.s32 $0x2, s1;
	[dreg:$0x18] =	wrdreg s14  }
0x19: {  	s1 =	smul.u32 $0x28000, s1;
	s7 =	simm.s32 $0x5D00;
	[dreg:$0x19] =	wrdreg s16  }
0x1a: {  	s6 =	sshrl.u32 s3, $0x3;
	s17 =	simm.s32 $0x8500;
	[dreg:$0x13] =	wrdreg s7  }
0x1b: {  	s3 =	sadd.s32 s6, s5;
	s18 =	simm.s32 $0x8D00;
	[dreg:$0x1a] =	wrdreg s17  }
0x1c: {  	s6 =	smul.u32 $0x180, s6;
	s19 =	simm.s32 $0x9100;
	[dreg:$0x1b] =	wrdreg s18  }
0x1d: {  	s8 =	smul.u32 $0x50000, s0;
	s20 =	simm.s32 $0x9900;
	[dreg:$0x1c] =	wrdreg s19  }
0x1e: {  	s10 =	sshrl.u32 s15, $0x1;
	s22 =	simm.s32 $0x9D00;
	[dreg:$0x1d] =	wrdreg s20  }
0x1f: {  	s23 =	simm.s32 $0xA500;
	s24 =	simm.s32 $0xA900;
	[dreg:$0x1e] =	wrdreg s22  }
0x20: {  	s25 =	simm.s32 $0xB100;
	s26 =	simm.s32 $0xB500;
	[dreg:$0x1f] =	wrdreg s23  }
0x21: {  	s30 =	simm.s32 $0xBD00;
	s11 =	simm.s32 $0xC100;
	[smem:$0x7F9] =	sst s24  }
0x22: {  	s31 =	simm.s32 $0xC900;
	s12 =	simm.s32 $0xD100;
	[smem:$0x7FA] =	sst s25  }
0x23: {  	s14 =	simm.s32 $0xE100;
	s16 =	simm.s32 $0xF100;
	[smem:$0x7FB] =	sst s26  }
0x24: {  	s4 =	sadd.s32 $0x20400, s3;
	s3 =	sadd.s32 $0x1B400, s3;
	[smem:$0x7FC] =	sst s30  }
0x25: {  	[smem:$0x7FD] =	sst s31;
	s17 =	simm.s32 $0xF900;
	s18 =	simm.s32 $0x10100  }
0x26: {  	s19 =	simm.s32 $0x10900;
	s20 =	simm.s32 $0x11100;
	s22 =	simm.s32 $0x12100  }
0x27: {  	s23 =	simm.s32 $0x12900;
	s24 =	simm.s32 $0x13100;
	[dreg:$0x2] =	wrdreg s4  }
0x28: {  	s25 =	simm.s32 $0x13900;
	s26 =	simm.s32 $0x1;
	[dreg:$0x3] =	wrdreg s3  }
0x29: {  	s4 =	simm.s32 $0x4900;
	s3 =	sadd.s32 $0x1036600, s5;
	s9 =	sadd.s32 s6, s5  }
0x2a: {  	s13 =	sadd.s32 s8, s5;
	s8 =	ssub.s32 s15, s10;
	s10 =	simm.s32 $0x100  }
0x2b: {  	s15 =	simm.s32 $0xE900;
	[dreg:$0x10] =	wrdreg s4;
	s4 =	sadd.s32 $0x10ABA00, s5  }
0x2c: {  	v2 =	vlaneseq.u32;
	s5 =	sadd.s32 $0x1036700, s5;
	s21 =	smax.u32 s8, $0x1;
	s1 =	sadd.s32 s1, s13  }
0x2d: {  	vm0 =	vmmov $0xffff;
	vm1 =	vmmov $0xff;
	v1 =	vshrl.u32 v2, $0x3;
	s8 =	sadd.s32 $0x2A400, s9;
	s9 =	simm.s32 $0x3;
	s13 =	simm.s32 $0xD900  }
0x2e: {  	v0 =	vand.u32 $0x7, v2;
	v2 =	vor.u32 $0x8, v2;
	v1 =	vmul.u32 $0x8, v1;
	[smem:$0x7F8] =	sst s21;
	s7 =	sadd.s32 $0x7AA400, s1;
	s21 =	simm.s32 $0x11900  }
.LBB2_1:
0x2f: {  	s30 =	smov.u32 s8;
	s31 =	smov.u32 s7;
	s1 =	simm.s32 $0x0  }
.LBB2_2:
0x30: {  	s0 =	rddreg [dreg:$0x3]  }
0x31: {  	s0 =	sadd.s32 s1, s0  }
0x32: {  	[tilespmem:s2], [sflag:$0x3] =	stream.linear.gather [hbm4b:s0+s2], $0x80, $0x38;
	[tilespmem:$0x14100] =	vst v63  }
0x33: {  	_ =	swait.ge [sflag:s9], $0x80  }
0x34: {  	s0 =	rddreg [dreg:$0x2];
	[sflag:s9] =	ssyncset.done $0x0  }
0x35: {  	s6 =	rddreg [dreg:$0x4];
	[sflag:s9] =	ssyncadd.s32 $0xFFFFFF80;
	s0 =	sadd.s32 s1, s0  }
0x36: {  	[tilespmem:s6], [sflag:$0x3] =	stream.linear.gather [hbm4b:s0+s2], $0x80, $0x38;
	[tilespmem:$0x14100] =	vst v63  }
0x37: {  	_ =	swait.ge [sflag:s9], $0x80  }
0x38: {  	[sflag:s9] =	ssyncset.done $0x0  }
0x39: {  	[sflag:s9] =	ssyncadd.s32 $0xFFFFFF80  }
0x3a: {  	v3 =	vld [tilespmem:$0x0];
	_ =	sdelay $0x4  }
0x3b: {  	v4 =	vshrl.u32 v3, $0x3  }
0x3c: {  	v4 =	vmul.u32 $0x18, v4  }
0x3d: {  	v3 =	vand.u32 $0x7, v3  }
0x3e: {  	v3 =	vor.u32 v3, v4  }
0x3f: {  	v4 =	vperm.xlane v3, v0;
	_ =	sdelay $0x1  }
0x40: {  	v4 =	vadd.s32 v1, v4;
	_ =	sdelay $0x1  }
0x41: {  	v3 =	vperm.xlane v3, v2;
	_ =	sdelay $0x1  }
0x42: {  	v3 =	vadd.s32 v1, v3  }
0x43: {  	[tilespmem:s10], [sflag:$0x1] =	stream.indirect_vreg.gather [hbm4b:s3+s2], $0x80, v4, vm0, $0xb8;
	[tilespmem:$0x14100] =	vst v63  }
0x44: {  	s0 =	rddreg [dreg:$0x5]  }
0x45: {  	[tilespmem:s0], [sflag:$0x1] =	stream.indirect_vreg.gather [hbm4b:s5+s2], $0x80, v4, vm1, $0xb8;
	[tilespmem:$0x14100] =	vst v63  }
0x46: {  	s6 =	rddreg [dreg:$0x6]  }
0x47: {  	[tilespmem:s6], [sflag:$0x1] =	stream.indirect_vreg.gather [hbm4b:s3+s2], $0x80, v3, vm0, $0xb8;
	[tilespmem:$0x14100] =	vst v63  }
0x48: {  	s0 =	rddreg [dreg:$0x7]  }
0x49: {  	[tilespmem:s0], [sflag:$0x1] =	stream.indirect_vreg.gather [hbm4b:s5+s2], $0x80, v3, vm1, $0xb8;
	[tilespmem:$0x14100] =	vst v63  }
0x4a: {  	v3 =	vld [tilespmem:$0x10];
	_ =	sdelay $0x4  }
0x4b: {  	v49 =	vshrl.u32 v3, $0x3  }
0x4c: {  	v4 =	vmul.u32 $0x18, v49  }
0x4d: {  	v3 =	vand.u32 $0x7, v3  }
0x4e: {  	v3 =	vor.u32 v3, v4  }
0x4f: {  	v4 =	vperm.xlane v3, v0;
	_ =	sdelay $0x1  }
0x50: {  	v4 =	vadd.s32 v1, v4;
	_ =	sdelay $0x1  }
0x51: {  	v3 =	vperm.xlane v3, v2;
	_ =	sdelay $0x1  }
0x52: {  	s0 =	rddreg [dreg:$0x8];
	v3 =	vadd.s32 v1, v3  }
0x53: {  	[tilespmem:s0], [sflag:$0x1] =	stream.indirect_vreg.gather [hbm4b:s3+s2], $0x80, v4, vm0, $0xb8;
	[tilespmem:$0x14100] =	vst v63  }
0x54: {  	s6 =	rddreg [dreg:$0x9]  }
0x55: {  	[tilespmem:s6], [sflag:$0x1] =	stream.indirect_vreg.gather [hbm4b:s5+s2], $0x80, v4, vm1, $0xb8;
	[tilespmem:$0x14100] =	vst v63  }
0x56: {  	s0 =	rddreg [dreg:$0xa]  }
0x57: {  	[tilespmem:s0], [sflag:$0x1] =	stream.indirect_vreg.gather [hbm4b:s3+s2], $0x80, v3, vm0, $0xb8;
	[tilespmem:$0x14100] =	vst v63  }
0x58: {  	s6 =	rddreg [dreg:$0xb]  }
0x59: {  	[tilespmem:s6], [sflag:$0x1] =	stream.indirect_vreg.gather [hbm4b:s5+s2], $0x80, v3, vm1, $0xb8;
	[tilespmem:$0x14100] =	vst v63  }
0x5a: {  	v3 =	vld [tilespmem:$0x20];
	_ =	sdelay $0x4  }
0x5b: {  	v50 =	vshrl.u32 v3, $0x3  }
0x5c: {  	v4 =	vmul.u32 $0x18, v50  }
0x5d: {  	v3 =	vand.u32 $0x7, v3  }
0x5e: {  	v3 =	vor.u32 v3, v4  }
0x5f: {  	v4 =	vperm.xlane v3, v0;
	_ =	sdelay $0x1  }
0x60: {  	v4 =	vadd.s32 v1, v4;
	_ =	sdelay $0x1  }
0x61: {  	v3 =	vperm.xlane v3, v2;
	_ =	sdelay $0x1  }
0x62: {  	s0 =	rddreg [dreg:$0xc];
	v3 =	vadd.s32 v1, v3  }
0x63: {  	[tilespmem:s0], [sflag:$0x1] =	stream.indirect_vreg.gather [hbm4b:s3+s2], $0x80, v4, vm0, $0xb8;
	[tilespmem:$0x14100] =	vst v63  }
0x64: {  	s6 =	rddreg [dreg:$0xd]  }
0x65: {  	[tilespmem:s6], [sflag:$0x1] =	stream.indirect_vreg.gather [hbm4b:s5+s2], $0x80, v4, vm1, $0xb8;
	[tilespmem:$0x14100] =	vst v63  }
0x66: {  	s0 =	rddreg [dreg:$0xe]  }
0x67: {  	[tilespmem:s0], [sflag:$0x1] =	stream.indirect_vreg.gather [hbm4b:s3+s2], $0x80, v3, vm0, $0xb8;
	[tilespmem:$0x14100] =	vst v63  }
0x68: {  	s6 =	rddreg [dreg:$0xf]  }
0x69: {  	[tilespmem:s6], [sflag:$0x1] =	stream.indirect_vreg.gather [hbm4b:s5+s2], $0x80, v3, vm1, $0xb8;
	[tilespmem:$0x14100] =	vst v63  }
0x6a: {  	v3 =	vld [tilespmem:$0x30];
	_ =	sdelay $0x4  }
0x6b: {  	v51 =	vshrl.u32 v3, $0x3  }
0x6c: {  	v4 =	vmul.u32 $0x18, v51  }
0x6d: {  	v3 =	vand.u32 $0x7, v3  }
0x6e: {  	v3 =	vor.u32 v3, v4  }
0x6f: {  	v4 =	vperm.xlane v3, v0;
	_ =	sdelay $0x1  }
0x70: {  	v4 =	vadd.s32 v1, v4;
	_ =	sdelay $0x1  }
0x71: {  	v3 =	vperm.xlane v3, v2;
	_ =	sdelay $0x1  }
0x72: {  	s0 =	rddreg [dreg:$0x10];
	v3 =	vadd.s32 v1, v3  }
0x73: {  	[tilespmem:s0], [sflag:$0x1] =	stream.indirect_vreg.gather [hbm4b:s3+s2], $0x80, v4, vm0, $0xb8;
	[tilespmem:$0x14100] =	vst v63  }
0x74: {  	s6 =	rddreg [dreg:$0x11]  }
0x75: {  	[tilespmem:s6], [sflag:$0x1] =	stream.indirect_vreg.gather [hbm4b:s5+s2], $0x80, v4, vm1, $0xb8;
	[tilespmem:$0x14100] =	vst v63  }
0x76: {  	s0 =	rddreg [dreg:$0x12]  }
0x77: {  	[tilespmem:s0], [sflag:$0x1] =	stream.indirect_vreg.gather [hbm4b:s3+s2], $0x80, v3, vm0, $0xb8;
	[tilespmem:$0x14100] =	vst v63  }
0x78: {  	s6 =	rddreg [dreg:$0x13]  }
0x79: {  	[tilespmem:s6], [sflag:$0x1] =	stream.indirect_vreg.gather [hbm4b:s5+s2], $0x80, v3, vm1, $0xb8;
	[tilespmem:$0x14100] =	vst v63  }
0x7a: {  	v3 =	vld [tilespmem:$0x40];
	_ =	sdelay $0x4  }
0x7b: {  	v52 =	vshrl.u32 v3, $0x3  }
0x7c: {  	v4 =	vmul.u32 $0x18, v52  }
0x7d: {  	v3 =	vand.u32 $0x7, v3  }
0x7e: {  	v3 =	vor.u32 v3, v4  }
0x7f: {  	v4 =	vperm.xlane v3, v0;
	_ =	sdelay $0x1  }
0x80: {  	v4 =	vadd.s32 v1, v4;
	_ =	sdelay $0x1  }
0x81: {  	v3 =	vperm.xlane v3, v2;
	_ =	sdelay $0x1  }
0x82: {  	s0 =	rddreg [dreg:$0x14];
	v3 =	vadd.s32 v1, v3  }
0x83: {  	[tilespmem:s0], [sflag:$0x1] =	stream.indirect_vreg.gather [hbm4b:s3+s2], $0x80, v4, vm0, $0xb8;
	[tilespmem:$0x14100] =	vst v63  }
0x84: {  	s6 =	rddreg [dreg:$0x15]  }
0x85: {  	[tilespmem:s6], [sflag:$0x1] =	stream.indirect_vreg.gather [hbm4b:s5+s2], $0x80, v4, vm1, $0xb8;
	[tilespmem:$0x14100] =	vst v63  }
0x86: {  	s0 =	rddreg [dreg:$0x16]  }
0x87: {  	[tilespmem:s0], [sflag:$0x1] =	stream.indirect_vreg.gather [hbm4b:s3+s2], $0x80, v3, vm0, $0xb8;
	[tilespmem:$0x14100] =	vst v63  }
0x88: {  	s6 =	rddreg [dreg:$0x17]  }
0x89: {  	[tilespmem:s6], [sflag:$0x1] =	stream.indirect_vreg.gather [hbm4b:s5+s2], $0x80, v3, vm1, $0xb8;
	[tilespmem:$0x14100] =	vst v63  }
0x8a: {  	v3 =	vld [tilespmem:$0x50];
	_ =	sdelay $0x4  }
0x8b: {  	v53 =	vshrl.u32 v3, $0x3  }
0x8c: {  	v4 =	vmul.u32 $0x18, v53  }
0x8d: {  	v3 =	vand.u32 $0x7, v3  }
0x8e: {  	v3 =	vor.u32 v3, v4  }
0x8f: {  	v4 =	vperm.xlane v3, v0;
	_ =	sdelay $0x1  }
0x90: {  	v4 =	vadd.s32 v1, v4;
	_ =	sdelay $0x1  }
0x91: {  	v3 =	vperm.xlane v3, v2;
	_ =	sdelay $0x1  }
0x92: {  	s0 =	rddreg [dreg:$0x18];
	v3 =	vadd.s32 v1, v3  }
0x93: {  	[tilespmem:s0], [sflag:$0x1] =	stream.indirect_vreg.gather [hbm4b:s3+s2], $0x80, v4, vm0, $0xb8;
	[tilespmem:$0x14100] =	vst v63  }
0x94: {  	s6 =	rddreg [dreg:$0x19]  }
0x95: {  	[tilespmem:s6], [sflag:$0x1] =	stream.indirect_vreg.gather [hbm4b:s5+s2], $0x80, v4, vm1, $0xb8;
	[tilespmem:$0x14100] =	vst v63  }
0x96: {  	s0 =	rddreg [dreg:$0x1a]  }
0x97: {  	[tilespmem:s0], [sflag:$0x1] =	stream.indirect_vreg.gather [hbm4b:s3+s2], $0x80, v3, vm0, $0xb8;
	[tilespmem:$0x14100] =	vst v63  }
0x98: {  	s6 =	rddreg [dreg:$0x1b]  }
0x99: {  	[tilespmem:s6], [sflag:$0x1] =	stream.indirect_vreg.gather [hbm4b:s5+s2], $0x80, v3, vm1, $0xb8;
	[tilespmem:$0x14100] =	vst v63  }
0x9a: {  	v3 =	vld [tilespmem:$0x60];
	_ =	sdelay $0x4  }
0x9b: {  	v54 =	vshrl.u32 v3, $0x3  }
0x9c: {  	v4 =	vmul.u32 $0x18, v54  }
0x9d: {  	v3 =	vand.u32 $0x7, v3  }
0x9e: {  	v3 =	vor.u32 v3, v4  }
0x9f: {  	v4 =	vperm.xlane v3, v0;
	_ =	sdelay $0x1  }
0xa0: {  	v4 =	vadd.s32 v1, v4;
	_ =	sdelay $0x1  }
0xa1: {  	v3 =	vperm.xlane v3, v2;
	_ =	sdelay $0x1  }
0xa2: {  	s0 =	rddreg [dreg:$0x1c];
	v3 =	vadd.s32 v1, v3  }
0xa3: {  	[tilespmem:s0], [sflag:$0x1] =	stream.indirect_vreg.gather [hbm4b:s3+s2], $0x80, v4, vm0, $0xb8;
	[tilespmem:$0x14100] =	vst v63  }
0xa4: {  	s6 =	rddreg [dreg:$0x1d]  }
0xa5: {  	[tilespmem:s6], [sflag:$0x1] =	stream.indirect_vreg.gather [hbm4b:s5+s2], $0x80, v4, vm1, $0xb8;
	[tilespmem:$0x14100] =	vst v63  }
0xa6: {  	s0 =	rddreg [dreg:$0x1e]  }
0xa7: {  	[tilespmem:s0], [sflag:$0x1] =	stream.indirect_vreg.gather [hbm4b:s3+s2], $0x80, v3, vm0, $0xb8;
	[tilespmem:$0x14100] =	vst v63  }
0xa8: {  	s6 =	rddreg [dreg:$0x1f]  }
0xa9: {  	[tilespmem:s6], [sflag:$0x1] =	stream.indirect_vreg.gather [hbm4b:s5+s2], $0x80, v3, vm1, $0xb8;
	[tilespmem:$0x14100] =	vst v63  }
0xaa: {  	v3 =	vld [tilespmem:$0x70];
	_ =	sdelay $0x4  }
0xab: {  	v55 =	vshrl.u32 v3, $0x3  }
0xac: {  	v4 =	vmul.u32 $0x18, v55  }
0xad: {  	v3 =	vand.u32 $0x7, v3  }
0xae: {  	v3 =	vor.u32 v3, v4  }
0xaf: {  	v4 =	vperm.xlane v3, v0;
	_ =	sdelay $0x1  }
0xb0: {  	v4 =	vadd.s32 v1, v4;
	_ =	sdelay $0x1  }
0xb1: {  	s0 =	sld [smem:$0x7F9];
	v3 =	vperm.xlane v3, v2;
	_ =	sdelay $0x1  }
0xb2: {  	s6 =	sld [smem:$0x7FA];
	v3 =	vadd.s32 v1, v3  }
0xb3: {  	[tilespmem:s0], [sflag:$0x1] =	stream.indirect_vreg.gather [hbm4b:s3+s2], $0x80, v4, vm0, $0xb8;
	[tilespmem:$0x14100] =	vst v63  }
0xb4: {  	s0 =	sld [smem:$0x7FB]  }
0xb5: {  	[tilespmem:s6], [sflag:$0x1] =	stream.indirect_vreg.gather [hbm4b:s5+s2], $0x80, v4, vm1, $0xb8;
	[tilespmem:$0x14100] =	vst v63  }
0xb6: {  	s6 =	sld [smem:$0x7FC]  }
0xb7: {  	[tilespmem:s0], [sflag:$0x1] =	stream.indirect_vreg.gather [hbm4b:s3+s2], $0x80, v3, vm0, $0xb8;
	[tilespmem:$0x14100] =	vst v63  }
0xb8: {  	_ = 	snop  }
0xb9: {  	[tilespmem:s6], [sflag:$0x1] =	stream.indirect_vreg.gather [hbm4b:s5+s2], $0x80, v3, vm1, $0xb8;
	[tilespmem:$0x14100] =	vst v63  }
0xba: {  	v3 =	vld [tilespmem:$0x80];
	_ =	sdelay $0x4  }
0xbb: {  	v56 =	vshll.u32 v3, $0x1  }
0xbc: {  	v3 =	vand.u32 $0x7, v3;
	v4 =	vand.u32 $0xFFFFFFF0, v56  }
0xbd: {  	v3 =	vor.u32 v3, v4  }
0xbe: {  	v4 =	vperm.xlane v3, v0;
	_ =	sdelay $0x1  }
0xbf: {  	v3 =	vperm.xlane v3, v2;
	v4 =	vadd.s32 v1, v4;
	_ =	sdelay $0x1  }
0xc0: {  	v3 =	vadd.s32 v1, v3;
	_ =	sdelay $0x1  }
0xc1: {  	s6 =	sld [smem:$0x7FD]  }
0xc2: {  	[tilespmem:s11], [sflag:$0x2] =	stream.indirect_vreg.gather [hbm4b:s4+s2], $0x80, v4, vm0, $0xb8;
	[tilespmem:$0x14100] =	vst v63  }
0xc3: {  	_ = 	snop  }
0xc4: {  	[tilespmem:s6], [sflag:$0x2] =	stream.indirect_vreg.gather [hbm4b:s4+s2], $0x80, v3, vm0, $0xb8;
	[tilespmem:$0x14100] =	vst v63  }
0xc5: {  	v3 =	vld [tilespmem:$0x90];
	_ =	sdelay $0x4  }
0xc6: {  	v57 =	vshll.u32 v3, $0x1  }
0xc7: {  	v3 =	vand.u32 $0x7, v3;
	v4 =	vand.u32 $0xFFFFFFF0, v57  }
0xc8: {  	v3 =	vor.u32 v3, v4  }
0xc9: {  	v4 =	vperm.xlane v3, v0;
	_ =	sdelay $0x1  }
0xca: {  	v3 =	vperm.xlane v3, v2;
	v4 =	vadd.s32 v1, v4;
	_ =	sdelay $0x1  }
0xcb: {  	v3 =	vadd.s32 v1, v3;
	_ =	sdelay $0x2  }
0xcc: {  	[tilespmem:s12], [sflag:$0x2] =	stream.indirect_vreg.gather [hbm4b:s4+s2], $0x80, v4, vm0, $0xb8;
	[tilespmem:$0x14100] =	vst v63  }
0xcd: {  	_ = 	snop  }
0xce: {  	[tilespmem:s13], [sflag:$0x2] =	stream.indirect_vreg.gather [hbm4b:s4+s2], $0x80, v3, vm0, $0xb8;
	[tilespmem:$0x14100] =	vst v63  }
0xcf: {  	v3 =	vld [tilespmem:$0xA0];
	_ =	sdelay $0x4  }
0xd0: {  	v58 =	vshll.u32 v3, $0x1  }
0xd1: {  	v3 =	vand.u32 $0x7, v3;
	v4 =	vand.u32 $0xFFFFFFF0, v58  }
0xd2: {  	v3 =	vor.u32 v3, v4  }
0xd3: {  	v4 =	vperm.xlane v3, v0;
	_ =	sdelay $0x1  }
0xd4: {  	v3 =	vperm.xlane v3, v2;
	v4 =	vadd.s32 v1, v4;
	_ =	sdelay $0x1  }
0xd5: {  	v3 =	vadd.s32 v1, v3;
	_ =	sdelay $0x2  }
0xd6: {  	[tilespmem:s14], [sflag:$0x2] =	stream.indirect_vreg.gather [hbm4b:s4+s2], $0x80, v4, vm0, $0xb8;
	[tilespmem:$0x14100] =	vst v63  }
0xd7: {  	_ = 	snop  }
0xd8: {  	[tilespmem:s15], [sflag:$0x2] =	stream.indirect_vreg.gather [hbm4b:s4+s2], $0x80, v3, vm0, $0xb8;
	[tilespmem:$0x14100] =	vst v63  }
0xd9: {  	v3 =	vld [tilespmem:$0xB0];
	_ =	sdelay $0x4  }
0xda: {  	v59 =	vshll.u32 v3, $0x1  }
0xdb: {  	v3 =	vand.u32 $0x7, v3;
	v4 =	vand.u32 $0xFFFFFFF0, v59  }
0xdc: {  	v3 =	vor.u32 v3, v4  }
0xdd: {  	v4 =	vperm.xlane v3, v0;
	_ =	sdelay $0x1  }
0xde: {  	v3 =	vperm.xlane v3, v2;
	v4 =	vadd.s32 v1, v4;
	_ =	sdelay $0x1  }
0xdf: {  	v3 =	vadd.s32 v1, v3;
	_ =	sdelay $0x2  }
0xe0: {  	[tilespmem:s16], [sflag:$0x2] =	stream.indirect_vreg.gather [hbm4b:s4+s2], $0x80, v4, vm0, $0xb8;
	[tilespmem:$0x14100] =	vst v63  }
0xe1: {  	_ = 	snop  }
0xe2: {  	[tilespmem:s17], [sflag:$0x2] =	stream.indirect_vreg.gather [hbm4b:s4+s2], $0x80, v3, vm0, $0xb8;
	[tilespmem:$0x14100] =	vst v63  }
0xe3: {  	v3 =	vld [tilespmem:$0xC0];
	_ =	sdelay $0x4  }
0xe4: {  	v60 =	vshll.u32 v3, $0x1  }
0xe5: {  	v3 =	vand.u32 $0x7, v3;
	v4 =	vand.u32 $0xFFFFFFF0, v60  }
0xe6: {  	v3 =	vor.u32 v3, v4  }
0xe7: {  	v4 =	vperm.xlane v3, v0;
	_ =	sdelay $0x1  }
0xe8: {  	v3 =	vperm.xlane v3, v2;
	v4 =	vadd.s32 v1, v4;
	_ =	sdelay $0x1  }
0xe9: {  	v3 =	vadd.s32 v1, v3;
	_ =	sdelay $0x2  }
0xea: {  	[tilespmem:s18], [sflag:$0x2] =	stream.indirect_vreg.gather [hbm4b:s4+s2], $0x80, v4, vm0, $0xb8;
	[tilespmem:$0x14100] =	vst v63  }
0xeb: {  	_ = 	snop  }
0xec: {  	[tilespmem:s19], [sflag:$0x2] =	stream.indirect_vreg.gather [hbm4b:s4+s2], $0x80, v3, vm0, $0xb8;
	[tilespmem:$0x14100] =	vst v63  }
0xed: {  	v3 =	vld [tilespmem:$0xD0];
	_ =	sdelay $0x4  }
0xee: {  	v61 =	vshll.u32 v3, $0x1  }
0xef: {  	v3 =	vand.u32 $0x7, v3;
	v4 =	vand.u32 $0xFFFFFFF0, v61  }
0xf0: {  	v3 =	vor.u32 v3, v4  }
0xf1: {  	v4 =	vperm.xlane v3, v0;
	_ =	sdelay $0x1  }
0xf2: {  	v3 =	vperm.xlane v3, v2;
	v4 =	vadd.s32 v1, v4;
	_ =	sdelay $0x1  }
0xf3: {  	v3 =	vadd.s32 v1, v3;
	_ =	sdelay $0x2  }
0xf4: {  	[tilespmem:s20], [sflag:$0x2] =	stream.indirect_vreg.gather [hbm4b:s4+s2], $0x80, v4, vm0, $0xb8;
	[tilespmem:$0x14100] =	vst v63  }
0xf5: {  	_ = 	snop  }
0xf6: {  	[tilespmem:s21], [sflag:$0x2] =	stream.indirect_vreg.gather [hbm4b:s4+s2], $0x80, v3, vm0, $0xb8;
	[tilespmem:$0x14100] =	vst v63  }
0xf7: {  	v3 =	vld [tilespmem:$0xE0];
	_ =	sdelay $0x4  }
0xf8: {  	v62 =	vshll.u32 v3, $0x1  }
0xf9: {  	v3 =	vand.u32 $0x7, v3;
	v4 =	vand.u32 $0xFFFFFFF0, v62  }
0xfa: {  	v3 =	vor.u32 v3, v4  }
0xfb: {  	v4 =	vperm.xlane v3, v0;
	_ =	sdelay $0x1  }
0xfc: {  	v3 =	vperm.xlane v3, v2;
	v4 =	vadd.s32 v1, v4;
	_ =	sdelay $0x1  }
0xfd: {  	v3 =	vadd.s32 v1, v3;
	_ =	sdelay $0x2  }
0xfe: {  	[tilespmem:s22], [sflag:$0x2] =	stream.indirect_vreg.gather [hbm4b:s4+s2], $0x80, v4, vm0, $0xb8;
	[tilespmem:$0x14100] =	vst v63  }
0xff: {  	_ = 	snop  }
0x100: {  	[tilespmem:s23], [sflag:$0x2] =	stream.indirect_vreg.gather [hbm4b:s4+s2], $0x80, v3, vm0, $0xb8;
	[tilespmem:$0x14100] =	vst v63  }
0x101: {  	v3 =	vld [tilespmem:$0xF0];
	_ =	sdelay $0x4  }
0x102: {  	v63 =	vshll.u32 v3, $0x1  }
0x103: {  	v3 =	vand.u32 $0x7, v3;
	v4 =	vand.u32 $0xFFFFFFF0, v63  }
0x104: {  	v3 =	vor.u32 v3, v4  }
0x105: {  	v4 =	vperm.xlane v3, v0;
	_ =	sdelay $0x1  }
0x106: {  	v3 =	vperm.xlane v3, v2;
	v4 =	vadd.s32 v1, v4;
	_ =	sdelay $0x1  }
0x107: {  	v3 =	vadd.s32 v1, v3;
	_ =	sdelay $0x2  }
0x108: {  	[tilespmem:s24], [sflag:$0x2] =	stream.indirect_vreg.gather [hbm4b:s4+s2], $0x80, v4, vm0, $0xb8;
	[tilespmem:$0x14100] =	vst v63  }
0x109: {  	_ = 	snop  }
0x10a: {  	[tilespmem:s25], [sflag:$0x2] =	stream.indirect_vreg.gather [hbm4b:s4+s2], $0x80, v3, vm0, $0xb8;
	[tilespmem:$0x14100] =	vst v63  }
0x10b: {  	_ =	swait.ge [sflag:s26], $0xC000  }
0x10c: {  	[sflag:s26] =	ssyncset.done $0x0  }
0x10d: {  	[sflag:s26] =	ssyncadd.s32 $0xFFFF4000  }
0x10e: {  	_ =	swait.ge [sflag:s28], $0x8000  }
0x10f: {  	[sflag:s28] =	ssyncset.done $0x0  }
0x110: {  	[sflag:s28] =	ssyncadd.s32 $0xFFFF8000  }
0x111: {  	[hbm4b:s30+s2] =	stream.linear.scatter [tilespmem:s10], [sflag:$0x3], $0xC000, $0x38;
	[tilespmem:$0x14100] =	vst v63  }
0x112: {  	_ =	swait.ge [sflag:s9], $0xC000  }
0x113: {  	p0 =	sne.s32 s1, $0x270;
	[sflag:s9] =	ssyncset.done $0x0  }
.Ltmp0:
0x114: {  	[sflag:s9] =	ssyncadd.s32 $0xFFFF4000;
	(pc) =	sbr.rel @p0 .LBB2_2-.Ltmp0, $4  }
0x115: {  	[hbm4b:s31+s2] =	stream.linear.scatter [tilespmem:s11], [sflag:$0x3], $0x8000, $0x38;
	[tilespmem:$0x14100] =	vst v63  }
0x116: {  	_ =	swait.ge [sflag:s9], $0x8000  }
0x117: {  	s1 =	sadd.s32 $0x10, s1;
	[sflag:s9] =	ssyncset.done $0x0  }
0x118: {  	s30 =	sadd.s32 $0x1800, s30;
	s31 =	sadd.s32 $0x1000, s31;
	[sflag:s9] =	ssyncadd.s32 $0xFFFF8000  }
0x119: {  	s0 =	sld [smem:$0x7F8];
	_ =	sdelay $0x1  }
0x11a: {  	s29 =	sadd.s32 $0x1, s29  }
0x11b: {  	p0 =	sne.s32 s29, s0  }
.Ltmp1:
0x11c: {  	_ = 	snop;
	(pc) =	sbr.rel @p0 .LBB2_1-.Ltmp1, $1  }
0x11d: {  	_ =	sdelay $0x3  }
0x11e: {  	_ =	sfence.sel $0x180000  }
0x11f: {  	[bflag:$0x0] =	sbarrier.arrive $0xFFFF  }
0x120: {  	_ =	strace $0x9000004D  }
0x121: {  	s0 =	stileid.u32;
	[bflag:$0x2] =	sbarrier.arrive $0xFFFF  }
0x122: {  	p0 =	sne.s32 s0, $0x0;
	s0 =	rddreg [dreg:$0x1]  }
0x123: {  	s0 =	sadd.s32 @!p0 $0x100000, s0  }
0x124: {  	[sflag:s0] =	ssyncadd.tile.s32 @!p0 $0x1;
	_ =	shalt  }
.Lfunc_end2:
_tile_overlayer_lowered:
.L_overlay_start_2:
0x125: {  	(tag) =	ssettag $0x2  }
0x126: {  	s0 =	rddreg [dreg:$0x0];
	s2 =	stileid.u32  }
0x127: {  	s1 =	rddreg [dreg:$0x1];
	p0 =	sne.s32 s2, $0x0  }
0x128: {  	s3 =	rddreg [dreg:$0x2];
	[bflag:$0x3] =	sbarrier.arrive $0xFFFF;
	s2 =	simm.s32 @!p0 $0x1C03  }
0x129: {  	[timem:s3], [sflag:s2] =	dma.local @!p0 [hbm:s0], s1  }
0x12a: {  	s0 =	simm.s32 @!p0 $0x3  }
0x12b: {  	_ =	swait.ge @!p0 [sflag:s0], s1  }
0x12c: {  	s1 =	ssub.s32 @!p0 $0x0, s1;
	[sflag:s0] =	ssyncset.done @!p0 $0x0  }
0x12d: {  	[sflag:s0] =	ssyncadd.s32 @!p0 s1  }
0x12e: {  	[bflag:$0x3] =	sbarrier.arrive $0xFFFF  }
0x12f: {  	_ =	shalt  }

// kernel: kernel.39.cloned.1.call-start
scs
__scs_entry_jumppad:
0x0: {  	(pc) =	sbr.rel $0x88, $3  }
0x1: {  	(tag) =	ssettag $0x0;
	lr =	simm.s32 $0x1  }
0x2: {  	[smem:$0x3F80] =	sst lr;
	_ =	strace $0xD0000000  }
0x3: {  	_ = 	snop  }
0x4: {  	_ = 	snop  }
0x5: {  	_ = 	snop  }
0x6: {  	_ = 	snop  }
0x7: {  	_ = 	snop  }
__scs_overlays_trampoline_lowered:
0x8: {  	[smem:$0x3F8F] =	sst s0  }
0x9: {  	[smem:$0x3F90] =	sst s1  }
0xa: {  	[smem:$0x3F91] =	sst s2  }
0xb: {  	[smem:$0x3F92] =	sst s3  }
0xc: {  	[smem:$0x3F93] =	sst s4  }
0xd: {  	[smem:$0x3F94] =	sst s5  }
0xe: {  	[smem:$0x3F95] =	sst s6  }
0xf: {  	[smem:$0x3F96] =	sst s7  }
0x10: {  	[smem:$0x3F97] =	sst s8  }
0x11: {  	[smem:$0x3F98] =	sst s9;
	s0 =	simm.s32 @!p0 $0x0  }
0x12: {  	s1 =	sld [smem:$0x3F7E];
	s0 =	simm.s32 @p0 $0x1  }
0x13: {  	[smem:$0x3F99] =	sst s0;
	s0 =	simm.s32 @!p1 $0x0  }
0x14: {  	s2 =	sld [smem:$0x3F7D];
	s0 =	simm.s32 @p1 $0x1  }
0x15: {  	[smem:$0x3F9A] =	sst s0;
	s0 =	simm.s32 @!p2 $0x0  }
0x16: {  	s3 =	sld [smem:$0x3FDB];
	s0 =	simm.s32 @p2 $0x1  }
0x17: {  	s4 =	simm.s32 $0x1BF5;
	[smem:$0x3F9C] =	sst s0  }
0x18: {  	s0 =	sld [smem:$0x3F7F];
	_ =	swait.ge [sflag:s4], $0x0  }
0x19: {  	s7 =	sld [smem:$0x3F80]  }
0x1a: {  	s8 =	sadd.s32 $0xFFFFE003, lr  }
0x1b: {  	s9 =	sadd.s32 $0xFFFFFEF7, lr;
	s5 =	simm.s32 $0xFFFFFFFF;
	p2 =	slt.u32 s8, $0xFFFFF086  }
0x1c: {  	p1 =	slt.u32 s9, $0xF7A;
	s5 =	simm.s32 @!p2 $0x0  }
0x1d: {  	s5 =	simm.s32 @p1 $0x1;
	p0 =	seq.s32 s7, s2  }
0x1e: {  	s7 =	smul.u32 @!p0 $0xF7A, s2;
	p2 =	seq.s32 @!p0 s5, $0x0  }
0x1f: {  	s9 =	smul.u32 $0xF7A, s1;
	s8 =	simm.s32 @!p0 $0x1BF5;
	p2 =	por !p2, p0  }
0x20: {  	[sflag:s8] =	ssyncset.s32 @!p0 $0xFFFFF086;
	s6 =	sadd.s32 @!p0 s3, s7;
	s7 =	simm.s32 @!p0 $0x108  }
0x21: {  	s3 =	sadd.s32 s3, s9;
	s6 =	sadd.s32 @!p0 $0x88, s6;
	s7 =	simm.s32 @p2 $0x1082  }
0x22: {  	[simem:s7], [sflag:s8] =	dma.local @!p0 [hbm:s6], $0xF7A  }
0x23: {  	s9 =	sor.u32 $0xD0000000, s2;
	s6 =	simm.s32 $0x108;
	_ =	swait.ge @!p0 [sflag:s8], $0x0  }
0x24: {  	s3 =	sadd.s32 $0x88, s3;
	s6 =	simm.s32 @!p1 $0x1082;
	[sflag:s4] =	ssyncset.s32 $0xFFFFF086  }
0x25: {  	[simem:s6], [sflag:s4] =	dma.local [hbm:s3], $0xF7A  }
0x26: {  	[smem:$0x3F80] =	sst s1;
	(tag) =	ssettag s2;
	_ =	strace s9  }
0x27: {  	s1 =	sld [smem:$0x3F90]  }
0x28: {  	s2 =	sld [smem:$0x3F91]  }
0x29: {  	s4 =	sld [smem:$0x3F93]  }
0x2a: {  	p0 =	seq.s32 s5, $0x0;
	s5 =	sld [smem:$0x3F94]  }
0x2b: {  	s6 =	sld [smem:$0x3F95]  }
0x2c: {  	s7 =	sld [smem:$0x3F96]  }
0x2d: {  	s3 =	simm.s32 $0x108;
	s8 =	sld [smem:$0x3F97]  }
0x2e: {  	s3 =	simm.s32 @!p0 $0x1082;
	s9 =	sld [smem:$0x3F98]  }
0x2f: {  	lr =	sadd.s32 s0, s3;
	s0 =	sld [smem:$0x3F8F]  }
0x30: {  	s3 =	sld [smem:$0x3F92]  }
0x31: {  	[smem:$0x3F9B] =	sst s10  }
0x32: {  	s10 =	sld [smem:$0x3F99];
	_ =	sdelay $0x3  }
0x33: {  	p0 =	seq.s32 s10, $0x1;
	s10 =	sld [smem:$0x3F9B];
	_ =	sdelay $0x3  }
0x34: {  	[smem:$0x3F9B] =	sst s10  }
0x35: {  	s10 =	sld [smem:$0x3F9A];
	_ =	sdelay $0x3  }
0x36: {  	p1 =	seq.s32 s10, $0x1;
	s10 =	sld [smem:$0x3F9B];
	_ =	sdelay $0x3  }
0x37: {  	[smem:$0x3F9B] =	sst s10  }
0x38: {  	s10 =	sld [smem:$0x3F9C]  }
0x39: {  	_ = 	snop;
	(pc) =	sbr.ind lr, $3  }
0x3a: {  	_ = 	snop  }
0x3b: {  	_ = 	snop  }
0x3c: {  	p2 =	seq.s32 s10, $0x1;
	s10 =	sld [smem:$0x3F9B]  }
0x3d: {  	_ =	shalt  }
0x3e: {  	_ =	shalt  }
0x3f: {  	_ =	shalt  }
0x40: {  	_ =	shalt  }
0x41: {  	_ =	shalt  }
0x42: {  	_ =	shalt  }
0x43: {  	_ =	shalt  }
0x44: {  	_ =	shalt  }
0x45: {  	_ =	shalt  }
0x46: {  	_ =	shalt  }
0x47: {  	_ =	shalt  }
0x48: {  	_ =	shalt  }
0x49: {  	_ =	shalt  }
0x4a: {  	_ =	shalt  }
0x4b: {  	_ =	shalt  }
0x4c: {  	_ =	shalt  }
0x4d: {  	_ =	shalt  }
0x4e: {  	_ =	shalt  }
0x4f: {  	_ =	shalt  }
0x50: {  	_ =	shalt  }
0x51: {  	_ =	shalt  }
0x52: {  	_ =	shalt  }
0x53: {  	_ =	shalt  }
0x54: {  	_ =	shalt  }
0x55: {  	_ =	shalt  }
0x56: {  	_ =	shalt  }
0x57: {  	_ =	shalt  }
0x58: {  	_ =	shalt  }
0x59: {  	_ =	shalt  }
0x5a: {  	_ =	shalt  }
0x5b: {  	_ =	shalt  }
0x5c: {  	_ =	shalt  }
0x5d: {  	_ =	shalt  }
0x5e: {  	_ =	shalt  }
0x5f: {  	_ =	shalt  }
0x60: {  	_ =	shalt  }
0x61: {  	_ =	shalt  }
0x62: {  	_ =	shalt  }
0x63: {  	_ =	shalt  }
0x64: {  	_ =	shalt  }
0x65: {  	_ =	shalt  }
0x66: {  	_ =	shalt  }
0x67: {  	_ =	shalt  }
0x68: {  	_ =	shalt  }
0x69: {  	_ =	shalt  }
0x6a: {  	_ =	shalt  }
0x6b: {  	_ =	shalt  }
0x6c: {  	_ =	shalt  }
0x6d: {  	_ =	shalt  }
0x6e: {  	_ =	shalt  }
0x6f: {  	_ =	shalt  }
0x70: {  	_ =	shalt  }
0x71: {  	_ =	shalt  }
0x72: {  	_ =	shalt  }
0x73: {  	_ =	shalt  }
0x74: {  	_ =	shalt  }
0x75: {  	_ =	shalt  }
0x76: {  	_ =	shalt  }
0x77: {  	_ =	shalt  }
0x78: {  	_ =	shalt  }
0x79: {  	_ =	shalt  }
0x7a: {  	_ =	shalt  }
0x7b: {  	_ =	shalt  }
0x7c: {  	_ =	shalt  }
0x7d: {  	_ =	shalt  }
0x7e: {  	_ =	shalt  }
0x7f: {  	_ =	shalt  }
0x80: {  	_ =	shalt  }
0x81: {  	_ =	shalt  }
0x82: {  	_ =	shalt  }
0x83: {  	_ =	shalt  }
0x84: {  	_ =	shalt  }
0x85: {  	_ =	shalt  }
0x86: {  	_ =	shalt  }
0x87: {  	_ =	shalt  }
.Lfunc_end0:
.L_simem_size_0:
called_computation.3_lowered:
.L_overlay_start_0:
0x88: {  	s0 =	sld [smem:$0x3FD9]  }
0x89: {  	s1 =	sld [smem:$0x3FFE];
	_ =	sdelay $0x3  }
0x8a: {  	s0 =	sadd.s32 s1, s0  }
0x8b: {  	[smem:$0x3FA7] =	sst s0  }
0x8c: {  	_ = 	snop  }
0x8d: {  	(tm) =	ssettm $0x1  }
0x8e: {  	s15 =	sld [smem:$0x3FFB];
	_ =	sdelay $0x3  }
0x8f: {  	_ =	strace s15  }
0x90: {  	s0 =	sld [smem:$0x3FFC];
	_ =	sdelay $0x3  }
0x91: {  	_ =	strace s0  }
0x92: {  	s0 =	sld [smem:$0x3FFD];
	_ =	sdelay $0x3  }
0x93: {  	_ =	strace s0  }
0x94: {  	_ =	strace $0x8FFFFFFF  }
0x95: {  	s16 =	sld [smem:$0x3FDB];
	_ =	sdelay $0x1  }
0x96: {  	s17 =	simm.s32 $_scs_section_size  }
0x97: {  	s2 =	simm.s32 $_size__tile_overlayer_lowered;
	s3 =	simm.s32 $_tile_overlayer_lowered  }
0x98: {  	s20 =	simm.s32 $0x1BFF;
	s19 =	sshll.u32 s3, $0x1;
	s0 =	sadd.s32 s17, s16  }
0x99: {  	s4 =	simm.s32 $0x0;
	s18 =	sshll.u32 s2, $0x1;
	s2 =	sadd.s32 s19, s0  }
0x9a: {  	[timem:s4], [sflag:s20] =	dma.local [hbm:s2], s18  }
0x9b: {  	_ =	swait.ge [sflag:s20], s18  }
0x9c: {  	s1 =	ssub.s32 $0x0, s18;
	[sflag:s20] =	ssyncset.done $0x0  }
0x9d: {  	[sflag:s20] =	ssyncadd.s32 s1;
	_ =	sdelay $0x1  }
0x9e: {  	s21 =	simm.s32 $0x1B8B  }
0x9f: {  	_ =	swait.ge [sflag:s21], $0x1  }
0xa0: {  	[sflag:s21] =	ssyncset.done $0x0  }
0xa1: {  	s23 =	simm.s32 $0x1B8E;
	s22 =	sld [smem:$0x3FFE];
	[sflag:s21] =	ssyncadd.s32 $0xFFFFFFFF  }
0xa2: {  	s24 =	simm.s32 $execute0_lowered;
	[smem:$0x3FD2] =	sst s23  }
0xa3: {  	s2 =	sshll.u32 s24, $0x1;
	_ =	strace $0x8000004F;
	[dreg:$0x1] =	wrdreg $0xFFFFFFFF  }
0xa4: {  	s25 =	simm.s32 $_size_execute0_lowered;
	s0 =	sadd.s32 s0, s2;
	[dreg:$0x0] =	wrdreg $0x0  }
0xa5: {  	s2 =	sshll.u32 s25, $0x1;
	[dreg:$0x2] =	wrdreg s0  }
0xa6: {  	[dreg:$0x3] =	wrdreg s2  }
0xa7: {  	[dreg:$0x4] =	wrdreg $0xC0  }
0xa8: {  	_ =	task [dreg:s4], $0x5FFFF  }
0xa9: {  	[dreg:$0x1] =	wrdreg $0xFFFFFFFF  }
0xaa: {  	[dreg:$0x0] =	wrdreg $0x60  }
0xab: {  	[dreg:$0x2] =	wrdreg s22  }
0xac: {  	[dreg:$0x3] =	wrdreg $0x60800  }
0xad: {  	[dreg:$0x4] =	wrdreg $0x9  }
0xae: {  	_ =	task.clear_ibuf [dreg:s4], $0x5FFFF;
	_ =	strace $0x9000004F  }
0xaf: {  	s26 =	simm.s32 $0x9;
	_ =	strace $0x80000051  }
0xb0: {  	_ =	swait.ge [sflag:s26], $0x1  }
0xb1: {  	[sflag:s26] =	ssyncadd.s32 $0xFFFFFFFF  }
0xb2: {  	_ =	strace $0x90000051  }
0xb3: {  	_ =	sfence  }
0xb4: {  	s28 =	sld [smem:$0x0];
	_ =	sdelay $0x1  }
0xb5: {  	s29 =	srdreg.scid  }
0xb6: {  	s30 =	sshll.u32 s29, $0xD;
	s31 =	sshrl.u32 s29, $0x2  }
0xb7: {  	s1 =	sand.u32 $0x1, s29;
	s2 =	sand.u32 $0x4000, s30;
	s0 =	sadd.s32 s31, s28  }
0xb8: {  	s1 =	sor.u32 s2, s1;
	s0 =	sshll.u32 s0, $0x11  }
0xb9: {  	s0 =	sor.u32 s0, s1  }
0xba: {  	s0 =	sadd.s32 $0x8F2B, s0  }
0xbb: {  	[sflag:s0] =	ssyncadd.remote.s32 $0x1  }
0xbc: {  	_ =	sfence.sel $0xFFFF  }
0xbd: {  	[dreg:$0x0] =	wrdreg $0xFFFFFFFF;
	(pc) =	sbr.abs _section_cstart, $3  }
0xbe: {  	[dreg:$0x1] =	wrdreg $0xFFFFFFFF  }
0xbf: {  	_ =	task.clear_ibuf [dreg:s4], $0x2FFFF;
	_ =	strace $0x9FFFFFFF  }
0xc0: {  	(tm) =	ssettm $0x7FFFFFFF  }
0xc1: {  	_ =	shalt  }
tec
execute0_lowered:
.L_overlay_start_1:
0x0: {  	(tag) =	ssettag $0x1  }
0x1: {  	s3 =	rddreg [dreg:$0x0]  }
0x2: {  	s2 =	rddreg [dreg:$0x1]  }
0x3: {  	s0 =	rddreg [dreg:$0x2];
	s4 =	simm.s32 $0x0  }
0x4: {  	s7 =	simm.s32 $0x4080;
	[smem:$0x7FF] =	sst s4  }
0x5: {  	s1 =	stileid.u32;
	s5 =	sadd.s32 $0x100AA00, s3;
	_ =	strace $0x80000050  }
0x6: {  	[tilespmem:s7], [sflag:$0x1] =	stream.linear.gather [hbm4b:s5+s4], $0x2000, $0x38;
	[tilespmem:$0x1A080] =	vst v63  }
0x7: {  	s6 =	smul.u32 $0x50000, s1;
	s5 =	simm.s32 $0x1  }
0x8: {  	_ =	swait.ge [sflag:s5], $0x2000  }
0x9: {  	s6 =	sshrl.u32 s6, $0x2;
	[sflag:s5] =	ssyncset.done $0x0  }
0xa: {  	s6 =	sadd.s32 s6, s2;
	[sflag:s5] =	ssyncadd.s32 $0xFFFFE000  }
0xb: {  	[spmem:s6] =	stream.linear.scatter [tilespmem:s7], [sflag:$0x1], $0x2000, $0x38;
	[tilespmem:$0x1A080] =	vst v63  }
0xc: {  	_ =	swait.ge [sflag:s5], $0x2000  }
0xd: {  	[sflag:s5] =	ssyncset.done $0x0  }
0xe: {  	s8 =	sadd.s32 $0x2000, s6;
	[sflag:s5] =	ssyncadd.s32 $0xFFFFE000  }
0xf: {  	[spmem:s8] =	stream.linear.scatter [tilespmem:s7], [sflag:$0x1], $0x2000, $0x38;
	[tilespmem:$0x1A080] =	vst v63  }
0x10: {  	_ =	swait.ge [sflag:s5], $0x2000  }
0x11: {  	[sflag:s5] =	ssyncset.done $0x0  }
0x12: {  	s20 =	sadd.s32 $0x4000, s6;
	[sflag:s5] =	ssyncadd.s32 $0xFFFFE000  }
0x13: {  	[spmem:s20] =	stream.linear.scatter [tilespmem:s7], [sflag:$0x1], $0x2000, $0x38;
	[tilespmem:$0x1A080] =	vst v63  }
0x14: {  	_ =	swait.ge [sflag:s5], $0x2000  }
0x15: {  	[sflag:s5] =	ssyncset.done $0x0  }
0x16: {  	s21 =	sadd.s32 $0x6000, s6;
	[sflag:s5] =	ssyncadd.s32 $0xFFFFE000  }
0x17: {  	[spmem:s21] =	stream.linear.scatter [tilespmem:s7], [sflag:$0x1], $0x2000, $0x38;
	[tilespmem:$0x1A080] =	vst v63  }
0x18: {  	_ =	swait.ge [sflag:s5], $0x2000  }
0x19: {  	[sflag:s5] =	ssyncset.done $0x0  }
0x1a: {  	s22 =	sadd.s32 $0x8000, s6;
	[sflag:s5] =	ssyncadd.s32 $0xFFFFE000  }
0x1b: {  	[spmem:s22] =	stream.linear.scatter [tilespmem:s7], [sflag:$0x1], $0x2000, $0x38;
	[tilespmem:$0x1A080] =	vst v63  }
0x1c: {  	_ =	swait.ge [sflag:s5], $0x2000  }
0x1d: {  	[sflag:s5] =	ssyncset.done $0x0  }
0x1e: {  	s23 =	sadd.s32 $0xA000, s6;
	[sflag:s5] =	ssyncadd.s32 $0xFFFFE000  }
0x1f: {  	[spmem:s23] =	stream.linear.scatter [tilespmem:s7], [sflag:$0x1], $0x2000, $0x38;
	[tilespmem:$0x1A080] =	vst v63  }
0x20: {  	_ =	swait.ge [sflag:s5], $0x2000  }
0x21: {  	[sflag:s5] =	ssyncset.done $0x0  }
0x22: {  	s24 =	sadd.s32 $0xC000, s6;
	[sflag:s5] =	ssyncadd.s32 $0xFFFFE000  }
0x23: {  	[spmem:s24] =	stream.linear.scatter [tilespmem:s7], [sflag:$0x1], $0x2000, $0x38;
	[tilespmem:$0x1A080] =	vst v63  }
0x24: {  	_ =	swait.ge [sflag:s5], $0x2000  }
0x25: {  	[sflag:s5] =	ssyncset.done $0x0  }
0x26: {  	s25 =	sadd.s32 $0xE000, s6;
	[sflag:s5] =	ssyncadd.s32 $0xFFFFE000  }
0x27: {  	[spmem:s25] =	stream.linear.scatter [tilespmem:s7], [sflag:$0x1], $0x2000, $0x38;
	[tilespmem:$0x1A080] =	vst v63  }
0x28: {  	_ =	swait.ge [sflag:s5], $0x2000  }
0x29: {  	[sflag:s5] =	ssyncset.done $0x0  }
0x2a: {  	s26 =	sadd.s32 $0x10000, s6;
	[sflag:s5] =	ssyncadd.s32 $0xFFFFE000  }
0x2b: {  	[spmem:s26] =	stream.linear.scatter [tilespmem:s7], [sflag:$0x1], $0x2000, $0x38;
	[tilespmem:$0x1A080] =	vst v63  }
0x2c: {  	_ =	swait.ge [sflag:s5], $0x2000  }
0x2d: {  	[sflag:s5] =	ssyncset.done $0x0  }
0x2e: {  	s28 =	smul.u32 $0x500, s1;
	s9 =	sadd.s32 $0x12000, s6;
	[sflag:s5] =	ssyncadd.s32 $0xFFFFE000  }
0x2f: {  	[spmem:s9] =	stream.linear.scatter [tilespmem:s7], [sflag:$0x1], $0x2000, $0x38;
	[tilespmem:$0x1A080] =	vst v63  }
0x30: {  	_ =	swait.ge [sflag:s5], $0x2000  }
0x31: {  	s29 =	sadd.s32 s28, s3;
	[sflag:s5] =	ssyncset.done $0x0  }
0x32: {  	s9 =	sadd.s32 $0x25400, s29;
	[sflag:s5] =	ssyncadd.s32 $0xFFFFE000  }
0x33: {  	s30 =	smul.u32 $0x28000, s1;
	s31 =	sadd.s32 $0x0, s9;
	[bflag:$0x0] =	sbarrier.arrive $0xFFFF  }
0x34: {  	[tilespmem:s4], [sflag:$0x1] =	stream.linear.gather [hbm4b:s31+s4], $0x80, $0x38;
	[tilespmem:$0x1A080] =	vst v63  }
0x35: {  	_ =	swait.ge [sflag:s5], $0x80  }
0x36: {  	s7 =	sadd.s32 s30, s3;
	[sflag:s5] =	ssyncset.done $0x0  }
0x37: {  	s10 =	sadd.s32 $0xD8AA00, s7;
	s7 =	simm.s32 $0x80;
	[sflag:s5] =	ssyncadd.s32 $0xFFFFFF80  }
0x38: {  	[tilespmem:s7], [sflag:$0x1] =	stream.linear.gather [hbm4b:s10+s4], $0x4000, $0x38;
	[tilespmem:$0x1A080] =	vst v63  }
0x39: {  	_ =	swait.ge [sflag:s5], $0x4000  }
0x3a: {  	[sflag:s5] =	ssyncset.done $0x0  }
0x3b: {  	s11 =	simm.s32 $0x10;
	[sflag:s5] =	ssyncadd.s32 $0xFFFFC000  }
0x3c: {  	[spmem:s2] =	stream.indirect.scatter.add.f32 [tilespmem:s7], [sflag:$0x1], $0x80, s4, s7, $0xb8;
	[tilespmem:$0x1A080] =	vst v63  }
0x3d: {  	s12 =	simm.s32 $0x20;
	s8 =	smul.u32 $0x2800, s1;
	_ =	swait.ge [sflag:s5], $0x4000  }
0x3e: {  	s3 =	sadd.s32 $0x100AE00, s3;
	s10 =	sadd.s32 $0x800, s10;
	[sflag:s5] =	ssyncset.done $0x0  }
.LBB2_1:
0x3f: {  	s13 =	sadd.s32 s11, s9  }
0x40: {  	[sflag:s5] =	ssyncadd.s32 $0xFFFFC000;
	s11 =	smov.u32 s12;
	s14 =	sadd.s32 $0x10, s12  }
0x41: {  	[tilespmem:s4], [sflag:$0x1] =	stream.linear.gather [hbm4b:s13+s4], $0x80, $0x38;
	[tilespmem:$0x1A080] =	vst v63  }
0x42: {  	p0 =	sne.s32 s12, $0x4F0;
	_ =	swait.ge [sflag:s5], $0x80  }
0x43: {  	[sflag:s5] =	ssyncset.done $0x0  }
0x44: {  	[sflag:s5] =	ssyncadd.s32 $0xFFFFFF80  }
0x45: {  	[tilespmem:s7], [sflag:$0x1] =	stream.linear.gather [hbm4b:s10+s4], $0x4000, $0x38;
	[tilespmem:$0x1A080] =	vst v63  }
0x46: {  	_ =	swait.ge [sflag:s5], $0x4000  }
.Ltmp0:
0x47: {  	[sflag:s5] =	ssyncset.done $0x0;
	(pc) =	sbr.rel @p0 .LBB2_1-.Ltmp0, $4  }
0x48: {  	[sflag:s5] =	ssyncadd.s32 $0xFFFFC000  }
0x49: {  	[spmem:s2] =	stream.indirect.scatter.add.f32 [tilespmem:s7], [sflag:$0x1], $0x80, s4, s7, $0xb8;
	[tilespmem:$0x1A080] =	vst v63  }
0x4a: {  	_ =	swait.ge [sflag:s5], $0x4000  }
0x4b: {  	s12 =	smov.u32 s14;
	s10 =	sadd.s32 $0x800, s10;
	[sflag:s5] =	ssyncset.done $0x0  }
0x4c: {  	s9 =	sadd.s32 s11, s9;
	[sflag:s5] =	ssyncadd.s32 $0xFFFFC000  }
0x4d: {  	[tilespmem:s4], [sflag:$0x1] =	stream.linear.gather [hbm4b:s9+s4], $0x80, $0x38;
	[tilespmem:$0x1A080] =	vst v63  }
0x4e: {  	_ =	swait.ge [sflag:s5], $0x80  }
0x4f: {  	[sflag:s5] =	ssyncset.done $0x0  }
0x50: {  	[sflag:s5] =	ssyncadd.s32 $0xFFFFFF80  }
0x51: {  	[tilespmem:s7], [sflag:$0x1] =	stream.linear.gather [hbm4b:s10+s4], $0x4000, $0x38;
	[tilespmem:$0x1A080] =	vst v63  }
0x52: {  	_ =	swait.ge [sflag:s5], $0x4000  }
0x53: {  	[sflag:s5] =	ssyncset.done $0x0  }
0x54: {  	[sflag:s5] =	ssyncadd.s32 $0xFFFFC000  }
0x55: {  	[spmem:s2] =	stream.indirect.scatter.add.f32 [tilespmem:s7], [sflag:$0x1], $0x80, s4, s7, $0xb8;
	[tilespmem:$0x1A080] =	vst v63  }
0x56: {  	_ =	swait.ge [sflag:s5], $0x4000  }
0x57: {  	[sflag:s5] =	ssyncset.done $0x0  }
0x58: {  	[sflag:s5] =	ssyncadd.s32 $0xFFFFC000  }
0x59: {  	s4 =	simm.s32 $0x1;
	s5 =	simm.s32 $0x4080;
	[bflag:$0x0] =	sbarrier.arrive $0xFFFF  }
0x5a: {  	[tilespmem:s5], [sflag:$0x1] =	stream.linear.gather [spmem:s6], $0x2000, $0x38;
	[tilespmem:$0x1A080] =	vst v63  }
0x5b: {  	_ =	swait.ge [sflag:s4], $0x2000  }
0x5c: {  	s8 =	sadd.s32 s3, s8;
	[sflag:s4] =	ssyncset.done $0x0  }
0x5d: {  	s11 =	simm.s32 $0x0;
	s10 =	smul.u32 $0x280, s1;
	[sflag:s4] =	ssyncadd.s32 $0xFFFFE000  }
0x5e: {  	[hbm4b:s8+s11] =	stream.linear.scatter [tilespmem:s5], [sflag:$0x1], $0x2000, $0x38;
	[tilespmem:$0x1A080] =	vst v63  }
0x5f: {  	s12 =	sor.u32 $0x40, s10;
	_ =	swait.ge [sflag:s4], $0x2000  }
0x60: {  	s13 =	sshll.u32 s12, $0x7;
	[sflag:s4] =	ssyncset.done $0x0  }
0x61: {  	s9 =	sadd.s32 s13, s2;
	[sflag:s4] =	ssyncadd.s32 $0xFFFFE000  }
0x62: {  	[tilespmem:s5], [sflag:$0x1] =	stream.linear.gather [spmem:s9], $0x2000, $0x38;
	[tilespmem:$0x1A080] =	vst v63  }
0x63: {  	_ =	swait.ge [sflag:s4], $0x2000  }
0x64: {  	s8 =	sshll.u32 s12, $0x4;
	[sflag:s4] =	ssyncset.done $0x0  }
0x65: {  	s8 =	sadd.s32 s3, s8;
	[sflag:s4] =	ssyncadd.s32 $0xFFFFE000  }
0x66: {  	[hbm4b:s8+s11] =	stream.linear.scatter [tilespmem:s5], [sflag:$0x1], $0x2000, $0x38;
	[tilespmem:$0x1A080] =	vst v63  }
0x67: {  	s14 =	sadd.s32 $0x80, s10;
	_ =	swait.ge [sflag:s4], $0x2000  }
0x68: {  	s15 =	sshll.u32 s14, $0x7;
	[sflag:s4] =	ssyncset.done $0x0  }
0x69: {  	s9 =	sadd.s32 s15, s2;
	[sflag:s4] =	ssyncadd.s32 $0xFFFFE000  }
0x6a: {  	[tilespmem:s5], [sflag:$0x1] =	stream.linear.gather [spmem:s9], $0x2000, $0x38;
	[tilespmem:$0x1A080] =	vst v63  }
0x6b: {  	_ =	swait.ge [sflag:s4], $0x2000  }
0x6c: {  	s8 =	sshll.u32 s14, $0x4;
	[sflag:s4] =	ssyncset.done $0x0  }
0x6d: {  	s8 =	sadd.s32 s3, s8;
	[sflag:s4] =	ssyncadd.s32 $0xFFFFE000  }
0x6e: {  	[hbm4b:s8+s11] =	stream.linear.scatter [tilespmem:s5], [sflag:$0x1], $0x2000, $0x38;
	[tilespmem:$0x1A080] =	vst v63  }
0x6f: {  	s16 =	sadd.s32 $0xC0, s10;
	_ =	swait.ge [sflag:s4], $0x2000  }
0x70: {  	s17 =	sshll.u32 s16, $0x7;
	[sflag:s4] =	ssyncset.done $0x0  }
0x71: {  	s9 =	sadd.s32 s17, s2;
	[sflag:s4] =	ssyncadd.s32 $0xFFFFE000  }
0x72: {  	[tilespmem:s5], [sflag:$0x1] =	stream.linear.gather [spmem:s9], $0x2000, $0x38;
	[tilespmem:$0x1A080] =	vst v63  }
0x73: {  	_ =	swait.ge [sflag:s4], $0x2000  }
0x74: {  	s8 =	sshll.u32 s16, $0x4;
	[sflag:s4] =	ssyncset.done $0x0  }
0x75: {  	s8 =	sadd.s32 s3, s8;
	[sflag:s4] =	ssyncadd.s32 $0xFFFFE000  }
0x76: {  	[hbm4b:s8+s11] =	stream.linear.scatter [tilespmem:s5], [sflag:$0x1], $0x2000, $0x38;
	[tilespmem:$0x1A080] =	vst v63  }
0x77: {  	s18 =	sadd.s32 $0x100, s10;
	_ =	swait.ge [sflag:s4], $0x2000  }
0x78: {  	s19 =	sshll.u32 s18, $0x7;
	[sflag:s4] =	ssyncset.done $0x0  }
0x79: {  	s9 =	sadd.s32 s19, s2;
	[sflag:s4] =	ssyncadd.s32 $0xFFFFE000  }
0x7a: {  	[tilespmem:s5], [sflag:$0x1] =	stream.linear.gather [spmem:s9], $0x2000, $0x38;
	[tilespmem:$0x1A080] =	vst v63  }
0x7b: {  	_ =	swait.ge [sflag:s4], $0x2000  }
0x7c: {  	s8 =	sshll.u32 s18, $0x4;
	[sflag:s4] =	ssyncset.done $0x0  }
0x7d: {  	s8 =	sadd.s32 s3, s8;
	[sflag:s4] =	ssyncadd.s32 $0xFFFFE000  }
0x7e: {  	[hbm4b:s8+s11] =	stream.linear.scatter [tilespmem:s5], [sflag:$0x1], $0x2000, $0x38;
	[tilespmem:$0x1A080] =	vst v63  }
0x7f: {  	s20 =	sadd.s32 $0x140, s10;
	_ =	swait.ge [sflag:s4], $0x2000  }
0x80: {  	s21 =	sshll.u32 s20, $0x7;
	[sflag:s4] =	ssyncset.done $0x0  }
0x81: {  	s9 =	sadd.s32 s21, s2;
	[sflag:s4] =	ssyncadd.s32 $0xFFFFE000  }
0x82: {  	[tilespmem:s5], [sflag:$0x1] =	stream.linear.gather [spmem:s9], $0x2000, $0x38;
	[tilespmem:$0x1A080] =	vst v63  }
0x83: {  	_ =	swait.ge [sflag:s4], $0x2000  }
0x84: {  	s8 =	sshll.u32 s20, $0x4;
	[sflag:s4] =	ssyncset.done $0x0  }
0x85: {  	s8 =	sadd.s32 s3, s8;
	[sflag:s4] =	ssyncadd.s32 $0xFFFFE000  }
0x86: {  	[hbm4b:s8+s11] =	stream.linear.scatter [tilespmem:s5], [sflag:$0x1], $0x2000, $0x38;
	[tilespmem:$0x1A080] =	vst v63  }
0x87: {  	s22 =	sadd.s32 $0x180, s10;
	_ =	swait.ge [sflag:s4], $0x2000  }
0x88: {  	s23 =	sshll.u32 s22, $0x7;
	[sflag:s4] =	ssyncset.done $0x0  }
0x89: {  	s9 =	sadd.s32 s23, s2;
	[sflag:s4] =	ssyncadd.s32 $0xFFFFE000  }
0x8a: {  	[tilespmem:s5], [sflag:$0x1] =	stream.linear.gather [spmem:s9], $0x2000, $0x38;
	[tilespmem:$0x1A080] =	vst v63  }
0x8b: {  	_ =	swait.ge [sflag:s4], $0x2000  }
0x8c: {  	s8 =	sshll.u32 s22, $0x4;
	[sflag:s4] =	ssyncset.done $0x0  }
0x8d: {  	s8 =	sadd.s32 s3, s8;
	[sflag:s4] =	ssyncadd.s32 $0xFFFFE000  }
0x8e: {  	[hbm4b:s8+s11] =	stream.linear.scatter [tilespmem:s5], [sflag:$0x1], $0x2000, $0x38;
	[tilespmem:$0x1A080] =	vst v63  }
0x8f: {  	s24 =	sadd.s32 $0x1C0, s10;
	_ =	swait.ge [sflag:s4], $0x2000  }
0x90: {  	s25 =	sshll.u32 s24, $0x7;
	[sflag:s4] =	ssyncset.done $0x0  }
0x91: {  	s9 =	sadd.s32 s25, s2;
	[sflag:s4] =	ssyncadd.s32 $0xFFFFE000  }
0x92: {  	[tilespmem:s5], [sflag:$0x1] =	stream.linear.gather [spmem:s9], $0x2000, $0x38;
	[tilespmem:$0x1A080] =	vst v63  }
0x93: {  	_ =	swait.ge [sflag:s4], $0x2000  }
0x94: {  	s8 =	sshll.u32 s24, $0x4;
	[sflag:s4] =	ssyncset.done $0x0  }
0x95: {  	s8 =	sadd.s32 s3, s8;
	[sflag:s4] =	ssyncadd.s32 $0xFFFFE000  }
0x96: {  	[hbm4b:s8+s11] =	stream.linear.scatter [tilespmem:s5], [sflag:$0x1], $0x2000, $0x38;
	[tilespmem:$0x1A080] =	vst v63  }
0x97: {  	s26 =	sadd.s32 $0x200, s10;
	_ =	swait.ge [sflag:s4], $0x2000  }
0x98: {  	s28 =	sshll.u32 s26, $0x7;
	[sflag:s4] =	ssyncset.done $0x0  }
0x99: {  	s9 =	sadd.s32 s28, s2;
	[sflag:s4] =	ssyncadd.s32 $0xFFFFE000  }
0x9a: {  	[tilespmem:s5], [sflag:$0x1] =	stream.linear.gather [spmem:s9], $0x2000, $0x38;
	[tilespmem:$0x1A080] =	vst v63  }
0x9b: {  	_ =	swait.ge [sflag:s4], $0x2000  }
0x9c: {  	s8 =	sshll.u32 s26, $0x4;
	[sflag:s4] =	ssyncset.done $0x0  }
0x9d: {  	s8 =	sadd.s32 s3, s8;
	[sflag:s4] =	ssyncadd.s32 $0xFFFFE000  }
0x9e: {  	[hbm4b:s8+s11] =	stream.linear.scatter [tilespmem:s5], [sflag:$0x1], $0x2000, $0x38;
	[tilespmem:$0x1A080] =	vst v63  }
0x9f: {  	s7 =	sadd.s32 $0x240, s10;
	_ =	swait.ge [sflag:s4], $0x2000  }
0xa0: {  	s29 =	sshll.u32 s7, $0x7;
	[sflag:s4] =	ssyncset.done $0x0  }
0xa1: {  	s30 =	sadd.s32 s29, s2;
	[sflag:s4] =	ssyncadd.s32 $0xFFFFE000  }
0xa2: {  	[tilespmem:s5], [sflag:$0x1] =	stream.linear.gather [spmem:s30], $0x2000, $0x38;
	[tilespmem:$0x1A080] =	vst v63  }
0xa3: {  	_ =	swait.ge [sflag:s4], $0x2000  }
0xa4: {  	s31 =	sshll.u32 s7, $0x4;
	[sflag:s4] =	ssyncset.done $0x0  }
0xa5: {  	s2 =	sadd.s32 s3, s31;
	[sflag:s4] =	ssyncadd.s32 $0xFFFFE000  }
0xa6: {  	[hbm4b:s2+s11] =	stream.linear.scatter [tilespmem:s5], [sflag:$0x1], $0x2000, $0x38;
	[tilespmem:$0x1A080] =	vst v63  }
0xa7: {  	_ =	swait.ge [sflag:s4], $0x2000  }
0xa8: {  	[sflag:s4] =	ssyncset.done $0x0  }
0xa9: {  	[sflag:s4] =	ssyncadd.s32 $0xFFFFE000  }
0xaa: {  	_ =	sfence.sel $0x180000  }
0xab: {  	[bflag:$0x0] =	sbarrier.arrive $0xFFFF  }
0xac: {  	p0 =	sne.s32 s1, $0x0;
	_ =	strace $0x90000050  }
0xad: {  	s0 =	sadd.s32 @!p0 $0x100000, s0;
	[bflag:$0x2] =	sbarrier.arrive $0xFFFF  }
0xae: {  	[sflag:s0] =	ssyncadd.tile.s32 @!p0 $0x1;
	_ =	shalt  }
.Lfunc_end2:
_tile_overlayer_lowered:
.L_overlay_start_2:
0xaf: {  	(tag) =	ssettag $0x2  }
0xb0: {  	s0 =	rddreg [dreg:$0x0];
	s2 =	stileid.u32  }
0xb1: {  	s1 =	rddreg [dreg:$0x1];
	p0 =	sne.s32 s2, $0x0  }
0xb2: {  	s3 =	rddreg [dreg:$0x2];
	[bflag:$0x3] =	sbarrier.arrive $0xFFFF;
	s2 =	simm.s32 @!p0 $0x1C01  }
0xb3: {  	[timem:s3], [sflag:s2] =	dma.local @!p0 [hbm:s0], s1  }
0xb4: {  	s0 =	simm.s32 @!p0 $0x1  }
0xb5: {  	_ =	swait.ge @!p0 [sflag:s0], s1  }
0xb6: {  	s1 =	ssub.s32 @!p0 $0x0, s1;
	[sflag:s0] =	ssyncset.done @!p0 $0x0  }
0xb7: {  	[sflag:s0] =	ssyncadd.s32 @!p0 s1  }
0xb8: {  	[bflag:$0x3] =	sbarrier.arrive $0xFFFF  }
0xb9: {  	_ =	shalt  }

// kernel: kernel.42.cloned.1.call-start
scs
__scs_entry_jumppad:
0x0: {  	(pc) =	sbr.rel $0x88, $3  }
0x1: {  	(tag) =	ssettag $0x0;
	lr =	simm.s32 $0x1  }
0x2: {  	[smem:$0x3F80] =	sst lr;
	_ =	strace $0xD0000000  }
0x3: {  	_ = 	snop  }
0x4: {  	_ = 	snop  }
0x5: {  	_ = 	snop  }
0x6: {  	_ = 	snop  }
0x7: {  	_ = 	snop  }
__scs_overlays_trampoline_lowered:
0x8: {  	[smem:$0x3F8F] =	sst s0  }
0x9: {  	[smem:$0x3F90] =	sst s1  }
0xa: {  	[smem:$0x3F91] =	sst s2  }
0xb: {  	[smem:$0x3F92] =	sst s3  }
0xc: {  	[smem:$0x3F93] =	sst s4  }
0xd: {  	[smem:$0x3F94] =	sst s5  }
0xe: {  	[smem:$0x3F95] =	sst s6  }
0xf: {  	[smem:$0x3F96] =	sst s7  }
0x10: {  	[smem:$0x3F97] =	sst s8  }
0x11: {  	[smem:$0x3F98] =	sst s9;
	s0 =	simm.s32 @!p0 $0x0  }
0x12: {  	s1 =	sld [smem:$0x3F7E];
	s0 =	simm.s32 @p0 $0x1  }
0x13: {  	[smem:$0x3F99] =	sst s0;
	s0 =	simm.s32 @!p1 $0x0  }
0x14: {  	s2 =	sld [smem:$0x3F7D];
	s0 =	simm.s32 @p1 $0x1  }
0x15: {  	[smem:$0x3F9A] =	sst s0;
	s0 =	simm.s32 @!p2 $0x0  }
0x16: {  	s3 =	sld [smem:$0x3FDB];
	s0 =	simm.s32 @p2 $0x1  }
0x17: {  	s4 =	simm.s32 $0x1BF5;
	[smem:$0x3F9C] =	sst s0  }
0x18: {  	s0 =	sld [smem:$0x3F7F];
	_ =	swait.ge [sflag:s4], $0x0  }
0x19: {  	s7 =	sld [smem:$0x3F80]  }
0x1a: {  	s8 =	sadd.s32 $0xFFFFE003, lr  }
0x1b: {  	s9 =	sadd.s32 $0xFFFFFEF7, lr;
	s5 =	simm.s32 $0xFFFFFFFF;
	p2 =	slt.u32 s8, $0xFFFFF086  }
0x1c: {  	p1 =	slt.u32 s9, $0xF7A;
	s5 =	simm.s32 @!p2 $0x0  }
0x1d: {  	s5 =	simm.s32 @p1 $0x1;
	p0 =	seq.s32 s7, s2  }
0x1e: {  	s7 =	smul.u32 @!p0 $0xF7A, s2;
	p2 =	seq.s32 @!p0 s5, $0x0  }
0x1f: {  	s9 =	smul.u32 $0xF7A, s1;
	s8 =	simm.s32 @!p0 $0x1BF5;
	p2 =	por !p2, p0  }
0x20: {  	[sflag:s8] =	ssyncset.s32 @!p0 $0xFFFFF086;
	s6 =	sadd.s32 @!p0 s3, s7;
	s7 =	simm.s32 @!p0 $0x108  }
0x21: {  	s3 =	sadd.s32 s3, s9;
	s6 =	sadd.s32 @!p0 $0x88, s6;
	s7 =	simm.s32 @p2 $0x1082  }
0x22: {  	[simem:s7], [sflag:s8] =	dma.local @!p0 [hbm:s6], $0xF7A  }
0x23: {  	s9 =	sor.u32 $0xD0000000, s2;
	s6 =	simm.s32 $0x108;
	_ =	swait.ge @!p0 [sflag:s8], $0x0  }
0x24: {  	s3 =	sadd.s32 $0x88, s3;
	s6 =	simm.s32 @!p1 $0x1082;
	[sflag:s4] =	ssyncset.s32 $0xFFFFF086  }
0x25: {  	[simem:s6], [sflag:s4] =	dma.local [hbm:s3], $0xF7A  }
0x26: {  	[smem:$0x3F80] =	sst s1;
	(tag) =	ssettag s2;
	_ =	strace s9  }
0x27: {  	s1 =	sld [smem:$0x3F90]  }
0x28: {  	s2 =	sld [smem:$0x3F91]  }
0x29: {  	s4 =	sld [smem:$0x3F93]  }
0x2a: {  	p0 =	seq.s32 s5, $0x0;
	s5 =	sld [smem:$0x3F94]  }
0x2b: {  	s6 =	sld [smem:$0x3F95]  }
0x2c: {  	s7 =	sld [smem:$0x3F96]  }
0x2d: {  	s3 =	simm.s32 $0x108;
	s8 =	sld [smem:$0x3F97]  }
0x2e: {  	s3 =	simm.s32 @!p0 $0x1082;
	s9 =	sld [smem:$0x3F98]  }
0x2f: {  	lr =	sadd.s32 s0, s3;
	s0 =	sld [smem:$0x3F8F]  }
0x30: {  	s3 =	sld [smem:$0x3F92]  }
0x31: {  	[smem:$0x3F9B] =	sst s10  }
0x32: {  	s10 =	sld [smem:$0x3F99];
	_ =	sdelay $0x3  }
0x33: {  	p0 =	seq.s32 s10, $0x1;
	s10 =	sld [smem:$0x3F9B];
	_ =	sdelay $0x3  }
0x34: {  	[smem:$0x3F9B] =	sst s10  }
0x35: {  	s10 =	sld [smem:$0x3F9A];
	_ =	sdelay $0x3  }
0x36: {  	p1 =	seq.s32 s10, $0x1;
	s10 =	sld [smem:$0x3F9B];
	_ =	sdelay $0x3  }
0x37: {  	[smem:$0x3F9B] =	sst s10  }
0x38: {  	s10 =	sld [smem:$0x3F9C]  }
0x39: {  	_ = 	snop;
	(pc) =	sbr.ind lr, $3  }
0x3a: {  	_ = 	snop  }
0x3b: {  	_ = 	snop  }
0x3c: {  	p2 =	seq.s32 s10, $0x1;
	s10 =	sld [smem:$0x3F9B]  }
0x3d: {  	_ =	shalt  }
0x3e: {  	_ =	shalt  }
0x3f: {  	_ =	shalt  }
0x40: {  	_ =	shalt  }
0x41: {  	_ =	shalt  }
0x42: {  	_ =	shalt  }
0x43: {  	_ =	shalt  }
0x44: {  	_ =	shalt  }
0x45: {  	_ =	shalt  }
0x46: {  	_ =	shalt  }
0x47: {  	_ =	shalt  }
0x48: {  	_ =	shalt  }
0x49: {  	_ =	shalt  }
0x4a: {  	_ =	shalt  }
0x4b: {  	_ =	shalt  }
0x4c: {  	_ =	shalt  }
0x4d: {  	_ =	shalt  }
0x4e: {  	_ =	shalt  }
0x4f: {  	_ =	shalt  }
0x50: {  	_ =	shalt  }
0x51: {  	_ =	shalt  }
0x52: {  	_ =	shalt  }
0x53: {  	_ =	shalt  }
0x54: {  	_ =	shalt  }
0x55: {  	_ =	shalt  }
0x56: {  	_ =	shalt  }
0x57: {  	_ =	shalt  }
0x58: {  	_ =	shalt  }
0x59: {  	_ =	shalt  }
0x5a: {  	_ =	shalt  }
0x5b: {  	_ =	shalt  }
0x5c: {  	_ =	shalt  }
0x5d: {  	_ =	shalt  }
0x5e: {  	_ =	shalt  }
0x5f: {  	_ =	shalt  }
0x60: {  	_ =	shalt  }
0x61: {  	_ =	shalt  }
0x62: {  	_ =	shalt  }
0x63: {  	_ =	shalt  }
0x64: {  	_ =	shalt  }
0x65: {  	_ =	shalt  }
0x66: {  	_ =	shalt  }
0x67: {  	_ =	shalt  }
0x68: {  	_ =	shalt  }
0x69: {  	_ =	shalt  }
0x6a: {  	_ =	shalt  }
0x6b: {  	_ =	shalt  }
0x6c: {  	_ =	shalt  }
0x6d: {  	_ =	shalt  }
0x6e: {  	_ =	shalt  }
0x6f: {  	_ =	shalt  }
0x70: {  	_ =	shalt  }
0x71: {  	_ =	shalt  }
0x72: {  	_ =	shalt  }
0x73: {  	_ =	shalt  }
0x74: {  	_ =	shalt  }
0x75: {  	_ =	shalt  }
0x76: {  	_ =	shalt  }
0x77: {  	_ =	shalt  }
0x78: {  	_ =	shalt  }
0x79: {  	_ =	shalt  }
0x7a: {  	_ =	shalt  }
0x7b: {  	_ =	shalt  }
0x7c: {  	_ =	shalt  }
0x7d: {  	_ =	shalt  }
0x7e: {  	_ =	shalt  }
0x7f: {  	_ =	shalt  }
0x80: {  	_ =	shalt  }
0x81: {  	_ =	shalt  }
0x82: {  	_ =	shalt  }
0x83: {  	_ =	shalt  }
0x84: {  	_ =	shalt  }
0x85: {  	_ =	shalt  }
0x86: {  	_ =	shalt  }
0x87: {  	_ =	shalt  }
.Lfunc_end0:
.L_simem_size_0:
called_computation.4_lowered:
.L_overlay_start_0:
0x88: {  	s2 =	sld [smem:$0x3FD9]  }
0x89: {  	s3 =	sld [smem:$0x3FFE];
	_ =	sdelay $0x1  }
0x8a: {  	s1 =	srdreg.scid  }
0x8b: {  	s0 =	sand.u32 $0x1, s1  }
0x8c: {  	s16 =	sshll.u32 s0, $0xA;
	s2 =	sadd.s32 s3, s2  }
0x8d: {  	s2 =	sadd.s32 s2, s16  }
0x8e: {  	[smem:$0x3FA7] =	sst s2  }
0x8f: {  	_ = 	snop  }
0x90: {  	(tm) =	ssettm $0x1  }
0x91: {  	s17 =	sld [smem:$0x3FFB];
	_ =	sdelay $0x3  }
0x92: {  	_ =	strace s17  }
0x93: {  	s2 =	sld [smem:$0x3FFC];
	_ =	sdelay $0x3  }
0x94: {  	_ =	strace s2  }
0x95: {  	s2 =	sld [smem:$0x3FFD];
	_ =	sdelay $0x3  }
0x96: {  	_ =	strace s2  }
0x97: {  	_ =	strace $0x8FFFFFFF  }
0x98: {  	s18 =	sld [smem:$0x3FDB];
	_ =	sdelay $0x1  }
0x99: {  	s19 =	simm.s32 $_scs_section_size  }
0x9a: {  	s4 =	simm.s32 $_size__tile_overlayer_lowered;
	s5 =	simm.s32 $_tile_overlayer_lowered  }
0x9b: {  	s22 =	simm.s32 $0x1BFF;
	s21 =	sshll.u32 s5, $0x1;
	s2 =	sadd.s32 s19, s18  }
0x9c: {  	s6 =	simm.s32 $0x0;
	s20 =	sshll.u32 s4, $0x1;
	s4 =	sadd.s32 s21, s2  }
0x9d: {  	[timem:s6], [sflag:s22] =	dma.local [hbm:s4], s20  }
0x9e: {  	_ =	swait.ge [sflag:s22], s20  }
0x9f: {  	s3 =	ssub.s32 $0x0, s20;
	[sflag:s22] =	ssyncset.done $0x0  }
0xa0: {  	[sflag:s22] =	ssyncadd.s32 s3;
	_ =	sdelay $0x1  }
0xa1: {  	s23 =	simm.s32 $0x1B8B  }
0xa2: {  	_ =	swait.ge [sflag:s23], $0x1  }
0xa3: {  	[sflag:s23] =	ssyncset.done $0x0  }
0xa4: {  	s25 =	simm.s32 $0x1B8E;
	s24 =	sld [smem:$0x3FFE];
	[sflag:s23] =	ssyncadd.s32 $0xFFFFFFFF  }
0xa5: {  	s26 =	simm.s32 $execute0_lowered;
	[smem:$0x3FD2] =	sst s25  }
0xa6: {  	s4 =	sshll.u32 s26, $0x1;
	_ =	strace $0x80000052;
	[dreg:$0x1] =	wrdreg $0xFFFFFFFF  }
0xa7: {  	s28 =	simm.s32 $_size_execute0_lowered;
	s2 =	sadd.s32 s2, s4;
	[dreg:$0x0] =	wrdreg $0x0  }
0xa8: {  	s4 =	sshll.u32 s28, $0x1;
	[dreg:$0x2] =	wrdreg s2  }
0xa9: {  	[dreg:$0x3] =	wrdreg s4  }
0xaa: {  	[dreg:$0x4] =	wrdreg $0xC0  }
0xab: {  	_ =	task [dreg:s6], $0x5FFFF  }
0xac: {  	[dreg:$0x1] =	wrdreg $0xFFFFFFFF  }
0xad: {  	[dreg:$0x0] =	wrdreg $0x60  }
0xae: {  	[dreg:$0x2] =	wrdreg s24  }
0xaf: {  	[dreg:$0x3] =	wrdreg $0x9  }
0xb0: {  	_ =	task.clear_ibuf [dreg:s6], $0x4FFFF;
	_ =	strace $0x90000052  }
0xb1: {  	s29 =	simm.s32 $0x9;
	_ =	strace $0x80000054  }
0xb2: {  	_ =	swait.ge [sflag:s29], $0x1  }
0xb3: {  	[sflag:s29] =	ssyncadd.s32 $0xFFFFFFFF  }
0xb4: {  	_ =	strace $0x90000054  }
0xb5: {  	_ =	sfence  }
0xb6: {  	s30 =	sld [smem:$0x0];
	_ =	sdelay $0x2  }
0xb7: {  	s31 =	sshll.u32 s1, $0xD;
	s1 =	sshrl.u32 s1, $0x2  }
0xb8: {  	s3 =	sand.u32 $0x4000, s31;
	s1 =	sadd.s32 s1, s30  }
0xb9: {  	s0 =	sor.u32 s3, s0;
	s1 =	sshll.u32 s1, $0x11  }
0xba: {  	s0 =	sor.u32 s1, s0  }
0xbb: {  	s0 =	sadd.s32 $0x8F2B, s0  }
0xbc: {  	[sflag:s0] =	ssyncadd.remote.s32 $0x1  }
0xbd: {  	_ =	sfence.sel $0xFFFF  }
0xbe: {  	[dreg:$0x0] =	wrdreg $0xFFFFFFFF;
	(pc) =	sbr.abs _section_cstart, $3  }
0xbf: {  	[dreg:$0x1] =	wrdreg $0xFFFFFFFF  }
0xc0: {  	_ =	task.clear_ibuf [dreg:s6], $0x2FFFF;
	_ =	strace $0x9FFFFFFF  }
0xc1: {  	(tm) =	ssettm $0x7FFFFFFF  }
tec
execute0_lowered:
.L_overlay_start_1:
0x0: {  	(tag) =	ssettag $0x1  }
0x1: {  	s1 =	srdreg.scid;
	s0 =	stileid.u32  }
0x2: {  	s1 =	sand.u32 $0x1, s1;
	s2 =	smul.u32 $0x2800, s0  }
0x3: {  	s3 =	smul.u32 $0x1400, s1;
	_ =	sdelay $0x1  }
0x4: {  	s5 =	rddreg [dreg:$0x0];
	s3 =	sadd.s32 s3, s2;
	s2 =	simm.s32 $0x0  }
0x5: {  	s17 =	simm.s32 $0x80;
	[smem:$0x7FF] =	sst s2  }
0x6: {  	s18 =	simm.s32 $0x900;
	_ =	strace $0x80000053;
	[dreg:$0x4] =	wrdreg s17  }
0x7: {  	s19 =	simm.s32 $0xD00;
	[dreg:$0x5] =	wrdreg s18  }
0x8: {  	s20 =	simm.s32 $0x1500;
	[dreg:$0x6] =	wrdreg s19  }
0x9: {  	s21 =	simm.s32 $0x1900;
	[dreg:$0x7] =	wrdreg s20  }
0xa: {  	s22 =	simm.s32 $0x2100;
	[dreg:$0x8] =	wrdreg s21  }
0xb: {  	s23 =	simm.s32 $0x2500;
	[dreg:$0x9] =	wrdreg s22  }
0xc: {  	s24 =	simm.s32 $0x2D00;
	[dreg:$0xa] =	wrdreg s23  }
0xd: {  	s25 =	simm.s32 $0x3100;
	[dreg:$0xb] =	wrdreg s24  }
0xe: {  	s26 =	simm.s32 $0x3900;
	[dreg:$0xc] =	wrdreg s25  }
0xf: {  	s30 =	simm.s32 $0x3D00;
	[dreg:$0xd] =	wrdreg s26  }
0x10: {  	s31 =	simm.s32 $0x4500;
	[dreg:$0xe] =	wrdreg s30  }
0x11: {  	s7 =	simm.s32 $0x5100;
	[dreg:$0xf] =	wrdreg s31  }
0x12: {  	s8 =	simm.s32 $0x5500;
	[dreg:$0x11] =	wrdreg s7  }
0x13: {  	s9 =	simm.s32 $0x6100;
	[dreg:$0x12] =	wrdreg s8  }
0x14: {  	s10 =	simm.s32 $0x6900;
	[dreg:$0x14] =	wrdreg s9  }
0x15: {  	s11 =	simm.s32 $0x6D00;
	[dreg:$0x15] =	wrdreg s10  }
0x16: {  	s12 =	simm.s32 $0x7500;
	s14 =	simm.s32 $0x7900;
	[dreg:$0x16] =	wrdreg s11  }
0x17: {  	s16 =	simm.s32 $0x8100;
	s28 =	simm.s32 $0x2;
	[dreg:$0x17] =	wrdreg s12  }
0x18: {  	s29 =	simm.s32 $0x0;
	s15 =	ssub.s32 $0x2, s1;
	[dreg:$0x18] =	wrdreg s14  }
0x19: {  	s1 =	smul.u32 $0x28000, s1;
	s7 =	simm.s32 $0x5D00;
	[dreg:$0x19] =	wrdreg s16  }
0x1a: {  	s6 =	sshrl.u32 s3, $0x3;
	s17 =	simm.s32 $0x8500;
	[dreg:$0x13] =	wrdreg s7  }
0x1b: {  	s3 =	sadd.s32 s6, s5;
	s18 =	simm.s32 $0x8D00;
	[dreg:$0x1a] =	wrdreg s17  }
0x1c: {  	s6 =	smul.u32 $0x180, s6;
	s19 =	simm.s32 $0x9100;
	[dreg:$0x1b] =	wrdreg s18  }
0x1d: {  	s8 =	smul.u32 $0x50000, s0;
	s20 =	simm.s32 $0x9900;
	[dreg:$0x1c] =	wrdreg s19  }
0x1e: {  	s10 =	sshrl.u32 s15, $0x1;
	s22 =	simm.s32 $0x9D00;
	[dreg:$0x1d] =	wrdreg s20  }
0x1f: {  	s23 =	simm.s32 $0xA500;
	s24 =	simm.s32 $0xA900;
	[dreg:$0x1e] =	wrdreg s22  }
0x20: {  	s25 =	simm.s32 $0xB100;
	s26 =	simm.s32 $0xB500;
	[dreg:$0x1f] =	wrdreg s23  }
0x21: {  	s30 =	simm.s32 $0xBD00;
	s11 =	simm.s32 $0xC100;
	[smem:$0x7F9] =	sst s24  }
0x22: {  	s31 =	simm.s32 $0xC900;
	s12 =	simm.s32 $0xD100;
	[smem:$0x7FA] =	sst s25  }
0x23: {  	s14 =	simm.s32 $0xE100;
	s16 =	simm.s32 $0xF100;
	[smem:$0x7FB] =	sst s26  }
0x24: {  	s4 =	sadd.s32 $0x20400, s3;
	s3 =	sadd.s32 $0x1B400, s3;
	[smem:$0x7FC] =	sst s30  }
0x25: {  	[smem:$0x7FD] =	sst s31;
	s17 =	simm.s32 $0xF900;
	s18 =	simm.s32 $0x10100  }
0x26: {  	s19 =	simm.s32 $0x10900;
	s20 =	simm.s32 $0x11100;
	s22 =	simm.s32 $0x12100  }
0x27: {  	s23 =	simm.s32 $0x12900;
	s24 =	simm.s32 $0x13100;
	[dreg:$0x2] =	wrdreg s4  }
0x28: {  	s25 =	simm.s32 $0x13900;
	s26 =	simm.s32 $0x1;
	[dreg:$0x3] =	wrdreg s3  }
0x29: {  	s4 =	simm.s32 $0x4900;
	s3 =	sadd.s32 $0x1036600, s5;
	s9 =	sadd.s32 s6, s5  }
0x2a: {  	s13 =	sadd.s32 s8, s5;
	s8 =	ssub.s32 s15, s10;
	s10 =	simm.s32 $0x100  }
0x2b: {  	s15 =	simm.s32 $0xE900;
	[dreg:$0x10] =	wrdreg s4;
	s4 =	sadd.s32 $0x10ABA00, s5  }
0x2c: {  	v2 =	vlaneseq.u32;
	s5 =	sadd.s32 $0x1036700, s5;
	s21 =	smax.u32 s8, $0x1;
	s1 =	sadd.s32 s1, s13  }
0x2d: {  	vm0 =	vmmov $0xffff;
	vm1 =	vmmov $0xff;
	v1 =	vshrl.u32 v2, $0x3;
	s8 =	sadd.s32 $0x2A400, s9;
	s9 =	simm.s32 $0x3;
	s13 =	simm.s32 $0xD900  }
0x2e: {  	v0 =	vand.u32 $0x7, v2;
	v2 =	vor.u32 $0x8, v2;
	v1 =	vmul.u32 $0x8, v1;
	[smem:$0x7F8] =	sst s21;
	s7 =	sadd.s32 $0x7AA400, s1;
	s21 =	simm.s32 $0x11900  }
.LBB2_1:
0x2f: {  	s30 =	smov.u32 s8;
	s31 =	smov.u32 s7;
	s1 =	simm.s32 $0x0  }
.LBB2_2:
0x30: {  	s0 =	rddreg [dreg:$0x3]  }
0x31: {  	s0 =	sadd.s32 s1, s0  }
0x32: {  	[tilespmem:s2], [sflag:$0x3] =	stream.linear.gather [hbm4b:s0+s2], $0x80, $0x38;
	[tilespmem:$0x14100] =	vst v63  }
0x33: {  	_ =	swait.ge [sflag:s9], $0x80  }
0x34: {  	s0 =	rddreg [dreg:$0x2];
	[sflag:s9] =	ssyncset.done $0x0  }
0x35: {  	s6 =	rddreg [dreg:$0x4];
	[sflag:s9] =	ssyncadd.s32 $0xFFFFFF80;
	s0 =	sadd.s32 s1, s0  }
0x36: {  	[tilespmem:s6], [sflag:$0x3] =	stream.linear.gather [hbm4b:s0+s2], $0x80, $0x38;
	[tilespmem:$0x14100] =	vst v63  }
0x37: {  	_ =	swait.ge [sflag:s9], $0x80  }
0x38: {  	[sflag:s9] =	ssyncset.done $0x0  }
0x39: {  	[sflag:s9] =	ssyncadd.s32 $0xFFFFFF80  }
0x3a: {  	v3 =	vld [tilespmem:$0x0];
	_ =	sdelay $0x4  }
0x3b: {  	v4 =	vshrl.u32 v3, $0x3  }
0x3c: {  	v4 =	vmul.u32 $0x18, v4  }
0x3d: {  	v3 =	vand.u32 $0x7, v3  }
0x3e: {  	v3 =	vor.u32 v3, v4  }
0x3f: {  	v4 =	vperm.xlane v3, v0;
	_ =	sdelay $0x1  }
0x40: {  	v4 =	vadd.s32 v1, v4;
	_ =	sdelay $0x1  }
0x41: {  	v3 =	vperm.xlane v3, v2;
	_ =	sdelay $0x1  }
0x42: {  	v3 =	vadd.s32 v1, v3  }
0x43: {  	[tilespmem:s10], [sflag:$0x1] =	stream.indirect_vreg.gather [hbm4b:s3+s2], $0x80, v4, vm0, $0xb8;
	[tilespmem:$0x14100] =	vst v63  }
0x44: {  	s0 =	rddreg [dreg:$0x5]  }
0x45: {  	[tilespmem:s0], [sflag:$0x1] =	stream.indirect_vreg.gather [hbm4b:s5+s2], $0x80, v4, vm1, $0xb8;
	[tilespmem:$0x14100] =	vst v63  }
0x46: {  	s6 =	rddreg [dreg:$0x6]  }
0x47: {  	[tilespmem:s6], [sflag:$0x1] =	stream.indirect_vreg.gather [hbm4b:s3+s2], $0x80, v3, vm0, $0xb8;
	[tilespmem:$0x14100] =	vst v63  }
0x48: {  	s0 =	rddreg [dreg:$0x7]  }
0x49: {  	[tilespmem:s0], [sflag:$0x1] =	stream.indirect_vreg.gather [hbm4b:s5+s2], $0x80, v3, vm1, $0xb8;
	[tilespmem:$0x14100] =	vst v63  }
0x4a: {  	v3 =	vld [tilespmem:$0x10];
	_ =	sdelay $0x4  }
0x4b: {  	v49 =	vshrl.u32 v3, $0x3  }
0x4c: {  	v4 =	vmul.u32 $0x18, v49  }
0x4d: {  	v3 =	vand.u32 $0x7, v3  }
0x4e: {  	v3 =	vor.u32 v3, v4  }
0x4f: {  	v4 =	vperm.xlane v3, v0;
	_ =	sdelay $0x1  }
0x50: {  	v4 =	vadd.s32 v1, v4;
	_ =	sdelay $0x1  }
0x51: {  	v3 =	vperm.xlane v3, v2;
	_ =	sdelay $0x1  }
0x52: {  	s0 =	rddreg [dreg:$0x8];
	v3 =	vadd.s32 v1, v3  }
0x53: {  	[tilespmem:s0], [sflag:$0x1] =	stream.indirect_vreg.gather [hbm4b:s3+s2], $0x80, v4, vm0, $0xb8;
	[tilespmem:$0x14100] =	vst v63  }
0x54: {  	s6 =	rddreg [dreg:$0x9]  }
0x55: {  	[tilespmem:s6], [sflag:$0x1] =	stream.indirect_vreg.gather [hbm4b:s5+s2], $0x80, v4, vm1, $0xb8;
	[tilespmem:$0x14100] =	vst v63  }
0x56: {  	s0 =	rddreg [dreg:$0xa]  }
0x57: {  	[tilespmem:s0], [sflag:$0x1] =	stream.indirect_vreg.gather [hbm4b:s3+s2], $0x80, v3, vm0, $0xb8;
	[tilespmem:$0x14100] =	vst v63  }
0x58: {  	s6 =	rddreg [dreg:$0xb]  }
0x59: {  	[tilespmem:s6], [sflag:$0x1] =	stream.indirect_vreg.gather [hbm4b:s5+s2], $0x80, v3, vm1, $0xb8;
	[tilespmem:$0x14100] =	vst v63  }
0x5a: {  	v3 =	vld [tilespmem:$0x20];
	_ =	sdelay $0x4  }
0x5b: {  	v50 =	vshrl.u32 v3, $0x3  }
0x5c: {  	v4 =	vmul.u32 $0x18, v50  }
0x5d: {  	v3 =	vand.u32 $0x7, v3  }
0x5e: {  	v3 =	vor.u32 v3, v4  }
0x5f: {  	v4 =	vperm.xlane v3, v0;
	_ =	sdelay $0x1  }
0x60: {  	v4 =	vadd.s32 v1, v4;
	_ =	sdelay $0x1  }
0x61: {  	v3 =	vperm.xlane v3, v2;
	_ =	sdelay $0x1  }
0x62: {  	s0 =	rddreg [dreg:$0xc];
	v3 =	vadd.s32 v1, v3  }
0x63: {  	[tilespmem:s0], [sflag:$0x1] =	stream.indirect_vreg.gather [hbm4b:s3+s2], $0x80, v4, vm0, $0xb8;
	[tilespmem:$0x14100] =	vst v63  }
0x64: {  	s6 =	rddreg [dreg:$0xd]  }
0x65: {  	[tilespmem:s6], [sflag:$0x1] =	stream.indirect_vreg.gather [hbm4b:s5+s2], $0x80, v4, vm1, $0xb8;
	[tilespmem:$0x14100] =	vst v63  }
0x66: {  	s0 =	rddreg [dreg:$0xe]  }
0x67: {  	[tilespmem:s0], [sflag:$0x1] =	stream.indirect_vreg.gather [hbm4b:s3+s2], $0x80, v3, vm0, $0xb8;
	[tilespmem:$0x14100] =	vst v63  }
0x68: {  	s6 =	rddreg [dreg:$0xf]  }
0x69: {  	[tilespmem:s6], [sflag:$0x1] =	stream.indirect_vreg.gather [hbm4b:s5+s2], $0x80, v3, vm1, $0xb8;
	[tilespmem:$0x14100] =	vst v63  }
0x6a: {  	v3 =	vld [tilespmem:$0x30];
	_ =	sdelay $0x4  }
0x6b: {  	v51 =	vshrl.u32 v3, $0x3  }
0x6c: {  	v4 =	vmul.u32 $0x18, v51  }
0x6d: {  	v3 =	vand.u32 $0x7, v3  }
0x6e: {  	v3 =	vor.u32 v3, v4  }
0x6f: {  	v4 =	vperm.xlane v3, v0;
	_ =	sdelay $0x1  }
0x70: {  	v4 =	vadd.s32 v1, v4;
	_ =	sdelay $0x1  }
0x71: {  	v3 =	vperm.xlane v3, v2;
	_ =	sdelay $0x1  }
0x72: {  	s0 =	rddreg [dreg:$0x10];
	v3 =	vadd.s32 v1, v3  }
0x73: {  	[tilespmem:s0], [sflag:$0x1] =	stream.indirect_vreg.gather [hbm4b:s3+s2], $0x80, v4, vm0, $0xb8;
	[tilespmem:$0x14100] =	vst v63  }
0x74: {  	s6 =	rddreg [dreg:$0x11]  }
0x75: {  	[tilespmem:s6], [sflag:$0x1] =	stream.indirect_vreg.gather [hbm4b:s5+s2], $0x80, v4, vm1, $0xb8;
	[tilespmem:$0x14100] =	vst v63  }
0x76: {  	s0 =	rddreg [dreg:$0x12]  }
0x77: {  	[tilespmem:s0], [sflag:$0x1] =	stream.indirect_vreg.gather [hbm4b:s3+s2], $0x80, v3, vm0, $0xb8;
	[tilespmem:$0x14100] =	vst v63  }
0x78: {  	s6 =	rddreg [dreg:$0x13]  }
0x79: {  	[tilespmem:s6], [sflag:$0x1] =	stream.indirect_vreg.gather [hbm4b:s5+s2], $0x80, v3, vm1, $0xb8;
	[tilespmem:$0x14100] =	vst v63  }
0x7a: {  	v3 =	vld [tilespmem:$0x40];
	_ =	sdelay $0x4  }
0x7b: {  	v52 =	vshrl.u32 v3, $0x3  }
0x7c: {  	v4 =	vmul.u32 $0x18, v52  }
0x7d: {  	v3 =	vand.u32 $0x7, v3  }
0x7e: {  	v3 =	vor.u32 v3, v4  }
0x7f: {  	v4 =	vperm.xlane v3, v0;
	_ =	sdelay $0x1  }
0x80: {  	v4 =	vadd.s32 v1, v4;
	_ =	sdelay $0x1  }
0x81: {  	v3 =	vperm.xlane v3, v2;
	_ =	sdelay $0x1  }
0x82: {  	s0 =	rddreg [dreg:$0x14];
	v3 =	vadd.s32 v1, v3  }
0x83: {  	[tilespmem:s0], [sflag:$0x1] =	stream.indirect_vreg.gather [hbm4b:s3+s2], $0x80, v4, vm0, $0xb8;
	[tilespmem:$0x14100] =	vst v63  }
0x84: {  	s6 =	rddreg [dreg:$0x15]  }
0x85: {  	[tilespmem:s6], [sflag:$0x1] =	stream.indirect_vreg.gather [hbm4b:s5+s2], $0x80, v4, vm1, $0xb8;
	[tilespmem:$0x14100] =	vst v63  }
0x86: {  	s0 =	rddreg [dreg:$0x16]  }
0x87: {  	[tilespmem:s0], [sflag:$0x1] =	stream.indirect_vreg.gather [hbm4b:s3+s2], $0x80, v3, vm0, $0xb8;
	[tilespmem:$0x14100] =	vst v63  }
0x88: {  	s6 =	rddreg [dreg:$0x17]  }
0x89: {  	[tilespmem:s6], [sflag:$0x1] =	stream.indirect_vreg.gather [hbm4b:s5+s2], $0x80, v3, vm1, $0xb8;
	[tilespmem:$0x14100] =	vst v63  }
0x8a: {  	v3 =	vld [tilespmem:$0x50];
	_ =	sdelay $0x4  }
0x8b: {  	v53 =	vshrl.u32 v3, $0x3  }
0x8c: {  	v4 =	vmul.u32 $0x18, v53  }
0x8d: {  	v3 =	vand.u32 $0x7, v3  }
0x8e: {  	v3 =	vor.u32 v3, v4  }
0x8f: {  	v4 =	vperm.xlane v3, v0;
	_ =	sdelay $0x1  }
0x90: {  	v4 =	vadd.s32 v1, v4;
	_ =	sdelay $0x1  }
0x91: {  	v3 =	vperm.xlane v3, v2;
	_ =	sdelay $0x1  }
0x92: {  	s0 =	rddreg [dreg:$0x18];
	v3 =	vadd.s32 v1, v3  }
0x93: {  	[tilespmem:s0], [sflag:$0x1] =	stream.indirect_vreg.gather [hbm4b:s3+s2], $0x80, v4, vm0, $0xb8;
	[tilespmem:$0x14100] =	vst v63  }
0x94: {  	s6 =	rddreg [dreg:$0x19]  }
0x95: {  	[tilespmem:s6], [sflag:$0x1] =	stream.indirect_vreg.gather [hbm4b:s5+s2], $0x80, v4, vm1, $0xb8;
	[tilespmem:$0x14100] =	vst v63  }
0x96: {  	s0 =	rddreg [dreg:$0x1a]  }
0x97: {  	[tilespmem:s0], [sflag:$0x1] =	stream.indirect_vreg.gather [hbm4b:s3+s2], $0x80, v3, vm0, $0xb8;
	[tilespmem:$0x14100] =	vst v63  }
0x98: {  	s6 =	rddreg [dreg:$0x1b]  }
0x99: {  	[tilespmem:s6], [sflag:$0x1] =	stream.indirect_vreg.gather [hbm4b:s5+s2], $0x80, v3, vm1, $0xb8;
	[tilespmem:$0x14100] =	vst v63  }
0x9a: {  	v3 =	vld [tilespmem:$0x60];
	_ =	sdelay $0x4  }
0x9b: {  	v54 =	vshrl.u32 v3, $0x3  }
0x9c: {  	v4 =	vmul.u32 $0x18, v54  }
0x9d: {  	v3 =	vand.u32 $0x7, v3  }
0x9e: {  	v3 =	vor.u32 v3, v4  }
0x9f: {  	v4 =	vperm.xlane v3, v0;
	_ =	sdelay $0x1  }
0xa0: {  	v4 =	vadd.s32 v1, v4;
	_ =	sdelay $0x1  }
0xa1: {  	v3 =	vperm.xlane v3, v2;
	_ =	sdelay $0x1  }
0xa2: {  	s0 =	rddreg [dreg:$0x1c];
	v3 =	vadd.s32 v1, v3  }
0xa3: {  	[tilespmem:s0], [sflag:$0x1] =	stream.indirect_vreg.gather [hbm4b:s3+s2], $0x80, v4, vm0, $0xb8;
	[tilespmem:$0x14100] =	vst v63  }
0xa4: {  	s6 =	rddreg [dreg:$0x1d]  }
0xa5: {  	[tilespmem:s6], [sflag:$0x1] =	stream.indirect_vreg.gather [hbm4b:s5+s2], $0x80, v4, vm1, $0xb8;
	[tilespmem:$0x14100] =	vst v63  }
0xa6: {  	s0 =	rddreg [dreg:$0x1e]  }
0xa7: {  	[tilespmem:s0], [sflag:$0x1] =	stream.indirect_vreg.gather [hbm4b:s3+s2], $0x80, v3, vm0, $0xb8;
	[tilespmem:$0x14100] =	vst v63  }
0xa8: {  	s6 =	rddreg [dreg:$0x1f]  }
0xa9: {  	[tilespmem:s6], [sflag:$0x1] =	stream.indirect_vreg.gather [hbm4b:s5+s2], $0x80, v3, vm1, $0xb8;
	[tilespmem:$0x14100] =	vst v63  }
0xaa: {  	v3 =	vld [tilespmem:$0x70];
	_ =	sdelay $0x4  }
0xab: {  	v55 =	vshrl.u32 v3, $0x3  }
0xac: {  	v4 =	vmul.u32 $0x18, v55  }
0xad: {  	v3 =	vand.u32 $0x7, v3  }
0xae: {  	v3 =	vor.u32 v3, v4  }
0xaf: {  	v4 =	vperm.xlane v3, v0;
	_ =	sdelay $0x1  }
0xb0: {  	v4 =	vadd.s32 v1, v4;
	_ =	sdelay $0x1  }
0xb1: {  	s0 =	sld [smem:$0x7F9];
	v3 =	vperm.xlane v3, v2;
	_ =	sdelay $0x1  }
0xb2: {  	s6 =	sld [smem:$0x7FA];
	v3 =	vadd.s32 v1, v3  }
0xb3: {  	[tilespmem:s0], [sflag:$0x1] =	stream.indirect_vreg.gather [hbm4b:s3+s2], $0x80, v4, vm0, $0xb8;
	[tilespmem:$0x14100] =	vst v63  }
0xb4: {  	s0 =	sld [smem:$0x7FB]  }
0xb5: {  	[tilespmem:s6], [sflag:$0x1] =	stream.indirect_vreg.gather [hbm4b:s5+s2], $0x80, v4, vm1, $0xb8;
	[tilespmem:$0x14100] =	vst v63  }
0xb6: {  	s6 =	sld [smem:$0x7FC]  }
0xb7: {  	[tilespmem:s0], [sflag:$0x1] =	stream.indirect_vreg.gather [hbm4b:s3+s2], $0x80, v3, vm0, $0xb8;
	[tilespmem:$0x14100] =	vst v63  }
0xb8: {  	_ = 	snop  }
0xb9: {  	[tilespmem:s6], [sflag:$0x1] =	stream.indirect_vreg.gather [hbm4b:s5+s2], $0x80, v3, vm1, $0xb8;
	[tilespmem:$0x14100] =	vst v63  }
0xba: {  	v3 =	vld [tilespmem:$0x80];
	_ =	sdelay $0x4  }
0xbb: {  	v56 =	vshll.u32 v3, $0x1  }
0xbc: {  	v3 =	vand.u32 $0x7, v3;
	v4 =	vand.u32 $0xFFFFFFF0, v56  }
0xbd: {  	v3 =	vor.u32 v3, v4  }
0xbe: {  	v4 =	vperm.xlane v3, v0;
	_ =	sdelay $0x1  }
0xbf: {  	v3 =	vperm.xlane v3, v2;
	v4 =	vadd.s32 v1, v4;
	_ =	sdelay $0x1  }
0xc0: {  	v3 =	vadd.s32 v1, v3;
	_ =	sdelay $0x1  }
0xc1: {  	s6 =	sld [smem:$0x7FD]  }
0xc2: {  	[tilespmem:s11], [sflag:$0x2] =	stream.indirect_vreg.gather [hbm4b:s4+s2], $0x80, v4, vm0, $0xb8;
	[tilespmem:$0x14100] =	vst v63  }
0xc3: {  	_ = 	snop  }
0xc4: {  	[tilespmem:s6], [sflag:$0x2] =	stream.indirect_vreg.gather [hbm4b:s4+s2], $0x80, v3, vm0, $0xb8;
	[tilespmem:$0x14100] =	vst v63  }
0xc5: {  	v3 =	vld [tilespmem:$0x90];
	_ =	sdelay $0x4  }
0xc6: {  	v57 =	vshll.u32 v3, $0x1  }
0xc7: {  	v3 =	vand.u32 $0x7, v3;
	v4 =	vand.u32 $0xFFFFFFF0, v57  }
0xc8: {  	v3 =	vor.u32 v3, v4  }
0xc9: {  	v4 =	vperm.xlane v3, v0;
	_ =	sdelay $0x1  }
0xca: {  	v3 =	vperm.xlane v3, v2;
	v4 =	vadd.s32 v1, v4;
	_ =	sdelay $0x1  }
0xcb: {  	v3 =	vadd.s32 v1, v3;
	_ =	sdelay $0x2  }
0xcc: {  	[tilespmem:s12], [sflag:$0x2] =	stream.indirect_vreg.gather [hbm4b:s4+s2], $0x80, v4, vm0, $0xb8;
	[tilespmem:$0x14100] =	vst v63  }
0xcd: {  	_ = 	snop  }
0xce: {  	[tilespmem:s13], [sflag:$0x2] =	stream.indirect_vreg.gather [hbm4b:s4+s2], $0x80, v3, vm0, $0xb8;
	[tilespmem:$0x14100] =	vst v63  }
0xcf: {  	v3 =	vld [tilespmem:$0xA0];
	_ =	sdelay $0x4  }
0xd0: {  	v58 =	vshll.u32 v3, $0x1  }
0xd1: {  	v3 =	vand.u32 $0x7, v3;
	v4 =	vand.u32 $0xFFFFFFF0, v58  }
0xd2: {  	v3 =	vor.u32 v3, v4  }
0xd3: {  	v4 =	vperm.xlane v3, v0;
	_ =	sdelay $0x1  }
0xd4: {  	v3 =	vperm.xlane v3, v2;
	v4 =	vadd.s32 v1, v4;
	_ =	sdelay $0x1  }
0xd5: {  	v3 =	vadd.s32 v1, v3;
	_ =	sdelay $0x2  }
0xd6: {  	[tilespmem:s14], [sflag:$0x2] =	stream.indirect_vreg.gather [hbm4b:s4+s2], $0x80, v4, vm0, $0xb8;
	[tilespmem:$0x14100] =	vst v63  }
0xd7: {  	_ = 	snop  }
0xd8: {  	[tilespmem:s15], [sflag:$0x2] =	stream.indirect_vreg.gather [hbm4b:s4+s2], $0x80, v3, vm0, $0xb8;
	[tilespmem:$0x14100] =	vst v63  }
0xd9: {  	v3 =	vld [tilespmem:$0xB0];
	_ =	sdelay $0x4  }
0xda: {  	v59 =	vshll.u32 v3, $0x1  }
0xdb: {  	v3 =	vand.u32 $0x7, v3;
	v4 =	vand.u32 $0xFFFFFFF0, v59  }
0xdc: {  	v3 =	vor.u32 v3, v4  }
0xdd: {  	v4 =	vperm.xlane v3, v0;
	_ =	sdelay $0x1  }
0xde: {  	v3 =	vperm.xlane v3, v2;
	v4 =	vadd.s32 v1, v4;
	_ =	sdelay $0x1  }
0xdf: {  	v3 =	vadd.s32 v1, v3;
	_ =	sdelay $0x2  }
0xe0: {  	[tilespmem:s16], [sflag:$0x2] =	stream.indirect_vreg.gather [hbm4b:s4+s2], $0x80, v4, vm0, $0xb8;
	[tilespmem:$0x14100] =	vst v63  }
0xe1: {  	_ = 	snop  }
0xe2: {  	[tilespmem:s17], [sflag:$0x2] =	stream.indirect_vreg.gather [hbm4b:s4+s2], $0x80, v3, vm0, $0xb8;
	[tilespmem:$0x14100] =	vst v63  }
0xe3: {  	v3 =	vld [tilespmem:$0xC0];
	_ =	sdelay $0x4  }
0xe4: {  	v60 =	vshll.u32 v3, $0x1  }
0xe5: {  	v3 =	vand.u32 $0x7, v3;
	v4 =	vand.u32 $0xFFFFFFF0, v60  }
0xe6: {  	v3 =	vor.u32 v3, v4  }
0xe7: {  	v4 =	vperm.xlane v3, v0;
	_ =	sdelay $0x1  }
0xe8: {  	v3 =	vperm.xlane v3, v2;
	v4 =	vadd.s32 v1, v4;
	_ =	sdelay $0x1  }
0xe9: {  	v3 =	vadd.s32 v1, v3;
	_ =	sdelay $0x2  }
0xea: {  	[tilespmem:s18], [sflag:$0x2] =	stream.indirect_vreg.gather [hbm4b:s4+s2], $0x80, v4, vm0, $0xb8;
	[tilespmem:$0x14100] =	vst v63  }
0xeb: {  	_ = 	snop  }
0xec: {  	[tilespmem:s19], [sflag:$0x2] =	stream.indirect_vreg.gather [hbm4b:s4+s2], $0x80, v3, vm0, $0xb8;
	[tilespmem:$0x14100] =	vst v63  }
0xed: {  	v3 =	vld [tilespmem:$0xD0];
	_ =	sdelay $0x4  }
0xee: {  	v61 =	vshll.u32 v3, $0x1  }
0xef: {  	v3 =	vand.u32 $0x7, v3;
	v4 =	vand.u32 $0xFFFFFFF0, v61  }
0xf0: {  	v3 =	vor.u32 v3, v4  }
0xf1: {  	v4 =	vperm.xlane v3, v0;
	_ =	sdelay $0x1  }
0xf2: {  	v3 =	vperm.xlane v3, v2;
	v4 =	vadd.s32 v1, v4;
	_ =	sdelay $0x1  }
0xf3: {  	v3 =	vadd.s32 v1, v3;
	_ =	sdelay $0x2  }
0xf4: {  	[tilespmem:s20], [sflag:$0x2] =	stream.indirect_vreg.gather [hbm4b:s4+s2], $0x80, v4, vm0, $0xb8;
	[tilespmem:$0x14100] =	vst v63  }
0xf5: {  	_ = 	snop  }
0xf6: {  	[tilespmem:s21], [sflag:$0x2] =	stream.indirect_vreg.gather [hbm4b:s4+s2], $0x80, v3, vm0, $0xb8;
	[tilespmem:$0x14100] =	vst v63  }
0xf7: {  	v3 =	vld [tilespmem:$0xE0];
	_ =	sdelay $0x4  }
0xf8: {  	v62 =	vshll.u32 v3, $0x1  }
0xf9: {  	v3 =	vand.u32 $0x7, v3;
	v4 =	vand.u32 $0xFFFFFFF0, v62  }
0xfa: {  	v3 =	vor.u32 v3, v4  }
0xfb: {  	v4 =	vperm.xlane v3, v0;
	_ =	sdelay $0x1  }
0xfc: {  	v3 =	vperm.xlane v3, v2;
	v4 =	vadd.s32 v1, v4;
	_ =	sdelay $0x1  }
0xfd: {  	v3 =	vadd.s32 v1, v3;
	_ =	sdelay $0x2  }
0xfe: {  	[tilespmem:s22], [sflag:$0x2] =	stream.indirect_vreg.gather [hbm4b:s4+s2], $0x80, v4, vm0, $0xb8;
	[tilespmem:$0x14100] =	vst v63  }
0xff: {  	_ = 	snop  }
0x100: {  	[tilespmem:s23], [sflag:$0x2] =	stream.indirect_vreg.gather [hbm4b:s4+s2], $0x80, v3, vm0, $0xb8;
	[tilespmem:$0x14100] =	vst v63  }
0x101: {  	v3 =	vld [tilespmem:$0xF0];
	_ =	sdelay $0x4  }
0x102: {  	v63 =	vshll.u32 v3, $0x1  }
0x103: {  	v3 =	vand.u32 $0x7, v3;
	v4 =	vand.u32 $0xFFFFFFF0, v63  }
0x104: {  	v3 =	vor.u32 v3, v4  }
0x105: {  	v4 =	vperm.xlane v3, v0;
	_ =	sdelay $0x1  }
0x106: {  	v3 =	vperm.xlane v3, v2;
	v4 =	vadd.s32 v1, v4;
	_ =	sdelay $0x1  }
0x107: {  	v3 =	vadd.s32 v1, v3;
	_ =	sdelay $0x2  }
0x108: {  	[tilespmem:s24], [sflag:$0x2] =	stream.indirect_vreg.gather [hbm4b:s4+s2], $0x80, v4, vm0, $0xb8;
	[tilespmem:$0x14100] =	vst v63  }
0x109: {  	_ = 	snop  }
0x10a: {  	[tilespmem:s25], [sflag:$0x2] =	stream.indirect_vreg.gather [hbm4b:s4+s2], $0x80, v3, vm0, $0xb8;
	[tilespmem:$0x14100] =	vst v63  }
0x10b: {  	_ =	swait.ge [sflag:s26], $0xC000  }
0x10c: {  	[sflag:s26] =	ssyncset.done $0x0  }
0x10d: {  	[sflag:s26] =	ssyncadd.s32 $0xFFFF4000  }
0x10e: {  	_ =	swait.ge [sflag:s28], $0x8000  }
0x10f: {  	[sflag:s28] =	ssyncset.done $0x0  }
0x110: {  	[sflag:s28] =	ssyncadd.s32 $0xFFFF8000  }
0x111: {  	[hbm4b:s30+s2] =	stream.linear.scatter [tilespmem:s10], [sflag:$0x3], $0xC000, $0x38;
	[tilespmem:$0x14100] =	vst v63  }
0x112: {  	_ =	swait.ge [sflag:s9], $0xC000  }
0x113: {  	p0 =	sne.s32 s1, $0x270;
	[sflag:s9] =	ssyncset.done $0x0  }
.Ltmp0:
0x114: {  	[sflag:s9] =	ssyncadd.s32 $0xFFFF4000;
	(pc) =	sbr.rel @p0 .LBB2_2-.Ltmp0, $4  }
0x115: {  	[hbm4b:s31+s2] =	stream.linear.scatter [tilespmem:s11], [sflag:$0x3], $0x8000, $0x38;
	[tilespmem:$0x14100] =	vst v63  }
0x116: {  	_ =	swait.ge [sflag:s9], $0x8000  }
0x117: {  	s1 =	sadd.s32 $0x10, s1;
	[sflag:s9] =	ssyncset.done $0x0  }
0x118: {  	s30 =	sadd.s32 $0x1800, s30;
	s31 =	sadd.s32 $0x1000, s31;
	[sflag:s9] =	ssyncadd.s32 $0xFFFF8000  }
0x119: {  	s0 =	sld [smem:$0x7F8];
	_ =	sdelay $0x1  }
0x11a: {  	s29 =	sadd.s32 $0x1, s29  }
0x11b: {  	p0 =	sne.s32 s29, s0  }
.Ltmp1:
0x11c: {  	_ = 	snop;
	(pc) =	sbr.rel @p0 .LBB2_1-.Ltmp1, $1  }
0x11d: {  	_ =	sdelay $0x3  }
0x11e: {  	_ =	sfence.sel $0x180000  }
0x11f: {  	[bflag:$0x0] =	sbarrier.arrive $0xFFFF  }
0x120: {  	_ =	strace $0x90000053  }
0x121: {  	s0 =	stileid.u32;
	[bflag:$0x2] =	sbarrier.arrive $0xFFFF  }
0x122: {  	p0 =	sne.s32 s0, $0x0;
	s0 =	rddreg [dreg:$0x1]  }
0x123: {  	s0 =	sadd.s32 @!p0 $0x100000, s0  }
0x124: {  	[sflag:s0] =	ssyncadd.tile.s32 @!p0 $0x1;
	_ =	shalt  }
.Lfunc_end2:
_tile_overlayer_lowered:
.L_overlay_start_2:
0x125: {  	(tag) =	ssettag $0x2  }
0x126: {  	s0 =	rddreg [dreg:$0x0];
	s2 =	stileid.u32  }
0x127: {  	s1 =	rddreg [dreg:$0x1];
	p0 =	sne.s32 s2, $0x0  }
0x128: {  	s3 =	rddreg [dreg:$0x2];
	[bflag:$0x3] =	sbarrier.arrive $0xFFFF;
	s2 =	simm.s32 @!p0 $0x1C03  }
0x129: {  	[timem:s3], [sflag:s2] =	dma.local @!p0 [hbm:s0], s1  }
0x12a: {  	s0 =	simm.s32 @!p0 $0x3  }
0x12b: {  	_ =	swait.ge @!p0 [sflag:s0], s1  }
0x12c: {  	s1 =	ssub.s32 @!p0 $0x0, s1;
	[sflag:s0] =	ssyncset.done @!p0 $0x0  }
0x12d: {  	[sflag:s0] =	ssyncadd.s32 @!p0 s1  }
0x12e: {  	[bflag:$0x3] =	sbarrier.arrive $0xFFFF  }
0x12f: {  	_ =	shalt  }

// kernel: kernel.45.cloned.1.call-start
scs
__scs_entry_jumppad:
0x0: {  	(pc) =	sbr.rel $0x88, $3  }
0x1: {  	(tag) =	ssettag $0x0;
	lr =	simm.s32 $0x1  }
0x2: {  	[smem:$0x3F80] =	sst lr;
	_ =	strace $0xD0000000  }
0x3: {  	_ = 	snop  }
0x4: {  	_ = 	snop  }
0x5: {  	_ = 	snop  }
0x6: {  	_ = 	snop  }
0x7: {  	_ = 	snop  }
__scs_overlays_trampoline_lowered:
0x8: {  	[smem:$0x3F8F] =	sst s0  }
0x9: {  	[smem:$0x3F90] =	sst s1  }
0xa: {  	[smem:$0x3F91] =	sst s2  }
0xb: {  	[smem:$0x3F92] =	sst s3  }
0xc: {  	[smem:$0x3F93] =	sst s4  }
0xd: {  	[smem:$0x3F94] =	sst s5  }
0xe: {  	[smem:$0x3F95] =	sst s6  }
0xf: {  	[smem:$0x3F96] =	sst s7  }
0x10: {  	[smem:$0x3F97] =	sst s8  }
0x11: {  	[smem:$0x3F98] =	sst s9;
	s0 =	simm.s32 @!p0 $0x0  }
0x12: {  	s1 =	sld [smem:$0x3F7E];
	s0 =	simm.s32 @p0 $0x1  }
0x13: {  	[smem:$0x3F99] =	sst s0;
	s0 =	simm.s32 @!p1 $0x0  }
0x14: {  	s2 =	sld [smem:$0x3F7D];
	s0 =	simm.s32 @p1 $0x1  }
0x15: {  	[smem:$0x3F9A] =	sst s0;
	s0 =	simm.s32 @!p2 $0x0  }
0x16: {  	s3 =	sld [smem:$0x3FDB];
	s0 =	simm.s32 @p2 $0x1  }
0x17: {  	s4 =	simm.s32 $0x1BF5;
	[smem:$0x3F9C] =	sst s0  }
0x18: {  	s0 =	sld [smem:$0x3F7F];
	_ =	swait.ge [sflag:s4], $0x0  }
0x19: {  	s7 =	sld [smem:$0x3F80]  }
0x1a: {  	s8 =	sadd.s32 $0xFFFFE003, lr  }
0x1b: {  	s9 =	sadd.s32 $0xFFFFFEF7, lr;
	s5 =	simm.s32 $0xFFFFFFFF;
	p2 =	slt.u32 s8, $0xFFFFF086  }
0x1c: {  	p1 =	slt.u32 s9, $0xF7A;
	s5 =	simm.s32 @!p2 $0x0  }
0x1d: {  	s5 =	simm.s32 @p1 $0x1;
	p0 =	seq.s32 s7, s2  }
0x1e: {  	s7 =	smul.u32 @!p0 $0xF7A, s2;
	p2 =	seq.s32 @!p0 s5, $0x0  }
0x1f: {  	s9 =	smul.u32 $0xF7A, s1;
	s8 =	simm.s32 @!p0 $0x1BF5;
	p2 =	por !p2, p0  }
0x20: {  	[sflag:s8] =	ssyncset.s32 @!p0 $0xFFFFF086;
	s6 =	sadd.s32 @!p0 s3, s7;
	s7 =	simm.s32 @!p0 $0x108  }
0x21: {  	s3 =	sadd.s32 s3, s9;
	s6 =	sadd.s32 @!p0 $0x88, s6;
	s7 =	simm.s32 @p2 $0x1082  }
0x22: {  	[simem:s7], [sflag:s8] =	dma.local @!p0 [hbm:s6], $0xF7A  }
0x23: {  	s9 =	sor.u32 $0xD0000000, s2;
	s6 =	simm.s32 $0x108;
	_ =	swait.ge @!p0 [sflag:s8], $0x0  }
0x24: {  	s3 =	sadd.s32 $0x88, s3;
	s6 =	simm.s32 @!p1 $0x1082;
	[sflag:s4] =	ssyncset.s32 $0xFFFFF086  }
0x25: {  	[simem:s6], [sflag:s4] =	dma.local [hbm:s3], $0xF7A  }
0x26: {  	[smem:$0x3F80] =	sst s1;
	(tag) =	ssettag s2;
	_ =	strace s9  }
0x27: {  	s1 =	sld [smem:$0x3F90]  }
0x28: {  	s2 =	sld [smem:$0x3F91]  }
0x29: {  	s4 =	sld [smem:$0x3F93]  }
0x2a: {  	p0 =	seq.s32 s5, $0x0;
	s5 =	sld [smem:$0x3F94]  }
0x2b: {  	s6 =	sld [smem:$0x3F95]  }
0x2c: {  	s7 =	sld [smem:$0x3F96]  }
0x2d: {  	s3 =	simm.s32 $0x108;
	s8 =	sld [smem:$0x3F97]  }
0x2e: {  	s3 =	simm.s32 @!p0 $0x1082;
	s9 =	sld [smem:$0x3F98]  }
0x2f: {  	lr =	sadd.s32 s0, s3;
	s0 =	sld [smem:$0x3F8F]  }
0x30: {  	s3 =	sld [smem:$0x3F92]  }
0x31: {  	[smem:$0x3F9B] =	sst s10  }
0x32: {  	s10 =	sld [smem:$0x3F99];
	_ =	sdelay $0x3  }
0x33: {  	p0 =	seq.s32 s10, $0x1;
	s10 =	sld [smem:$0x3F9B];
	_ =	sdelay $0x3  }
0x34: {  	[smem:$0x3F9B] =	sst s10  }
0x35: {  	s10 =	sld [smem:$0x3F9A];
	_ =	sdelay $0x3  }
0x36: {  	p1 =	seq.s32 s10, $0x1;
	s10 =	sld [smem:$0x3F9B];
	_ =	sdelay $0x3  }
0x37: {  	[smem:$0x3F9B] =	sst s10  }
0x38: {  	s10 =	sld [smem:$0x3F9C]  }
0x39: {  	_ = 	snop;
	(pc) =	sbr.ind lr, $3  }
0x3a: {  	_ = 	snop  }
0x3b: {  	_ = 	snop  }
0x3c: {  	p2 =	seq.s32 s10, $0x1;
	s10 =	sld [smem:$0x3F9B]  }
0x3d: {  	_ =	shalt  }
0x3e: {  	_ =	shalt  }
0x3f: {  	_ =	shalt  }
0x40: {  	_ =	shalt  }
0x41: {  	_ =	shalt  }
0x42: {  	_ =	shalt  }
0x43: {  	_ =	shalt  }
0x44: {  	_ =	shalt  }
0x45: {  	_ =	shalt  }
0x46: {  	_ =	shalt  }
0x47: {  	_ =	shalt  }
0x48: {  	_ =	shalt  }
0x49: {  	_ =	shalt  }
0x4a: {  	_ =	shalt  }
0x4b: {  	_ =	shalt  }
0x4c: {  	_ =	shalt  }
0x4d: {  	_ =	shalt  }
0x4e: {  	_ =	shalt  }
0x4f: {  	_ =	shalt  }
0x50: {  	_ =	shalt  }
0x51: {  	_ =	shalt  }
0x52: {  	_ =	shalt  }
0x53: {  	_ =	shalt  }
0x54: {  	_ =	shalt  }
0x55: {  	_ =	shalt  }
0x56: {  	_ =	shalt  }
0x57: {  	_ =	shalt  }
0x58: {  	_ =	shalt  }
0x59: {  	_ =	shalt  }
0x5a: {  	_ =	shalt  }
0x5b: {  	_ =	shalt  }
0x5c: {  	_ =	shalt  }
0x5d: {  	_ =	shalt  }
0x5e: {  	_ =	shalt  }
0x5f: {  	_ =	shalt  }
0x60: {  	_ =	shalt  }
0x61: {  	_ =	shalt  }
0x62: {  	_ =	shalt  }
0x63: {  	_ =	shalt  }
0x64: {  	_ =	shalt  }
0x65: {  	_ =	shalt  }
0x66: {  	_ =	shalt  }
0x67: {  	_ =	shalt  }
0x68: {  	_ =	shalt  }
0x69: {  	_ =	shalt  }
0x6a: {  	_ =	shalt  }
0x6b: {  	_ =	shalt  }
0x6c: {  	_ =	shalt  }
0x6d: {  	_ =	shalt  }
0x6e: {  	_ =	shalt  }
0x6f: {  	_ =	shalt  }
0x70: {  	_ =	shalt  }
0x71: {  	_ =	shalt  }
0x72: {  	_ =	shalt  }
0x73: {  	_ =	shalt  }
0x74: {  	_ =	shalt  }
0x75: {  	_ =	shalt  }
0x76: {  	_ =	shalt  }
0x77: {  	_ =	shalt  }
0x78: {  	_ =	shalt  }
0x79: {  	_ =	shalt  }
0x7a: {  	_ =	shalt  }
0x7b: {  	_ =	shalt  }
0x7c: {  	_ =	shalt  }
0x7d: {  	_ =	shalt  }
0x7e: {  	_ =	shalt  }
0x7f: {  	_ =	shalt  }
0x80: {  	_ =	shalt  }
0x81: {  	_ =	shalt  }
0x82: {  	_ =	shalt  }
0x83: {  	_ =	shalt  }
0x84: {  	_ =	shalt  }
0x85: {  	_ =	shalt  }
0x86: {  	_ =	shalt  }
0x87: {  	_ =	shalt  }
.Lfunc_end0:
.L_simem_size_0:
called_computation.5_lowered:
.L_overlay_start_0:
0x88: {  	s0 =	sld [smem:$0x3FD9]  }
0x89: {  	s1 =	sld [smem:$0x3FFE];
	_ =	sdelay $0x3  }
0x8a: {  	s0 =	sadd.s32 s1, s0  }
0x8b: {  	[smem:$0x3FA7] =	sst s0  }
0x8c: {  	_ = 	snop  }
0x8d: {  	(tm) =	ssettm $0x1  }
0x8e: {  	s15 =	sld [smem:$0x3FFB];
	_ =	sdelay $0x3  }
0x8f: {  	_ =	strace s15  }
0x90: {  	s0 =	sld [smem:$0x3FFC];
	_ =	sdelay $0x3  }
0x91: {  	_ =	strace s0  }
0x92: {  	s0 =	sld [smem:$0x3FFD];
	_ =	sdelay $0x3  }
0x93: {  	_ =	strace s0  }
0x94: {  	_ =	strace $0x8FFFFFFF  }
0x95: {  	s16 =	sld [smem:$0x3FDB];
	_ =	sdelay $0x1  }
0x96: {  	s17 =	simm.s32 $_scs_section_size  }
0x97: {  	s2 =	simm.s32 $_size__tile_overlayer_lowered;
	s3 =	simm.s32 $_tile_overlayer_lowered  }
0x98: {  	s20 =	simm.s32 $0x1BFF;
	s19 =	sshll.u32 s3, $0x1;
	s0 =	sadd.s32 s17, s16  }
0x99: {  	s4 =	simm.s32 $0x0;
	s18 =	sshll.u32 s2, $0x1;
	s2 =	sadd.s32 s19, s0  }
0x9a: {  	[timem:s4], [sflag:s20] =	dma.local [hbm:s2], s18  }
0x9b: {  	_ =	swait.ge [sflag:s20], s18  }
0x9c: {  	s1 =	ssub.s32 $0x0, s18;
	[sflag:s20] =	ssyncset.done $0x0  }
0x9d: {  	[sflag:s20] =	ssyncadd.s32 s1;
	_ =	sdelay $0x1  }
0x9e: {  	s21 =	simm.s32 $0x1B8B  }
0x9f: {  	_ =	swait.ge [sflag:s21], $0x1  }
0xa0: {  	[sflag:s21] =	ssyncset.done $0x0  }
0xa1: {  	s23 =	simm.s32 $0x1B8E;
	s22 =	sld [smem:$0x3FFE];
	[sflag:s21] =	ssyncadd.s32 $0xFFFFFFFF  }
0xa2: {  	s24 =	simm.s32 $execute0_lowered;
	[smem:$0x3FD2] =	sst s23  }
0xa3: {  	s2 =	sshll.u32 s24, $0x1;
	_ =	strace $0x80000055;
	[dreg:$0x1] =	wrdreg $0xFFFFFFFF  }
0xa4: {  	s25 =	simm.s32 $_size_execute0_lowered;
	s0 =	sadd.s32 s0, s2;
	[dreg:$0x0] =	wrdreg $0x0  }
0xa5: {  	s2 =	sshll.u32 s25, $0x1;
	[dreg:$0x2] =	wrdreg s0  }
0xa6: {  	[dreg:$0x3] =	wrdreg s2  }
0xa7: {  	[dreg:$0x4] =	wrdreg $0xC0  }
0xa8: {  	_ =	task [dreg:s4], $0x5FFFF  }
0xa9: {  	[dreg:$0x1] =	wrdreg $0xFFFFFFFF  }
0xaa: {  	[dreg:$0x0] =	wrdreg $0x60  }
0xab: {  	[dreg:$0x2] =	wrdreg s22  }
0xac: {  	[dreg:$0x3] =	wrdreg $0x60800  }
0xad: {  	[dreg:$0x4] =	wrdreg $0x9  }
0xae: {  	_ =	task.clear_ibuf [dreg:s4], $0x5FFFF;
	_ =	strace $0x90000055  }
0xaf: {  	s26 =	simm.s32 $0x9;
	_ =	strace $0x80000057  }
0xb0: {  	_ =	swait.ge [sflag:s26], $0x1  }
0xb1: {  	[sflag:s26] =	ssyncadd.s32 $0xFFFFFFFF  }
0xb2: {  	_ =	strace $0x90000057  }
0xb3: {  	_ =	sfence  }
0xb4: {  	s28 =	sld [smem:$0x0];
	_ =	sdelay $0x1  }
0xb5: {  	s29 =	srdreg.scid  }
0xb6: {  	s30 =	sshll.u32 s29, $0xD;
	s31 =	sshrl.u32 s29, $0x2  }
0xb7: {  	s1 =	sand.u32 $0x1, s29;
	s2 =	sand.u32 $0x4000, s30;
	s0 =	sadd.s32 s31, s28  }
0xb8: {  	s1 =	sor.u32 s2, s1;
	s0 =	sshll.u32 s0, $0x11  }
0xb9: {  	s0 =	sor.u32 s0, s1  }
0xba: {  	s0 =	sadd.s32 $0x8F2B, s0  }
0xbb: {  	[sflag:s0] =	ssyncadd.remote.s32 $0x1  }
0xbc: {  	_ =	sfence.sel $0xFFFF  }
0xbd: {  	[dreg:$0x0] =	wrdreg $0xFFFFFFFF;
	(pc) =	sbr.abs _section_cstart, $3  }
0xbe: {  	[dreg:$0x1] =	wrdreg $0xFFFFFFFF  }
0xbf: {  	_ =	task.clear_ibuf [dreg:s4], $0x2FFFF;
	_ =	strace $0x9FFFFFFF  }
0xc0: {  	(tm) =	ssettm $0x7FFFFFFF  }
0xc1: {  	_ =	shalt  }
tec
execute0_lowered:
.L_overlay_start_1:
0x0: {  	(tag) =	ssettag $0x1  }
0x1: {  	s3 =	rddreg [dreg:$0x0]  }
0x2: {  	s2 =	rddreg [dreg:$0x1]  }
0x3: {  	s0 =	rddreg [dreg:$0x2];
	s4 =	simm.s32 $0x0  }
0x4: {  	s7 =	simm.s32 $0x4080;
	[smem:$0x7FF] =	sst s4  }
0x5: {  	s1 =	stileid.u32;
	s5 =	sadd.s32 $0x100AA00, s3;
	_ =	strace $0x80000056  }
0x6: {  	[tilespmem:s7], [sflag:$0x1] =	stream.linear.gather [hbm4b:s5+s4], $0x2000, $0x38;
	[tilespmem:$0x1A080] =	vst v63  }
0x7: {  	s6 =	smul.u32 $0x50000, s1;
	s5 =	simm.s32 $0x1  }
0x8: {  	_ =	swait.ge [sflag:s5], $0x2000  }
0x9: {  	s6 =	sshrl.u32 s6, $0x2;
	[sflag:s5] =	ssyncset.done $0x0  }
0xa: {  	s6 =	sadd.s32 s6, s2;
	[sflag:s5] =	ssyncadd.s32 $0xFFFFE000  }
0xb: {  	[spmem:s6] =	stream.linear.scatter [tilespmem:s7], [sflag:$0x1], $0x2000, $0x38;
	[tilespmem:$0x1A080] =	vst v63  }
0xc: {  	_ =	swait.ge [sflag:s5], $0x2000  }
0xd: {  	[sflag:s5] =	ssyncset.done $0x0  }
0xe: {  	s8 =	sadd.s32 $0x2000, s6;
	[sflag:s5] =	ssyncadd.s32 $0xFFFFE000  }
0xf: {  	[spmem:s8] =	stream.linear.scatter [tilespmem:s7], [sflag:$0x1], $0x2000, $0x38;
	[tilespmem:$0x1A080] =	vst v63  }
0x10: {  	_ =	swait.ge [sflag:s5], $0x2000  }
0x11: {  	[sflag:s5] =	ssyncset.done $0x0  }
0x12: {  	s20 =	sadd.s32 $0x4000, s6;
	[sflag:s5] =	ssyncadd.s32 $0xFFFFE000  }
0x13: {  	[spmem:s20] =	stream.linear.scatter [tilespmem:s7], [sflag:$0x1], $0x2000, $0x38;
	[tilespmem:$0x1A080] =	vst v63  }
0x14: {  	_ =	swait.ge [sflag:s5], $0x2000  }
0x15: {  	[sflag:s5] =	ssyncset.done $0x0  }
0x16: {  	s21 =	sadd.s32 $0x6000, s6;
	[sflag:s5] =	ssyncadd.s32 $0xFFFFE000  }
0x17: {  	[spmem:s21] =	stream.linear.scatter [tilespmem:s7], [sflag:$0x1], $0x2000, $0x38;
	[tilespmem:$0x1A080] =	vst v63  }
0x18: {  	_ =	swait.ge [sflag:s5], $0x2000  }
0x19: {  	[sflag:s5] =	ssyncset.done $0x0  }
0x1a: {  	s22 =	sadd.s32 $0x8000, s6;
	[sflag:s5] =	ssyncadd.s32 $0xFFFFE000  }
0x1b: {  	[spmem:s22] =	stream.linear.scatter [tilespmem:s7], [sflag:$0x1], $0x2000, $0x38;
	[tilespmem:$0x1A080] =	vst v63  }
0x1c: {  	_ =	swait.ge [sflag:s5], $0x2000  }
0x1d: {  	[sflag:s5] =	ssyncset.done $0x0  }
0x1e: {  	s23 =	sadd.s32 $0xA000, s6;
	[sflag:s5] =	ssyncadd.s32 $0xFFFFE000  }
0x1f: {  	[spmem:s23] =	stream.linear.scatter [tilespmem:s7], [sflag:$0x1], $0x2000, $0x38;
	[tilespmem:$0x1A080] =	vst v63  }
0x20: {  	_ =	swait.ge [sflag:s5], $0x2000  }
0x21: {  	[sflag:s5] =	ssyncset.done $0x0  }
0x22: {  	s24 =	sadd.s32 $0xC000, s6;
	[sflag:s5] =	ssyncadd.s32 $0xFFFFE000  }
0x23: {  	[spmem:s24] =	stream.linear.scatter [tilespmem:s7], [sflag:$0x1], $0x2000, $0x38;
	[tilespmem:$0x1A080] =	vst v63  }
0x24: {  	_ =	swait.ge [sflag:s5], $0x2000  }
0x25: {  	[sflag:s5] =	ssyncset.done $0x0  }
0x26: {  	s25 =	sadd.s32 $0xE000, s6;
	[sflag:s5] =	ssyncadd.s32 $0xFFFFE000  }
0x27: {  	[spmem:s25] =	stream.linear.scatter [tilespmem:s7], [sflag:$0x1], $0x2000, $0x38;
	[tilespmem:$0x1A080] =	vst v63  }
0x28: {  	_ =	swait.ge [sflag:s5], $0x2000  }
0x29: {  	[sflag:s5] =	ssyncset.done $0x0  }
0x2a: {  	s26 =	sadd.s32 $0x10000, s6;
	[sflag:s5] =	ssyncadd.s32 $0xFFFFE000  }
0x2b: {  	[spmem:s26] =	stream.linear.scatter [tilespmem:s7], [sflag:$0x1], $0x2000, $0x38;
	[tilespmem:$0x1A080] =	vst v63  }
0x2c: {  	_ =	swait.ge [sflag:s5], $0x2000  }
0x2d: {  	[sflag:s5] =	ssyncset.done $0x0  }
0x2e: {  	s28 =	smul.u32 $0x500, s1;
	s9 =	sadd.s32 $0x12000, s6;
	[sflag:s5] =	ssyncadd.s32 $0xFFFFE000  }
0x2f: {  	[spmem:s9] =	stream.linear.scatter [tilespmem:s7], [sflag:$0x1], $0x2000, $0x38;
	[tilespmem:$0x1A080] =	vst v63  }
0x30: {  	_ =	swait.ge [sflag:s5], $0x2000  }
0x31: {  	s29 =	sadd.s32 s28, s3;
	[sflag:s5] =	ssyncset.done $0x0  }
0x32: {  	s9 =	sadd.s32 $0x25400, s29;
	[sflag:s5] =	ssyncadd.s32 $0xFFFFE000  }
0x33: {  	s30 =	smul.u32 $0x28000, s1;
	s31 =	sadd.s32 $0x0, s9;
	[bflag:$0x0] =	sbarrier.arrive $0xFFFF  }
0x34: {  	[tilespmem:s4], [sflag:$0x1] =	stream.linear.gather [hbm4b:s31+s4], $0x80, $0x38;
	[tilespmem:$0x1A080] =	vst v63  }
0x35: {  	_ =	swait.ge [sflag:s5], $0x80  }
0x36: {  	s7 =	sadd.s32 s30, s3;
	[sflag:s5] =	ssyncset.done $0x0  }
0x37: {  	s10 =	sadd.s32 $0xD8AA00, s7;
	s7 =	simm.s32 $0x80;
	[sflag:s5] =	ssyncadd.s32 $0xFFFFFF80  }
0x38: {  	[tilespmem:s7], [sflag:$0x1] =	stream.linear.gather [hbm4b:s10+s4], $0x4000, $0x38;
	[tilespmem:$0x1A080] =	vst v63  }
0x39: {  	_ =	swait.ge [sflag:s5], $0x4000  }
0x3a: {  	[sflag:s5] =	ssyncset.done $0x0  }
0x3b: {  	s11 =	simm.s32 $0x10;
	[sflag:s5] =	ssyncadd.s32 $0xFFFFC000  }
0x3c: {  	[spmem:s2] =	stream.indirect.scatter.add.f32 [tilespmem:s7], [sflag:$0x1], $0x80, s4, s7, $0xb8;
	[tilespmem:$0x1A080] =	vst v63  }
0x3d: {  	s12 =	simm.s32 $0x20;
	s8 =	smul.u32 $0x2800, s1;
	_ =	swait.ge [sflag:s5], $0x4000  }
0x3e: {  	s3 =	sadd.s32 $0x100AE00, s3;
	s10 =	sadd.s32 $0x800, s10;
	[sflag:s5] =	ssyncset.done $0x0  }
.LBB2_1:
0x3f: {  	s13 =	sadd.s32 s11, s9  }
0x40: {  	[sflag:s5] =	ssyncadd.s32 $0xFFFFC000;
	s11 =	smov.u32 s12;
	s14 =	sadd.s32 $0x10, s12  }
0x41: {  	[tilespmem:s4], [sflag:$0x1] =	stream.linear.gather [hbm4b:s13+s4], $0x80, $0x38;
	[tilespmem:$0x1A080] =	vst v63  }
0x42: {  	p0 =	sne.s32 s12, $0x4F0;
	_ =	swait.ge [sflag:s5], $0x80  }
0x43: {  	[sflag:s5] =	ssyncset.done $0x0  }
0x44: {  	[sflag:s5] =	ssyncadd.s32 $0xFFFFFF80  }
0x45: {  	[tilespmem:s7], [sflag:$0x1] =	stream.linear.gather [hbm4b:s10+s4], $0x4000, $0x38;
	[tilespmem:$0x1A080] =	vst v63  }
0x46: {  	_ =	swait.ge [sflag:s5], $0x4000  }
.Ltmp0:
0x47: {  	[sflag:s5] =	ssyncset.done $0x0;
	(pc) =	sbr.rel @p0 .LBB2_1-.Ltmp0, $4  }
0x48: {  	[sflag:s5] =	ssyncadd.s32 $0xFFFFC000  }
0x49: {  	[spmem:s2] =	stream.indirect.scatter.add.f32 [tilespmem:s7], [sflag:$0x1], $0x80, s4, s7, $0xb8;
	[tilespmem:$0x1A080] =	vst v63  }
0x4a: {  	_ =	swait.ge [sflag:s5], $0x4000  }
0x4b: {  	s12 =	smov.u32 s14;
	s10 =	sadd.s32 $0x800, s10;
	[sflag:s5] =	ssyncset.done $0x0  }
0x4c: {  	s9 =	sadd.s32 s11, s9;
	[sflag:s5] =	ssyncadd.s32 $0xFFFFC000  }
0x4d: {  	[tilespmem:s4], [sflag:$0x1] =	stream.linear.gather [hbm4b:s9+s4], $0x80, $0x38;
	[tilespmem:$0x1A080] =	vst v63  }
0x4e: {  	_ =	swait.ge [sflag:s5], $0x80  }
0x4f: {  	[sflag:s5] =	ssyncset.done $0x0  }
0x50: {  	[sflag:s5] =	ssyncadd.s32 $0xFFFFFF80  }
0x51: {  	[tilespmem:s7], [sflag:$0x1] =	stream.linear.gather [hbm4b:s10+s4], $0x4000, $0x38;
	[tilespmem:$0x1A080] =	vst v63  }
0x52: {  	_ =	swait.ge [sflag:s5], $0x4000  }
0x53: {  	[sflag:s5] =	ssyncset.done $0x0  }
0x54: {  	[sflag:s5] =	ssyncadd.s32 $0xFFFFC000  }
0x55: {  	[spmem:s2] =	stream.indirect.scatter.add.f32 [tilespmem:s7], [sflag:$0x1], $0x80, s4, s7, $0xb8;
	[tilespmem:$0x1A080] =	vst v63  }
0x56: {  	_ =	swait.ge [sflag:s5], $0x4000  }
0x57: {  	[sflag:s5] =	ssyncset.done $0x0  }
0x58: {  	[sflag:s5] =	ssyncadd.s32 $0xFFFFC000  }
0x59: {  	s4 =	simm.s32 $0x1;
	s5 =	simm.s32 $0x4080;
	[bflag:$0x0] =	sbarrier.arrive $0xFFFF  }
0x5a: {  	[tilespmem:s5], [sflag:$0x1] =	stream.linear.gather [spmem:s6], $0x2000, $0x38;
	[tilespmem:$0x1A080] =	vst v63  }
0x5b: {  	_ =	swait.ge [sflag:s4], $0x2000  }
0x5c: {  	s8 =	sadd.s32 s3, s8;
	[sflag:s4] =	ssyncset.done $0x0  }
0x5d: {  	s11 =	simm.s32 $0x0;
	s10 =	smul.u32 $0x280, s1;
	[sflag:s4] =	ssyncadd.s32 $0xFFFFE000  }
0x5e: {  	[hbm4b:s8+s11] =	stream.linear.scatter [tilespmem:s5], [sflag:$0x1], $0x2000, $0x38;
	[tilespmem:$0x1A080] =	vst v63  }
0x5f: {  	s12 =	sor.u32 $0x40, s10;
	_ =	swait.ge [sflag:s4], $0x2000  }
0x60: {  	s13 =	sshll.u32 s12, $0x7;
	[sflag:s4] =	ssyncset.done $0x0  }
0x61: {  	s9 =	sadd.s32 s13, s2;
	[sflag:s4] =	ssyncadd.s32 $0xFFFFE000  }
0x62: {  	[tilespmem:s5], [sflag:$0x1] =	stream.linear.gather [spmem:s9], $0x2000, $0x38;
	[tilespmem:$0x1A080] =	vst v63  }
0x63: {  	_ =	swait.ge [sflag:s4], $0x2000  }
0x64: {  	s8 =	sshll.u32 s12, $0x4;
	[sflag:s4] =	ssyncset.done $0x0  }
0x65: {  	s8 =	sadd.s32 s3, s8;
	[sflag:s4] =	ssyncadd.s32 $0xFFFFE000  }
0x66: {  	[hbm4b:s8+s11] =	stream.linear.scatter [tilespmem:s5], [sflag:$0x1], $0x2000, $0x38;
	[tilespmem:$0x1A080] =	vst v63  }
0x67: {  	s14 =	sadd.s32 $0x80, s10;
	_ =	swait.ge [sflag:s4], $0x2000  }
0x68: {  	s15 =	sshll.u32 s14, $0x7;
	[sflag:s4] =	ssyncset.done $0x0  }
0x69: {  	s9 =	sadd.s32 s15, s2;
	[sflag:s4] =	ssyncadd.s32 $0xFFFFE000  }
0x6a: {  	[tilespmem:s5], [sflag:$0x1] =	stream.linear.gather [spmem:s9], $0x2000, $0x38;
	[tilespmem:$0x1A080] =	vst v63  }
0x6b: {  	_ =	swait.ge [sflag:s4], $0x2000  }
0x6c: {  	s8 =	sshll.u32 s14, $0x4;
	[sflag:s4] =	ssyncset.done $0x0  }
0x6d: {  	s8 =	sadd.s32 s3, s8;
	[sflag:s4] =	ssyncadd.s32 $0xFFFFE000  }
0x6e: {  	[hbm4b:s8+s11] =	stream.linear.scatter [tilespmem:s5], [sflag:$0x1], $0x2000, $0x38;
	[tilespmem:$0x1A080] =	vst v63  }
0x6f: {  	s16 =	sadd.s32 $0xC0, s10;
	_ =	swait.ge [sflag:s4], $0x2000  }
0x70: {  	s17 =	sshll.u32 s16, $0x7;
	[sflag:s4] =	ssyncset.done $0x0  }
0x71: {  	s9 =	sadd.s32 s17, s2;
	[sflag:s4] =	ssyncadd.s32 $0xFFFFE000  }
0x72: {  	[tilespmem:s5], [sflag:$0x1] =	stream.linear.gather [spmem:s9], $0x2000, $0x38;
	[tilespmem:$0x1A080] =	vst v63  }
0x73: {  	_ =	swait.ge [sflag:s4], $0x2000  }
0x74: {  	s8 =	sshll.u32 s16, $0x4;
	[sflag:s4] =	ssyncset.done $0x0  }
0x75: {  	s8 =	sadd.s32 s3, s8;
	[sflag:s4] =	ssyncadd.s32 $0xFFFFE000  }
0x76: {  	[hbm4b:s8+s11] =	stream.linear.scatter [tilespmem:s5], [sflag:$0x1], $0x2000, $0x38;
	[tilespmem:$0x1A080] =	vst v63  }
0x77: {  	s18 =	sadd.s32 $0x100, s10;
	_ =	swait.ge [sflag:s4], $0x2000  }
0x78: {  	s19 =	sshll.u32 s18, $0x7;
	[sflag:s4] =	ssyncset.done $0x0  }
0x79: {  	s9 =	sadd.s32 s19, s2;
	[sflag:s4] =	ssyncadd.s32 $0xFFFFE000  }
0x7a: {  	[tilespmem:s5], [sflag:$0x1] =	stream.linear.gather [spmem:s9], $0x2000, $0x38;
	[tilespmem:$0x1A080] =	vst v63  }
0x7b: {  	_ =	swait.ge [sflag:s4], $0x2000  }
0x7c: {  	s8 =	sshll.u32 s18, $0x4;
	[sflag:s4] =	ssyncset.done $0x0  }
0x7d: {  	s8 =	sadd.s32 s3, s8;
	[sflag:s4] =	ssyncadd.s32 $0xFFFFE000  }
0x7e: {  	[hbm4b:s8+s11] =	stream.linear.scatter [tilespmem:s5], [sflag:$0x1], $0x2000, $0x38;
	[tilespmem:$0x1A080] =	vst v63  }
0x7f: {  	s20 =	sadd.s32 $0x140, s10;
	_ =	swait.ge [sflag:s4], $0x2000  }
0x80: {  	s21 =	sshll.u32 s20, $0x7;
	[sflag:s4] =	ssyncset.done $0x0  }
0x81: {  	s9 =	sadd.s32 s21, s2;
	[sflag:s4] =	ssyncadd.s32 $0xFFFFE000  }
0x82: {  	[tilespmem:s5], [sflag:$0x1] =	stream.linear.gather [spmem:s9], $0x2000, $0x38;
	[tilespmem:$0x1A080] =	vst v63  }
0x83: {  	_ =	swait.ge [sflag:s4], $0x2000  }
0x84: {  	s8 =	sshll.u32 s20, $0x4;
	[sflag:s4] =	ssyncset.done $0x0  }
0x85: {  	s8 =	sadd.s32 s3, s8;
	[sflag:s4] =	ssyncadd.s32 $0xFFFFE000  }
0x86: {  	[hbm4b:s8+s11] =	stream.linear.scatter [tilespmem:s5], [sflag:$0x1], $0x2000, $0x38;
	[tilespmem:$0x1A080] =	vst v63  }
0x87: {  	s22 =	sadd.s32 $0x180, s10;
	_ =	swait.ge [sflag:s4], $0x2000  }
0x88: {  	s23 =	sshll.u32 s22, $0x7;
	[sflag:s4] =	ssyncset.done $0x0  }
0x89: {  	s9 =	sadd.s32 s23, s2;
	[sflag:s4] =	ssyncadd.s32 $0xFFFFE000  }
0x8a: {  	[tilespmem:s5], [sflag:$0x1] =	stream.linear.gather [spmem:s9], $0x2000, $0x38;
	[tilespmem:$0x1A080] =	vst v63  }
0x8b: {  	_ =	swait.ge [sflag:s4], $0x2000  }
0x8c: {  	s8 =	sshll.u32 s22, $0x4;
	[sflag:s4] =	ssyncset.done $0x0  }
0x8d: {  	s8 =	sadd.s32 s3, s8;
	[sflag:s4] =	ssyncadd.s32 $0xFFFFE000  }
0x8e: {  	[hbm4b:s8+s11] =	stream.linear.scatter [tilespmem:s5], [sflag:$0x1], $0x2000, $0x38;
	[tilespmem:$0x1A080] =	vst v63  }
0x8f: {  	s24 =	sadd.s32 $0x1C0, s10;
	_ =	swait.ge [sflag:s4], $0x2000  }
0x90: {  	s25 =	sshll.u32 s24, $0x7;
	[sflag:s4] =	ssyncset.done $0x0  }
0x91: {  	s9 =	sadd.s32 s25, s2;
	[sflag:s4] =	ssyncadd.s32 $0xFFFFE000  }
0x92: {  	[tilespmem:s5], [sflag:$0x1] =	stream.linear.gather [spmem:s9], $0x2000, $0x38;
	[tilespmem:$0x1A080] =	vst v63  }
0x93: {  	_ =	swait.ge [sflag:s4], $0x2000  }
0x94: {  	s8 =	sshll.u32 s24, $0x4;
	[sflag:s4] =	ssyncset.done $0x0  }
0x95: {  	s8 =	sadd.s32 s3, s8;
	[sflag:s4] =	ssyncadd.s32 $0xFFFFE000  }
0x96: {  	[hbm4b:s8+s11] =	stream.linear.scatter [tilespmem:s5], [sflag:$0x1], $0x2000, $0x38;
	[tilespmem:$0x1A080] =	vst v63  }
0x97: {  	s26 =	sadd.s32 $0x200, s10;
	_ =	swait.ge [sflag:s4], $0x2000  }
0x98: {  	s28 =	sshll.u32 s26, $0x7;
	[sflag:s4] =	ssyncset.done $0x0  }
0x99: {  	s9 =	sadd.s32 s28, s2;
	[sflag:s4] =	ssyncadd.s32 $0xFFFFE000  }
0x9a: {  	[tilespmem:s5], [sflag:$0x1] =	stream.linear.gather [spmem:s9], $0x2000, $0x38;
	[tilespmem:$0x1A080] =	vst v63  }
0x9b: {  	_ =	swait.ge [sflag:s4], $0x2000  }
0x9c: {  	s8 =	sshll.u32 s26, $0x4;
	[sflag:s4] =	ssyncset.done $0x0  }
0x9d: {  	s8 =	sadd.s32 s3, s8;
	[sflag:s4] =	ssyncadd.s32 $0xFFFFE000  }
0x9e: {  	[hbm4b:s8+s11] =	stream.linear.scatter [tilespmem:s5], [sflag:$0x1], $0x2000, $0x38;
	[tilespmem:$0x1A080] =	vst v63  }
0x9f: {  	s7 =	sadd.s32 $0x240, s10;
	_ =	swait.ge [sflag:s4], $0x2000  }
0xa0: {  	s29 =	sshll.u32 s7, $0x7;
	[sflag:s4] =	ssyncset.done $0x0  }
0xa1: {  	s30 =	sadd.s32 s29, s2;
	[sflag:s4] =	ssyncadd.s32 $0xFFFFE000  }
0xa2: {  	[tilespmem:s5], [sflag:$0x1] =	stream.linear.gather [spmem:s30], $0x2000, $0x38;
	[tilespmem:$0x1A080] =	vst v63  }
0xa3: {  	_ =	swait.ge [sflag:s4], $0x2000  }
0xa4: {  	s31 =	sshll.u32 s7, $0x4;
	[sflag:s4] =	ssyncset.done $0x0  }
0xa5: {  	s2 =	sadd.s32 s3, s31;
	[sflag:s4] =	ssyncadd.s32 $0xFFFFE000  }
0xa6: {  	[hbm4b:s2+s11] =	stream.linear.scatter [tilespmem:s5], [sflag:$0x1], $0x2000, $0x38;
	[tilespmem:$0x1A080] =	vst v63  }
0xa7: {  	_ =	swait.ge [sflag:s4], $0x2000  }
0xa8: {  	[sflag:s4] =	ssyncset.done $0x0  }
0xa9: {  	[sflag:s4] =	ssyncadd.s32 $0xFFFFE000  }
0xaa: {  	_ =	sfence.sel $0x180000  }
0xab: {  	[bflag:$0x0] =	sbarrier.arrive $0xFFFF  }
0xac: {  	p0 =	sne.s32 s1, $0x0;
	_ =	strace $0x90000056  }
0xad: {  	s0 =	sadd.s32 @!p0 $0x100000, s0;
	[bflag:$0x2] =	sbarrier.arrive $0xFFFF  }
0xae: {  	[sflag:s0] =	ssyncadd.tile.s32 @!p0 $0x1;
	_ =	shalt  }
.Lfunc_end2:
_tile_overlayer_lowered:
.L_overlay_start_2:
0xaf: {  	(tag) =	ssettag $0x2  }
0xb0: {  	s0 =	rddreg [dreg:$0x0];
	s2 =	stileid.u32  }
0xb1: {  	s1 =	rddreg [dreg:$0x1];
	p0 =	sne.s32 s2, $0x0  }
0xb2: {  	s3 =	rddreg [dreg:$0x2];
	[bflag:$0x3] =	sbarrier.arrive $0xFFFF;
	s2 =	simm.s32 @!p0 $0x1C01  }
0xb3: {  	[timem:s3], [sflag:s2] =	dma.local @!p0 [hbm:s0], s1  }
0xb4: {  	s0 =	simm.s32 @!p0 $0x1  }
0xb5: {  	_ =	swait.ge @!p0 [sflag:s0], s1  }
0xb6: {  	s1 =	ssub.s32 @!p0 $0x0, s1;
	[sflag:s0] =	ssyncset.done @!p0 $0x0  }
0xb7: {  	[sflag:s0] =	ssyncadd.s32 @!p0 s1  }
0xb8: {  	[bflag:$0x3] =	sbarrier.arrive $0xFFFF  }
0xb9: {  	_ =	shalt  }

// kernel: kernel.48.cloned.1.call-start
scs
__scs_entry_jumppad:
0x0: {  	(pc) =	sbr.rel $0x88, $3  }
0x1: {  	(tag) =	ssettag $0x0;
	lr =	simm.s32 $0x1  }
0x2: {  	[smem:$0x3F80] =	sst lr;
	_ =	strace $0xD0000000  }
0x3: {  	_ = 	snop  }
0x4: {  	_ = 	snop  }
0x5: {  	_ = 	snop  }
0x6: {  	_ = 	snop  }
0x7: {  	_ = 	snop  }
__scs_overlays_trampoline_lowered:
0x8: {  	[smem:$0x3F8F] =	sst s0  }
0x9: {  	[smem:$0x3F90] =	sst s1  }
0xa: {  	[smem:$0x3F91] =	sst s2  }
0xb: {  	[smem:$0x3F92] =	sst s3  }
0xc: {  	[smem:$0x3F93] =	sst s4  }
0xd: {  	[smem:$0x3F94] =	sst s5  }
0xe: {  	[smem:$0x3F95] =	sst s6  }
0xf: {  	[smem:$0x3F96] =	sst s7  }
0x10: {  	[smem:$0x3F97] =	sst s8  }
0x11: {  	[smem:$0x3F98] =	sst s9;
	s0 =	simm.s32 @!p0 $0x0  }
0x12: {  	s1 =	sld [smem:$0x3F7E];
	s0 =	simm.s32 @p0 $0x1  }
0x13: {  	[smem:$0x3F99] =	sst s0;
	s0 =	simm.s32 @!p1 $0x0  }
0x14: {  	s2 =	sld [smem:$0x3F7D];
	s0 =	simm.s32 @p1 $0x1  }
0x15: {  	[smem:$0x3F9A] =	sst s0;
	s0 =	simm.s32 @!p2 $0x0  }
0x16: {  	s3 =	sld [smem:$0x3FDB];
	s0 =	simm.s32 @p2 $0x1  }
0x17: {  	s4 =	simm.s32 $0x1BF5;
	[smem:$0x3F9C] =	sst s0  }
0x18: {  	s0 =	sld [smem:$0x3F7F];
	_ =	swait.ge [sflag:s4], $0x0  }
0x19: {  	s7 =	sld [smem:$0x3F80]  }
0x1a: {  	s8 =	sadd.s32 $0xFFFFE003, lr  }
0x1b: {  	s9 =	sadd.s32 $0xFFFFFEF7, lr;
	s5 =	simm.s32 $0xFFFFFFFF;
	p2 =	slt.u32 s8, $0xFFFFF086  }
0x1c: {  	p1 =	slt.u32 s9, $0xF7A;
	s5 =	simm.s32 @!p2 $0x0  }
0x1d: {  	s5 =	simm.s32 @p1 $0x1;
	p0 =	seq.s32 s7, s2  }
0x1e: {  	s7 =	smul.u32 @!p0 $0xF7A, s2;
	p2 =	seq.s32 @!p0 s5, $0x0  }
0x1f: {  	s9 =	smul.u32 $0xF7A, s1;
	s8 =	simm.s32 @!p0 $0x1BF5;
	p2 =	por !p2, p0  }
0x20: {  	[sflag:s8] =	ssyncset.s32 @!p0 $0xFFFFF086;
	s6 =	sadd.s32 @!p0 s3, s7;
	s7 =	simm.s32 @!p0 $0x108  }
0x21: {  	s3 =	sadd.s32 s3, s9;
	s6 =	sadd.s32 @!p0 $0x88, s6;
	s7 =	simm.s32 @p2 $0x1082  }
0x22: {  	[simem:s7], [sflag:s8] =	dma.local @!p0 [hbm:s6], $0xF7A  }
0x23: {  	s9 =	sor.u32 $0xD0000000, s2;
	s6 =	simm.s32 $0x108;
	_ =	swait.ge @!p0 [sflag:s8], $0x0  }
0x24: {  	s3 =	sadd.s32 $0x88, s3;
	s6 =	simm.s32 @!p1 $0x1082;
	[sflag:s4] =	ssyncset.s32 $0xFFFFF086  }
0x25: {  	[simem:s6], [sflag:s4] =	dma.local [hbm:s3], $0xF7A  }
0x26: {  	[smem:$0x3F80] =	sst s1;
	(tag) =	ssettag s2;
	_ =	strace s9  }
0x27: {  	s1 =	sld [smem:$0x3F90]  }
0x28: {  	s2 =	sld [smem:$0x3F91]  }
0x29: {  	s4 =	sld [smem:$0x3F93]  }
0x2a: {  	p0 =	seq.s32 s5, $0x0;
	s5 =	sld [smem:$0x3F94]  }
0x2b: {  	s6 =	sld [smem:$0x3F95]  }
0x2c: {  	s7 =	sld [smem:$0x3F96]  }
0x2d: {  	s3 =	simm.s32 $0x108;
	s8 =	sld [smem:$0x3F97]  }
0x2e: {  	s3 =	simm.s32 @!p0 $0x1082;
	s9 =	sld [smem:$0x3F98]  }
0x2f: {  	lr =	sadd.s32 s0, s3;
	s0 =	sld [smem:$0x3F8F]  }
0x30: {  	s3 =	sld [smem:$0x3F92]  }
0x31: {  	[smem:$0x3F9B] =	sst s10  }
0x32: {  	s10 =	sld [smem:$0x3F99];
	_ =	sdelay $0x3  }
0x33: {  	p0 =	seq.s32 s10, $0x1;
	s10 =	sld [smem:$0x3F9B];
	_ =	sdelay $0x3  }
0x34: {  	[smem:$0x3F9B] =	sst s10  }
0x35: {  	s10 =	sld [smem:$0x3F9A];
	_ =	sdelay $0x3  }
0x36: {  	p1 =	seq.s32 s10, $0x1;
	s10 =	sld [smem:$0x3F9B];
	_ =	sdelay $0x3  }
0x37: {  	[smem:$0x3F9B] =	sst s10  }
0x38: {  	s10 =	sld [smem:$0x3F9C]  }
0x39: {  	_ = 	snop;
	(pc) =	sbr.ind lr, $3  }
0x3a: {  	_ = 	snop  }
0x3b: {  	_ = 	snop  }
0x3c: {  	p2 =	seq.s32 s10, $0x1;
	s10 =	sld [smem:$0x3F9B]  }
0x3d: {  	_ =	shalt  }
0x3e: {  	_ =	shalt  }
0x3f: {  	_ =	shalt  }
0x40: {  	_ =	shalt  }
0x41: {  	_ =	shalt  }
0x42: {  	_ =	shalt  }
0x43: {  	_ =	shalt  }
0x44: {  	_ =	shalt  }
0x45: {  	_ =	shalt  }
0x46: {  	_ =	shalt  }
0x47: {  	_ =	shalt  }
0x48: {  	_ =	shalt  }
0x49: {  	_ =	shalt  }
0x4a: {  	_ =	shalt  }
0x4b: {  	_ =	shalt  }
0x4c: {  	_ =	shalt  }
0x4d: {  	_ =	shalt  }
0x4e: {  	_ =	shalt  }
0x4f: {  	_ =	shalt  }
0x50: {  	_ =	shalt  }
0x51: {  	_ =	shalt  }
0x52: {  	_ =	shalt  }
0x53: {  	_ =	shalt  }
0x54: {  	_ =	shalt  }
0x55: {  	_ =	shalt  }
0x56: {  	_ =	shalt  }
0x57: {  	_ =	shalt  }
0x58: {  	_ =	shalt  }
0x59: {  	_ =	shalt  }
0x5a: {  	_ =	shalt  }
0x5b: {  	_ =	shalt  }
0x5c: {  	_ =	shalt  }
0x5d: {  	_ =	shalt  }
0x5e: {  	_ =	shalt  }
0x5f: {  	_ =	shalt  }
0x60: {  	_ =	shalt  }
0x61: {  	_ =	shalt  }
0x62: {  	_ =	shalt  }
0x63: {  	_ =	shalt  }
0x64: {  	_ =	shalt  }
0x65: {  	_ =	shalt  }
0x66: {  	_ =	shalt  }
0x67: {  	_ =	shalt  }
0x68: {  	_ =	shalt  }
0x69: {  	_ =	shalt  }
0x6a: {  	_ =	shalt  }
0x6b: {  	_ =	shalt  }
0x6c: {  	_ =	shalt  }
0x6d: {  	_ =	shalt  }
0x6e: {  	_ =	shalt  }
0x6f: {  	_ =	shalt  }
0x70: {  	_ =	shalt  }
0x71: {  	_ =	shalt  }
0x72: {  	_ =	shalt  }
0x73: {  	_ =	shalt  }
0x74: {  	_ =	shalt  }
0x75: {  	_ =	shalt  }
0x76: {  	_ =	shalt  }
0x77: {  	_ =	shalt  }
0x78: {  	_ =	shalt  }
0x79: {  	_ =	shalt  }
0x7a: {  	_ =	shalt  }
0x7b: {  	_ =	shalt  }
0x7c: {  	_ =	shalt  }
0x7d: {  	_ =	shalt  }
0x7e: {  	_ =	shalt  }
0x7f: {  	_ =	shalt  }
0x80: {  	_ =	shalt  }
0x81: {  	_ =	shalt  }
0x82: {  	_ =	shalt  }
0x83: {  	_ =	shalt  }
0x84: {  	_ =	shalt  }
0x85: {  	_ =	shalt  }
0x86: {  	_ =	shalt  }
0x87: {  	_ =	shalt  }
.Lfunc_end0:
.L_simem_size_0:
called_computation.6_lowered:
.L_overlay_start_0:
0x88: {  	s2 =	sld [smem:$0x3FD9]  }
0x89: {  	s3 =	sld [smem:$0x3FFE];
	_ =	sdelay $0x1  }
0x8a: {  	s1 =	srdreg.scid  }
0x8b: {  	s0 =	sand.u32 $0x1, s1  }
0x8c: {  	s16 =	sshll.u32 s0, $0xA;
	s2 =	sadd.s32 s3, s2  }
0x8d: {  	s2 =	sadd.s32 s2, s16  }
0x8e: {  	[smem:$0x3FA7] =	sst s2  }
0x8f: {  	_ = 	snop  }
0x90: {  	(tm) =	ssettm $0x1  }
0x91: {  	s17 =	sld [smem:$0x3FFB];
	_ =	sdelay $0x3  }
0x92: {  	_ =	strace s17  }
0x93: {  	s2 =	sld [smem:$0x3FFC];
	_ =	sdelay $0x3  }
0x94: {  	_ =	strace s2  }
0x95: {  	s2 =	sld [smem:$0x3FFD];
	_ =	sdelay $0x3  }
0x96: {  	_ =	strace s2  }
0x97: {  	_ =	strace $0x8FFFFFFF  }
0x98: {  	s18 =	sld [smem:$0x3FDB];
	_ =	sdelay $0x1  }
0x99: {  	s19 =	simm.s32 $_scs_section_size  }
0x9a: {  	s4 =	simm.s32 $_size__tile_overlayer_lowered;
	s5 =	simm.s32 $_tile_overlayer_lowered  }
0x9b: {  	s22 =	simm.s32 $0x1BFF;
	s21 =	sshll.u32 s5, $0x1;
	s2 =	sadd.s32 s19, s18  }
0x9c: {  	s6 =	simm.s32 $0x0;
	s20 =	sshll.u32 s4, $0x1;
	s4 =	sadd.s32 s21, s2  }
0x9d: {  	[timem:s6], [sflag:s22] =	dma.local [hbm:s4], s20  }
0x9e: {  	_ =	swait.ge [sflag:s22], s20  }
0x9f: {  	s3 =	ssub.s32 $0x0, s20;
	[sflag:s22] =	ssyncset.done $0x0  }
0xa0: {  	[sflag:s22] =	ssyncadd.s32 s3;
	_ =	sdelay $0x1  }
0xa1: {  	s23 =	simm.s32 $0x1B8B  }
0xa2: {  	_ =	swait.ge [sflag:s23], $0x1  }
0xa3: {  	[sflag:s23] =	ssyncset.done $0x0  }
0xa4: {  	s25 =	simm.s32 $0x1B8E;
	s24 =	sld [smem:$0x3FFE];
	[sflag:s23] =	ssyncadd.s32 $0xFFFFFFFF  }
0xa5: {  	s26 =	simm.s32 $execute0_lowered;
	[smem:$0x3FD2] =	sst s25  }
0xa6: {  	s4 =	sshll.u32 s26, $0x1;
	_ =	strace $0x80000058;
	[dreg:$0x1] =	wrdreg $0xFFFFFFFF  }
0xa7: {  	s28 =	simm.s32 $_size_execute0_lowered;
	s2 =	sadd.s32 s2, s4;
	[dreg:$0x0] =	wrdreg $0x0  }
0xa8: {  	s4 =	sshll.u32 s28, $0x1;
	[dreg:$0x2] =	wrdreg s2  }
0xa9: {  	[dreg:$0x3] =	wrdreg s4  }
0xaa: {  	[dreg:$0x4] =	wrdreg $0xC0  }
0xab: {  	_ =	task [dreg:s6], $0x5FFFF  }
0xac: {  	[dreg:$0x1] =	wrdreg $0xFFFFFFFF  }
0xad: {  	[dreg:$0x0] =	wrdreg $0x60  }
0xae: {  	[dreg:$0x2] =	wrdreg s24  }
0xaf: {  	[dreg:$0x3] =	wrdreg $0x9  }
0xb0: {  	_ =	task.clear_ibuf [dreg:s6], $0x4FFFF;
	_ =	strace $0x90000058  }
0xb1: {  	s29 =	simm.s32 $0x9;
	_ =	strace $0x8000005A  }
0xb2: {  	_ =	swait.ge [sflag:s29], $0x1  }
0xb3: {  	[sflag:s29] =	ssyncadd.s32 $0xFFFFFFFF  }
0xb4: {  	_ =	strace $0x9000005A  }
0xb5: {  	_ =	sfence  }
0xb6: {  	s30 =	sld [smem:$0x0];
	_ =	sdelay $0x2  }
0xb7: {  	s31 =	sshll.u32 s1, $0xD;
	s1 =	sshrl.u32 s1, $0x2  }
0xb8: {  	s3 =	sand.u32 $0x4000, s31;
	s1 =	sadd.s32 s1, s30  }
0xb9: {  	s0 =	sor.u32 s3, s0;
	s1 =	sshll.u32 s1, $0x11  }
0xba: {  	s0 =	sor.u32 s1, s0  }
0xbb: {  	s0 =	sadd.s32 $0x8F2B, s0  }
0xbc: {  	[sflag:s0] =	ssyncadd.remote.s32 $0x1  }
0xbd: {  	_ =	sfence.sel $0xFFFF  }
0xbe: {  	[dreg:$0x0] =	wrdreg $0xFFFFFFFF;
	(pc) =	sbr.abs _section_cstart, $3  }
0xbf: {  	[dreg:$0x1] =	wrdreg $0xFFFFFFFF  }
0xc0: {  	_ =	task.clear_ibuf [dreg:s6], $0x2FFFF;
	_ =	strace $0x9FFFFFFF  }
0xc1: {  	(tm) =	ssettm $0x7FFFFFFF  }
tec
execute0_lowered:
.L_overlay_start_1:
0x0: {  	(tag) =	ssettag $0x1  }
0x1: {  	s1 =	srdreg.scid;
	s0 =	stileid.u32  }
0x2: {  	s1 =	sand.u32 $0x1, s1;
	s2 =	smul.u32 $0x2800, s0  }
0x3: {  	s3 =	smul.u32 $0x1400, s1;
	_ =	sdelay $0x1  }
0x4: {  	s5 =	rddreg [dreg:$0x0];
	s3 =	sadd.s32 s3, s2;
	s2 =	simm.s32 $0x0  }
0x5: {  	s17 =	simm.s32 $0x80;
	[smem:$0x7FF] =	sst s2  }
0x6: {  	s18 =	simm.s32 $0x900;
	_ =	strace $0x80000059;
	[dreg:$0x4] =	wrdreg s17  }
0x7: {  	s19 =	simm.s32 $0xD00;
	[dreg:$0x5] =	wrdreg s18  }
0x8: {  	s20 =	simm.s32 $0x1500;
	[dreg:$0x6] =	wrdreg s19  }
0x9: {  	s21 =	simm.s32 $0x1900;
	[dreg:$0x7] =	wrdreg s20  }
0xa: {  	s22 =	simm.s32 $0x2100;
	[dreg:$0x8] =	wrdreg s21  }
0xb: {  	s23 =	simm.s32 $0x2500;
	[dreg:$0x9] =	wrdreg s22  }
0xc: {  	s24 =	simm.s32 $0x2D00;
	[dreg:$0xa] =	wrdreg s23  }
0xd: {  	s25 =	simm.s32 $0x3100;
	[dreg:$0xb] =	wrdreg s24  }
0xe: {  	s26 =	simm.s32 $0x3900;
	[dreg:$0xc] =	wrdreg s25  }
0xf: {  	s30 =	simm.s32 $0x3D00;
	[dreg:$0xd] =	wrdreg s26  }
0x10: {  	s31 =	simm.s32 $0x4500;
	[dreg:$0xe] =	wrdreg s30  }
0x11: {  	s7 =	simm.s32 $0x5100;
	[dreg:$0xf] =	wrdreg s31  }
0x12: {  	s8 =	simm.s32 $0x5500;
	[dreg:$0x11] =	wrdreg s7  }
0x13: {  	s9 =	simm.s32 $0x6100;
	[dreg:$0x12] =	wrdreg s8  }
0x14: {  	s10 =	simm.s32 $0x6900;
	[dreg:$0x14] =	wrdreg s9  }
0x15: {  	s11 =	simm.s32 $0x6D00;
	[dreg:$0x15] =	wrdreg s10  }
0x16: {  	s12 =	simm.s32 $0x7500;
	s14 =	simm.s32 $0x7900;
	[dreg:$0x16] =	wrdreg s11  }
0x17: {  	s16 =	simm.s32 $0x8100;
	s28 =	simm.s32 $0x2;
	[dreg:$0x17] =	wrdreg s12  }
0x18: {  	s29 =	simm.s32 $0x0;
	s15 =	ssub.s32 $0x2, s1;
	[dreg:$0x18] =	wrdreg s14  }
0x19: {  	s1 =	smul.u32 $0x28000, s1;
	s7 =	simm.s32 $0x5D00;
	[dreg:$0x19] =	wrdreg s16  }
0x1a: {  	s6 =	sshrl.u32 s3, $0x3;
	s17 =	simm.s32 $0x8500;
	[dreg:$0x13] =	wrdreg s7  }
0x1b: {  	s3 =	sadd.s32 s6, s5;
	s18 =	simm.s32 $0x8D00;
	[dreg:$0x1a] =	wrdreg s17  }
0x1c: {  	s6 =	smul.u32 $0x180, s6;
	s19 =	simm.s32 $0x9100;
	[dreg:$0x1b] =	wrdreg s18  }
0x1d: {  	s8 =	smul.u32 $0x50000, s0;
	s20 =	simm.s32 $0x9900;
	[dreg:$0x1c] =	wrdreg s19  }
0x1e: {  	s10 =	sshrl.u32 s15, $0x1;
	s22 =	simm.s32 $0x9D00;
	[dreg:$0x1d] =	wrdreg s20  }
0x1f: {  	s23 =	simm.s32 $0xA500;
	s24 =	simm.s32 $0xA900;
	[dreg:$0x1e] =	wrdreg s22  }
0x20: {  	s25 =	simm.s32 $0xB100;
	s26 =	simm.s32 $0xB500;
	[dreg:$0x1f] =	wrdreg s23  }
0x21: {  	s30 =	simm.s32 $0xBD00;
	s11 =	simm.s32 $0xC100;
	[smem:$0x7F9] =	sst s24  }
0x22: {  	s31 =	simm.s32 $0xC900;
	s12 =	simm.s32 $0xD100;
	[smem:$0x7FA] =	sst s25  }
0x23: {  	s14 =	simm.s32 $0xE100;
	s16 =	simm.s32 $0xF100;
	[smem:$0x7FB] =	sst s26  }
0x24: {  	s4 =	sadd.s32 $0x20400, s3;
	s3 =	sadd.s32 $0x1B400, s3;
	[smem:$0x7FC] =	sst s30  }
0x25: {  	[smem:$0x7FD] =	sst s31;
	s17 =	simm.s32 $0xF900;
	s18 =	simm.s32 $0x10100  }
0x26: {  	s19 =	simm.s32 $0x10900;
	s20 =	simm.s32 $0x11100;
	s22 =	simm.s32 $0x12100  }
0x27: {  	s23 =	simm.s32 $0x12900;
	s24 =	simm.s32 $0x13100;
	[dreg:$0x2] =	wrdreg s4  }
0x28: {  	s25 =	simm.s32 $0x13900;
	s26 =	simm.s32 $0x1;
	[dreg:$0x3] =	wrdreg s3  }
0x29: {  	s4 =	simm.s32 $0x4900;
	s3 =	sadd.s32 $0x1036600, s5;
	s9 =	sadd.s32 s6, s5  }
0x2a: {  	s13 =	sadd.s32 s8, s5;
	s8 =	ssub.s32 s15, s10;
	s10 =	simm.s32 $0x100  }
0x2b: {  	s15 =	simm.s32 $0xE900;
	[dreg:$0x10] =	wrdreg s4;
	s4 =	sadd.s32 $0x10ABA00, s5  }
0x2c: {  	v2 =	vlaneseq.u32;
	s5 =	sadd.s32 $0x1036700, s5;
	s21 =	smax.u32 s8, $0x1;
	s1 =	sadd.s32 s1, s13  }
0x2d: {  	vm0 =	vmmov $0xffff;
	vm1 =	vmmov $0xff;
	v1 =	vshrl.u32 v2, $0x3;
	s8 =	sadd.s32 $0x2A400, s9;
	s9 =	simm.s32 $0x3;
	s13 =	simm.s32 $0xD900  }
0x2e: {  	v0 =	vand.u32 $0x7, v2;
	v2 =	vor.u32 $0x8, v2;
	v1 =	vmul.u32 $0x8, v1;
	[smem:$0x7F8] =	sst s21;
	s7 =	sadd.s32 $0x7AA400, s1;
	s21 =	simm.s32 $0x11900  }
.LBB2_1:
0x2f: {  	s30 =	smov.u32 s8;
	s31 =	smov.u32 s7;
	s1 =	simm.s32 $0x0  }
.LBB2_2:
0x30: {  	s0 =	rddreg [dreg:$0x3]  }
0x31: {  	s0 =	sadd.s32 s1, s0  }
0x32: {  	[tilespmem:s2], [sflag:$0x3] =	stream.linear.gather [hbm4b:s0+s2], $0x80, $0x38;
	[tilespmem:$0x14100] =	vst v63  }
0x33: {  	_ =	swait.ge [sflag:s9], $0x80  }
0x34: {  	s0 =	rddreg [dreg:$0x2];
	[sflag:s9] =	ssyncset.done $0x0  }
0x35: {  	s6 =	rddreg [dreg:$0x4];
	[sflag:s9] =	ssyncadd.s32 $0xFFFFFF80;
	s0 =	sadd.s32 s1, s0  }
0x36: {  	[tilespmem:s6], [sflag:$0x3] =	stream.linear.gather [hbm4b:s0+s2], $0x80, $0x38;
	[tilespmem:$0x14100] =	vst v63  }
0x37: {  	_ =	swait.ge [sflag:s9], $0x80  }
0x38: {  	[sflag:s9] =	ssyncset.done $0x0  }
0x39: {  	[sflag:s9] =	ssyncadd.s32 $0xFFFFFF80  }
0x3a: {  	v3 =	vld [tilespmem:$0x0];
	_ =	sdelay $0x4  }
0x3b: {  	v4 =	vshrl.u32 v3, $0x3  }
0x3c: {  	v4 =	vmul.u32 $0x18, v4  }
0x3d: {  	v3 =	vand.u32 $0x7, v3  }
0x3e: {  	v3 =	vor.u32 v3, v4  }
0x3f: {  	v4 =	vperm.xlane v3, v0;
	_ =	sdelay $0x1  }
0x40: {  	v4 =	vadd.s32 v1, v4;
	_ =	sdelay $0x1  }
0x41: {  	v3 =	vperm.xlane v3, v2;
	_ =	sdelay $0x1  }
0x42: {  	v3 =	vadd.s32 v1, v3  }
0x43: {  	[tilespmem:s10], [sflag:$0x1] =	stream.indirect_vreg.gather [hbm4b:s3+s2], $0x80, v4, vm0, $0xb8;
	[tilespmem:$0x14100] =	vst v63  }
0x44: {  	s0 =	rddreg [dreg:$0x5]  }
0x45: {  	[tilespmem:s0], [sflag:$0x1] =	stream.indirect_vreg.gather [hbm4b:s5+s2], $0x80, v4, vm1, $0xb8;
	[tilespmem:$0x14100] =	vst v63  }
0x46: {  	s6 =	rddreg [dreg:$0x6]  }
0x47: {  	[tilespmem:s6], [sflag:$0x1] =	stream.indirect_vreg.gather [hbm4b:s3+s2], $0x80, v3, vm0, $0xb8;
	[tilespmem:$0x14100] =	vst v63  }
0x48: {  	s0 =	rddreg [dreg:$0x7]  }
0x49: {  	[tilespmem:s0], [sflag:$0x1] =	stream.indirect_vreg.gather [hbm4b:s5+s2], $0x80, v3, vm1, $0xb8;
	[tilespmem:$0x14100] =	vst v63  }
0x4a: {  	v3 =	vld [tilespmem:$0x10];
	_ =	sdelay $0x4  }
0x4b: {  	v49 =	vshrl.u32 v3, $0x3  }
0x4c: {  	v4 =	vmul.u32 $0x18, v49  }
0x4d: {  	v3 =	vand.u32 $0x7, v3  }
0x4e: {  	v3 =	vor.u32 v3, v4  }
0x4f: {  	v4 =	vperm.xlane v3, v0;
	_ =	sdelay $0x1  }
0x50: {  	v4 =	vadd.s32 v1, v4;
	_ =	sdelay $0x1  }
0x51: {  	v3 =	vperm.xlane v3, v2;
	_ =	sdelay $0x1  }
0x52: {  	s0 =	rddreg [dreg:$0x8];
	v3 =	vadd.s32 v1, v3  }
0x53: {  	[tilespmem:s0], [sflag:$0x1] =	stream.indirect_vreg.gather [hbm4b:s3+s2], $0x80, v4, vm0, $0xb8;
	[tilespmem:$0x14100] =	vst v63  }
0x54: {  	s6 =	rddreg [dreg:$0x9]  }
0x55: {  	[tilespmem:s6], [sflag:$0x1] =	stream.indirect_vreg.gather [hbm4b:s5+s2], $0x80, v4, vm1, $0xb8;
	[tilespmem:$0x14100] =	vst v63  }
0x56: {  	s0 =	rddreg [dreg:$0xa]  }
0x57: {  	[tilespmem:s0], [sflag:$0x1] =	stream.indirect_vreg.gather [hbm4b:s3+s2], $0x80, v3, vm0, $0xb8;
	[tilespmem:$0x14100] =	vst v63  }
0x58: {  	s6 =	rddreg [dreg:$0xb]  }
0x59: {  	[tilespmem:s6], [sflag:$0x1] =	stream.indirect_vreg.gather [hbm4b:s5+s2], $0x80, v3, vm1, $0xb8;
	[tilespmem:$0x14100] =	vst v63  }
0x5a: {  	v3 =	vld [tilespmem:$0x20];
	_ =	sdelay $0x4  }
0x5b: {  	v50 =	vshrl.u32 v3, $0x3  }
0x5c: {  	v4 =	vmul.u32 $0x18, v50  }
0x5d: {  	v3 =	vand.u32 $0x7, v3  }
0x5e: {  	v3 =	vor.u32 v3, v4  }
0x5f: {  	v4 =	vperm.xlane v3, v0;
	_ =	sdelay $0x1  }
0x60: {  	v4 =	vadd.s32 v1, v4;
	_ =	sdelay $0x1  }
0x61: {  	v3 =	vperm.xlane v3, v2;
	_ =	sdelay $0x1  }
0x62: {  	s0 =	rddreg [dreg:$0xc];
	v3 =	vadd.s32 v1, v3  }
0x63: {  	[tilespmem:s0], [sflag:$0x1] =	stream.indirect_vreg.gather [hbm4b:s3+s2], $0x80, v4, vm0, $0xb8;
	[tilespmem:$0x14100] =	vst v63  }
0x64: {  	s6 =	rddreg [dreg:$0xd]  }
0x65: {  	[tilespmem:s6], [sflag:$0x1] =	stream.indirect_vreg.gather [hbm4b:s5+s2], $0x80, v4, vm1, $0xb8;
	[tilespmem:$0x14100] =	vst v63  }
0x66: {  	s0 =	rddreg [dreg:$0xe]  }
0x67: {  	[tilespmem:s0], [sflag:$0x1] =	stream.indirect_vreg.gather [hbm4b:s3+s2], $0x80, v3, vm0, $0xb8;
	[tilespmem:$0x14100] =	vst v63  }
0x68: {  	s6 =	rddreg [dreg:$0xf]  }
0x69: {  	[tilespmem:s6], [sflag:$0x1] =	stream.indirect_vreg.gather [hbm4b:s5+s2], $0x80, v3, vm1, $0xb8;
	[tilespmem:$0x14100] =	vst v63  }
0x6a: {  	v3 =	vld [tilespmem:$0x30];
	_ =	sdelay $0x4  }
0x6b: {  	v51 =	vshrl.u32 v3, $0x3  }
0x6c: {  	v4 =	vmul.u32 $0x18, v51  }
0x6d: {  	v3 =	vand.u32 $0x7, v3  }
0x6e: {  	v3 =	vor.u32 v3, v4  }
0x6f: {  	v4 =	vperm.xlane v3, v0;
	_ =	sdelay $0x1  }
0x70: {  	v4 =	vadd.s32 v1, v4;
	_ =	sdelay $0x1  }
0x71: {  	v3 =	vperm.xlane v3, v2;
	_ =	sdelay $0x1  }
0x72: {  	s0 =	rddreg [dreg:$0x10];
	v3 =	vadd.s32 v1, v3  }
0x73: {  	[tilespmem:s0], [sflag:$0x1] =	stream.indirect_vreg.gather [hbm4b:s3+s2], $0x80, v4, vm0, $0xb8;
	[tilespmem:$0x14100] =	vst v63  }
0x74: {  	s6 =	rddreg [dreg:$0x11]  }
0x75: {  	[tilespmem:s6], [sflag:$0x1] =	stream.indirect_vreg.gather [hbm4b:s5+s2], $0x80, v4, vm1, $0xb8;
	[tilespmem:$0x14100] =	vst v63  }
0x76: {  	s0 =	rddreg [dreg:$0x12]  }
0x77: {  	[tilespmem:s0], [sflag:$0x1] =	stream.indirect_vreg.gather [hbm4b:s3+s2], $0x80, v3, vm0, $0xb8;
	[tilespmem:$0x14100] =	vst v63  }
0x78: {  	s6 =	rddreg [dreg:$0x13]  }
0x79: {  	[tilespmem:s6], [sflag:$0x1] =	stream.indirect_vreg.gather [hbm4b:s5+s2], $0x80, v3, vm1, $0xb8;
	[tilespmem:$0x14100] =	vst v63  }
0x7a: {  	v3 =	vld [tilespmem:$0x40];
	_ =	sdelay $0x4  }
0x7b: {  	v52 =	vshrl.u32 v3, $0x3  }
0x7c: {  	v4 =	vmul.u32 $0x18, v52  }
0x7d: {  	v3 =	vand.u32 $0x7, v3  }
0x7e: {  	v3 =	vor.u32 v3, v4  }
0x7f: {  	v4 =	vperm.xlane v3, v0;
	_ =	sdelay $0x1  }
0x80: {  	v4 =	vadd.s32 v1, v4;
	_ =	sdelay $0x1  }
0x81: {  	v3 =	vperm.xlane v3, v2;
	_ =	sdelay $0x1  }
0x82: {  	s0 =	rddreg [dreg:$0x14];
	v3 =	vadd.s32 v1, v3  }
0x83: {  	[tilespmem:s0], [sflag:$0x1] =	stream.indirect_vreg.gather [hbm4b:s3+s2], $0x80, v4, vm0, $0xb8;
	[tilespmem:$0x14100] =	vst v63  }
0x84: {  	s6 =	rddreg [dreg:$0x15]  }
0x85: {  	[tilespmem:s6], [sflag:$0x1] =	stream.indirect_vreg.gather [hbm4b:s5+s2], $0x80, v4, vm1, $0xb8;
	[tilespmem:$0x14100] =	vst v63  }
0x86: {  	s0 =	rddreg [dreg:$0x16]  }
0x87: {  	[tilespmem:s0], [sflag:$0x1] =	stream.indirect_vreg.gather [hbm4b:s3+s2], $0x80, v3, vm0, $0xb8;
	[tilespmem:$0x14100] =	vst v63  }
0x88: {  	s6 =	rddreg [dreg:$0x17]  }
0x89: {  	[tilespmem:s6], [sflag:$0x1] =	stream.indirect_vreg.gather [hbm4b:s5+s2], $0x80, v3, vm1, $0xb8;
	[tilespmem:$0x14100] =	vst v63  }
0x8a: {  	v3 =	vld [tilespmem:$0x50];
	_ =	sdelay $0x4  }
0x8b: {  	v53 =	vshrl.u32 v3, $0x3  }
0x8c: {  	v4 =	vmul.u32 $0x18, v53  }
0x8d: {  	v3 =	vand.u32 $0x7, v3  }
0x8e: {  	v3 =	vor.u32 v3, v4  }
0x8f: {  	v4 =	vperm.xlane v3, v0;
	_ =	sdelay $0x1  }
0x90: {  	v4 =	vadd.s32 v1, v4;
	_ =	sdelay $0x1  }
0x91: {  	v3 =	vperm.xlane v3, v2;
	_ =	sdelay $0x1  }
0x92: {  	s0 =	rddreg [dreg:$0x18];
	v3 =	vadd.s32 v1, v3  }
0x93: {  	[tilespmem:s0], [sflag:$0x1] =	stream.indirect_vreg.gather [hbm4b:s3+s2], $0x80, v4, vm0, $0xb8;
	[tilespmem:$0x14100] =	vst v63  }
0x94: {  	s6 =	rddreg [dreg:$0x19]  }
0x95: {  	[tilespmem:s6], [sflag:$0x1] =	stream.indirect_vreg.gather [hbm4b:s5+s2], $0x80, v4, vm1, $0xb8;
	[tilespmem:$0x14100] =	vst v63  }
0x96: {  	s0 =	rddreg [dreg:$0x1a]  }
0x97: {  	[tilespmem:s0], [sflag:$0x1] =	stream.indirect_vreg.gather [hbm4b:s3+s2], $0x80, v3, vm0, $0xb8;
	[tilespmem:$0x14100] =	vst v63  }
0x98: {  	s6 =	rddreg [dreg:$0x1b]  }
0x99: {  	[tilespmem:s6], [sflag:$0x1] =	stream.indirect_vreg.gather [hbm4b:s5+s2], $0x80, v3, vm1, $0xb8;
	[tilespmem:$0x14100] =	vst v63  }
0x9a: {  	v3 =	vld [tilespmem:$0x60];
	_ =	sdelay $0x4  }
0x9b: {  	v54 =	vshrl.u32 v3, $0x3  }
0x9c: {  	v4 =	vmul.u32 $0x18, v54  }
0x9d: {  	v3 =	vand.u32 $0x7, v3  }
0x9e: {  	v3 =	vor.u32 v3, v4  }
0x9f: {  	v4 =	vperm.xlane v3, v0;
	_ =	sdelay $0x1  }
0xa0: {  	v4 =	vadd.s32 v1, v4;
	_ =	sdelay $0x1  }
0xa1: {  	v3 =	vperm.xlane v3, v2;
	_ =	sdelay $0x1  }
0xa2: {  	s0 =	rddreg [dreg:$0x1c];
	v3 =	vadd.s32 v1, v3  }
0xa3: {  	[tilespmem:s0], [sflag:$0x1] =	stream.indirect_vreg.gather [hbm4b:s3+s2], $0x80, v4, vm0, $0xb8;
	[tilespmem:$0x14100] =	vst v63  }
0xa4: {  	s6 =	rddreg [dreg:$0x1d]  }
0xa5: {  	[tilespmem:s6], [sflag:$0x1] =	stream.indirect_vreg.gather [hbm4b:s5+s2], $0x80, v4, vm1, $0xb8;
	[tilespmem:$0x14100] =	vst v63  }
0xa6: {  	s0 =	rddreg [dreg:$0x1e]  }
0xa7: {  	[tilespmem:s0], [sflag:$0x1] =	stream.indirect_vreg.gather [hbm4b:s3+s2], $0x80, v3, vm0, $0xb8;
	[tilespmem:$0x14100] =	vst v63  }
0xa8: {  	s6 =	rddreg [dreg:$0x1f]  }
0xa9: {  	[tilespmem:s6], [sflag:$0x1] =	stream.indirect_vreg.gather [hbm4b:s5+s2], $0x80, v3, vm1, $0xb8;
	[tilespmem:$0x14100] =	vst v63  }
0xaa: {  	v3 =	vld [tilespmem:$0x70];
	_ =	sdelay $0x4  }
0xab: {  	v55 =	vshrl.u32 v3, $0x3  }
0xac: {  	v4 =	vmul.u32 $0x18, v55  }
0xad: {  	v3 =	vand.u32 $0x7, v3  }
0xae: {  	v3 =	vor.u32 v3, v4  }
0xaf: {  	v4 =	vperm.xlane v3, v0;
	_ =	sdelay $0x1  }
0xb0: {  	v4 =	vadd.s32 v1, v4;
	_ =	sdelay $0x1  }
0xb1: {  	s0 =	sld [smem:$0x7F9];
	v3 =	vperm.xlane v3, v2;
	_ =	sdelay $0x1  }
0xb2: {  	s6 =	sld [smem:$0x7FA];
	v3 =	vadd.s32 v1, v3  }
0xb3: {  	[tilespmem:s0], [sflag:$0x1] =	stream.indirect_vreg.gather [hbm4b:s3+s2], $0x80, v4, vm0, $0xb8;
	[tilespmem:$0x14100] =	vst v63  }
0xb4: {  	s0 =	sld [smem:$0x7FB]  }
0xb5: {  	[tilespmem:s6], [sflag:$0x1] =	stream.indirect_vreg.gather [hbm4b:s5+s2], $0x80, v4, vm1, $0xb8;
	[tilespmem:$0x14100] =	vst v63  }
0xb6: {  	s6 =	sld [smem:$0x7FC]  }
0xb7: {  	[tilespmem:s0], [sflag:$0x1] =	stream.indirect_vreg.gather [hbm4b:s3+s2], $0x80, v3, vm0, $0xb8;
	[tilespmem:$0x14100] =	vst v63  }
0xb8: {  	_ = 	snop  }
0xb9: {  	[tilespmem:s6], [sflag:$0x1] =	stream.indirect_vreg.gather [hbm4b:s5+s2], $0x80, v3, vm1, $0xb8;
	[tilespmem:$0x14100] =	vst v63  }
0xba: {  	v3 =	vld [tilespmem:$0x80];
	_ =	sdelay $0x4  }
0xbb: {  	v56 =	vshll.u32 v3, $0x1  }
0xbc: {  	v3 =	vand.u32 $0x7, v3;
	v4 =	vand.u32 $0xFFFFFFF0, v56  }
0xbd: {  	v3 =	vor.u32 v3, v4  }
0xbe: {  	v4 =	vperm.xlane v3, v0;
	_ =	sdelay $0x1  }
0xbf: {  	v3 =	vperm.xlane v3, v2;
	v4 =	vadd.s32 v1, v4;
	_ =	sdelay $0x1  }
0xc0: {  	v3 =	vadd.s32 v1, v3;
	_ =	sdelay $0x1  }
0xc1: {  	s6 =	sld [smem:$0x7FD]  }
0xc2: {  	[tilespmem:s11], [sflag:$0x2] =	stream.indirect_vreg.gather [hbm4b:s4+s2], $0x80, v4, vm0, $0xb8;
	[tilespmem:$0x14100] =	vst v63  }
0xc3: {  	_ = 	snop  }
0xc4: {  	[tilespmem:s6], [sflag:$0x2] =	stream.indirect_vreg.gather [hbm4b:s4+s2], $0x80, v3, vm0, $0xb8;
	[tilespmem:$0x14100] =	vst v63  }
0xc5: {  	v3 =	vld [tilespmem:$0x90];
	_ =	sdelay $0x4  }
0xc6: {  	v57 =	vshll.u32 v3, $0x1  }
0xc7: {  	v3 =	vand.u32 $0x7, v3;
	v4 =	vand.u32 $0xFFFFFFF0, v57  }
0xc8: {  	v3 =	vor.u32 v3, v4  }
0xc9: {  	v4 =	vperm.xlane v3, v0;
	_ =	sdelay $0x1  }
0xca: {  	v3 =	vperm.xlane v3, v2;
	v4 =	vadd.s32 v1, v4;
	_ =	sdelay $0x1  }
0xcb: {  	v3 =	vadd.s32 v1, v3;
	_ =	sdelay $0x2  }
0xcc: {  	[tilespmem:s12], [sflag:$0x2] =	stream.indirect_vreg.gather [hbm4b:s4+s2], $0x80, v4, vm0, $0xb8;
	[tilespmem:$0x14100] =	vst v63  }
0xcd: {  	_ = 	snop  }
0xce: {  	[tilespmem:s13], [sflag:$0x2] =	stream.indirect_vreg.gather [hbm4b:s4+s2], $0x80, v3, vm0, $0xb8;
	[tilespmem:$0x14100] =	vst v63  }
0xcf: {  	v3 =	vld [tilespmem:$0xA0];
	_ =	sdelay $0x4  }
0xd0: {  	v58 =	vshll.u32 v3, $0x1  }
0xd1: {  	v3 =	vand.u32 $0x7, v3;
	v4 =	vand.u32 $0xFFFFFFF0, v58  }
0xd2: {  	v3 =	vor.u32 v3, v4  }
0xd3: {  	v4 =	vperm.xlane v3, v0;
	_ =	sdelay $0x1  }
0xd4: {  	v3 =	vperm.xlane v3, v2;
	v4 =	vadd.s32 v1, v4;
	_ =	sdelay $0x1  }
0xd5: {  	v3 =	vadd.s32 v1, v3;
	_ =	sdelay $0x2  }
0xd6: {  	[tilespmem:s14], [sflag:$0x2] =	stream.indirect_vreg.gather [hbm4b:s4+s2], $0x80, v4, vm0, $0xb8;
	[tilespmem:$0x14100] =	vst v63  }
0xd7: {  	_ = 	snop  }
0xd8: {  	[tilespmem:s15], [sflag:$0x2] =	stream.indirect_vreg.gather [hbm4b:s4+s2], $0x80, v3, vm0, $0xb8;
	[tilespmem:$0x14100] =	vst v63  }
0xd9: {  	v3 =	vld [tilespmem:$0xB0];
	_ =	sdelay $0x4  }
0xda: {  	v59 =	vshll.u32 v3, $0x1  }
0xdb: {  	v3 =	vand.u32 $0x7, v3;
	v4 =	vand.u32 $0xFFFFFFF0, v59  }
0xdc: {  	v3 =	vor.u32 v3, v4  }
0xdd: {  	v4 =	vperm.xlane v3, v0;
	_ =	sdelay $0x1  }
0xde: {  	v3 =	vperm.xlane v3, v2;
	v4 =	vadd.s32 v1, v4;
	_ =	sdelay $0x1  }
0xdf: {  	v3 =	vadd.s32 v1, v3;
	_ =	sdelay $0x2  }
0xe0: {  	[tilespmem:s16], [sflag:$0x2] =	stream.indirect_vreg.gather [hbm4b:s4+s2], $0x80, v4, vm0, $0xb8;
	[tilespmem:$0x14100] =	vst v63  }
0xe1: {  	_ = 	snop  }
0xe2: {  	[tilespmem:s17], [sflag:$0x2] =	stream.indirect_vreg.gather [hbm4b:s4+s2], $0x80, v3, vm0, $0xb8;
	[tilespmem:$0x14100] =	vst v63  }
0xe3: {  	v3 =	vld [tilespmem:$0xC0];
	_ =	sdelay $0x4  }
0xe4: {  	v60 =	vshll.u32 v3, $0x1  }
0xe5: {  	v3 =	vand.u32 $0x7, v3;
	v4 =	vand.u32 $0xFFFFFFF0, v60  }
0xe6: {  	v3 =	vor.u32 v3, v4  }
0xe7: {  	v4 =	vperm.xlane v3, v0;
	_ =	sdelay $0x1  }
0xe8: {  	v3 =	vperm.xlane v3, v2;
	v4 =	vadd.s32 v1, v4;
	_ =	sdelay $0x1  }
0xe9: {  	v3 =	vadd.s32 v1, v3;
	_ =	sdelay $0x2  }
0xea: {  	[tilespmem:s18], [sflag:$0x2] =	stream.indirect_vreg.gather [hbm4b:s4+s2], $0x80, v4, vm0, $0xb8;
	[tilespmem:$0x14100] =	vst v63  }
0xeb: {  	_ = 	snop  }
0xec: {  	[tilespmem:s19], [sflag:$0x2] =	stream.indirect_vreg.gather [hbm4b:s4+s2], $0x80, v3, vm0, $0xb8;
	[tilespmem:$0x14100] =	vst v63  }
0xed: {  	v3 =	vld [tilespmem:$0xD0];
	_ =	sdelay $0x4  }
0xee: {  	v61 =	vshll.u32 v3, $0x1  }
0xef: {  	v3 =	vand.u32 $0x7, v3;
	v4 =	vand.u32 $0xFFFFFFF0, v61  }
0xf0: {  	v3 =	vor.u32 v3, v4  }
0xf1: {  	v4 =	vperm.xlane v3, v0;
	_ =	sdelay $0x1  }
0xf2: {  	v3 =	vperm.xlane v3, v2;
	v4 =	vadd.s32 v1, v4;
	_ =	sdelay $0x1  }
0xf3: {  	v3 =	vadd.s32 v1, v3;
	_ =	sdelay $0x2  }
0xf4: {  	[tilespmem:s20], [sflag:$0x2] =	stream.indirect_vreg.gather [hbm4b:s4+s2], $0x80, v4, vm0, $0xb8;
	[tilespmem:$0x14100] =	vst v63  }
0xf5: {  	_ = 	snop  }
0xf6: {  	[tilespmem:s21], [sflag:$0x2] =	stream.indirect_vreg.gather [hbm4b:s4+s2], $0x80, v3, vm0, $0xb8;
	[tilespmem:$0x14100] =	vst v63  }
0xf7: {  	v3 =	vld [tilespmem:$0xE0];
	_ =	sdelay $0x4  }
0xf8: {  	v62 =	vshll.u32 v3, $0x1  }
0xf9: {  	v3 =	vand.u32 $0x7, v3;
	v4 =	vand.u32 $0xFFFFFFF0, v62  }
0xfa: {  	v3 =	vor.u32 v3, v4  }
0xfb: {  	v4 =	vperm.xlane v3, v0;
	_ =	sdelay $0x1  }
0xfc: {  	v3 =	vperm.xlane v3, v2;
	v4 =	vadd.s32 v1, v4;
	_ =	sdelay $0x1  }
0xfd: {  	v3 =	vadd.s32 v1, v3;
	_ =	sdelay $0x2  }
0xfe: {  	[tilespmem:s22], [sflag:$0x2] =	stream.indirect_vreg.gather [hbm4b:s4+s2], $0x80, v4, vm0, $0xb8;
	[tilespmem:$0x14100] =	vst v63  }
0xff: {  	_ = 	snop  }
0x100: {  	[tilespmem:s23], [sflag:$0x2] =	stream.indirect_vreg.gather [hbm4b:s4+s2], $0x80, v3, vm0, $0xb8;
	[tilespmem:$0x14100] =	vst v63  }
0x101: {  	v3 =	vld [tilespmem:$0xF0];
	_ =	sdelay $0x4  }
0x102: {  	v63 =	vshll.u32 v3, $0x1  }
0x103: {  	v3 =	vand.u32 $0x7, v3;
	v4 =	vand.u32 $0xFFFFFFF0, v63  }
0x104: {  	v3 =	vor.u32 v3, v4  }
0x105: {  	v4 =	vperm.xlane v3, v0;
	_ =	sdelay $0x1  }
0x106: {  	v3 =	vperm.xlane v3, v2;
	v4 =	vadd.s32 v1, v4;
	_ =	sdelay $0x1  }
0x107: {  	v3 =	vadd.s32 v1, v3;
	_ =	sdelay $0x2  }
0x108: {  	[tilespmem:s24], [sflag:$0x2] =	stream.indirect_vreg.gather [hbm4b:s4+s2], $0x80, v4, vm0, $0xb8;
	[tilespmem:$0x14100] =	vst v63  }
0x109: {  	_ = 	snop  }
0x10a: {  	[tilespmem:s25], [sflag:$0x2] =	stream.indirect_vreg.gather [hbm4b:s4+s2], $0x80, v3, vm0, $0xb8;
	[tilespmem:$0x14100] =	vst v63  }
0x10b: {  	_ =	swait.ge [sflag:s26], $0xC000  }
0x10c: {  	[sflag:s26] =	ssyncset.done $0x0  }
0x10d: {  	[sflag:s26] =	ssyncadd.s32 $0xFFFF4000  }
0x10e: {  	_ =	swait.ge [sflag:s28], $0x8000  }
0x10f: {  	[sflag:s28] =	ssyncset.done $0x0  }
0x110: {  	[sflag:s28] =	ssyncadd.s32 $0xFFFF8000  }
0x111: {  	[hbm4b:s30+s2] =	stream.linear.scatter [tilespmem:s10], [sflag:$0x3], $0xC000, $0x38;
	[tilespmem:$0x14100] =	vst v63  }
0x112: {  	_ =	swait.ge [sflag:s9], $0xC000  }
0x113: {  	p0 =	sne.s32 s1, $0x270;
	[sflag:s9] =	ssyncset.done $0x0  }
.Ltmp0:
0x114: {  	[sflag:s9] =	ssyncadd.s32 $0xFFFF4000;
	(pc) =	sbr.rel @p0 .LBB2_2-.Ltmp0, $4  }
0x115: {  	[hbm4b:s31+s2] =	stream.linear.scatter [tilespmem:s11], [sflag:$0x3], $0x8000, $0x38;
	[tilespmem:$0x14100] =	vst v63  }
0x116: {  	_ =	swait.ge [sflag:s9], $0x8000  }
0x117: {  	s1 =	sadd.s32 $0x10, s1;
	[sflag:s9] =	ssyncset.done $0x0  }
0x118: {  	s30 =	sadd.s32 $0x1800, s30;
	s31 =	sadd.s32 $0x1000, s31;
	[sflag:s9] =	ssyncadd.s32 $0xFFFF8000  }
0x119: {  	s0 =	sld [smem:$0x7F8];
	_ =	sdelay $0x1  }
0x11a: {  	s29 =	sadd.s32 $0x1, s29  }
0x11b: {  	p0 =	sne.s32 s29, s0  }
.Ltmp1:
0x11c: {  	_ = 	snop;
	(pc) =	sbr.rel @p0 .LBB2_1-.Ltmp1, $1  }
0x11d: {  	_ =	sdelay $0x3  }
0x11e: {  	_ =	sfence.sel $0x180000  }
0x11f: {  	[bflag:$0x0] =	sbarrier.arrive $0xFFFF  }
0x120: {  	_ =	strace $0x90000059  }
0x121: {  	s0 =	stileid.u32;
	[bflag:$0x2] =	sbarrier.arrive $0xFFFF  }
0x122: {  	p0 =	sne.s32 s0, $0x0;
	s0 =	rddreg [dreg:$0x1]  }
0x123: {  	s0 =	sadd.s32 @!p0 $0x100000, s0  }
0x124: {  	[sflag:s0] =	ssyncadd.tile.s32 @!p0 $0x1;
	_ =	shalt  }
.Lfunc_end2:
_tile_overlayer_lowered:
.L_overlay_start_2:
0x125: {  	(tag) =	ssettag $0x2  }
0x126: {  	s0 =	rddreg [dreg:$0x0];
	s2 =	stileid.u32  }
0x127: {  	s1 =	rddreg [dreg:$0x1];
	p0 =	sne.s32 s2, $0x0  }
0x128: {  	s3 =	rddreg [dreg:$0x2];
	[bflag:$0x3] =	sbarrier.arrive $0xFFFF;
	s2 =	simm.s32 @!p0 $0x1C03  }
0x129: {  	[timem:s3], [sflag:s2] =	dma.local @!p0 [hbm:s0], s1  }
0x12a: {  	s0 =	simm.s32 @!p0 $0x3  }
0x12b: {  	_ =	swait.ge @!p0 [sflag:s0], s1  }
0x12c: {  	s1 =	ssub.s32 @!p0 $0x0, s1;
	[sflag:s0] =	ssyncset.done @!p0 $0x0  }
0x12d: {  	[sflag:s0] =	ssyncadd.s32 @!p0 s1  }
0x12e: {  	[bflag:$0x3] =	sbarrier.arrive $0xFFFF  }
0x12f: {  	_ =	shalt  }

// kernel: kernel.51.cloned.1.call-start
scs
__scs_entry_jumppad:
0x0: {  	(pc) =	sbr.rel $0x88, $3  }
0x1: {  	(tag) =	ssettag $0x0;
	lr =	simm.s32 $0x1  }
0x2: {  	[smem:$0x3F80] =	sst lr;
	_ =	strace $0xD0000000  }
0x3: {  	_ = 	snop  }
0x4: {  	_ = 	snop  }
0x5: {  	_ = 	snop  }
0x6: {  	_ = 	snop  }
0x7: {  	_ = 	snop  }
__scs_overlays_trampoline_lowered:
0x8: {  	[smem:$0x3F8F] =	sst s0  }
0x9: {  	[smem:$0x3F90] =	sst s1  }
0xa: {  	[smem:$0x3F91] =	sst s2  }
0xb: {  	[smem:$0x3F92] =	sst s3  }
0xc: {  	[smem:$0x3F93] =	sst s4  }
0xd: {  	[smem:$0x3F94] =	sst s5  }
0xe: {  	[smem:$0x3F95] =	sst s6  }
0xf: {  	[smem:$0x3F96] =	sst s7  }
0x10: {  	[smem:$0x3F97] =	sst s8  }
0x11: {  	[smem:$0x3F98] =	sst s9;
	s0 =	simm.s32 @!p0 $0x0  }
0x12: {  	s1 =	sld [smem:$0x3F7E];
	s0 =	simm.s32 @p0 $0x1  }
0x13: {  	[smem:$0x3F99] =	sst s0;
	s0 =	simm.s32 @!p1 $0x0  }
0x14: {  	s2 =	sld [smem:$0x3F7D];
	s0 =	simm.s32 @p1 $0x1  }
0x15: {  	[smem:$0x3F9A] =	sst s0;
	s0 =	simm.s32 @!p2 $0x0  }
0x16: {  	s3 =	sld [smem:$0x3FDB];
	s0 =	simm.s32 @p2 $0x1  }
0x17: {  	s4 =	simm.s32 $0x1BF5;
	[smem:$0x3F9C] =	sst s0  }
0x18: {  	s0 =	sld [smem:$0x3F7F];
	_ =	swait.ge [sflag:s4], $0x0  }
0x19: {  	s7 =	sld [smem:$0x3F80]  }
0x1a: {  	s8 =	sadd.s32 $0xFFFFE003, lr  }
0x1b: {  	s9 =	sadd.s32 $0xFFFFFEF7, lr;
	s5 =	simm.s32 $0xFFFFFFFF;
	p2 =	slt.u32 s8, $0xFFFFF086  }
0x1c: {  	p1 =	slt.u32 s9, $0xF7A;
	s5 =	simm.s32 @!p2 $0x0  }
0x1d: {  	s5 =	simm.s32 @p1 $0x1;
	p0 =	seq.s32 s7, s2  }
0x1e: {  	s7 =	smul.u32 @!p0 $0xF7A, s2;
	p2 =	seq.s32 @!p0 s5, $0x0  }
0x1f: {  	s9 =	smul.u32 $0xF7A, s1;
	s8 =	simm.s32 @!p0 $0x1BF5;
	p2 =	por !p2, p0  }
0x20: {  	[sflag:s8] =	ssyncset.s32 @!p0 $0xFFFFF086;
	s6 =	sadd.s32 @!p0 s3, s7;
	s7 =	simm.s32 @!p0 $0x108  }
0x21: {  	s3 =	sadd.s32 s3, s9;
	s6 =	sadd.s32 @!p0 $0x88, s6;
	s7 =	simm.s32 @p2 $0x1082  }
0x22: {  	[simem:s7], [sflag:s8] =	dma.local @!p0 [hbm:s6], $0xF7A  }
0x23: {  	s9 =	sor.u32 $0xD0000000, s2;
	s6 =	simm.s32 $0x108;
	_ =	swait.ge @!p0 [sflag:s8], $0x0  }
0x24: {  	s3 =	sadd.s32 $0x88, s3;
	s6 =	simm.s32 @!p1 $0x1082;
	[sflag:s4] =	ssyncset.s32 $0xFFFFF086  }
0x25: {  	[simem:s6], [sflag:s4] =	dma.local [hbm:s3], $0xF7A  }
0x26: {  	[smem:$0x3F80] =	sst s1;
	(tag) =	ssettag s2;
	_ =	strace s9  }
0x27: {  	s1 =	sld [smem:$0x3F90]  }
0x28: {  	s2 =	sld [smem:$0x3F91]  }
0x29: {  	s4 =	sld [smem:$0x3F93]  }
0x2a: {  	p0 =	seq.s32 s5, $0x0;
	s5 =	sld [smem:$0x3F94]  }
0x2b: {  	s6 =	sld [smem:$0x3F95]  }
0x2c: {  	s7 =	sld [smem:$0x3F96]  }
0x2d: {  	s3 =	simm.s32 $0x108;
	s8 =	sld [smem:$0x3F97]  }
0x2e: {  	s3 =	simm.s32 @!p0 $0x1082;
	s9 =	sld [smem:$0x3F98]  }
0x2f: {  	lr =	sadd.s32 s0, s3;
	s0 =	sld [smem:$0x3F8F]  }
0x30: {  	s3 =	sld [smem:$0x3F92]  }
0x31: {  	[smem:$0x3F9B] =	sst s10  }
0x32: {  	s10 =	sld [smem:$0x3F99];
	_ =	sdelay $0x3  }
0x33: {  	p0 =	seq.s32 s10, $0x1;
	s10 =	sld [smem:$0x3F9B];
	_ =	sdelay $0x3  }
0x34: {  	[smem:$0x3F9B] =	sst s10  }
0x35: {  	s10 =	sld [smem:$0x3F9A];
	_ =	sdelay $0x3  }
0x36: {  	p1 =	seq.s32 s10, $0x1;
	s10 =	sld [smem:$0x3F9B];
	_ =	sdelay $0x3  }
0x37: {  	[smem:$0x3F9B] =	sst s10  }
0x38: {  	s10 =	sld [smem:$0x3F9C]  }
0x39: {  	_ = 	snop;
	(pc) =	sbr.ind lr, $3  }
0x3a: {  	_ = 	snop  }
0x3b: {  	_ = 	snop  }
0x3c: {  	p2 =	seq.s32 s10, $0x1;
	s10 =	sld [smem:$0x3F9B]  }
0x3d: {  	_ =	shalt  }
0x3e: {  	_ =	shalt  }
0x3f: {  	_ =	shalt  }
0x40: {  	_ =	shalt  }
0x41: {  	_ =	shalt  }
0x42: {  	_ =	shalt  }
0x43: {  	_ =	shalt  }
0x44: {  	_ =	shalt  }
0x45: {  	_ =	shalt  }
0x46: {  	_ =	shalt  }
0x47: {  	_ =	shalt  }
0x48: {  	_ =	shalt  }
0x49: {  	_ =	shalt  }
0x4a: {  	_ =	shalt  }
0x4b: {  	_ =	shalt  }
0x4c: {  	_ =	shalt  }
0x4d: {  	_ =	shalt  }
0x4e: {  	_ =	shalt  }
0x4f: {  	_ =	shalt  }
0x50: {  	_ =	shalt  }
0x51: {  	_ =	shalt  }
0x52: {  	_ =	shalt  }
0x53: {  	_ =	shalt  }
0x54: {  	_ =	shalt  }
0x55: {  	_ =	shalt  }
0x56: {  	_ =	shalt  }
0x57: {  	_ =	shalt  }
0x58: {  	_ =	shalt  }
0x59: {  	_ =	shalt  }
0x5a: {  	_ =	shalt  }
0x5b: {  	_ =	shalt  }
0x5c: {  	_ =	shalt  }
0x5d: {  	_ =	shalt  }
0x5e: {  	_ =	shalt  }
0x5f: {  	_ =	shalt  }
0x60: {  	_ =	shalt  }
0x61: {  	_ =	shalt  }
0x62: {  	_ =	shalt  }
0x63: {  	_ =	shalt  }
0x64: {  	_ =	shalt  }
0x65: {  	_ =	shalt  }
0x66: {  	_ =	shalt  }
0x67: {  	_ =	shalt  }
0x68: {  	_ =	shalt  }
0x69: {  	_ =	shalt  }
0x6a: {  	_ =	shalt  }
0x6b: {  	_ =	shalt  }
0x6c: {  	_ =	shalt  }
0x6d: {  	_ =	shalt  }
0x6e: {  	_ =	shalt  }
0x6f: {  	_ =	shalt  }
0x70: {  	_ =	shalt  }
0x71: {  	_ =	shalt  }
0x72: {  	_ =	shalt  }
0x73: {  	_ =	shalt  }
0x74: {  	_ =	shalt  }
0x75: {  	_ =	shalt  }
0x76: {  	_ =	shalt  }
0x77: {  	_ =	shalt  }
0x78: {  	_ =	shalt  }
0x79: {  	_ =	shalt  }
0x7a: {  	_ =	shalt  }
0x7b: {  	_ =	shalt  }
0x7c: {  	_ =	shalt  }
0x7d: {  	_ =	shalt  }
0x7e: {  	_ =	shalt  }
0x7f: {  	_ =	shalt  }
0x80: {  	_ =	shalt  }
0x81: {  	_ =	shalt  }
0x82: {  	_ =	shalt  }
0x83: {  	_ =	shalt  }
0x84: {  	_ =	shalt  }
0x85: {  	_ =	shalt  }
0x86: {  	_ =	shalt  }
0x87: {  	_ =	shalt  }
.Lfunc_end0:
.L_simem_size_0:
called_computation.7_lowered:
.L_overlay_start_0:
0x88: {  	s0 =	sld [smem:$0x3FD9]  }
0x89: {  	s1 =	sld [smem:$0x3FFE];
	_ =	sdelay $0x3  }
0x8a: {  	s0 =	sadd.s32 s1, s0  }
0x8b: {  	[smem:$0x3FA7] =	sst s0  }
0x8c: {  	_ = 	snop  }
0x8d: {  	(tm) =	ssettm $0x1  }
0x8e: {  	s15 =	sld [smem:$0x3FFB];
	_ =	sdelay $0x3  }
0x8f: {  	_ =	strace s15  }
0x90: {  	s0 =	sld [smem:$0x3FFC];
	_ =	sdelay $0x3  }
0x91: {  	_ =	strace s0  }
0x92: {  	s0 =	sld [smem:$0x3FFD];
	_ =	sdelay $0x3  }
0x93: {  	_ =	strace s0  }
0x94: {  	_ =	strace $0x8FFFFFFF  }
0x95: {  	s16 =	sld [smem:$0x3FDB];
	_ =	sdelay $0x1  }
0x96: {  	s17 =	simm.s32 $_scs_section_size  }
0x97: {  	s2 =	simm.s32 $_size__tile_overlayer_lowered;
	s3 =	simm.s32 $_tile_overlayer_lowered  }
0x98: {  	s20 =	simm.s32 $0x1BFF;
	s19 =	sshll.u32 s3, $0x1;
	s0 =	sadd.s32 s17, s16  }
0x99: {  	s4 =	simm.s32 $0x0;
	s18 =	sshll.u32 s2, $0x1;
	s2 =	sadd.s32 s19, s0  }
0x9a: {  	[timem:s4], [sflag:s20] =	dma.local [hbm:s2], s18  }
0x9b: {  	_ =	swait.ge [sflag:s20], s18  }
0x9c: {  	s1 =	ssub.s32 $0x0, s18;
	[sflag:s20] =	ssyncset.done $0x0  }
0x9d: {  	[sflag:s20] =	ssyncadd.s32 s1;
	_ =	sdelay $0x1  }
0x9e: {  	s21 =	simm.s32 $0x1B8B  }
0x9f: {  	_ =	swait.ge [sflag:s21], $0x1  }
0xa0: {  	[sflag:s21] =	ssyncset.done $0x0  }
0xa1: {  	s23 =	simm.s32 $0x1B8E;
	s22 =	sld [smem:$0x3FFE];
	[sflag:s21] =	ssyncadd.s32 $0xFFFFFFFF  }
0xa2: {  	s24 =	simm.s32 $execute0_lowered;
	[smem:$0x3FD2] =	sst s23  }
0xa3: {  	s2 =	sshll.u32 s24, $0x1;
	_ =	strace $0x8000005B;
	[dreg:$0x1] =	wrdreg $0xFFFFFFFF  }
0xa4: {  	s25 =	simm.s32 $_size_execute0_lowered;
	s0 =	sadd.s32 s0, s2;
	[dreg:$0x0] =	wrdreg $0x0  }
0xa5: {  	s2 =	sshll.u32 s25, $0x1;
	[dreg:$0x2] =	wrdreg s0  }
0xa6: {  	[dreg:$0x3] =	wrdreg s2  }
0xa7: {  	[dreg:$0x4] =	wrdreg $0xC0  }
0xa8: {  	_ =	task [dreg:s4], $0x5FFFF  }
0xa9: {  	[dreg:$0x1] =	wrdreg $0xFFFFFFFF  }
0xaa: {  	[dreg:$0x0] =	wrdreg $0x60  }
0xab: {  	[dreg:$0x2] =	wrdreg s22  }
0xac: {  	[dreg:$0x3] =	wrdreg $0x60800  }
0xad: {  	[dreg:$0x4] =	wrdreg $0x9  }
0xae: {  	_ =	task.clear_ibuf [dreg:s4], $0x5FFFF;
	_ =	strace $0x9000005B  }
0xaf: {  	s26 =	simm.s32 $0x9;
	_ =	strace $0x8000005D  }
0xb0: {  	_ =	swait.ge [sflag:s26], $0x1  }
0xb1: {  	[sflag:s26] =	ssyncadd.s32 $0xFFFFFFFF  }
0xb2: {  	_ =	strace $0x9000005D  }
0xb3: {  	_ =	sfence  }
0xb4: {  	s28 =	sld [smem:$0x0];
	_ =	sdelay $0x1  }
0xb5: {  	s29 =	srdreg.scid  }
0xb6: {  	s30 =	sshll.u32 s29, $0xD;
	s31 =	sshrl.u32 s29, $0x2  }
0xb7: {  	s1 =	sand.u32 $0x1, s29;
	s2 =	sand.u32 $0x4000, s30;
	s0 =	sadd.s32 s31, s28  }
0xb8: {  	s1 =	sor.u32 s2, s1;
	s0 =	sshll.u32 s0, $0x11  }
0xb9: {  	s0 =	sor.u32 s0, s1  }
0xba: {  	s0 =	sadd.s32 $0x8F2B, s0  }
0xbb: {  	[sflag:s0] =	ssyncadd.remote.s32 $0x1  }
0xbc: {  	_ =	sfence.sel $0xFFFF  }
0xbd: {  	[dreg:$0x0] =	wrdreg $0xFFFFFFFF;
	(pc) =	sbr.abs _section_cstart, $3  }
0xbe: {  	[dreg:$0x1] =	wrdreg $0xFFFFFFFF  }
0xbf: {  	_ =	task.clear_ibuf [dreg:s4], $0x2FFFF;
	_ =	strace $0x9FFFFFFF  }
0xc0: {  	(tm) =	ssettm $0x7FFFFFFF  }
0xc1: {  	_ =	shalt  }
tec
execute0_lowered:
.L_overlay_start_1:
0x0: {  	(tag) =	ssettag $0x1  }
0x1: {  	s3 =	rddreg [dreg:$0x0]  }
0x2: {  	s2 =	rddreg [dreg:$0x1]  }
0x3: {  	s0 =	rddreg [dreg:$0x2];
	s4 =	simm.s32 $0x0  }
0x4: {  	s7 =	simm.s32 $0x4080;
	[smem:$0x7FF] =	sst s4  }
0x5: {  	s1 =	stileid.u32;
	s5 =	sadd.s32 $0x100AA00, s3;
	_ =	strace $0x8000005C  }
0x6: {  	[tilespmem:s7], [sflag:$0x1] =	stream.linear.gather [hbm4b:s5+s4], $0x2000, $0x38;
	[tilespmem:$0x1A080] =	vst v63  }
0x7: {  	s6 =	smul.u32 $0x50000, s1;
	s5 =	simm.s32 $0x1  }
0x8: {  	_ =	swait.ge [sflag:s5], $0x2000  }
0x9: {  	s6 =	sshrl.u32 s6, $0x2;
	[sflag:s5] =	ssyncset.done $0x0  }
0xa: {  	s6 =	sadd.s32 s6, s2;
	[sflag:s5] =	ssyncadd.s32 $0xFFFFE000  }
0xb: {  	[spmem:s6] =	stream.linear.scatter [tilespmem:s7], [sflag:$0x1], $0x2000, $0x38;
	[tilespmem:$0x1A080] =	vst v63  }
0xc: {  	_ =	swait.ge [sflag:s5], $0x2000  }
0xd: {  	[sflag:s5] =	ssyncset.done $0x0  }
0xe: {  	s8 =	sadd.s32 $0x2000, s6;
	[sflag:s5] =	ssyncadd.s32 $0xFFFFE000  }
0xf: {  	[spmem:s8] =	stream.linear.scatter [tilespmem:s7], [sflag:$0x1], $0x2000, $0x38;
	[tilespmem:$0x1A080] =	vst v63  }
0x10: {  	_ =	swait.ge [sflag:s5], $0x2000  }
0x11: {  	[sflag:s5] =	ssyncset.done $0x0  }
0x12: {  	s20 =	sadd.s32 $0x4000, s6;
	[sflag:s5] =	ssyncadd.s32 $0xFFFFE000  }
0x13: {  	[spmem:s20] =	stream.linear.scatter [tilespmem:s7], [sflag:$0x1], $0x2000, $0x38;
	[tilespmem:$0x1A080] =	vst v63  }
0x14: {  	_ =	swait.ge [sflag:s5], $0x2000  }
0x15: {  	[sflag:s5] =	ssyncset.done $0x0  }
0x16: {  	s21 =	sadd.s32 $0x6000, s6;
	[sflag:s5] =	ssyncadd.s32 $0xFFFFE000  }
0x17: {  	[spmem:s21] =	stream.linear.scatter [tilespmem:s7], [sflag:$0x1], $0x2000, $0x38;
	[tilespmem:$0x1A080] =	vst v63  }
0x18: {  	_ =	swait.ge [sflag:s5], $0x2000  }
0x19: {  	[sflag:s5] =	ssyncset.done $0x0  }
0x1a: {  	s22 =	sadd.s32 $0x8000, s6;
	[sflag:s5] =	ssyncadd.s32 $0xFFFFE000  }
0x1b: {  	[spmem:s22] =	stream.linear.scatter [tilespmem:s7], [sflag:$0x1], $0x2000, $0x38;
	[tilespmem:$0x1A080] =	vst v63  }
0x1c: {  	_ =	swait.ge [sflag:s5], $0x2000  }
0x1d: {  	[sflag:s5] =	ssyncset.done $0x0  }
0x1e: {  	s23 =	sadd.s32 $0xA000, s6;
	[sflag:s5] =	ssyncadd.s32 $0xFFFFE000  }
0x1f: {  	[spmem:s23] =	stream.linear.scatter [tilespmem:s7], [sflag:$0x1], $0x2000, $0x38;
	[tilespmem:$0x1A080] =	vst v63  }
0x20: {  	_ =	swait.ge [sflag:s5], $0x2000  }
0x21: {  	[sflag:s5] =	ssyncset.done $0x0  }
0x22: {  	s24 =	sadd.s32 $0xC000, s6;
	[sflag:s5] =	ssyncadd.s32 $0xFFFFE000  }
0x23: {  	[spmem:s24] =	stream.linear.scatter [tilespmem:s7], [sflag:$0x1], $0x2000, $0x38;
	[tilespmem:$0x1A080] =	vst v63  }
0x24: {  	_ =	swait.ge [sflag:s5], $0x2000  }
0x25: {  	[sflag:s5] =	ssyncset.done $0x0  }
0x26: {  	s25 =	sadd.s32 $0xE000, s6;
	[sflag:s5] =	ssyncadd.s32 $0xFFFFE000  }
0x27: {  	[spmem:s25] =	stream.linear.scatter [tilespmem:s7], [sflag:$0x1], $0x2000, $0x38;
	[tilespmem:$0x1A080] =	vst v63  }
0x28: {  	_ =	swait.ge [sflag:s5], $0x2000  }
0x29: {  	[sflag:s5] =	ssyncset.done $0x0  }
0x2a: {  	s26 =	sadd.s32 $0x10000, s6;
	[sflag:s5] =	ssyncadd.s32 $0xFFFFE000  }
0x2b: {  	[spmem:s26] =	stream.linear.scatter [tilespmem:s7], [sflag:$0x1], $0x2000, $0x38;
	[tilespmem:$0x1A080] =	vst v63  }
0x2c: {  	_ =	swait.ge [sflag:s5], $0x2000  }
0x2d: {  	[sflag:s5] =	ssyncset.done $0x0  }
0x2e: {  	s28 =	smul.u32 $0x500, s1;
	s9 =	sadd.s32 $0x12000, s6;
	[sflag:s5] =	ssyncadd.s32 $0xFFFFE000  }
0x2f: {  	[spmem:s9] =	stream.linear.scatter [tilespmem:s7], [sflag:$0x1], $0x2000, $0x38;
	[tilespmem:$0x1A080] =	vst v63  }
0x30: {  	_ =	swait.ge [sflag:s5], $0x2000  }
0x31: {  	s29 =	sadd.s32 s28, s3;
	[sflag:s5] =	ssyncset.done $0x0  }
0x32: {  	s9 =	sadd.s32 $0x25400, s29;
	[sflag:s5] =	ssyncadd.s32 $0xFFFFE000  }
0x33: {  	s30 =	smul.u32 $0x28000, s1;
	s31 =	sadd.s32 $0x0, s9;
	[bflag:$0x0] =	sbarrier.arrive $0xFFFF  }
0x34: {  	[tilespmem:s4], [sflag:$0x1] =	stream.linear.gather [hbm4b:s31+s4], $0x80, $0x38;
	[tilespmem:$0x1A080] =	vst v63  }
0x35: {  	_ =	swait.ge [sflag:s5], $0x80  }
0x36: {  	s7 =	sadd.s32 s30, s3;
	[sflag:s5] =	ssyncset.done $0x0  }
0x37: {  	s10 =	sadd.s32 $0xD8AA00, s7;
	s7 =	simm.s32 $0x80;
	[sflag:s5] =	ssyncadd.s32 $0xFFFFFF80  }
0x38: {  	[tilespmem:s7], [sflag:$0x1] =	stream.linear.gather [hbm4b:s10+s4], $0x4000, $0x38;
	[tilespmem:$0x1A080] =	vst v63  }
0x39: {  	_ =	swait.ge [sflag:s5], $0x4000  }
0x3a: {  	[sflag:s5] =	ssyncset.done $0x0  }
0x3b: {  	s11 =	simm.s32 $0x10;
	[sflag:s5] =	ssyncadd.s32 $0xFFFFC000  }
0x3c: {  	[spmem:s2] =	stream.indirect.scatter.add.f32 [tilespmem:s7], [sflag:$0x1], $0x80, s4, s7, $0xb8;
	[tilespmem:$0x1A080] =	vst v63  }
0x3d: {  	s12 =	simm.s32 $0x20;
	s8 =	smul.u32 $0x2800, s1;
	_ =	swait.ge [sflag:s5], $0x4000  }
0x3e: {  	s3 =	sadd.s32 $0x100AE00, s3;
	s10 =	sadd.s32 $0x800, s10;
	[sflag:s5] =	ssyncset.done $0x0  }
.LBB2_1:
0x3f: {  	s13 =	sadd.s32 s11, s9  }
0x40: {  	[sflag:s5] =	ssyncadd.s32 $0xFFFFC000;
	s11 =	smov.u32 s12;
	s14 =	sadd.s32 $0x10, s12  }
0x41: {  	[tilespmem:s4], [sflag:$0x1] =	stream.linear.gather [hbm4b:s13+s4], $0x80, $0x38;
	[tilespmem:$0x1A080] =	vst v63  }
0x42: {  	p0 =	sne.s32 s12, $0x4F0;
	_ =	swait.ge [sflag:s5], $0x80  }
0x43: {  	[sflag:s5] =	ssyncset.done $0x0  }
0x44: {  	[sflag:s5] =	ssyncadd.s32 $0xFFFFFF80  }
0x45: {  	[tilespmem:s7], [sflag:$0x1] =	stream.linear.gather [hbm4b:s10+s4], $0x4000, $0x38;
	[tilespmem:$0x1A080] =	vst v63  }
0x46: {  	_ =	swait.ge [sflag:s5], $0x4000  }
.Ltmp0:
0x47: {  	[sflag:s5] =	ssyncset.done $0x0;
	(pc) =	sbr.rel @p0 .LBB2_1-.Ltmp0, $4  }
0x48: {  	[sflag:s5] =	ssyncadd.s32 $0xFFFFC000  }
0x49: {  	[spmem:s2] =	stream.indirect.scatter.add.f32 [tilespmem:s7], [sflag:$0x1], $0x80, s4, s7, $0xb8;
	[tilespmem:$0x1A080] =	vst v63  }
0x4a: {  	_ =	swait.ge [sflag:s5], $0x4000  }
0x4b: {  	s12 =	smov.u32 s14;
	s10 =	sadd.s32 $0x800, s10;
	[sflag:s5] =	ssyncset.done $0x0  }
0x4c: {  	s9 =	sadd.s32 s11, s9;
	[sflag:s5] =	ssyncadd.s32 $0xFFFFC000  }
0x4d: {  	[tilespmem:s4], [sflag:$0x1] =	stream.linear.gather [hbm4b:s9+s4], $0x80, $0x38;
	[tilespmem:$0x1A080] =	vst v63  }
0x4e: {  	_ =	swait.ge [sflag:s5], $0x80  }
0x4f: {  	[sflag:s5] =	ssyncset.done $0x0  }
0x50: {  	[sflag:s5] =	ssyncadd.s32 $0xFFFFFF80  }
0x51: {  	[tilespmem:s7], [sflag:$0x1] =	stream.linear.gather [hbm4b:s10+s4], $0x4000, $0x38;
	[tilespmem:$0x1A080] =	vst v63  }
0x52: {  	_ =	swait.ge [sflag:s5], $0x4000  }
0x53: {  	[sflag:s5] =	ssyncset.done $0x0  }
0x54: {  	[sflag:s5] =	ssyncadd.s32 $0xFFFFC000  }
0x55: {  	[spmem:s2] =	stream.indirect.scatter.add.f32 [tilespmem:s7], [sflag:$0x1], $0x80, s4, s7, $0xb8;
	[tilespmem:$0x1A080] =	vst v63  }
0x56: {  	_ =	swait.ge [sflag:s5], $0x4000  }
0x57: {  	[sflag:s5] =	ssyncset.done $0x0  }
0x58: {  	[sflag:s5] =	ssyncadd.s32 $0xFFFFC000  }
0x59: {  	s4 =	simm.s32 $0x1;
	s5 =	simm.s32 $0x4080;
	[bflag:$0x0] =	sbarrier.arrive $0xFFFF  }
0x5a: {  	[tilespmem:s5], [sflag:$0x1] =	stream.linear.gather [spmem:s6], $0x2000, $0x38;
	[tilespmem:$0x1A080] =	vst v63  }
0x5b: {  	_ =	swait.ge [sflag:s4], $0x2000  }
0x5c: {  	s8 =	sadd.s32 s3, s8;
	[sflag:s4] =	ssyncset.done $0x0  }
0x5d: {  	s11 =	simm.s32 $0x0;
	s10 =	smul.u32 $0x280, s1;
	[sflag:s4] =	ssyncadd.s32 $0xFFFFE000  }
0x5e: {  	[hbm4b:s8+s11] =	stream.linear.scatter [tilespmem:s5], [sflag:$0x1], $0x2000, $0x38;
	[tilespmem:$0x1A080] =	vst v63  }
0x5f: {  	s12 =	sor.u32 $0x40, s10;
	_ =	swait.ge [sflag:s4], $0x2000  }
0x60: {  	s13 =	sshll.u32 s12, $0x7;
	[sflag:s4] =	ssyncset.done $0x0  }
0x61: {  	s9 =	sadd.s32 s13, s2;
	[sflag:s4] =	ssyncadd.s32 $0xFFFFE000  }
0x62: {  	[tilespmem:s5], [sflag:$0x1] =	stream.linear.gather [spmem:s9], $0x2000, $0x38;
	[tilespmem:$0x1A080] =	vst v63  }
0x63: {  	_ =	swait.ge [sflag:s4], $0x2000  }
0x64: {  	s8 =	sshll.u32 s12, $0x4;
	[sflag:s4] =	ssyncset.done $0x0  }
0x65: {  	s8 =	sadd.s32 s3, s8;
	[sflag:s4] =	ssyncadd.s32 $0xFFFFE000  }
0x66: {  	[hbm4b:s8+s11] =	stream.linear.scatter [tilespmem:s5], [sflag:$0x1], $0x2000, $0x38;
	[tilespmem:$0x1A080] =	vst v63  }
0x67: {  	s14 =	sadd.s32 $0x80, s10;
	_ =	swait.ge [sflag:s4], $0x2000  }
0x68: {  	s15 =	sshll.u32 s14, $0x7;
	[sflag:s4] =	ssyncset.done $0x0  }
0x69: {  	s9 =	sadd.s32 s15, s2;
	[sflag:s4] =	ssyncadd.s32 $0xFFFFE000  }
0x6a: {  	[tilespmem:s5], [sflag:$0x1] =	stream.linear.gather [spmem:s9], $0x2000, $0x38;
	[tilespmem:$0x1A080] =	vst v63  }
0x6b: {  	_ =	swait.ge [sflag:s4], $0x2000  }
0x6c: {  	s8 =	sshll.u32 s14, $0x4;
	[sflag:s4] =	ssyncset.done $0x0  }
0x6d: {  	s8 =	sadd.s32 s3, s8;
	[sflag:s4] =	ssyncadd.s32 $0xFFFFE000  }
0x6e: {  	[hbm4b:s8+s11] =	stream.linear.scatter [tilespmem:s5], [sflag:$0x1], $0x2000, $0x38;
	[tilespmem:$0x1A080] =	vst v63  }
0x6f: {  	s16 =	sadd.s32 $0xC0, s10;
	_ =	swait.ge [sflag:s4], $0x2000  }
0x70: {  	s17 =	sshll.u32 s16, $0x7;
	[sflag:s4] =	ssyncset.done $0x0  }
0x71: {  	s9 =	sadd.s32 s17, s2;
	[sflag:s4] =	ssyncadd.s32 $0xFFFFE000  }
0x72: {  	[tilespmem:s5], [sflag:$0x1] =	stream.linear.gather [spmem:s9], $0x2000, $0x38;
	[tilespmem:$0x1A080] =	vst v63  }
0x73: {  	_ =	swait.ge [sflag:s4], $0x2000  }
0x74: {  	s8 =	sshll.u32 s16, $0x4;
	[sflag:s4] =	ssyncset.done $0x0  }
0x75: {  	s8 =	sadd.s32 s3, s8;
	[sflag:s4] =	ssyncadd.s32 $0xFFFFE000  }
0x76: {  	[hbm4b:s8+s11] =	stream.linear.scatter [tilespmem:s5], [sflag:$0x1], $0x2000, $0x38;
	[tilespmem:$0x1A080] =	vst v63  }
0x77: {  	s18 =	sadd.s32 $0x100, s10;
	_ =	swait.ge [sflag:s4], $0x2000  }
0x78: {  	s19 =	sshll.u32 s18, $0x7;
	[sflag:s4] =	ssyncset.done $0x0  }
0x79: {  	s9 =	sadd.s32 s19, s2;
	[sflag:s4] =	ssyncadd.s32 $0xFFFFE000  }
0x7a: {  	[tilespmem:s5], [sflag:$0x1] =	stream.linear.gather [spmem:s9], $0x2000, $0x38;
	[tilespmem:$0x1A080] =	vst v63  }
0x7b: {  	_ =	swait.ge [sflag:s4], $0x2000  }
0x7c: {  	s8 =	sshll.u32 s18, $0x4;
	[sflag:s4] =	ssyncset.done $0x0  }
0x7d: {  	s8 =	sadd.s32 s3, s8;
	[sflag:s4] =	ssyncadd.s32 $0xFFFFE000  }
0x7e: {  	[hbm4b:s8+s11] =	stream.linear.scatter [tilespmem:s5], [sflag:$0x1], $0x2000, $0x38;
	[tilespmem:$0x1A080] =	vst v63  }
0x7f: {  	s20 =	sadd.s32 $0x140, s10;
	_ =	swait.ge [sflag:s4], $0x2000  }
0x80: {  	s21 =	sshll.u32 s20, $0x7;
	[sflag:s4] =	ssyncset.done $0x0  }
0x81: {  	s9 =	sadd.s32 s21, s2;
	[sflag:s4] =	ssyncadd.s32 $0xFFFFE000  }
0x82: {  	[tilespmem:s5], [sflag:$0x1] =	stream.linear.gather [spmem:s9], $0x2000, $0x38;
	[tilespmem:$0x1A080] =	vst v63  }
0x83: {  	_ =	swait.ge [sflag:s4], $0x2000  }
0x84: {  	s8 =	sshll.u32 s20, $0x4;
	[sflag:s4] =	ssyncset.done $0x0  }
0x85: {  	s8 =	sadd.s32 s3, s8;
	[sflag:s4] =	ssyncadd.s32 $0xFFFFE000  }
0x86: {  	[hbm4b:s8+s11] =	stream.linear.scatter [tilespmem:s5], [sflag:$0x1], $0x2000, $0x38;
	[tilespmem:$0x1A080] =	vst v63  }
0x87: {  	s22 =	sadd.s32 $0x180, s10;
	_ =	swait.ge [sflag:s4], $0x2000  }
0x88: {  	s23 =	sshll.u32 s22, $0x7;
	[sflag:s4] =	ssyncset.done $0x0  }
0x89: {  	s9 =	sadd.s32 s23, s2;
	[sflag:s4] =	ssyncadd.s32 $0xFFFFE000  }
0x8a: {  	[tilespmem:s5], [sflag:$0x1] =	stream.linear.gather [spmem:s9], $0x2000, $0x38;
	[tilespmem:$0x1A080] =	vst v63  }
0x8b: {  	_ =	swait.ge [sflag:s4], $0x2000  }
0x8c: {  	s8 =	sshll.u32 s22, $0x4;
	[sflag:s4] =	ssyncset.done $0x0  }
0x8d: {  	s8 =	sadd.s32 s3, s8;
	[sflag:s4] =	ssyncadd.s32 $0xFFFFE000  }
0x8e: {  	[hbm4b:s8+s11] =	stream.linear.scatter [tilespmem:s5], [sflag:$0x1], $0x2000, $0x38;
	[tilespmem:$0x1A080] =	vst v63  }
0x8f: {  	s24 =	sadd.s32 $0x1C0, s10;
	_ =	swait.ge [sflag:s4], $0x2000  }
0x90: {  	s25 =	sshll.u32 s24, $0x7;
	[sflag:s4] =	ssyncset.done $0x0  }
0x91: {  	s9 =	sadd.s32 s25, s2;
	[sflag:s4] =	ssyncadd.s32 $0xFFFFE000  }
0x92: {  	[tilespmem:s5], [sflag:$0x1] =	stream.linear.gather [spmem:s9], $0x2000, $0x38;
	[tilespmem:$0x1A080] =	vst v63  }
0x93: {  	_ =	swait.ge [sflag:s4], $0x2000  }
0x94: {  	s8 =	sshll.u32 s24, $0x4;
	[sflag:s4] =	ssyncset.done $0x0  }
0x95: {  	s8 =	sadd.s32 s3, s8;
	[sflag:s4] =	ssyncadd.s32 $0xFFFFE000  }
0x96: {  	[hbm4b:s8+s11] =	stream.linear.scatter [tilespmem:s5], [sflag:$0x1], $0x2000, $0x38;
	[tilespmem:$0x1A080] =	vst v63  }
0x97: {  	s26 =	sadd.s32 $0x200, s10;
	_ =	swait.ge [sflag:s4], $0x2000  }
0x98: {  	s28 =	sshll.u32 s26, $0x7;
	[sflag:s4] =	ssyncset.done $0x0  }
0x99: {  	s9 =	sadd.s32 s28, s2;
	[sflag:s4] =	ssyncadd.s32 $0xFFFFE000  }
0x9a: {  	[tilespmem:s5], [sflag:$0x1] =	stream.linear.gather [spmem:s9], $0x2000, $0x38;
	[tilespmem:$0x1A080] =	vst v63  }
0x9b: {  	_ =	swait.ge [sflag:s4], $0x2000  }
0x9c: {  	s8 =	sshll.u32 s26, $0x4;
	[sflag:s4] =	ssyncset.done $0x0  }
0x9d: {  	s8 =	sadd.s32 s3, s8;
	[sflag:s4] =	ssyncadd.s32 $0xFFFFE000  }
0x9e: {  	[hbm4b:s8+s11] =	stream.linear.scatter [tilespmem:s5], [sflag:$0x1], $0x2000, $0x38;
	[tilespmem:$0x1A080] =	vst v63  }
0x9f: {  	s7 =	sadd.s32 $0x240, s10;
	_ =	swait.ge [sflag:s4], $0x2000  }
0xa0: {  	s29 =	sshll.u32 s7, $0x7;
	[sflag:s4] =	ssyncset.done $0x0  }
0xa1: {  	s30 =	sadd.s32 s29, s2;
	[sflag:s4] =	ssyncadd.s32 $0xFFFFE000  }
0xa2: {  	[tilespmem:s5], [sflag:$0x1] =	stream.linear.gather [spmem:s30], $0x2000, $0x38;
	[tilespmem:$0x1A080] =	vst v63  }
0xa3: {  	_ =	swait.ge [sflag:s4], $0x2000  }
0xa4: {  	s31 =	sshll.u32 s7, $0x4;
	[sflag:s4] =	ssyncset.done $0x0  }
0xa5: {  	s2 =	sadd.s32 s3, s31;
	[sflag:s4] =	ssyncadd.s32 $0xFFFFE000  }
0xa6: {  	[hbm4b:s2+s11] =	stream.linear.scatter [tilespmem:s5], [sflag:$0x1], $0x2000, $0x38;
	[tilespmem:$0x1A080] =	vst v63  }
0xa7: {  	_ =	swait.ge [sflag:s4], $0x2000  }
0xa8: {  	[sflag:s4] =	ssyncset.done $0x0  }
0xa9: {  	[sflag:s4] =	ssyncadd.s32 $0xFFFFE000  }
0xaa: {  	_ =	sfence.sel $0x180000  }
0xab: {  	[bflag:$0x0] =	sbarrier.arrive $0xFFFF  }
0xac: {  	p0 =	sne.s32 s1, $0x0;
	_ =	strace $0x9000005C  }
0xad: {  	s0 =	sadd.s32 @!p0 $0x100000, s0;
	[bflag:$0x2] =	sbarrier.arrive $0xFFFF  }
0xae: {  	[sflag:s0] =	ssyncadd.tile.s32 @!p0 $0x1;
	_ =	shalt  }
.Lfunc_end2:
_tile_overlayer_lowered:
.L_overlay_start_2:
0xaf: {  	(tag) =	ssettag $0x2  }
0xb0: {  	s0 =	rddreg [dreg:$0x0];
	s2 =	stileid.u32  }
0xb1: {  	s1 =	rddreg [dreg:$0x1];
	p0 =	sne.s32 s2, $0x0  }
0xb2: {  	s3 =	rddreg [dreg:$0x2];
	[bflag:$0x3] =	sbarrier.arrive $0xFFFF;
	s2 =	simm.s32 @!p0 $0x1C01  }
0xb3: {  	[timem:s3], [sflag:s2] =	dma.local @!p0 [hbm:s0], s1  }
0xb4: {  	s0 =	simm.s32 @!p0 $0x1  }
0xb5: {  	_ =	swait.ge @!p0 [sflag:s0], s1  }
0xb6: {  	s1 =	ssub.s32 @!p0 $0x0, s1;
	[sflag:s0] =	ssyncset.done @!p0 $0x0  }
0xb7: {  	[sflag:s0] =	ssyncadd.s32 @!p0 s1  }
0xb8: {  	[bflag:$0x3] =	sbarrier.arrive $0xFFFF  }
0xb9: {  	_ =	shalt  }

// kernel: kernel.54.cloned.1.call-start
scs
__scs_entry_jumppad:
0x0: {  	(pc) =	sbr.rel $0x88, $3  }
0x1: {  	(tag) =	ssettag $0x0;
	lr =	simm.s32 $0x1  }
0x2: {  	[smem:$0x3F80] =	sst lr;
	_ =	strace $0xD0000000  }
0x3: {  	_ = 	snop  }
0x4: {  	_ = 	snop  }
0x5: {  	_ = 	snop  }
0x6: {  	_ = 	snop  }
0x7: {  	_ = 	snop  }
__scs_overlays_trampoline_lowered:
0x8: {  	[smem:$0x3F8F] =	sst s0  }
0x9: {  	[smem:$0x3F90] =	sst s1  }
0xa: {  	[smem:$0x3F91] =	sst s2  }
0xb: {  	[smem:$0x3F92] =	sst s3  }
0xc: {  	[smem:$0x3F93] =	sst s4  }
0xd: {  	[smem:$0x3F94] =	sst s5  }
0xe: {  	[smem:$0x3F95] =	sst s6  }
0xf: {  	[smem:$0x3F96] =	sst s7  }
0x10: {  	[smem:$0x3F97] =	sst s8  }
0x11: {  	[smem:$0x3F98] =	sst s9;
	s0 =	simm.s32 @!p0 $0x0  }
0x12: {  	s1 =	sld [smem:$0x3F7E];
	s0 =	simm.s32 @p0 $0x1  }
0x13: {  	[smem:$0x3F99] =	sst s0;
	s0 =	simm.s32 @!p1 $0x0  }
0x14: {  	s2 =	sld [smem:$0x3F7D];
	s0 =	simm.s32 @p1 $0x1  }
0x15: {  	[smem:$0x3F9A] =	sst s0;
	s0 =	simm.s32 @!p2 $0x0  }
0x16: {  	s3 =	sld [smem:$0x3FDB];
	s0 =	simm.s32 @p2 $0x1  }
0x17: {  	s4 =	simm.s32 $0x1BF5;
	[smem:$0x3F9C] =	sst s0  }
0x18: {  	s0 =	sld [smem:$0x3F7F];
	_ =	swait.ge [sflag:s4], $0x0  }
0x19: {  	s7 =	sld [smem:$0x3F80]  }
0x1a: {  	s8 =	sadd.s32 $0xFFFFE003, lr  }
0x1b: {  	s9 =	sadd.s32 $0xFFFFFEF7, lr;
	s5 =	simm.s32 $0xFFFFFFFF;
	p2 =	slt.u32 s8, $0xFFFFF086  }
0x1c: {  	p1 =	slt.u32 s9, $0xF7A;
	s5 =	simm.s32 @!p2 $0x0  }
0x1d: {  	s5 =	simm.s32 @p1 $0x1;
	p0 =	seq.s32 s7, s2  }
0x1e: {  	s7 =	smul.u32 @!p0 $0xF7A, s2;
	p2 =	seq.s32 @!p0 s5, $0x0  }
0x1f: {  	s9 =	smul.u32 $0xF7A, s1;
	s8 =	simm.s32 @!p0 $0x1BF5;
	p2 =	por !p2, p0  }
0x20: {  	[sflag:s8] =	ssyncset.s32 @!p0 $0xFFFFF086;
	s6 =	sadd.s32 @!p0 s3, s7;
	s7 =	simm.s32 @!p0 $0x108  }
0x21: {  	s3 =	sadd.s32 s3, s9;
	s6 =	sadd.s32 @!p0 $0x88, s6;
	s7 =	simm.s32 @p2 $0x1082  }
0x22: {  	[simem:s7], [sflag:s8] =	dma.local @!p0 [hbm:s6], $0xF7A  }
0x23: {  	s9 =	sor.u32 $0xD0000000, s2;
	s6 =	simm.s32 $0x108;
	_ =	swait.ge @!p0 [sflag:s8], $0x0  }
0x24: {  	s3 =	sadd.s32 $0x88, s3;
	s6 =	simm.s32 @!p1 $0x1082;
	[sflag:s4] =	ssyncset.s32 $0xFFFFF086  }
0x25: {  	[simem:s6], [sflag:s4] =	dma.local [hbm:s3], $0xF7A  }
0x26: {  	[smem:$0x3F80] =	sst s1;
	(tag) =	ssettag s2;
	_ =	strace s9  }
0x27: {  	s1 =	sld [smem:$0x3F90]  }
0x28: {  	s2 =	sld [smem:$0x3F91]  }
0x29: {  	s4 =	sld [smem:$0x3F93]  }
0x2a: {  	p0 =	seq.s32 s5, $0x0;
	s5 =	sld [smem:$0x3F94]  }
0x2b: {  	s6 =	sld [smem:$0x3F95]  }
0x2c: {  	s7 =	sld [smem:$0x3F96]  }
0x2d: {  	s3 =	simm.s32 $0x108;
	s8 =	sld [smem:$0x3F97]  }
0x2e: {  	s3 =	simm.s32 @!p0 $0x1082;
	s9 =	sld [smem:$0x3F98]  }
0x2f: {  	lr =	sadd.s32 s0, s3;
	s0 =	sld [smem:$0x3F8F]  }
0x30: {  	s3 =	sld [smem:$0x3F92]  }
0x31: {  	[smem:$0x3F9B] =	sst s10  }
0x32: {  	s10 =	sld [smem:$0x3F99];
	_ =	sdelay $0x3  }
0x33: {  	p0 =	seq.s32 s10, $0x1;
	s10 =	sld [smem:$0x3F9B];
	_ =	sdelay $0x3  }
0x34: {  	[smem:$0x3F9B] =	sst s10  }
0x35: {  	s10 =	sld [smem:$0x3F9A];
	_ =	sdelay $0x3  }
0x36: {  	p1 =	seq.s32 s10, $0x1;
	s10 =	sld [smem:$0x3F9B];
	_ =	sdelay $0x3  }
0x37: {  	[smem:$0x3F9B] =	sst s10  }
0x38: {  	s10 =	sld [smem:$0x3F9C]  }
0x39: {  	_ = 	snop;
	(pc) =	sbr.ind lr, $3  }
0x3a: {  	_ = 	snop  }
0x3b: {  	_ = 	snop  }
0x3c: {  	p2 =	seq.s32 s10, $0x1;
	s10 =	sld [smem:$0x3F9B]  }
0x3d: {  	_ =	shalt  }
0x3e: {  	_ =	shalt  }
0x3f: {  	_ =	shalt  }
0x40: {  	_ =	shalt  }
0x41: {  	_ =	shalt  }
0x42: {  	_ =	shalt  }
0x43: {  	_ =	shalt  }
0x44: {  	_ =	shalt  }
0x45: {  	_ =	shalt  }
0x46: {  	_ =	shalt  }
0x47: {  	_ =	shalt  }
0x48: {  	_ =	shalt  }
0x49: {  	_ =	shalt  }
0x4a: {  	_ =	shalt  }
0x4b: {  	_ =	shalt  }
0x4c: {  	_ =	shalt  }
0x4d: {  	_ =	shalt  }
0x4e: {  	_ =	shalt  }
0x4f: {  	_ =	shalt  }
0x50: {  	_ =	shalt  }
0x51: {  	_ =	shalt  }
0x52: {  	_ =	shalt  }
0x53: {  	_ =	shalt  }
0x54: {  	_ =	shalt  }
0x55: {  	_ =	shalt  }
0x56: {  	_ =	shalt  }
0x57: {  	_ =	shalt  }
0x58: {  	_ =	shalt  }
0x59: {  	_ =	shalt  }
0x5a: {  	_ =	shalt  }
0x5b: {  	_ =	shalt  }
0x5c: {  	_ =	shalt  }
0x5d: {  	_ =	shalt  }
0x5e: {  	_ =	shalt  }
0x5f: {  	_ =	shalt  }
0x60: {  	_ =	shalt  }
0x61: {  	_ =	shalt  }
0x62: {  	_ =	shalt  }
0x63: {  	_ =	shalt  }
0x64: {  	_ =	shalt  }
0x65: {  	_ =	shalt  }
0x66: {  	_ =	shalt  }
0x67: {  	_ =	shalt  }
0x68: {  	_ =	shalt  }
0x69: {  	_ =	shalt  }
0x6a: {  	_ =	shalt  }
0x6b: {  	_ =	shalt  }
0x6c: {  	_ =	shalt  }
0x6d: {  	_ =	shalt  }
0x6e: {  	_ =	shalt  }
0x6f: {  	_ =	shalt  }
0x70: {  	_ =	shalt  }
0x71: {  	_ =	shalt  }
0x72: {  	_ =	shalt  }
0x73: {  	_ =	shalt  }
0x74: {  	_ =	shalt  }
0x75: {  	_ =	shalt  }
0x76: {  	_ =	shalt  }
0x77: {  	_ =	shalt  }
0x78: {  	_ =	shalt  }
0x79: {  	_ =	shalt  }
0x7a: {  	_ =	shalt  }
0x7b: {  	_ =	shalt  }
0x7c: {  	_ =	shalt  }
0x7d: {  	_ =	shalt  }
0x7e: {  	_ =	shalt  }
0x7f: {  	_ =	shalt  }
0x80: {  	_ =	shalt  }
0x81: {  	_ =	shalt  }
0x82: {  	_ =	shalt  }
0x83: {  	_ =	shalt  }
0x84: {  	_ =	shalt  }
0x85: {  	_ =	shalt  }
0x86: {  	_ =	shalt  }
0x87: {  	_ =	shalt  }
.Lfunc_end0:
.L_simem_size_0:
called_computation.8_lowered:
.L_overlay_start_0:
0x88: {  	s2 =	sld [smem:$0x3FD9]  }
0x89: {  	s3 =	sld [smem:$0x3FFE];
	_ =	sdelay $0x1  }
0x8a: {  	s1 =	srdreg.scid  }
0x8b: {  	s0 =	sand.u32 $0x1, s1  }
0x8c: {  	s16 =	sshll.u32 s0, $0xA;
	s2 =	sadd.s32 s3, s2  }
0x8d: {  	s2 =	sadd.s32 s2, s16  }
0x8e: {  	[smem:$0x3FA7] =	sst s2  }
0x8f: {  	_ = 	snop  }
0x90: {  	(tm) =	ssettm $0x1  }
0x91: {  	s17 =	sld [smem:$0x3FFB];
	_ =	sdelay $0x3  }
0x92: {  	_ =	strace s17  }
0x93: {  	s2 =	sld [smem:$0x3FFC];
	_ =	sdelay $0x3  }
0x94: {  	_ =	strace s2  }
0x95: {  	s2 =	sld [smem:$0x3FFD];
	_ =	sdelay $0x3  }
0x96: {  	_ =	strace s2  }
0x97: {  	_ =	strace $0x8FFFFFFF  }
0x98: {  	s18 =	sld [smem:$0x3FDB];
	_ =	sdelay $0x1  }
0x99: {  	s19 =	simm.s32 $_scs_section_size  }
0x9a: {  	s4 =	simm.s32 $_size__tile_overlayer_lowered;
	s5 =	simm.s32 $_tile_overlayer_lowered  }
0x9b: {  	s22 =	simm.s32 $0x1BFF;
	s21 =	sshll.u32 s5, $0x1;
	s2 =	sadd.s32 s19, s18  }
0x9c: {  	s6 =	simm.s32 $0x0;
	s20 =	sshll.u32 s4, $0x1;
	s4 =	sadd.s32 s21, s2  }
0x9d: {  	[timem:s6], [sflag:s22] =	dma.local [hbm:s4], s20  }
0x9e: {  	_ =	swait.ge [sflag:s22], s20  }
0x9f: {  	s3 =	ssub.s32 $0x0, s20;
	[sflag:s22] =	ssyncset.done $0x0  }
0xa0: {  	[sflag:s22] =	ssyncadd.s32 s3;
	_ =	sdelay $0x1  }
0xa1: {  	s23 =	simm.s32 $0x1B8B  }
0xa2: {  	_ =	swait.ge [sflag:s23], $0x1  }
0xa3: {  	[sflag:s23] =	ssyncset.done $0x0  }
0xa4: {  	s25 =	simm.s32 $0x1B8E;
	s24 =	sld [smem:$0x3FFE];
	[sflag:s23] =	ssyncadd.s32 $0xFFFFFFFF  }
0xa5: {  	s26 =	simm.s32 $execute0_lowered;
	[smem:$0x3FD2] =	sst s25  }
0xa6: {  	s4 =	sshll.u32 s26, $0x1;
	_ =	strace $0x8000005E;
	[dreg:$0x1] =	wrdreg $0xFFFFFFFF  }
0xa7: {  	s28 =	simm.s32 $_size_execute0_lowered;
	s2 =	sadd.s32 s2, s4;
	[dreg:$0x0] =	wrdreg $0x0  }
0xa8: {  	s4 =	sshll.u32 s28, $0x1;
	[dreg:$0x2] =	wrdreg s2  }
0xa9: {  	[dreg:$0x3] =	wrdreg s4  }
0xaa: {  	[dreg:$0x4] =	wrdreg $0xC0  }
0xab: {  	_ =	task [dreg:s6], $0x5FFFF  }
0xac: {  	[dreg:$0x1] =	wrdreg $0xFFFFFFFF  }
0xad: {  	[dreg:$0x0] =	wrdreg $0x60  }
0xae: {  	[dreg:$0x2] =	wrdreg s24  }
0xaf: {  	[dreg:$0x3] =	wrdreg $0x9  }
0xb0: {  	_ =	task.clear_ibuf [dreg:s6], $0x4FFFF;
	_ =	strace $0x9000005E  }
0xb1: {  	s29 =	simm.s32 $0x9;
	_ =	strace $0x80000060  }
0xb2: {  	_ =	swait.ge [sflag:s29], $0x1  }
0xb3: {  	[sflag:s29] =	ssyncadd.s32 $0xFFFFFFFF  }
0xb4: {  	_ =	strace $0x90000060  }
0xb5: {  	_ =	sfence  }
0xb6: {  	s30 =	sld [smem:$0x0];
	_ =	sdelay $0x2  }
0xb7: {  	s31 =	sshll.u32 s1, $0xD;
	s1 =	sshrl.u32 s1, $0x2  }
0xb8: {  	s3 =	sand.u32 $0x4000, s31;
	s1 =	sadd.s32 s1, s30  }
0xb9: {  	s0 =	sor.u32 s3, s0;
	s1 =	sshll.u32 s1, $0x11  }
0xba: {  	s0 =	sor.u32 s1, s0  }
0xbb: {  	s0 =	sadd.s32 $0x8F2B, s0  }
0xbc: {  	[sflag:s0] =	ssyncadd.remote.s32 $0x1  }
0xbd: {  	_ =	sfence.sel $0xFFFF  }
0xbe: {  	[dreg:$0x0] =	wrdreg $0xFFFFFFFF;
	(pc) =	sbr.abs _section_cstart, $3  }
0xbf: {  	[dreg:$0x1] =	wrdreg $0xFFFFFFFF  }
0xc0: {  	_ =	task.clear_ibuf [dreg:s6], $0x2FFFF;
	_ =	strace $0x9FFFFFFF  }
0xc1: {  	(tm) =	ssettm $0x7FFFFFFF  }
tec
execute0_lowered:
.L_overlay_start_1:
0x0: {  	(tag) =	ssettag $0x1  }
0x1: {  	s1 =	srdreg.scid;
	s0 =	stileid.u32  }
0x2: {  	s1 =	sand.u32 $0x1, s1;
	s2 =	smul.u32 $0x2800, s0  }
0x3: {  	s3 =	smul.u32 $0x1400, s1;
	_ =	sdelay $0x1  }
0x4: {  	s5 =	rddreg [dreg:$0x0];
	s3 =	sadd.s32 s3, s2;
	s2 =	simm.s32 $0x0  }
0x5: {  	s17 =	simm.s32 $0x80;
	[smem:$0x7FF] =	sst s2  }
0x6: {  	s18 =	simm.s32 $0x900;
	_ =	strace $0x8000005F;
	[dreg:$0x4] =	wrdreg s17  }
0x7: {  	s19 =	simm.s32 $0xD00;
	[dreg:$0x5] =	wrdreg s18  }
0x8: {  	s20 =	simm.s32 $0x1500;
	[dreg:$0x6] =	wrdreg s19  }
0x9: {  	s21 =	simm.s32 $0x1900;
	[dreg:$0x7] =	wrdreg s20  }
0xa: {  	s22 =	simm.s32 $0x2100;
	[dreg:$0x8] =	wrdreg s21  }
0xb: {  	s23 =	simm.s32 $0x2500;
	[dreg:$0x9] =	wrdreg s22  }
0xc: {  	s24 =	simm.s32 $0x2D00;
	[dreg:$0xa] =	wrdreg s23  }
0xd: {  	s25 =	simm.s32 $0x3100;
	[dreg:$0xb] =	wrdreg s24  }
0xe: {  	s26 =	simm.s32 $0x3900;
	[dreg:$0xc] =	wrdreg s25  }
0xf: {  	s30 =	simm.s32 $0x3D00;
	[dreg:$0xd] =	wrdreg s26  }
0x10: {  	s31 =	simm.s32 $0x4500;
	[dreg:$0xe] =	wrdreg s30  }
0x11: {  	s7 =	simm.s32 $0x5100;
	[dreg:$0xf] =	wrdreg s31  }
0x12: {  	s8 =	simm.s32 $0x5500;
	[dreg:$0x11] =	wrdreg s7  }
0x13: {  	s9 =	simm.s32 $0x6100;
	[dreg:$0x12] =	wrdreg s8  }
0x14: {  	s10 =	simm.s32 $0x6900;
	[dreg:$0x14] =	wrdreg s9  }
0x15: {  	s11 =	simm.s32 $0x6D00;
	[dreg:$0x15] =	wrdreg s10  }
0x16: {  	s12 =	simm.s32 $0x7500;
	s14 =	simm.s32 $0x7900;
	[dreg:$0x16] =	wrdreg s11  }
0x17: {  	s16 =	simm.s32 $0x8100;
	s28 =	simm.s32 $0x2;
	[dreg:$0x17] =	wrdreg s12  }
0x18: {  	s29 =	simm.s32 $0x0;
	s15 =	ssub.s32 $0x2, s1;
	[dreg:$0x18] =	wrdreg s14  }
0x19: {  	s1 =	smul.u32 $0x28000, s1;
	s7 =	simm.s32 $0x5D00;
	[dreg:$0x19] =	wrdreg s16  }
0x1a: {  	s6 =	sshrl.u32 s3, $0x3;
	s17 =	simm.s32 $0x8500;
	[dreg:$0x13] =	wrdreg s7  }
0x1b: {  	s3 =	sadd.s32 s6, s5;
	s18 =	simm.s32 $0x8D00;
	[dreg:$0x1a] =	wrdreg s17  }
0x1c: {  	s6 =	smul.u32 $0x180, s6;
	s19 =	simm.s32 $0x9100;
	[dreg:$0x1b] =	wrdreg s18  }
0x1d: {  	s8 =	smul.u32 $0x50000, s0;
	s20 =	simm.s32 $0x9900;
	[dreg:$0x1c] =	wrdreg s19  }
0x1e: {  	s10 =	sshrl.u32 s15, $0x1;
	s22 =	simm.s32 $0x9D00;
	[dreg:$0x1d] =	wrdreg s20  }
0x1f: {  	s23 =	simm.s32 $0xA500;
	s24 =	simm.s32 $0xA900;
	[dreg:$0x1e] =	wrdreg s22  }
0x20: {  	s25 =	simm.s32 $0xB100;
	s26 =	simm.s32 $0xB500;
	[dreg:$0x1f] =	wrdreg s23  }
0x21: {  	s30 =	simm.s32 $0xBD00;
	s11 =	simm.s32 $0xC100;
	[smem:$0x7F9] =	sst s24  }
0x22: {  	s31 =	simm.s32 $0xC900;
	s12 =	simm.s32 $0xD100;
	[smem:$0x7FA] =	sst s25  }
0x23: {  	s14 =	simm.s32 $0xE100;
	s16 =	simm.s32 $0xF100;
	[smem:$0x7FB] =	sst s26  }
0x24: {  	s4 =	sadd.s32 $0x20400, s3;
	s3 =	sadd.s32 $0x1B400, s3;
	[smem:$0x7FC] =	sst s30  }
0x25: {  	[smem:$0x7FD] =	sst s31;
	s17 =	simm.s32 $0xF900;
	s18 =	simm.s32 $0x10100  }
0x26: {  	s19 =	simm.s32 $0x10900;
	s20 =	simm.s32 $0x11100;
	s22 =	simm.s32 $0x12100  }
0x27: {  	s23 =	simm.s32 $0x12900;
	s24 =	simm.s32 $0x13100;
	[dreg:$0x2] =	wrdreg s4  }
0x28: {  	s25 =	simm.s32 $0x13900;
	s26 =	simm.s32 $0x1;
	[dreg:$0x3] =	wrdreg s3  }
0x29: {  	s4 =	simm.s32 $0x4900;
	s3 =	sadd.s32 $0x1036600, s5;
	s9 =	sadd.s32 s6, s5  }
0x2a: {  	s13 =	sadd.s32 s8, s5;
	s8 =	ssub.s32 s15, s10;
	s10 =	simm.s32 $0x100  }
0x2b: {  	s15 =	simm.s32 $0xE900;
	[dreg:$0x10] =	wrdreg s4;
	s4 =	sadd.s32 $0x10ABA00, s5  }
0x2c: {  	v2 =	vlaneseq.u32;
	s5 =	sadd.s32 $0x1036700, s5;
	s21 =	smax.u32 s8, $0x1;
	s1 =	sadd.s32 s1, s13  }
0x2d: {  	vm0 =	vmmov $0xffff;
	vm1 =	vmmov $0xff;
	v1 =	vshrl.u32 v2, $0x3;
	s8 =	sadd.s32 $0x2A400, s9;
	s9 =	simm.s32 $0x3;
	s13 =	simm.s32 $0xD900  }
0x2e: {  	v0 =	vand.u32 $0x7, v2;
	v2 =	vor.u32 $0x8, v2;
	v1 =	vmul.u32 $0x8, v1;
	[smem:$0x7F8] =	sst s21;
	s7 =	sadd.s32 $0x7AA400, s1;
	s21 =	simm.s32 $0x11900  }
.LBB2_1:
0x2f: {  	s30 =	smov.u32 s8;
	s31 =	smov.u32 s7;
	s1 =	simm.s32 $0x0  }
.LBB2_2:
0x30: {  	s0 =	rddreg [dreg:$0x3]  }
0x31: {  	s0 =	sadd.s32 s1, s0  }
0x32: {  	[tilespmem:s2], [sflag:$0x3] =	stream.linear.gather [hbm4b:s0+s2], $0x80, $0x38;
	[tilespmem:$0x14100] =	vst v63  }
0x33: {  	_ =	swait.ge [sflag:s9], $0x80  }
0x34: {  	s0 =	rddreg [dreg:$0x2];
	[sflag:s9] =	ssyncset.done $0x0  }
0x35: {  	s6 =	rddreg [dreg:$0x4];
	[sflag:s9] =	ssyncadd.s32 $0xFFFFFF80;
	s0 =	sadd.s32 s1, s0  }
0x36: {  	[tilespmem:s6], [sflag:$0x3] =	stream.linear.gather [hbm4b:s0+s2], $0x80, $0x38;
	[tilespmem:$0x14100] =	vst v63  }
0x37: {  	_ =	swait.ge [sflag:s9], $0x80  }
0x38: {  	[sflag:s9] =	ssyncset.done $0x0  }
0x39: {  	[sflag:s9] =	ssyncadd.s32 $0xFFFFFF80  }
0x3a: {  	v3 =	vld [tilespmem:$0x0];
	_ =	sdelay $0x4  }
0x3b: {  	v4 =	vshrl.u32 v3, $0x3  }
0x3c: {  	v4 =	vmul.u32 $0x18, v4  }
0x3d: {  	v3 =	vand.u32 $0x7, v3  }
0x3e: {  	v3 =	vor.u32 v3, v4  }
0x3f: {  	v4 =	vperm.xlane v3, v0;
	_ =	sdelay $0x1  }
0x40: {  	v4 =	vadd.s32 v1, v4;
	_ =	sdelay $0x1  }
0x41: {  	v3 =	vperm.xlane v3, v2;
	_ =	sdelay $0x1  }
0x42: {  	v3 =	vadd.s32 v1, v3  }
0x43: {  	[tilespmem:s10], [sflag:$0x1] =	stream.indirect_vreg.gather [hbm4b:s3+s2], $0x80, v4, vm0, $0xb8;
	[tilespmem:$0x14100] =	vst v63  }
0x44: {  	s0 =	rddreg [dreg:$0x5]  }
0x45: {  	[tilespmem:s0], [sflag:$0x1] =	stream.indirect_vreg.gather [hbm4b:s5+s2], $0x80, v4, vm1, $0xb8;
	[tilespmem:$0x14100] =	vst v63  }
0x46: {  	s6 =	rddreg [dreg:$0x6]  }
0x47: {  	[tilespmem:s6], [sflag:$0x1] =	stream.indirect_vreg.gather [hbm4b:s3+s2], $0x80, v3, vm0, $0xb8;
	[tilespmem:$0x14100] =	vst v63  }
0x48: {  	s0 =	rddreg [dreg:$0x7]  }
0x49: {  	[tilespmem:s0], [sflag:$0x1] =	stream.indirect_vreg.gather [hbm4b:s5+s2], $0x80, v3, vm1, $0xb8;
	[tilespmem:$0x14100] =	vst v63  }
0x4a: {  	v3 =	vld [tilespmem:$0x10];
	_ =	sdelay $0x4  }
0x4b: {  	v49 =	vshrl.u32 v3, $0x3  }
0x4c: {  	v4 =	vmul.u32 $0x18, v49  }
0x4d: {  	v3 =	vand.u32 $0x7, v3  }
0x4e: {  	v3 =	vor.u32 v3, v4  }
0x4f: {  	v4 =	vperm.xlane v3, v0;
	_ =	sdelay $0x1  }
0x50: {  	v4 =	vadd.s32 v1, v4;
	_ =	sdelay $0x1  }
0x51: {  	v3 =	vperm.xlane v3, v2;
	_ =	sdelay $0x1  }
0x52: {  	s0 =	rddreg [dreg:$0x8];
	v3 =	vadd.s32 v1, v3  }
0x53: {  	[tilespmem:s0], [sflag:$0x1] =	stream.indirect_vreg.gather [hbm4b:s3+s2], $0x80, v4, vm0, $0xb8;
	[tilespmem:$0x14100] =	vst v63  }
0x54: {  	s6 =	rddreg [dreg:$0x9]  }
0x55: {  	[tilespmem:s6], [sflag:$0x1] =	stream.indirect_vreg.gather [hbm4b:s5+s2], $0x80, v4, vm1, $0xb8;
	[tilespmem:$0x14100] =	vst v63  }
0x56: {  	s0 =	rddreg [dreg:$0xa]  }
0x57: {  	[tilespmem:s0], [sflag:$0x1] =	stream.indirect_vreg.gather [hbm4b:s3+s2], $0x80, v3, vm0, $0xb8;
	[tilespmem:$0x14100] =	vst v63  }
0x58: {  	s6 =	rddreg [dreg:$0xb]  }
0x59: {  	[tilespmem:s6], [sflag:$0x1] =	stream.indirect_vreg.gather [hbm4b:s5+s2], $0x80, v3, vm1, $0xb8;
	[tilespmem:$0x14100] =	vst v63  }
0x5a: {  	v3 =	vld [tilespmem:$0x20];
	_ =	sdelay $0x4  }
0x5b: {  	v50 =	vshrl.u32 v3, $0x3  }
0x5c: {  	v4 =	vmul.u32 $0x18, v50  }
0x5d: {  	v3 =	vand.u32 $0x7, v3  }
0x5e: {  	v3 =	vor.u32 v3, v4  }
0x5f: {  	v4 =	vperm.xlane v3, v0;
	_ =	sdelay $0x1  }
0x60: {  	v4 =	vadd.s32 v1, v4;
	_ =	sdelay $0x1  }
0x61: {  	v3 =	vperm.xlane v3, v2;
	_ =	sdelay $0x1  }
0x62: {  	s0 =	rddreg [dreg:$0xc];
	v3 =	vadd.s32 v1, v3  }
0x63: {  	[tilespmem:s0], [sflag:$0x1] =	stream.indirect_vreg.gather [hbm4b:s3+s2], $0x80, v4, vm0, $0xb8;
	[tilespmem:$0x14100] =	vst v63  }
0x64: {  	s6 =	rddreg [dreg:$0xd]  }
0x65: {  	[tilespmem:s6], [sflag:$0x1] =	stream.indirect_vreg.gather [hbm4b:s5+s2], $0x80, v4, vm1, $0xb8;
	[tilespmem:$0x14100] =	vst v63  }
0x66: {  	s0 =	rddreg [dreg:$0xe]  }
0x67: {  	[tilespmem:s0], [sflag:$0x1] =	stream.indirect_vreg.gather [hbm4b:s3+s2], $0x80, v3, vm0, $0xb8;
	[tilespmem:$0x14100] =	vst v63  }
0x68: {  	s6 =	rddreg [dreg:$0xf]  }
0x69: {  	[tilespmem:s6], [sflag:$0x1] =	stream.indirect_vreg.gather [hbm4b:s5+s2], $0x80, v3, vm1, $0xb8;
	[tilespmem:$0x14100] =	vst v63  }
0x6a: {  	v3 =	vld [tilespmem:$0x30];
	_ =	sdelay $0x4  }
0x6b: {  	v51 =	vshrl.u32 v3, $0x3  }
0x6c: {  	v4 =	vmul.u32 $0x18, v51  }
0x6d: {  	v3 =	vand.u32 $0x7, v3  }
0x6e: {  	v3 =	vor.u32 v3, v4  }
0x6f: {  	v4 =	vperm.xlane v3, v0;
	_ =	sdelay $0x1  }
0x70: {  	v4 =	vadd.s32 v1, v4;
	_ =	sdelay $0x1  }
0x71: {  	v3 =	vperm.xlane v3, v2;
	_ =	sdelay $0x1  }
0x72: {  	s0 =	rddreg [dreg:$0x10];
	v3 =	vadd.s32 v1, v3  }
0x73: {  	[tilespmem:s0], [sflag:$0x1] =	stream.indirect_vreg.gather [hbm4b:s3+s2], $0x80, v4, vm0, $0xb8;
	[tilespmem:$0x14100] =	vst v63  }
0x74: {  	s6 =	rddreg [dreg:$0x11]  }
0x75: {  	[tilespmem:s6], [sflag:$0x1] =	stream.indirect_vreg.gather [hbm4b:s5+s2], $0x80, v4, vm1, $0xb8;
	[tilespmem:$0x14100] =	vst v63  }
0x76: {  	s0 =	rddreg [dreg:$0x12]  }
0x77: {  	[tilespmem:s0], [sflag:$0x1] =	stream.indirect_vreg.gather [hbm4b:s3+s2], $0x80, v3, vm0, $0xb8;
	[tilespmem:$0x14100] =	vst v63  }
0x78: {  	s6 =	rddreg [dreg:$0x13]  }
0x79: {  	[tilespmem:s6], [sflag:$0x1] =	stream.indirect_vreg.gather [hbm4b:s5+s2], $0x80, v3, vm1, $0xb8;
	[tilespmem:$0x14100] =	vst v63  }
0x7a: {  	v3 =	vld [tilespmem:$0x40];
	_ =	sdelay $0x4  }
0x7b: {  	v52 =	vshrl.u32 v3, $0x3  }
0x7c: {  	v4 =	vmul.u32 $0x18, v52  }
0x7d: {  	v3 =	vand.u32 $0x7, v3  }
0x7e: {  	v3 =	vor.u32 v3, v4  }
0x7f: {  	v4 =	vperm.xlane v3, v0;
	_ =	sdelay $0x1  }
0x80: {  	v4 =	vadd.s32 v1, v4;
	_ =	sdelay $0x1  }
0x81: {  	v3 =	vperm.xlane v3, v2;
	_ =	sdelay $0x1  }
0x82: {  	s0 =	rddreg [dreg:$0x14];
	v3 =	vadd.s32 v1, v3  }
0x83: {  	[tilespmem:s0], [sflag:$0x1] =	stream.indirect_vreg.gather [hbm4b:s3+s2], $0x80, v4, vm0, $0xb8;
	[tilespmem:$0x14100] =	vst v63  }
0x84: {  	s6 =	rddreg [dreg:$0x15]  }
0x85: {  	[tilespmem:s6], [sflag:$0x1] =	stream.indirect_vreg.gather [hbm4b:s5+s2], $0x80, v4, vm1, $0xb8;
	[tilespmem:$0x14100] =	vst v63  }
0x86: {  	s0 =	rddreg [dreg:$0x16]  }
0x87: {  	[tilespmem:s0], [sflag:$0x1] =	stream.indirect_vreg.gather [hbm4b:s3+s2], $0x80, v3, vm0, $0xb8;
	[tilespmem:$0x14100] =	vst v63  }
0x88: {  	s6 =	rddreg [dreg:$0x17]  }
0x89: {  	[tilespmem:s6], [sflag:$0x1] =	stream.indirect_vreg.gather [hbm4b:s5+s2], $0x80, v3, vm1, $0xb8;
	[tilespmem:$0x14100] =	vst v63  }
0x8a: {  	v3 =	vld [tilespmem:$0x50];
	_ =	sdelay $0x4  }
0x8b: {  	v53 =	vshrl.u32 v3, $0x3  }
0x8c: {  	v4 =	vmul.u32 $0x18, v53  }
0x8d: {  	v3 =	vand.u32 $0x7, v3  }
0x8e: {  	v3 =	vor.u32 v3, v4  }
0x8f: {  	v4 =	vperm.xlane v3, v0;
	_ =	sdelay $0x1  }
0x90: {  	v4 =	vadd.s32 v1, v4;
	_ =	sdelay $0x1  }
0x91: {  	v3 =	vperm.xlane v3, v2;
	_ =	sdelay $0x1  }
0x92: {  	s0 =	rddreg [dreg:$0x18];
	v3 =	vadd.s32 v1, v3  }
0x93: {  	[tilespmem:s0], [sflag:$0x1] =	stream.indirect_vreg.gather [hbm4b:s3+s2], $0x80, v4, vm0, $0xb8;
	[tilespmem:$0x14100] =	vst v63  }
0x94: {  	s6 =	rddreg [dreg:$0x19]  }
0x95: {  	[tilespmem:s6], [sflag:$0x1] =	stream.indirect_vreg.gather [hbm4b:s5+s2], $0x80, v4, vm1, $0xb8;
	[tilespmem:$0x14100] =	vst v63  }
0x96: {  	s0 =	rddreg [dreg:$0x1a]  }
0x97: {  	[tilespmem:s0], [sflag:$0x1] =	stream.indirect_vreg.gather [hbm4b:s3+s2], $0x80, v3, vm0, $0xb8;
	[tilespmem:$0x14100] =	vst v63  }
0x98: {  	s6 =	rddreg [dreg:$0x1b]  }
0x99: {  	[tilespmem:s6], [sflag:$0x1] =	stream.indirect_vreg.gather [hbm4b:s5+s2], $0x80, v3, vm1, $0xb8;
	[tilespmem:$0x14100] =	vst v63  }
0x9a: {  	v3 =	vld [tilespmem:$0x60];
	_ =	sdelay $0x4  }
0x9b: {  	v54 =	vshrl.u32 v3, $0x3  }
0x9c: {  	v4 =	vmul.u32 $0x18, v54  }
0x9d: {  	v3 =	vand.u32 $0x7, v3  }
0x9e: {  	v3 =	vor.u32 v3, v4  }
0x9f: {  	v4 =	vperm.xlane v3, v0;
	_ =	sdelay $0x1  }
0xa0: {  	v4 =	vadd.s32 v1, v4;
	_ =	sdelay $0x1  }
0xa1: {  	v3 =	vperm.xlane v3, v2;
	_ =	sdelay $0x1  }
0xa2: {  	s0 =	rddreg [dreg:$0x1c];
	v3 =	vadd.s32 v1, v3  }
0xa3: {  	[tilespmem:s0], [sflag:$0x1] =	stream.indirect_vreg.gather [hbm4b:s3+s2], $0x80, v4, vm0, $0xb8;
	[tilespmem:$0x14100] =	vst v63  }
0xa4: {  	s6 =	rddreg [dreg:$0x1d]  }
0xa5: {  	[tilespmem:s6], [sflag:$0x1] =	stream.indirect_vreg.gather [hbm4b:s5+s2], $0x80, v4, vm1, $0xb8;
	[tilespmem:$0x14100] =	vst v63  }
0xa6: {  	s0 =	rddreg [dreg:$0x1e]  }
0xa7: {  	[tilespmem:s0], [sflag:$0x1] =	stream.indirect_vreg.gather [hbm4b:s3+s2], $0x80, v3, vm0, $0xb8;
	[tilespmem:$0x14100] =	vst v63  }
0xa8: {  	s6 =	rddreg [dreg:$0x1f]  }
0xa9: {  	[tilespmem:s6], [sflag:$0x1] =	stream.indirect_vreg.gather [hbm4b:s5+s2], $0x80, v3, vm1, $0xb8;
	[tilespmem:$0x14100] =	vst v63  }
0xaa: {  	v3 =	vld [tilespmem:$0x70];
	_ =	sdelay $0x4  }
0xab: {  	v55 =	vshrl.u32 v3, $0x3  }
0xac: {  	v4 =	vmul.u32 $0x18, v55  }
0xad: {  	v3 =	vand.u32 $0x7, v3  }
0xae: {  	v3 =	vor.u32 v3, v4  }
0xaf: {  	v4 =	vperm.xlane v3, v0;
	_ =	sdelay $0x1  }
0xb0: {  	v4 =	vadd.s32 v1, v4;
	_ =	sdelay $0x1  }
0xb1: {  	s0 =	sld [smem:$0x7F9];
	v3 =	vperm.xlane v3, v2;
	_ =	sdelay $0x1  }
0xb2: {  	s6 =	sld [smem:$0x7FA];
	v3 =	vadd.s32 v1, v3  }
0xb3: {  	[tilespmem:s0], [sflag:$0x1] =	stream.indirect_vreg.gather [hbm4b:s3+s2], $0x80, v4, vm0, $0xb8;
	[tilespmem:$0x14100] =	vst v63  }
0xb4: {  	s0 =	sld [smem:$0x7FB]  }
0xb5: {  	[tilespmem:s6], [sflag:$0x1] =	stream.indirect_vreg.gather [hbm4b:s5+s2], $0x80, v4, vm1, $0xb8;
	[tilespmem:$0x14100] =	vst v63  }
0xb6: {  	s6 =	sld [smem:$0x7FC]  }
0xb7: {  	[tilespmem:s0], [sflag:$0x1] =	stream.indirect_vreg.gather [hbm4b:s3+s2], $0x80, v3, vm0, $0xb8;
	[tilespmem:$0x14100] =	vst v63  }
0xb8: {  	_ = 	snop  }
0xb9: {  	[tilespmem:s6], [sflag:$0x1] =	stream.indirect_vreg.gather [hbm4b:s5+s2], $0x80, v3, vm1, $0xb8;
	[tilespmem:$0x14100] =	vst v63  }
0xba: {  	v3 =	vld [tilespmem:$0x80];
	_ =	sdelay $0x4  }
0xbb: {  	v56 =	vshll.u32 v3, $0x1  }
0xbc: {  	v3 =	vand.u32 $0x7, v3;
	v4 =	vand.u32 $0xFFFFFFF0, v56  }
0xbd: {  	v3 =	vor.u32 v3, v4  }
0xbe: {  	v4 =	vperm.xlane v3, v0;
	_ =	sdelay $0x1  }
0xbf: {  	v3 =	vperm.xlane v3, v2;
	v4 =	vadd.s32 v1, v4;
	_ =	sdelay $0x1  }
0xc0: {  	v3 =	vadd.s32 v1, v3;
	_ =	sdelay $0x1  }
0xc1: {  	s6 =	sld [smem:$0x7FD]  }
0xc2: {  	[tilespmem:s11], [sflag:$0x2] =	stream.indirect_vreg.gather [hbm4b:s4+s2], $0x80, v4, vm0, $0xb8;
	[tilespmem:$0x14100] =	vst v63  }
0xc3: {  	_ = 	snop  }
0xc4: {  	[tilespmem:s6], [sflag:$0x2] =	stream.indirect_vreg.gather [hbm4b:s4+s2], $0x80, v3, vm0, $0xb8;
	[tilespmem:$0x14100] =	vst v63  }
0xc5: {  	v3 =	vld [tilespmem:$0x90];
	_ =	sdelay $0x4  }
0xc6: {  	v57 =	vshll.u32 v3, $0x1  }
0xc7: {  	v3 =	vand.u32 $0x7, v3;
	v4 =	vand.u32 $0xFFFFFFF0, v57  }
0xc8: {  	v3 =	vor.u32 v3, v4  }
0xc9: {  	v4 =	vperm.xlane v3, v0;
	_ =	sdelay $0x1  }
0xca: {  	v3 =	vperm.xlane v3, v2;
	v4 =	vadd.s32 v1, v4;
	_ =	sdelay $0x1  }
0xcb: {  	v3 =	vadd.s32 v1, v3;
	_ =	sdelay $0x2  }
0xcc: {  	[tilespmem:s12], [sflag:$0x2] =	stream.indirect_vreg.gather [hbm4b:s4+s2], $0x80, v4, vm0, $0xb8;
	[tilespmem:$0x14100] =	vst v63  }
0xcd: {  	_ = 	snop  }
0xce: {  	[tilespmem:s13], [sflag:$0x2] =	stream.indirect_vreg.gather [hbm4b:s4+s2], $0x80, v3, vm0, $0xb8;
	[tilespmem:$0x14100] =	vst v63  }
0xcf: {  	v3 =	vld [tilespmem:$0xA0];
	_ =	sdelay $0x4  }
0xd0: {  	v58 =	vshll.u32 v3, $0x1  }
0xd1: {  	v3 =	vand.u32 $0x7, v3;
	v4 =	vand.u32 $0xFFFFFFF0, v58  }
0xd2: {  	v3 =	vor.u32 v3, v4  }
0xd3: {  	v4 =	vperm.xlane v3, v0;
	_ =	sdelay $0x1  }
0xd4: {  	v3 =	vperm.xlane v3, v2;
	v4 =	vadd.s32 v1, v4;
	_ =	sdelay $0x1  }
0xd5: {  	v3 =	vadd.s32 v1, v3;
	_ =	sdelay $0x2  }
0xd6: {  	[tilespmem:s14], [sflag:$0x2] =	stream.indirect_vreg.gather [hbm4b:s4+s2], $0x80, v4, vm0, $0xb8;
	[tilespmem:$0x14100] =	vst v63  }
0xd7: {  	_ = 	snop  }
0xd8: {  	[tilespmem:s15], [sflag:$0x2] =	stream.indirect_vreg.gather [hbm4b:s4+s2], $0x80, v3, vm0, $0xb8;
	[tilespmem:$0x14100] =	vst v63  }
0xd9: {  	v3 =	vld [tilespmem:$0xB0];
	_ =	sdelay $0x4  }
0xda: {  	v59 =	vshll.u32 v3, $0x1  }
0xdb: {  	v3 =	vand.u32 $0x7, v3;
	v4 =	vand.u32 $0xFFFFFFF0, v59  }
0xdc: {  	v3 =	vor.u32 v3, v4  }
0xdd: {  	v4 =	vperm.xlane v3, v0;
	_ =	sdelay $0x1  }
0xde: {  	v3 =	vperm.xlane v3, v2;
	v4 =	vadd.s32 v1, v4;
	_ =	sdelay $0x1  }
0xdf: {  	v3 =	vadd.s32 v1, v3;
	_ =	sdelay $0x2  }
0xe0: {  	[tilespmem:s16], [sflag:$0x2] =	stream.indirect_vreg.gather [hbm4b:s4+s2], $0x80, v4, vm0, $0xb8;
	[tilespmem:$0x14100] =	vst v63  }
0xe1: {  	_ = 	snop  }
0xe2: {  	[tilespmem:s17], [sflag:$0x2] =	stream.indirect_vreg.gather [hbm4b:s4+s2], $0x80, v3, vm0, $0xb8;
	[tilespmem:$0x14100] =	vst v63  }
0xe3: {  	v3 =	vld [tilespmem:$0xC0];
	_ =	sdelay $0x4  }
0xe4: {  	v60 =	vshll.u32 v3, $0x1  }
0xe5: {  	v3 =	vand.u32 $0x7, v3;
	v4 =	vand.u32 $0xFFFFFFF0, v60  }
0xe6: {  	v3 =	vor.u32 v3, v4  }
0xe7: {  	v4 =	vperm.xlane v3, v0;
	_ =	sdelay $0x1  }
0xe8: {  	v3 =	vperm.xlane v3, v2;
	v4 =	vadd.s32 v1, v4;
	_ =	sdelay $0x1  }
0xe9: {  	v3 =	vadd.s32 v1, v3;
	_ =	sdelay $0x2  }
0xea: {  	[tilespmem:s18], [sflag:$0x2] =	stream.indirect_vreg.gather [hbm4b:s4+s2], $0x80, v4, vm0, $0xb8;
	[tilespmem:$0x14100] =	vst v63  }
0xeb: {  	_ = 	snop  }
0xec: {  	[tilespmem:s19], [sflag:$0x2] =	stream.indirect_vreg.gather [hbm4b:s4+s2], $0x80, v3, vm0, $0xb8;
	[tilespmem:$0x14100] =	vst v63  }
0xed: {  	v3 =	vld [tilespmem:$0xD0];
	_ =	sdelay $0x4  }
0xee: {  	v61 =	vshll.u32 v3, $0x1  }
0xef: {  	v3 =	vand.u32 $0x7, v3;
	v4 =	vand.u32 $0xFFFFFFF0, v61  }
0xf0: {  	v3 =	vor.u32 v3, v4  }
0xf1: {  	v4 =	vperm.xlane v3, v0;
	_ =	sdelay $0x1  }
0xf2: {  	v3 =	vperm.xlane v3, v2;
	v4 =	vadd.s32 v1, v4;
	_ =	sdelay $0x1  }
0xf3: {  	v3 =	vadd.s32 v1, v3;
	_ =	sdelay $0x2  }
0xf4: {  	[tilespmem:s20], [sflag:$0x2] =	stream.indirect_vreg.gather [hbm4b:s4+s2], $0x80, v4, vm0, $0xb8;
	[tilespmem:$0x14100] =	vst v63  }
0xf5: {  	_ = 	snop  }
0xf6: {  	[tilespmem:s21], [sflag:$0x2] =	stream.indirect_vreg.gather [hbm4b:s4+s2], $0x80, v3, vm0, $0xb8;
	[tilespmem:$0x14100] =	vst v63  }
0xf7: {  	v3 =	vld [tilespmem:$0xE0];
	_ =	sdelay $0x4  }
0xf8: {  	v62 =	vshll.u32 v3, $0x1  }
0xf9: {  	v3 =	vand.u32 $0x7, v3;
	v4 =	vand.u32 $0xFFFFFFF0, v62  }
0xfa: {  	v3 =	vor.u32 v3, v4  }
0xfb: {  	v4 =	vperm.xlane v3, v0;
	_ =	sdelay $0x1  }
0xfc: {  	v3 =	vperm.xlane v3, v2;
	v4 =	vadd.s32 v1, v4;
	_ =	sdelay $0x1  }
0xfd: {  	v3 =	vadd.s32 v1, v3;
	_ =	sdelay $0x2  }
0xfe: {  	[tilespmem:s22], [sflag:$0x2] =	stream.indirect_vreg.gather [hbm4b:s4+s2], $0x80, v4, vm0, $0xb8;
	[tilespmem:$0x14100] =	vst v63  }
0xff: {  	_ = 	snop  }
0x100: {  	[tilespmem:s23], [sflag:$0x2] =	stream.indirect_vreg.gather [hbm4b:s4+s2], $0x80, v3, vm0, $0xb8;
	[tilespmem:$0x14100] =	vst v63  }
0x101: {  	v3 =	vld [tilespmem:$0xF0];
	_ =	sdelay $0x4  }
0x102: {  	v63 =	vshll.u32 v3, $0x1  }
0x103: {  	v3 =	vand.u32 $0x7, v3;
	v4 =	vand.u32 $0xFFFFFFF0, v63  }
0x104: {  	v3 =	vor.u32 v3, v4  }
0x105: {  	v4 =	vperm.xlane v3, v0;
	_ =	sdelay $0x1  }
0x106: {  	v3 =	vperm.xlane v3, v2;
	v4 =	vadd.s32 v1, v4;
	_ =	sdelay $0x1  }
0x107: {  	v3 =	vadd.s32 v1, v3;
	_ =	sdelay $0x2  }
0x108: {  	[tilespmem:s24], [sflag:$0x2] =	stream.indirect_vreg.gather [hbm4b:s4+s2], $0x80, v4, vm0, $0xb8;
	[tilespmem:$0x14100] =	vst v63  }
0x109: {  	_ = 	snop  }
0x10a: {  	[tilespmem:s25], [sflag:$0x2] =	stream.indirect_vreg.gather [hbm4b:s4+s2], $0x80, v3, vm0, $0xb8;
	[tilespmem:$0x14100] =	vst v63  }
0x10b: {  	_ =	swait.ge [sflag:s26], $0xC000  }
0x10c: {  	[sflag:s26] =	ssyncset.done $0x0  }
0x10d: {  	[sflag:s26] =	ssyncadd.s32 $0xFFFF4000  }
0x10e: {  	_ =	swait.ge [sflag:s28], $0x8000  }
0x10f: {  	[sflag:s28] =	ssyncset.done $0x0  }
0x110: {  	[sflag:s28] =	ssyncadd.s32 $0xFFFF8000  }
0x111: {  	[hbm4b:s30+s2] =	stream.linear.scatter [tilespmem:s10], [sflag:$0x3], $0xC000, $0x38;
	[tilespmem:$0x14100] =	vst v63  }
0x112: {  	_ =	swait.ge [sflag:s9], $0xC000  }
0x113: {  	p0 =	sne.s32 s1, $0x270;
	[sflag:s9] =	ssyncset.done $0x0  }
.Ltmp0:
0x114: {  	[sflag:s9] =	ssyncadd.s32 $0xFFFF4000;
	(pc) =	sbr.rel @p0 .LBB2_2-.Ltmp0, $4  }
0x115: {  	[hbm4b:s31+s2] =	stream.linear.scatter [tilespmem:s11], [sflag:$0x3], $0x8000, $0x38;
	[tilespmem:$0x14100] =	vst v63  }
0x116: {  	_ =	swait.ge [sflag:s9], $0x8000  }
0x117: {  	s1 =	sadd.s32 $0x10, s1;
	[sflag:s9] =	ssyncset.done $0x0  }
0x118: {  	s30 =	sadd.s32 $0x1800, s30;
	s31 =	sadd.s32 $0x1000, s31;
	[sflag:s9] =	ssyncadd.s32 $0xFFFF8000  }
0x119: {  	s0 =	sld [smem:$0x7F8];
	_ =	sdelay $0x1  }
0x11a: {  	s29 =	sadd.s32 $0x1, s29  }
0x11b: {  	p0 =	sne.s32 s29, s0  }
.Ltmp1:
0x11c: {  	_ = 	snop;
	(pc) =	sbr.rel @p0 .LBB2_1-.Ltmp1, $1  }
0x11d: {  	_ =	sdelay $0x3  }
0x11e: {  	_ =	sfence.sel $0x180000  }
0x11f: {  	[bflag:$0x0] =	sbarrier.arrive $0xFFFF  }
0x120: {  	_ =	strace $0x9000005F  }
0x121: {  	s0 =	stileid.u32;
	[bflag:$0x2] =	sbarrier.arrive $0xFFFF  }
0x122: {  	p0 =	sne.s32 s0, $0x0;
	s0 =	rddreg [dreg:$0x1]  }
0x123: {  	s0 =	sadd.s32 @!p0 $0x100000, s0  }
0x124: {  	[sflag:s0] =	ssyncadd.tile.s32 @!p0 $0x1;
	_ =	shalt  }
.Lfunc_end2:
_tile_overlayer_lowered:
.L_overlay_start_2:
0x125: {  	(tag) =	ssettag $0x2  }
0x126: {  	s0 =	rddreg [dreg:$0x0];
	s2 =	stileid.u32  }
0x127: {  	s1 =	rddreg [dreg:$0x1];
	p0 =	sne.s32 s2, $0x0  }
0x128: {  	s3 =	rddreg [dreg:$0x2];
	[bflag:$0x3] =	sbarrier.arrive $0xFFFF;
	s2 =	simm.s32 @!p0 $0x1C03  }
0x129: {  	[timem:s3], [sflag:s2] =	dma.local @!p0 [hbm:s0], s1  }
0x12a: {  	s0 =	simm.s32 @!p0 $0x3  }
0x12b: {  	_ =	swait.ge @!p0 [sflag:s0], s1  }
0x12c: {  	s1 =	ssub.s32 @!p0 $0x0, s1;
	[sflag:s0] =	ssyncset.done @!p0 $0x0  }
0x12d: {  	[sflag:s0] =	ssyncadd.s32 @!p0 s1  }
0x12e: {  	[bflag:$0x3] =	sbarrier.arrive $0xFFFF  }
0x12f: {  	_ =	shalt  }

// kernel: kernel.57.cloned.1.call-start
scs
__scs_entry_jumppad:
0x0: {  	(pc) =	sbr.rel $0x88, $3  }
0x1: {  	(tag) =	ssettag $0x0;
	lr =	simm.s32 $0x1  }
0x2: {  	[smem:$0x3F80] =	sst lr;
	_ =	strace $0xD0000000  }
0x3: {  	_ = 	snop  }
0x4: {  	_ = 	snop  }
0x5: {  	_ = 	snop  }
0x6: {  	_ = 	snop  }
0x7: {  	_ = 	snop  }
__scs_overlays_trampoline_lowered:
0x8: {  	[smem:$0x3F8F] =	sst s0  }
0x9: {  	[smem:$0x3F90] =	sst s1  }
0xa: {  	[smem:$0x3F91] =	sst s2  }
0xb: {  	[smem:$0x3F92] =	sst s3  }
0xc: {  	[smem:$0x3F93] =	sst s4  }
0xd: {  	[smem:$0x3F94] =	sst s5  }
0xe: {  	[smem:$0x3F95] =	sst s6  }
0xf: {  	[smem:$0x3F96] =	sst s7  }
0x10: {  	[smem:$0x3F97] =	sst s8  }
0x11: {  	[smem:$0x3F98] =	sst s9;
	s0 =	simm.s32 @!p0 $0x0  }
0x12: {  	s1 =	sld [smem:$0x3F7E];
	s0 =	simm.s32 @p0 $0x1  }
0x13: {  	[smem:$0x3F99] =	sst s0;
	s0 =	simm.s32 @!p1 $0x0  }
0x14: {  	s2 =	sld [smem:$0x3F7D];
	s0 =	simm.s32 @p1 $0x1  }
0x15: {  	[smem:$0x3F9A] =	sst s0;
	s0 =	simm.s32 @!p2 $0x0  }
0x16: {  	s3 =	sld [smem:$0x3FDB];
	s0 =	simm.s32 @p2 $0x1  }
0x17: {  	s4 =	simm.s32 $0x1BF5;
	[smem:$0x3F9C] =	sst s0  }
0x18: {  	s0 =	sld [smem:$0x3F7F];
	_ =	swait.ge [sflag:s4], $0x0  }
0x19: {  	s7 =	sld [smem:$0x3F80]  }
0x1a: {  	s8 =	sadd.s32 $0xFFFFE003, lr  }
0x1b: {  	s9 =	sadd.s32 $0xFFFFFEF7, lr;
	s5 =	simm.s32 $0xFFFFFFFF;
	p2 =	slt.u32 s8, $0xFFFFF086  }
0x1c: {  	p1 =	slt.u32 s9, $0xF7A;
	s5 =	simm.s32 @!p2 $0x0  }
0x1d: {  	s5 =	simm.s32 @p1 $0x1;
	p0 =	seq.s32 s7, s2  }
0x1e: {  	s7 =	smul.u32 @!p0 $0xF7A, s2;
	p2 =	seq.s32 @!p0 s5, $0x0  }
0x1f: {  	s9 =	smul.u32 $0xF7A, s1;
	s8 =	simm.s32 @!p0 $0x1BF5;
	p2 =	por !p2, p0  }
0x20: {  	[sflag:s8] =	ssyncset.s32 @!p0 $0xFFFFF086;
	s6 =	sadd.s32 @!p0 s3, s7;
	s7 =	simm.s32 @!p0 $0x108  }
0x21: {  	s3 =	sadd.s32 s3, s9;
	s6 =	sadd.s32 @!p0 $0x88, s6;
	s7 =	simm.s32 @p2 $0x1082  }
0x22: {  	[simem:s7], [sflag:s8] =	dma.local @!p0 [hbm:s6], $0xF7A  }
0x23: {  	s9 =	sor.u32 $0xD0000000, s2;
	s6 =	simm.s32 $0x108;
	_ =	swait.ge @!p0 [sflag:s8], $0x0  }
0x24: {  	s3 =	sadd.s32 $0x88, s3;
	s6 =	simm.s32 @!p1 $0x1082;
	[sflag:s4] =	ssyncset.s32 $0xFFFFF086  }
0x25: {  	[simem:s6], [sflag:s4] =	dma.local [hbm:s3], $0xF7A  }
0x26: {  	[smem:$0x3F80] =	sst s1;
	(tag) =	ssettag s2;
	_ =	strace s9  }
0x27: {  	s1 =	sld [smem:$0x3F90]  }
0x28: {  	s2 =	sld [smem:$0x3F91]  }
0x29: {  	s4 =	sld [smem:$0x3F93]  }
0x2a: {  	p0 =	seq.s32 s5, $0x0;
	s5 =	sld [smem:$0x3F94]  }
0x2b: {  	s6 =	sld [smem:$0x3F95]  }
0x2c: {  	s7 =	sld [smem:$0x3F96]  }
0x2d: {  	s3 =	simm.s32 $0x108;
	s8 =	sld [smem:$0x3F97]  }
0x2e: {  	s3 =	simm.s32 @!p0 $0x1082;
	s9 =	sld [smem:$0x3F98]  }
0x2f: {  	lr =	sadd.s32 s0, s3;
	s0 =	sld [smem:$0x3F8F]  }
0x30: {  	s3 =	sld [smem:$0x3F92]  }
0x31: {  	[smem:$0x3F9B] =	sst s10  }
0x32: {  	s10 =	sld [smem:$0x3F99];
	_ =	sdelay $0x3  }
0x33: {  	p0 =	seq.s32 s10, $0x1;
	s10 =	sld [smem:$0x3F9B];
	_ =	sdelay $0x3  }
0x34: {  	[smem:$0x3F9B] =	sst s10  }
0x35: {  	s10 =	sld [smem:$0x3F9A];
	_ =	sdelay $0x3  }
0x36: {  	p1 =	seq.s32 s10, $0x1;
	s10 =	sld [smem:$0x3F9B];
	_ =	sdelay $0x3  }
0x37: {  	[smem:$0x3F9B] =	sst s10  }
0x38: {  	s10 =	sld [smem:$0x3F9C]  }
0x39: {  	_ = 	snop;
	(pc) =	sbr.ind lr, $3  }
0x3a: {  	_ = 	snop  }
0x3b: {  	_ = 	snop  }
0x3c: {  	p2 =	seq.s32 s10, $0x1;
	s10 =	sld [smem:$0x3F9B]  }
0x3d: {  	_ =	shalt  }
0x3e: {  	_ =	shalt  }
0x3f: {  	_ =	shalt  }
0x40: {  	_ =	shalt  }
0x41: {  	_ =	shalt  }
0x42: {  	_ =	shalt  }
0x43: {  	_ =	shalt  }
0x44: {  	_ =	shalt  }
0x45: {  	_ =	shalt  }
0x46: {  	_ =	shalt  }
0x47: {  	_ =	shalt  }
0x48: {  	_ =	shalt  }
0x49: {  	_ =	shalt  }
0x4a: {  	_ =	shalt  }
0x4b: {  	_ =	shalt  }
0x4c: {  	_ =	shalt  }
0x4d: {  	_ =	shalt  }
0x4e: {  	_ =	shalt  }
0x4f: {  	_ =	shalt  }
0x50: {  	_ =	shalt  }
0x51: {  	_ =	shalt  }
0x52: {  	_ =	shalt  }
0x53: {  	_ =	shalt  }
0x54: {  	_ =	shalt  }
0x55: {  	_ =	shalt  }
0x56: {  	_ =	shalt  }
0x57: {  	_ =	shalt  }
0x58: {  	_ =	shalt  }
0x59: {  	_ =	shalt  }
0x5a: {  	_ =	shalt  }
0x5b: {  	_ =	shalt  }
0x5c: {  	_ =	shalt  }
0x5d: {  	_ =	shalt  }
0x5e: {  	_ =	shalt  }
0x5f: {  	_ =	shalt  }
0x60: {  	_ =	shalt  }
0x61: {  	_ =	shalt  }
0x62: {  	_ =	shalt  }
0x63: {  	_ =	shalt  }
0x64: {  	_ =	shalt  }
0x65: {  	_ =	shalt  }
0x66: {  	_ =	shalt  }
0x67: {  	_ =	shalt  }
0x68: {  	_ =	shalt  }
0x69: {  	_ =	shalt  }
0x6a: {  	_ =	shalt  }
0x6b: {  	_ =	shalt  }
0x6c: {  	_ =	shalt  }
0x6d: {  	_ =	shalt  }
0x6e: {  	_ =	shalt  }
0x6f: {  	_ =	shalt  }
0x70: {  	_ =	shalt  }
0x71: {  	_ =	shalt  }
0x72: {  	_ =	shalt  }
0x73: {  	_ =	shalt  }
0x74: {  	_ =	shalt  }
0x75: {  	_ =	shalt  }
0x76: {  	_ =	shalt  }
0x77: {  	_ =	shalt  }
0x78: {  	_ =	shalt  }
0x79: {  	_ =	shalt  }
0x7a: {  	_ =	shalt  }
0x7b: {  	_ =	shalt  }
0x7c: {  	_ =	shalt  }
0x7d: {  	_ =	shalt  }
0x7e: {  	_ =	shalt  }
0x7f: {  	_ =	shalt  }
0x80: {  	_ =	shalt  }
0x81: {  	_ =	shalt  }
0x82: {  	_ =	shalt  }
0x83: {  	_ =	shalt  }
0x84: {  	_ =	shalt  }
0x85: {  	_ =	shalt  }
0x86: {  	_ =	shalt  }
0x87: {  	_ =	shalt  }
.Lfunc_end0:
.L_simem_size_0:
called_computation.9_lowered:
.L_overlay_start_0:
0x88: {  	s0 =	sld [smem:$0x3FD9]  }
0x89: {  	s1 =	sld [smem:$0x3FFE];
	_ =	sdelay $0x3  }
0x8a: {  	s0 =	sadd.s32 s1, s0  }
0x8b: {  	[smem:$0x3FA7] =	sst s0  }
0x8c: {  	_ = 	snop  }
0x8d: {  	(tm) =	ssettm $0x1  }
0x8e: {  	s15 =	sld [smem:$0x3FFB];
	_ =	sdelay $0x3  }
0x8f: {  	_ =	strace s15  }
0x90: {  	s0 =	sld [smem:$0x3FFC];
	_ =	sdelay $0x3  }
0x91: {  	_ =	strace s0  }
0x92: {  	s0 =	sld [smem:$0x3FFD];
	_ =	sdelay $0x3  }
0x93: {  	_ =	strace s0  }
0x94: {  	_ =	strace $0x8FFFFFFF  }
0x95: {  	s16 =	sld [smem:$0x3FDB];
	_ =	sdelay $0x1  }
0x96: {  	s17 =	simm.s32 $_scs_section_size  }
0x97: {  	s2 =	simm.s32 $_size__tile_overlayer_lowered;
	s3 =	simm.s32 $_tile_overlayer_lowered  }
0x98: {  	s20 =	simm.s32 $0x1BFF;
	s19 =	sshll.u32 s3, $0x1;
	s0 =	sadd.s32 s17, s16  }
0x99: {  	s4 =	simm.s32 $0x0;
	s18 =	sshll.u32 s2, $0x1;
	s2 =	sadd.s32 s19, s0  }
0x9a: {  	[timem:s4], [sflag:s20] =	dma.local [hbm:s2], s18  }
0x9b: {  	_ =	swait.ge [sflag:s20], s18  }
0x9c: {  	s1 =	ssub.s32 $0x0, s18;
	[sflag:s20] =	ssyncset.done $0x0  }
0x9d: {  	[sflag:s20] =	ssyncadd.s32 s1;
	_ =	sdelay $0x1  }
0x9e: {  	s21 =	simm.s32 $0x1B8B  }
0x9f: {  	_ =	swait.ge [sflag:s21], $0x1  }
0xa0: {  	[sflag:s21] =	ssyncset.done $0x0  }
0xa1: {  	s23 =	simm.s32 $0x1B8E;
	s22 =	sld [smem:$0x3FFE];
	[sflag:s21] =	ssyncadd.s32 $0xFFFFFFFF  }
0xa2: {  	s24 =	simm.s32 $execute0_lowered;
	[smem:$0x3FD2] =	sst s23  }
0xa3: {  	s2 =	sshll.u32 s24, $0x1;
	_ =	strace $0x80000061;
	[dreg:$0x1] =	wrdreg $0xFFFFFFFF  }
0xa4: {  	s25 =	simm.s32 $_size_execute0_lowered;
	s0 =	sadd.s32 s0, s2;
	[dreg:$0x0] =	wrdreg $0x0  }
0xa5: {  	s2 =	sshll.u32 s25, $0x1;
	[dreg:$0x2] =	wrdreg s0  }
0xa6: {  	[dreg:$0x3] =	wrdreg s2  }
0xa7: {  	[dreg:$0x4] =	wrdreg $0xC0  }
0xa8: {  	_ =	task [dreg:s4], $0x5FFFF  }
0xa9: {  	[dreg:$0x1] =	wrdreg $0xFFFFFFFF  }
0xaa: {  	[dreg:$0x0] =	wrdreg $0x60  }
0xab: {  	[dreg:$0x2] =	wrdreg s22  }
0xac: {  	[dreg:$0x3] =	wrdreg $0x60800  }
0xad: {  	[dreg:$0x4] =	wrdreg $0x9  }
0xae: {  	_ =	task.clear_ibuf [dreg:s4], $0x5FFFF;
	_ =	strace $0x90000061  }
0xaf: {  	s26 =	simm.s32 $0x9;
	_ =	strace $0x80000063  }
0xb0: {  	_ =	swait.ge [sflag:s26], $0x1  }
0xb1: {  	[sflag:s26] =	ssyncadd.s32 $0xFFFFFFFF  }
0xb2: {  	_ =	strace $0x90000063  }
0xb3: {  	_ =	sfence  }
0xb4: {  	s28 =	sld [smem:$0x0];
	_ =	sdelay $0x1  }
0xb5: {  	s29 =	srdreg.scid  }
0xb6: {  	s30 =	sshll.u32 s29, $0xD;
	s31 =	sshrl.u32 s29, $0x2  }
0xb7: {  	s1 =	sand.u32 $0x1, s29;
	s2 =	sand.u32 $0x4000, s30;
	s0 =	sadd.s32 s31, s28  }
0xb8: {  	s1 =	sor.u32 s2, s1;
	s0 =	sshll.u32 s0, $0x11  }
0xb9: {  	s0 =	sor.u32 s0, s1  }
0xba: {  	s0 =	sadd.s32 $0x8F2B, s0  }
0xbb: {  	[sflag:s0] =	ssyncadd.remote.s32 $0x1  }
0xbc: {  	_ =	sfence.sel $0xFFFF  }
0xbd: {  	[dreg:$0x0] =	wrdreg $0xFFFFFFFF;
	(pc) =	sbr.abs _section_cstart, $3  }
0xbe: {  	[dreg:$0x1] =	wrdreg $0xFFFFFFFF  }
0xbf: {  	_ =	task.clear_ibuf [dreg:s4], $0x2FFFF;
	_ =	strace $0x9FFFFFFF  }
0xc0: {  	(tm) =	ssettm $0x7FFFFFFF  }
0xc1: {  	_ =	shalt  }
tec
execute0_lowered:
.L_overlay_start_1:
0x0: {  	(tag) =	ssettag $0x1  }
0x1: {  	s3 =	rddreg [dreg:$0x0]  }
0x2: {  	s2 =	rddreg [dreg:$0x1]  }
0x3: {  	s0 =	rddreg [dreg:$0x2];
	s4 =	simm.s32 $0x0  }
0x4: {  	s7 =	simm.s32 $0x4080;
	[smem:$0x7FF] =	sst s4  }
0x5: {  	s1 =	stileid.u32;
	s5 =	sadd.s32 $0x100AA00, s3;
	_ =	strace $0x80000062  }
0x6: {  	[tilespmem:s7], [sflag:$0x1] =	stream.linear.gather [hbm4b:s5+s4], $0x2000, $0x38;
	[tilespmem:$0x1A080] =	vst v63  }
0x7: {  	s6 =	smul.u32 $0x50000, s1;
	s5 =	simm.s32 $0x1  }
0x8: {  	_ =	swait.ge [sflag:s5], $0x2000  }
0x9: {  	s6 =	sshrl.u32 s6, $0x2;
	[sflag:s5] =	ssyncset.done $0x0  }
0xa: {  	s6 =	sadd.s32 s6, s2;
	[sflag:s5] =	ssyncadd.s32 $0xFFFFE000  }
0xb: {  	[spmem:s6] =	stream.linear.scatter [tilespmem:s7], [sflag:$0x1], $0x2000, $0x38;
	[tilespmem:$0x1A080] =	vst v63  }
0xc: {  	_ =	swait.ge [sflag:s5], $0x2000  }
0xd: {  	[sflag:s5] =	ssyncset.done $0x0  }
0xe: {  	s8 =	sadd.s32 $0x2000, s6;
	[sflag:s5] =	ssyncadd.s32 $0xFFFFE000  }
0xf: {  	[spmem:s8] =	stream.linear.scatter [tilespmem:s7], [sflag:$0x1], $0x2000, $0x38;
	[tilespmem:$0x1A080] =	vst v63  }
0x10: {  	_ =	swait.ge [sflag:s5], $0x2000  }
0x11: {  	[sflag:s5] =	ssyncset.done $0x0  }
0x12: {  	s20 =	sadd.s32 $0x4000, s6;
	[sflag:s5] =	ssyncadd.s32 $0xFFFFE000  }
0x13: {  	[spmem:s20] =	stream.linear.scatter [tilespmem:s7], [sflag:$0x1], $0x2000, $0x38;
	[tilespmem:$0x1A080] =	vst v63  }
0x14: {  	_ =	swait.ge [sflag:s5], $0x2000  }
0x15: {  	[sflag:s5] =	ssyncset.done $0x0  }
0x16: {  	s21 =	sadd.s32 $0x6000, s6;
	[sflag:s5] =	ssyncadd.s32 $0xFFFFE000  }
0x17: {  	[spmem:s21] =	stream.linear.scatter [tilespmem:s7], [sflag:$0x1], $0x2000, $0x38;
	[tilespmem:$0x1A080] =	vst v63  }
0x18: {  	_ =	swait.ge [sflag:s5], $0x2000  }
0x19: {  	[sflag:s5] =	ssyncset.done $0x0  }
0x1a: {  	s22 =	sadd.s32 $0x8000, s6;
	[sflag:s5] =	ssyncadd.s32 $0xFFFFE000  }
0x1b: {  	[spmem:s22] =	stream.linear.scatter [tilespmem:s7], [sflag:$0x1], $0x2000, $0x38;
	[tilespmem:$0x1A080] =	vst v63  }
0x1c: {  	_ =	swait.ge [sflag:s5], $0x2000  }
0x1d: {  	[sflag:s5] =	ssyncset.done $0x0  }
0x1e: {  	s23 =	sadd.s32 $0xA000, s6;
	[sflag:s5] =	ssyncadd.s32 $0xFFFFE000  }
0x1f: {  	[spmem:s23] =	stream.linear.scatter [tilespmem:s7], [sflag:$0x1], $0x2000, $0x38;
	[tilespmem:$0x1A080] =	vst v63  }
0x20: {  	_ =	swait.ge [sflag:s5], $0x2000  }
0x21: {  	[sflag:s5] =	ssyncset.done $0x0  }
0x22: {  	s24 =	sadd.s32 $0xC000, s6;
	[sflag:s5] =	ssyncadd.s32 $0xFFFFE000  }
0x23: {  	[spmem:s24] =	stream.linear.scatter [tilespmem:s7], [sflag:$0x1], $0x2000, $0x38;
	[tilespmem:$0x1A080] =	vst v63  }
0x24: {  	_ =	swait.ge [sflag:s5], $0x2000  }
0x25: {  	[sflag:s5] =	ssyncset.done $0x0  }
0x26: {  	s25 =	sadd.s32 $0xE000, s6;
	[sflag:s5] =	ssyncadd.s32 $0xFFFFE000  }
0x27: {  	[spmem:s25] =	stream.linear.scatter [tilespmem:s7], [sflag:$0x1], $0x2000, $0x38;
	[tilespmem:$0x1A080] =	vst v63  }
0x28: {  	_ =	swait.ge [sflag:s5], $0x2000  }
0x29: {  	[sflag:s5] =	ssyncset.done $0x0  }
0x2a: {  	s26 =	sadd.s32 $0x10000, s6;
	[sflag:s5] =	ssyncadd.s32 $0xFFFFE000  }
0x2b: {  	[spmem:s26] =	stream.linear.scatter [tilespmem:s7], [sflag:$0x1], $0x2000, $0x38;
	[tilespmem:$0x1A080] =	vst v63  }
0x2c: {  	_ =	swait.ge [sflag:s5], $0x2000  }
0x2d: {  	[sflag:s5] =	ssyncset.done $0x0  }
0x2e: {  	s28 =	smul.u32 $0x500, s1;
	s9 =	sadd.s32 $0x12000, s6;
	[sflag:s5] =	ssyncadd.s32 $0xFFFFE000  }
0x2f: {  	[spmem:s9] =	stream.linear.scatter [tilespmem:s7], [sflag:$0x1], $0x2000, $0x38;
	[tilespmem:$0x1A080] =	vst v63  }
0x30: {  	_ =	swait.ge [sflag:s5], $0x2000  }
0x31: {  	s29 =	sadd.s32 s28, s3;
	[sflag:s5] =	ssyncset.done $0x0  }
0x32: {  	s9 =	sadd.s32 $0x25400, s29;
	[sflag:s5] =	ssyncadd.s32 $0xFFFFE000  }
0x33: {  	s30 =	smul.u32 $0x28000, s1;
	s31 =	sadd.s32 $0x0, s9;
	[bflag:$0x0] =	sbarrier.arrive $0xFFFF  }
0x34: {  	[tilespmem:s4], [sflag:$0x1] =	stream.linear.gather [hbm4b:s31+s4], $0x80, $0x38;
	[tilespmem:$0x1A080] =	vst v63  }
0x35: {  	_ =	swait.ge [sflag:s5], $0x80  }
0x36: {  	s7 =	sadd.s32 s30, s3;
	[sflag:s5] =	ssyncset.done $0x0  }
0x37: {  	s10 =	sadd.s32 $0xCAA400, s7;
	s7 =	simm.s32 $0x80;
	[sflag:s5] =	ssyncadd.s32 $0xFFFFFF80  }
0x38: {  	[tilespmem:s7], [sflag:$0x1] =	stream.linear.gather [hbm4b:s10+s4], $0x4000, $0x38;
	[tilespmem:$0x1A080] =	vst v63  }
0x39: {  	_ =	swait.ge [sflag:s5], $0x4000  }
0x3a: {  	[sflag:s5] =	ssyncset.done $0x0  }
0x3b: {  	s11 =	simm.s32 $0x10;
	[sflag:s5] =	ssyncadd.s32 $0xFFFFC000  }
0x3c: {  	[spmem:s2] =	stream.indirect.scatter.add.f32 [tilespmem:s7], [sflag:$0x1], $0x80, s4, s7, $0xb8;
	[tilespmem:$0x1A080] =	vst v63  }
0x3d: {  	s12 =	simm.s32 $0x20;
	s8 =	smul.u32 $0x2800, s1;
	_ =	swait.ge [sflag:s5], $0x4000  }
0x3e: {  	s3 =	sadd.s32 $0x100AE00, s3;
	s10 =	sadd.s32 $0x800, s10;
	[sflag:s5] =	ssyncset.done $0x0  }
.LBB2_1:
0x3f: {  	s13 =	sadd.s32 s11, s9  }
0x40: {  	[sflag:s5] =	ssyncadd.s32 $0xFFFFC000;
	s11 =	smov.u32 s12;
	s14 =	sadd.s32 $0x10, s12  }
0x41: {  	[tilespmem:s4], [sflag:$0x1] =	stream.linear.gather [hbm4b:s13+s4], $0x80, $0x38;
	[tilespmem:$0x1A080] =	vst v63  }
0x42: {  	p0 =	sne.s32 s12, $0x4F0;
	_ =	swait.ge [sflag:s5], $0x80  }
0x43: {  	[sflag:s5] =	ssyncset.done $0x0  }
0x44: {  	[sflag:s5] =	ssyncadd.s32 $0xFFFFFF80  }
0x45: {  	[tilespmem:s7], [sflag:$0x1] =	stream.linear.gather [hbm4b:s10+s4], $0x4000, $0x38;
	[tilespmem:$0x1A080] =	vst v63  }
0x46: {  	_ =	swait.ge [sflag:s5], $0x4000  }
.Ltmp0:
0x47: {  	[sflag:s5] =	ssyncset.done $0x0;
	(pc) =	sbr.rel @p0 .LBB2_1-.Ltmp0, $4  }
0x48: {  	[sflag:s5] =	ssyncadd.s32 $0xFFFFC000  }
0x49: {  	[spmem:s2] =	stream.indirect.scatter.add.f32 [tilespmem:s7], [sflag:$0x1], $0x80, s4, s7, $0xb8;
	[tilespmem:$0x1A080] =	vst v63  }
0x4a: {  	_ =	swait.ge [sflag:s5], $0x4000  }
0x4b: {  	s12 =	smov.u32 s14;
	s10 =	sadd.s32 $0x800, s10;
	[sflag:s5] =	ssyncset.done $0x0  }
0x4c: {  	s9 =	sadd.s32 s11, s9;
	[sflag:s5] =	ssyncadd.s32 $0xFFFFC000  }
0x4d: {  	[tilespmem:s4], [sflag:$0x1] =	stream.linear.gather [hbm4b:s9+s4], $0x80, $0x38;
	[tilespmem:$0x1A080] =	vst v63  }
0x4e: {  	_ =	swait.ge [sflag:s5], $0x80  }
0x4f: {  	[sflag:s5] =	ssyncset.done $0x0  }
0x50: {  	[sflag:s5] =	ssyncadd.s32 $0xFFFFFF80  }
0x51: {  	[tilespmem:s7], [sflag:$0x1] =	stream.linear.gather [hbm4b:s10+s4], $0x4000, $0x38;
	[tilespmem:$0x1A080] =	vst v63  }
0x52: {  	_ =	swait.ge [sflag:s5], $0x4000  }
0x53: {  	[sflag:s5] =	ssyncset.done $0x0  }
0x54: {  	[sflag:s5] =	ssyncadd.s32 $0xFFFFC000  }
0x55: {  	[spmem:s2] =	stream.indirect.scatter.add.f32 [tilespmem:s7], [sflag:$0x1], $0x80, s4, s7, $0xb8;
	[tilespmem:$0x1A080] =	vst v63  }
0x56: {  	_ =	swait.ge [sflag:s5], $0x4000  }
0x57: {  	[sflag:s5] =	ssyncset.done $0x0  }
0x58: {  	[sflag:s5] =	ssyncadd.s32 $0xFFFFC000  }
0x59: {  	s4 =	simm.s32 $0x1;
	s5 =	simm.s32 $0x4080;
	[bflag:$0x0] =	sbarrier.arrive $0xFFFF  }
0x5a: {  	[tilespmem:s5], [sflag:$0x1] =	stream.linear.gather [spmem:s6], $0x2000, $0x38;
	[tilespmem:$0x1A080] =	vst v63  }
0x5b: {  	_ =	swait.ge [sflag:s4], $0x2000  }
0x5c: {  	s8 =	sadd.s32 s3, s8;
	[sflag:s4] =	ssyncset.done $0x0  }
0x5d: {  	s11 =	simm.s32 $0x0;
	s10 =	smul.u32 $0x280, s1;
	[sflag:s4] =	ssyncadd.s32 $0xFFFFE000  }
0x5e: {  	[hbm4b:s8+s11] =	stream.linear.scatter [tilespmem:s5], [sflag:$0x1], $0x2000, $0x38;
	[tilespmem:$0x1A080] =	vst v63  }
0x5f: {  	s12 =	sor.u32 $0x40, s10;
	_ =	swait.ge [sflag:s4], $0x2000  }
0x60: {  	s13 =	sshll.u32 s12, $0x7;
	[sflag:s4] =	ssyncset.done $0x0  }
0x61: {  	s9 =	sadd.s32 s13, s2;
	[sflag:s4] =	ssyncadd.s32 $0xFFFFE000  }
0x62: {  	[tilespmem:s5], [sflag:$0x1] =	stream.linear.gather [spmem:s9], $0x2000, $0x38;
	[tilespmem:$0x1A080] =	vst v63  }
0x63: {  	_ =	swait.ge [sflag:s4], $0x2000  }
0x64: {  	s8 =	sshll.u32 s12, $0x4;
	[sflag:s4] =	ssyncset.done $0x0  }
0x65: {  	s8 =	sadd.s32 s3, s8;
	[sflag:s4] =	ssyncadd.s32 $0xFFFFE000  }
0x66: {  	[hbm4b:s8+s11] =	stream.linear.scatter [tilespmem:s5], [sflag:$0x1], $0x2000, $0x38;
	[tilespmem:$0x1A080] =	vst v63  }
0x67: {  	s14 =	sadd.s32 $0x80, s10;
	_ =	swait.ge [sflag:s4], $0x2000  }
0x68: {  	s15 =	sshll.u32 s14, $0x7;
	[sflag:s4] =	ssyncset.done $0x0  }
0x69: {  	s9 =	sadd.s32 s15, s2;
	[sflag:s4] =	ssyncadd.s32 $0xFFFFE000  }
0x6a: {  	[tilespmem:s5], [sflag:$0x1] =	stream.linear.gather [spmem:s9], $0x2000, $0x38;
	[tilespmem:$0x1A080] =	vst v63  }
0x6b: {  	_ =	swait.ge [sflag:s4], $0x2000  }
0x6c: {  	s8 =	sshll.u32 s14, $0x4;
	[sflag:s4] =	ssyncset.done $0x0  }
0x6d: {  	s8 =	sadd.s32 s3, s8;
	[sflag:s4] =	ssyncadd.s32 $0xFFFFE000  }
0x6e: {  	[hbm4b:s8+s11] =	stream.linear.scatter [tilespmem:s5], [sflag:$0x1], $0x2000, $0x38;
	[tilespmem:$0x1A080] =	vst v63  }
0x6f: {  	s16 =	sadd.s32 $0xC0, s10;
	_ =	swait.ge [sflag:s4], $0x2000  }
0x70: {  	s17 =	sshll.u32 s16, $0x7;
	[sflag:s4] =	ssyncset.done $0x0  }
0x71: {  	s9 =	sadd.s32 s17, s2;
	[sflag:s4] =	ssyncadd.s32 $0xFFFFE000  }
0x72: {  	[tilespmem:s5], [sflag:$0x1] =	stream.linear.gather [spmem:s9], $0x2000, $0x38;
	[tilespmem:$0x1A080] =	vst v63  }
0x73: {  	_ =	swait.ge [sflag:s4], $0x2000  }
0x74: {  	s8 =	sshll.u32 s16, $0x4;
	[sflag:s4] =	ssyncset.done $0x0  }
0x75: {  	s8 =	sadd.s32 s3, s8;
	[sflag:s4] =	ssyncadd.s32 $0xFFFFE000  }
0x76: {  	[hbm4b:s8+s11] =	stream.linear.scatter [tilespmem:s5], [sflag:$0x1], $0x2000, $0x38;
	[tilespmem:$0x1A080] =	vst v63  }
0x77: {  	s18 =	sadd.s32 $0x100, s10;
	_ =	swait.ge [sflag:s4], $0x2000  }
0x78: {  	s19 =	sshll.u32 s18, $0x7;
	[sflag:s4] =	ssyncset.done $0x0  }
0x79: {  	s9 =	sadd.s32 s19, s2;
	[sflag:s4] =	ssyncadd.s32 $0xFFFFE000  }
0x7a: {  	[tilespmem:s5], [sflag:$0x1] =	stream.linear.gather [spmem:s9], $0x2000, $0x38;
	[tilespmem:$0x1A080] =	vst v63  }
0x7b: {  	_ =	swait.ge [sflag:s4], $0x2000  }
0x7c: {  	s8 =	sshll.u32 s18, $0x4;
	[sflag:s4] =	ssyncset.done $0x0  }
0x7d: {  	s8 =	sadd.s32 s3, s8;
	[sflag:s4] =	ssyncadd.s32 $0xFFFFE000  }
0x7e: {  	[hbm4b:s8+s11] =	stream.linear.scatter [tilespmem:s5], [sflag:$0x1], $0x2000, $0x38;
	[tilespmem:$0x1A080] =	vst v63  }
0x7f: {  	s20 =	sadd.s32 $0x140, s10;
	_ =	swait.ge [sflag:s4], $0x2000  }
0x80: {  	s21 =	sshll.u32 s20, $0x7;
	[sflag:s4] =	ssyncset.done $0x0  }
0x81: {  	s9 =	sadd.s32 s21, s2;
	[sflag:s4] =	ssyncadd.s32 $0xFFFFE000  }
0x82: {  	[tilespmem:s5], [sflag:$0x1] =	stream.linear.gather [spmem:s9], $0x2000, $0x38;
	[tilespmem:$0x1A080] =	vst v63  }
0x83: {  	_ =	swait.ge [sflag:s4], $0x2000  }
0x84: {  	s8 =	sshll.u32 s20, $0x4;
	[sflag:s4] =	ssyncset.done $0x0  }
0x85: {  	s8 =	sadd.s32 s3, s8;
	[sflag:s4] =	ssyncadd.s32 $0xFFFFE000  }
0x86: {  	[hbm4b:s8+s11] =	stream.linear.scatter [tilespmem:s5], [sflag:$0x1], $0x2000, $0x38;
	[tilespmem:$0x1A080] =	vst v63  }
0x87: {  	s22 =	sadd.s32 $0x180, s10;
	_ =	swait.ge [sflag:s4], $0x2000  }
0x88: {  	s23 =	sshll.u32 s22, $0x7;
	[sflag:s4] =	ssyncset.done $0x0  }
0x89: {  	s9 =	sadd.s32 s23, s2;
	[sflag:s4] =	ssyncadd.s32 $0xFFFFE000  }
0x8a: {  	[tilespmem:s5], [sflag:$0x1] =	stream.linear.gather [spmem:s9], $0x2000, $0x38;
	[tilespmem:$0x1A080] =	vst v63  }
0x8b: {  	_ =	swait.ge [sflag:s4], $0x2000  }
0x8c: {  	s8 =	sshll.u32 s22, $0x4;
	[sflag:s4] =	ssyncset.done $0x0  }
0x8d: {  	s8 =	sadd.s32 s3, s8;
	[sflag:s4] =	ssyncadd.s32 $0xFFFFE000  }
0x8e: {  	[hbm4b:s8+s11] =	stream.linear.scatter [tilespmem:s5], [sflag:$0x1], $0x2000, $0x38;
	[tilespmem:$0x1A080] =	vst v63  }
0x8f: {  	s24 =	sadd.s32 $0x1C0, s10;
	_ =	swait.ge [sflag:s4], $0x2000  }
0x90: {  	s25 =	sshll.u32 s24, $0x7;
	[sflag:s4] =	ssyncset.done $0x0  }
0x91: {  	s9 =	sadd.s32 s25, s2;
	[sflag:s4] =	ssyncadd.s32 $0xFFFFE000  }
0x92: {  	[tilespmem:s5], [sflag:$0x1] =	stream.linear.gather [spmem:s9], $0x2000, $0x38;
	[tilespmem:$0x1A080] =	vst v63  }
0x93: {  	_ =	swait.ge [sflag:s4], $0x2000  }
0x94: {  	s8 =	sshll.u32 s24, $0x4;
	[sflag:s4] =	ssyncset.done $0x0  }
0x95: {  	s8 =	sadd.s32 s3, s8;
	[sflag:s4] =	ssyncadd.s32 $0xFFFFE000  }
0x96: {  	[hbm4b:s8+s11] =	stream.linear.scatter [tilespmem:s5], [sflag:$0x1], $0x2000, $0x38;
	[tilespmem:$0x1A080] =	vst v63  }
0x97: {  	s26 =	sadd.s32 $0x200, s10;
	_ =	swait.ge [sflag:s4], $0x2000  }
0x98: {  	s28 =	sshll.u32 s26, $0x7;
	[sflag:s4] =	ssyncset.done $0x0  }
0x99: {  	s9 =	sadd.s32 s28, s2;
	[sflag:s4] =	ssyncadd.s32 $0xFFFFE000  }
0x9a: {  	[tilespmem:s5], [sflag:$0x1] =	stream.linear.gather [spmem:s9], $0x2000, $0x38;
	[tilespmem:$0x1A080] =	vst v63  }
0x9b: {  	_ =	swait.ge [sflag:s4], $0x2000  }
0x9c: {  	s8 =	sshll.u32 s26, $0x4;
	[sflag:s4] =	ssyncset.done $0x0  }
0x9d: {  	s8 =	sadd.s32 s3, s8;
	[sflag:s4] =	ssyncadd.s32 $0xFFFFE000  }
0x9e: {  	[hbm4b:s8+s11] =	stream.linear.scatter [tilespmem:s5], [sflag:$0x1], $0x2000, $0x38;
	[tilespmem:$0x1A080] =	vst v63  }
0x9f: {  	s7 =	sadd.s32 $0x240, s10;
	_ =	swait.ge [sflag:s4], $0x2000  }
0xa0: {  	s29 =	sshll.u32 s7, $0x7;
	[sflag:s4] =	ssyncset.done $0x0  }
0xa1: {  	s30 =	sadd.s32 s29, s2;
	[sflag:s4] =	ssyncadd.s32 $0xFFFFE000  }
0xa2: {  	[tilespmem:s5], [sflag:$0x1] =	stream.linear.gather [spmem:s30], $0x2000, $0x38;
	[tilespmem:$0x1A080] =	vst v63  }
0xa3: {  	_ =	swait.ge [sflag:s4], $0x2000  }
0xa4: {  	s31 =	sshll.u32 s7, $0x4;
	[sflag:s4] =	ssyncset.done $0x0  }
0xa5: {  	s2 =	sadd.s32 s3, s31;
	[sflag:s4] =	ssyncadd.s32 $0xFFFFE000  }
0xa6: {  	[hbm4b:s2+s11] =	stream.linear.scatter [tilespmem:s5], [sflag:$0x1], $0x2000, $0x38;
	[tilespmem:$0x1A080] =	vst v63  }
0xa7: {  	_ =	swait.ge [sflag:s4], $0x2000  }
0xa8: {  	[sflag:s4] =	ssyncset.done $0x0  }
0xa9: {  	[sflag:s4] =	ssyncadd.s32 $0xFFFFE000  }
0xaa: {  	_ =	sfence.sel $0x180000  }
0xab: {  	[bflag:$0x0] =	sbarrier.arrive $0xFFFF  }
0xac: {  	p0 =	sne.s32 s1, $0x0;
	_ =	strace $0x90000062  }
0xad: {  	s0 =	sadd.s32 @!p0 $0x100000, s0;
	[bflag:$0x2] =	sbarrier.arrive $0xFFFF  }
0xae: {  	[sflag:s0] =	ssyncadd.tile.s32 @!p0 $0x1;
	_ =	shalt  }
.Lfunc_end2:
_tile_overlayer_lowered:
.L_overlay_start_2:
0xaf: {  	(tag) =	ssettag $0x2  }
0xb0: {  	s0 =	rddreg [dreg:$0x0];
	s2 =	stileid.u32  }
0xb1: {  	s1 =	rddreg [dreg:$0x1];
	p0 =	sne.s32 s2, $0x0  }
0xb2: {  	s3 =	rddreg [dreg:$0x2];
	[bflag:$0x3] =	sbarrier.arrive $0xFFFF;
	s2 =	simm.s32 @!p0 $0x1C01  }
0xb3: {  	[timem:s3], [sflag:s2] =	dma.local @!p0 [hbm:s0], s1  }
0xb4: {  	s0 =	simm.s32 @!p0 $0x1  }
0xb5: {  	_ =	swait.ge @!p0 [sflag:s0], s1  }
0xb6: {  	s1 =	ssub.s32 @!p0 $0x0, s1;
	[sflag:s0] =	ssyncset.done @!p0 $0x0  }
0xb7: {  	[sflag:s0] =	ssyncadd.s32 @!p0 s1  }
0xb8: {  	[bflag:$0x3] =	sbarrier.arrive $0xFFFF  }
0xb9: {  	_ =	shalt  }

</sc_bundles>
